<compile_context>
chip_gen: v7x
topology: tpu7x:2x2x1
jax: 0.10.2.dev20260603
libtpu: 0.0.44.dev20260713+nightly
codegen_flags: <defaults>
</compile_context>

<pallas_src>
import functools

import jax
import jax.numpy as jnp
from jax import lax
from jax.experimental import pallas as pl
from jax.experimental.pallas import tpu as pltpu
from jax.experimental.pallas import tpu_sc as plsc

_N, _D, _H, _E, _K = 2048, 768, 768, 8, 2
_BLK = 128
_NBLK = _N * _K // _BLK + _E
_CAP = _NBLK * _BLK
_CHUNK = 256

_NW = 32
_TPW = _N // _NW
_LANES = 16



def _router_body(x_ref, wg_ref, bg_ref, d0_ref, d1_ref, w0_ref, w1_ref,
                 blk_ref, cbt, cbuf, ohbuf):
    t = pl.program_id(0)
    rows = pl.ds(t * _CHUNK, _CHUNK)
    x = x_ref[...]
    scores = jnp.dot(x, wg_ref[...],
                     preferred_element_type=jnp.float32) + bg_ref[...]
    eidx = jax.lax.broadcasted_iota(jnp.int32, scores.shape, 1)
    m1 = jnp.max(scores, axis=1, keepdims=True)
    i1 = jnp.min(jnp.where(scores == m1, eidx, _E), axis=1, keepdims=True)
    oh1 = eidx == i1
    neg = jnp.where(oh1, -jnp.inf, scores)
    m2 = jnp.max(neg, axis=1, keepdims=True)
    i2 = jnp.min(jnp.where(neg == m2, eidx, _E), axis=1, keepdims=True)
    oh2 = eidx == i2
    ex = jnp.exp(scores - m1)
    p = ex / jnp.sum(ex, axis=1, keepdims=True)
    wm = p * (oh1 | oh2).astype(jnp.float32)
    w = wm / (jnp.sum(wm, axis=1, keepdims=True) + 1e-8)
    w0_ref[rows, :] = jnp.broadcast_to(
        jnp.sum(jnp.where(oh1, w, 0.0), axis=1, keepdims=True),
        (_CHUNK, _LANES))
    w1_ref[rows, :] = jnp.broadcast_to(
        jnp.sum(jnp.where(oh2, w, 0.0), axis=1, keepdims=True),
        (_CHUNK, _LANES))
    oh1f = oh1.astype(jnp.float32)
    ohbuf[rows, :] = oh1f
    cbuf[rows, :] = oh1f + oh2.astype(jnp.float32)

    @pl.when(t == _N // _CHUNK - 1)
    def _finale():
        ti = jax.lax.broadcasted_iota(jnp.int32, (_CHUNK, _CHUNK), 0)
        tj = jax.lax.broadcasted_iota(jnp.int32, (_CHUNK, _CHUNK), 1)
        tstrict = (tj < ti).astype(jnp.float32)

        def step(k, carry):
            krows = pl.ds(k * _CHUNK, _CHUNK)
            chunk = cbuf[krows, :]
            cbt[krows, :] = carry + jnp.dot(
                tstrict, chunk, preferred_element_type=jnp.float32,
                precision=jax.lax.Precision.HIGHEST)
            return carry + jnp.sum(chunk, axis=0, keepdims=True)

        counts = lax.fori_loop(0, _N // _CHUNK, step,
                               jnp.zeros((1, _E), jnp.float32))
        pc = jnp.ceil(counts / _BLK) * _BLK
        ui = jax.lax.broadcasted_iota(jnp.int32, (_E, _E), 0)
        uj = jax.lax.broadcasted_iota(jnp.int32, (_E, _E), 1)
        ustrict = (ui < uj).astype(jnp.float32)
        po = jnp.dot(pc, ustrict, preferred_element_type=jnp.float32,
                     precision=jax.lax.Precision.HIGHEST)

        a1 = ohbuf[...]
        a2 = cbuf[...] - a1
        base = cbt[...] + po
        d0_ref[...] = jnp.sum(base * a1, axis=1,
                              keepdims=True).astype(jnp.int32)
        d1_ref[...] = jnp.sum(base * a2, axis=1,
                              keepdims=True).astype(jnp.int32)

        po_next = po + pc
        bpos = jax.lax.broadcasted_iota(
            jnp.int32, (_NBLK, _E), 0).astype(jnp.float32) * float(_BLK)
        blk = jnp.sum((bpos >= po_next).astype(jnp.int32), axis=1,
                      keepdims=True)
        blk_ref[...] = jnp.minimum(blk, _E - 1)


def _router(x, Wg, bg):
    cst = pl.BlockSpec((_N, 1), lambda t: (0, 0))
    return pl.pallas_call(
        _router_body,
        grid=(_N // _CHUNK,),
        in_specs=[
            pl.BlockSpec((_CHUNK, _D), lambda t: (t, 0)),
            pl.BlockSpec((_D, _E), lambda t: (0, 0)),
            pl.BlockSpec((1, _E), lambda t: (0, 0)),
        ],
        out_specs=[
            cst,
            cst,
            pl.BlockSpec((_N, _LANES), lambda t: (0, 0)),
            pl.BlockSpec((_N, _LANES), lambda t: (0, 0)),
            pl.BlockSpec((_NBLK, 1), lambda t: (0, 0)),
        ],
        out_shape=[
            jax.ShapeDtypeStruct((_N, 1), jnp.int32),
            jax.ShapeDtypeStruct((_N, 1), jnp.int32),
            jax.ShapeDtypeStruct((_N, _LANES), jnp.float32),
            jax.ShapeDtypeStruct((_N, _LANES), jnp.float32),
            jax.ShapeDtypeStruct((_NBLK, 1), jnp.int32),
        ],
        scratch_shapes=[pltpu.VMEM((_N, _E), jnp.float32),
                        pltpu.VMEM((_N, _E), jnp.float32),
                        pltpu.VMEM((_N, _E), jnp.float32)],
        compiler_params=pltpu.CompilerParams(
            dimension_semantics=("arbitrary",)),
    )(x, Wg, bg.reshape(1, _E))



def _dispatch_body(x_hbm, d0_hbm, d1_hbm, xg_hbm, xv, d0v, d1v, sem):
    wid = lax.axis_index("s") * 2 + lax.axis_index("c")
    base = wid * _TPW
    pltpu.sync_copy(x_hbm.at[pl.ds(base, _TPW)], xv)
    pltpu.sync_copy(d0_hbm.at[pl.ds(base, _TPW)], d0v)
    pltpu.sync_copy(d1_hbm.at[pl.ds(base, _TPW)], d1v)
    cp0 = pltpu.async_copy(xv, xg_hbm.at[d0v], sem)
    cp1 = pltpu.async_copy(xv, xg_hbm.at[d1v], sem)
    cp0.wait()
    cp1.wait()


@functools.cache
def _dispatch():
    return pl.kernel(
        _dispatch_body,
        mesh=plsc.VectorSubcoreMesh(core_axis_name="c", subcore_axis_name="s"),
        out_type=jax.ShapeDtypeStruct((_CAP, _D), jnp.float32),
        scratch_types=[
            pltpu.VMEM((_TPW, _D), jnp.float32),
            pltpu.VMEM((_TPW,), jnp.int32),
            pltpu.VMEM((_TPW,), jnp.int32),
            pltpu.SemaphoreType.DMA,
        ],
    )



def _expert_body(blk_ref, xg_ref, w1_ref, b1_ref, w2_ref, b2_ref, y_ref):
    h = jnp.maximum(
        jnp.dot(xg_ref[...], w1_ref[0],
                preferred_element_type=jnp.float32) + b1_ref[0],
        0.0)
    y_ref[...] = jnp.dot(h, w2_ref[0],
                         preferred_element_type=jnp.float32) + b2_ref[0]


def _expert_mm(blk, xg, W1, b1, W2, b2):
    grid_spec = pltpu.PrefetchScalarGridSpec(
        num_scalar_prefetch=1,
        grid=(_NBLK,),
        in_specs=[
            pl.BlockSpec((_BLK, _D), lambda b, blk: (b, 0)),
            pl.BlockSpec((1, _D, _H), lambda b, blk: (blk[b], 0, 0)),
            pl.BlockSpec((1, 1, _H), lambda b, blk: (blk[b], 0, 0)),
            pl.BlockSpec((1, _H, _D), lambda b, blk: (blk[b], 0, 0)),
            pl.BlockSpec((1, 1, _D), lambda b, blk: (blk[b], 0, 0)),
        ],
        out_specs=pl.BlockSpec((_BLK, _D), lambda b, blk: (b, 0)),
    )
    return pl.pallas_call(
        _expert_body,
        grid_spec=grid_spec,
        out_shape=jax.ShapeDtypeStruct((_CAP, _D), jnp.float32),
        compiler_params=pltpu.CompilerParams(
            dimension_semantics=("arbitrary",)),
    )(blk, xg, W1, b1.reshape(_E, 1, _H), W2, b2.reshape(_E, 1, _D))



_HW = _TPW // 2


def _combine_body(y_hbm, d0_hbm, d1_hbm, w0_hbm, w1_hbm, out_hbm,
                  a0, b0, a1, b1, d0a, d1a, d0b, d1b, w0v, w1v,
                  sem0, sem1, semo):
    wid = lax.axis_index("s") * 2 + lax.axis_index("c")
    base = wid * _TPW
    pltpu.sync_copy(d0_hbm.at[pl.ds(base, _HW)], d0a)
    pltpu.sync_copy(d1_hbm.at[pl.ds(base, _HW)], d1a)
    cp0a = pltpu.async_copy(y_hbm.at[d0a], a0, sem0)
    cp0b = pltpu.async_copy(y_hbm.at[d1a], b0, sem0)
    pltpu.sync_copy(d0_hbm.at[pl.ds(base + _HW, _HW)], d0b)
    pltpu.sync_copy(d1_hbm.at[pl.ds(base + _HW, _HW)], d1b)
    cp1a = pltpu.async_copy(y_hbm.at[d0b], a1, sem1)
    cp1b = pltpu.async_copy(y_hbm.at[d1b], b1, sem1)
    pltpu.sync_copy(w0_hbm.at[pl.ds(base, _TPW)], w0v)
    pltpu.sync_copy(w1_hbm.at[pl.ds(base, _TPW)], w1v)

    def mk_wave(av, bv, off):
        def tok(i, _):
            s0 = w0v[off + i]
            s1 = w1v[off + i]
            for j in range(_D // _LANES):
                cols = pl.ds(j * _LANES, _LANES)
                av[i, cols] = av[i, cols] * s0 + bv[i, cols] * s1
            return 0
        return tok

    cp0a.wait()
    cp0b.wait()
    lax.fori_loop(0, _HW, mk_wave(a0, b0, 0), 0)
    st0 = pltpu.async_copy(a0, out_hbm.at[pl.ds(base, _HW)], semo)
    cp1a.wait()
    cp1b.wait()
    lax.fori_loop(0, _HW, mk_wave(a1, b1, _HW), 0)
    st1 = pltpu.async_copy(a1, out_hbm.at[pl.ds(base + _HW, _HW)], semo)
    st0.wait()
    st1.wait()


@functools.cache
def _combine():
    return pl.kernel(
        _combine_body,
        mesh=plsc.VectorSubcoreMesh(core_axis_name="c", subcore_axis_name="s"),
        out_type=jax.ShapeDtypeStruct((_N, _D), jnp.float32),
        scratch_types=[
            pltpu.VMEM((_HW, _D), jnp.float32),
            pltpu.VMEM((_HW, _D), jnp.float32),
            pltpu.VMEM((_HW, _D), jnp.float32),
            pltpu.VMEM((_HW, _D), jnp.float32),
            pltpu.VMEM((_HW,), jnp.int32),
            pltpu.VMEM((_HW,), jnp.int32),
            pltpu.VMEM((_HW,), jnp.int32),
            pltpu.VMEM((_HW,), jnp.int32),
            pltpu.VMEM((_TPW, _LANES), jnp.float32),
            pltpu.VMEM((_TPW, _LANES), jnp.float32),
            pltpu.SemaphoreType.DMA,
            pltpu.SemaphoreType.DMA,
            pltpu.SemaphoreType.DMA,
        ],
    )



def kernel(x, Wg, bg, W1, b1, W2, b2):
    d0, d1, w0, w1, blk = _router(x, Wg, bg)
    d0 = d0.reshape(_N)
    d1 = d1.reshape(_N)
    blk = blk.reshape(_NBLK)
    xg = _dispatch()(x, d0, d1)
    y = _expert_mm(blk, xg, W1, b1, W2, b2)
    return _combine()(y, d0, d1, w0, w1)

# --- scband reference (transcript-rebuilt; emitter-appended) ---
"""Pipeline reference for scband-top-kmo-e-54503134986828 (READ-ONLY COPY).

The authoritative reference and input builder live on the scoring server;
editing this copy changes nothing except your own understanding.
"""

import jax, jax.numpy as jnp
import numpy as np

N, D, H, E, K = 2048, 768, 768, 8, 2

def setup_inputs(seed: int = 0) -> dict:
    key = jax.random.key(seed)
    ks = jax.random.split(key, 8)
    x = jax.random.normal(ks[0], (N, D), dtype=jnp.float32)
    Wg = jax.random.normal(ks[1], (D, E), dtype=jnp.float32) * 0.02
    bg = jnp.zeros((E,), dtype=jnp.float32)
    W1 = jax.random.normal(ks[2], (E, D, H), dtype=jnp.float32) * 0.02
    b1 = jnp.zeros((E, H), dtype=jnp.float32)
    W2 = jax.random.normal(ks[3], (E, H, D), dtype=jnp.float32) * 0.02
    b2 = jnp.zeros((E, D), dtype=jnp.float32)
    return {"x": x, "Wg": Wg, "bg": bg, "W1": W1, "b1": b1, "W2": W2, "b2": b2}

def reference(x, Wg, bg, W1, b1, W2, b2):
    # gate
    scores = x @ Wg + bg  # [N, E]
    topk_vals, topk_idx = jax.lax.top_k(scores, K)  # [N, K]
    # mask = zeros.scatter(-1, topk_idx, 1.0)
    mask = jax.nn.one_hot(topk_idx, E, dtype=scores.dtype).sum(axis=1)
    mask = jnp.minimum(mask, 1.0)
    weights = jax.nn.softmax(scores, axis=-1) * mask
    weights = weights / (weights.sum(axis=-1, keepdims=True) + 1e-08)
    # run all experts on all tokens (dense MoE, faithful to torch.stack over experts)
    h = jax.nn.relu(jnp.einsum('nd,edh->enh', x, W1) + b1[:, None, :])  # [E, N, H]
    outs = jnp.einsum('enh,ehd->end', h, W2) + b2[:, None, :]  # [E, N, D]
    # (weights.unsqueeze(-1) * outs).sum(dim=1) with outs stacked on expert dim
    result = jnp.einsum('ne,end->nd', weights, outs)  # [N, D]
    return result

if __name__ == "__main__":
    import jax
    _d = setup_inputs()
    print(jax.jit(kernel)(*tuple(_d.values())))

</pallas_src>

<mosaic_0001>
#map = affine_map<(d0, d1) -> (0, 0)>
#map1 = affine_map<(d0, d1) -> (0)>
module attributes {stable_mosaic.version = 14 : i64} {
  func.func @_dispatch_body(%arg0: i32, %arg1: i32, %arg2: memref<2048x768xf32, #tpu.memory_space<hbm>>, %arg3: memref<2048xi32, #tpu.memory_space<hbm>>, %arg4: memref<2048xi32, #tpu.memory_space<hbm>>, %arg5: memref<5120x768xf32, #tpu.memory_space<hbm>>, %arg6: memref<64x768xf32, #tpu.memory_space<vmem>>, %arg7: memref<64xi32, #tpu.memory_space<vmem>>, %arg8: memref<64xi32, #tpu.memory_space<vmem>>, %arg9: memref<!tpu.dma_semaphore, #tpu.memory_space<semaphore_mem>>) attributes {dimension_semantics = [#tpu.dimension_semantics<core_parallel>, #tpu.dimension_semantics<subcore_parallel>], iteration_bounds = array<i64: 2, 16>, scalar_prefetch = 0 : i64, scratch_operands = 4 : i64, tpu.core_type = #tpu.core_type<sc_vector_subcore>, window_params = [{transform_indices = #map}, {transform_indices = #map1}, {transform_indices = #map1}, {transform_indices = #map}]} {
    %mul3A = arith.constant 2 : i32
    %mul3A_0 = arith.muli %arg1, %mul3A : i32
    %add3A = arith.addi %mul3A_0, %arg0 : i32
    %mul3A_1 = arith.constant 64 : i32
    %mul3A_2 = arith.muli %add3A, %mul3A_1 : i32
    "tpu.region"() ({
      %run_scoped3A = tpu.sem_alloc : memref<!tpu.dma_semaphore, #tpu.memory_space<semaphore_mem>>
      %dma_start3A_13 = arith.constant 0 : i32
      %dma_start3A_14 = tpu.memref_slice %arg2[%mul3A_2, %dma_start3A_13] : memref<2048x768xf32, #tpu.memory_space<hbm>> -> memref<64x768xf32, #tpu.memory_space<hbm>>
      %dma_start3A_15 = arith.constant 0 : i32
      %dma_start3A_16 = tpu.memref_slice %arg2[%mul3A_2, %dma_start3A_15] : memref<2048x768xf32, #tpu.memory_space<hbm>> -> memref<64x768xf32, #tpu.memory_space<hbm>>
      tpu.enqueue_dma source(%dma_start3A_16 : memref<64x768xf32, #tpu.memory_space<hbm>>) target(%arg6 : memref<64x768xf32, #tpu.memory_space<vmem>>) target_semaphore(%run_scoped3A : memref<!tpu.dma_semaphore, #tpu.memory_space<semaphore_mem>>)
      %dma_wait3A_17 = arith.constant 0 : i32
      %dma_wait3A_18 = tpu.memref_slice %arg2[%mul3A_2, %dma_wait3A_17] : memref<2048x768xf32, #tpu.memory_space<hbm>> -> memref<64x768xf32, #tpu.memory_space<hbm>>
      %dma_wait3A_19 = arith.constant 0 : i32
      %dma_wait3A_20 = tpu.memref_slice %arg2[%mul3A_2, %dma_wait3A_19] : memref<2048x768xf32, #tpu.memory_space<hbm>> -> memref<64x768xf32, #tpu.memory_space<hbm>>
      tpu.wait_dma2 semaphore(%run_scoped3A : memref<!tpu.dma_semaphore, #tpu.memory_space<semaphore_mem>>) src(%dma_wait3A_20 : memref<64x768xf32, #tpu.memory_space<hbm>>) dst(%arg6 : memref<64x768xf32, #tpu.memory_space<vmem>>)
      tpu.yield
    }) : () -> ()
    "tpu.region"() ({
      %run_scoped3A = tpu.sem_alloc : memref<!tpu.dma_semaphore, #tpu.memory_space<semaphore_mem>>
      %dma_start3A_13 = tpu.memref_slice %arg3[%mul3A_2] : memref<2048xi32, #tpu.memory_space<hbm>> -> memref<64xi32, #tpu.memory_space<hbm>>
      %dma_start3A_14 = tpu.memref_slice %arg3[%mul3A_2] : memref<2048xi32, #tpu.memory_space<hbm>> -> memref<64xi32, #tpu.memory_space<hbm>>
      tpu.enqueue_dma source(%dma_start3A_14 : memref<64xi32, #tpu.memory_space<hbm>>) target(%arg7 : memref<64xi32, #tpu.memory_space<vmem>>) target_semaphore(%run_scoped3A : memref<!tpu.dma_semaphore, #tpu.memory_space<semaphore_mem>>)
      %dma_wait3A_15 = tpu.memref_slice %arg3[%mul3A_2] : memref<2048xi32, #tpu.memory_space<hbm>> -> memref<64xi32, #tpu.memory_space<hbm>>
      %dma_wait3A_16 = tpu.memref_slice %arg3[%mul3A_2] : memref<2048xi32, #tpu.memory_space<hbm>> -> memref<64xi32, #tpu.memory_space<hbm>>
      tpu.wait_dma2 semaphore(%run_scoped3A : memref<!tpu.dma_semaphore, #tpu.memory_space<semaphore_mem>>) src(%dma_wait3A_16 : memref<64xi32, #tpu.memory_space<hbm>>) dst(%arg7 : memref<64xi32, #tpu.memory_space<vmem>>)
      tpu.yield
    }) : () -> ()
    "tpu.region"() ({
      %run_scoped3A = tpu.sem_alloc : memref<!tpu.dma_semaphore, #tpu.memory_space<semaphore_mem>>
      %dma_start3A_13 = tpu.memref_slice %arg4[%mul3A_2] : memref<2048xi32, #tpu.memory_space<hbm>> -> memref<64xi32, #tpu.memory_space<hbm>>
      %dma_start3A_14 = tpu.memref_slice %arg4[%mul3A_2] : memref<2048xi32, #tpu.memory_space<hbm>> -> memref<64xi32, #tpu.memory_space<hbm>>
      tpu.enqueue_dma source(%dma_start3A_14 : memref<64xi32, #tpu.memory_space<hbm>>) target(%arg8 : memref<64xi32, #tpu.memory_space<vmem>>) target_semaphore(%run_scoped3A : memref<!tpu.dma_semaphore, #tpu.memory_space<semaphore_mem>>)
      %dma_wait3A_15 = tpu.memref_slice %arg4[%mul3A_2] : memref<2048xi32, #tpu.memory_space<hbm>> -> memref<64xi32, #tpu.memory_space<hbm>>
      %dma_wait3A_16 = tpu.memref_slice %arg4[%mul3A_2] : memref<2048xi32, #tpu.memory_space<hbm>> -> memref<64xi32, #tpu.memory_space<hbm>>
      tpu.wait_dma2 semaphore(%run_scoped3A : memref<!tpu.dma_semaphore, #tpu.memory_space<semaphore_mem>>) src(%dma_wait3A_16 : memref<64xi32, #tpu.memory_space<hbm>>) dst(%arg8 : memref<64xi32, #tpu.memory_space<vmem>>)
      tpu.yield
    }) : () -> ()
    %dma_start3A = arith.constant 0 : i32
    %dma_start3A_3 = arith.constant 0 : i32
    %dma_start3A_4 = tpu.memref_slice %arg5[%dma_start3A, %dma_start3A_3] : memref<5120x768xf32, #tpu.memory_space<hbm>> -> memref<5120x768xf32, #tpu.memory_space<hbm>>
    tpu.enqueue_indirect_dma source(%arg6 : memref<64x768xf32, #tpu.memory_space<vmem>>) target(%dma_start3A_4 : memref<5120x768xf32, #tpu.memory_space<hbm>>) offsets(%arg7 : memref<64xi32, #tpu.memory_space<vmem>>) semaphore(%arg9 : memref<!tpu.dma_semaphore, #tpu.memory_space<semaphore_mem>>)
    %dma_start3A_5 = arith.constant 0 : i32
    %dma_start3A_6 = arith.constant 0 : i32
    %dma_start3A_7 = tpu.memref_slice %arg5[%dma_start3A_5, %dma_start3A_6] : memref<5120x768xf32, #tpu.memory_space<hbm>> -> memref<5120x768xf32, #tpu.memory_space<hbm>>
    tpu.enqueue_indirect_dma source(%arg6 : memref<64x768xf32, #tpu.memory_space<vmem>>) target(%dma_start3A_7 : memref<5120x768xf32, #tpu.memory_space<hbm>>) offsets(%arg8 : memref<64xi32, #tpu.memory_space<vmem>>) semaphore(%arg9 : memref<!tpu.dma_semaphore, #tpu.memory_space<semaphore_mem>>)
    %dma_wait3A = arith.constant 0 : i32
    %dma_wait3A_8 = arith.constant 0 : i32
    %dma_wait3A_9 = tpu.memref_slice %arg5[%dma_wait3A, %dma_wait3A_8] : memref<5120x768xf32, #tpu.memory_space<hbm>> -> memref<5120x768xf32, #tpu.memory_space<hbm>>
    tpu.wait_indirect_dma semaphore(%arg9 : memref<!tpu.dma_semaphore, #tpu.memory_space<semaphore_mem>>) src(%arg6 : memref<64x768xf32, #tpu.memory_space<vmem>>) dst(%dma_wait3A_9 : memref<5120x768xf32, #tpu.memory_space<hbm>>)
    %dma_wait3A_10 = arith.constant 0 : i32
    %dma_wait3A_11 = arith.constant 0 : i32
    %dma_wait3A_12 = tpu.memref_slice %arg5[%dma_wait3A_10, %dma_wait3A_11] : memref<5120x768xf32, #tpu.memory_space<hbm>> -> memref<5120x768xf32, #tpu.memory_space<hbm>>
    tpu.wait_indirect_dma semaphore(%arg9 : memref<!tpu.dma_semaphore, #tpu.memory_space<semaphore_mem>>) src(%arg6 : memref<64x768xf32, #tpu.memory_space<vmem>>) dst(%dma_wait3A_12 : memref<5120x768xf32, #tpu.memory_space<hbm>>)
    return
  }
}

#map = affine_map<(d0, d1) -> (0, 0)>
#map1 = affine_map<(d0, d1) -> (0)>
module attributes {stable_mosaic.version = 14 : i64} {
  func.func @_combine_body(%arg0: i32, %arg1: i32, %arg2: memref<5120x768xf32, #tpu.memory_space<hbm>>, %arg3: memref<2048xi32, #tpu.memory_space<hbm>>, %arg4: memref<2048xi32, #tpu.memory_space<hbm>>, %arg5: memref<2048x16xf32, #tpu.memory_space<hbm>>, %arg6: memref<2048x16xf32, #tpu.memory_space<hbm>>, %arg7: memref<2048x768xf32, #tpu.memory_space<hbm>>, %arg8: memref<32x768xf32, #tpu.memory_space<vmem>>, %arg9: memref<32x768xf32, #tpu.memory_space<vmem>>, %arg10: memref<32x768xf32, #tpu.memory_space<vmem>>, %arg11: memref<32x768xf32, #tpu.memory_space<vmem>>, %arg12: memref<32xi32, #tpu.memory_space<vmem>>, %arg13: memref<32xi32, #tpu.memory_space<vmem>>, %arg14: memref<32xi32, #tpu.memory_space<vmem>>, %arg15: memref<32xi32, #tpu.memory_space<vmem>>, %arg16: memref<64x16xf32, #tpu.memory_space<vmem>>, %arg17: memref<64x16xf32, #tpu.memory_space<vmem>>, %arg18: memref<!tpu.dma_semaphore, #tpu.memory_space<semaphore_mem>>, %arg19: memref<!tpu.dma_semaphore, #tpu.memory_space<semaphore_mem>>, %arg20: memref<!tpu.dma_semaphore, #tpu.memory_space<semaphore_mem>>) attributes {dimension_semantics = [#tpu.dimension_semantics<core_parallel>, #tpu.dimension_semantics<subcore_parallel>], iteration_bounds = array<i64: 2, 16>, scalar_prefetch = 0 : i64, scratch_operands = 13 : i64, tpu.core_type = #tpu.core_type<sc_vector_subcore>, window_params = [{transform_indices = #map}, {transform_indices = #map1}, {transform_indices = #map1}, {transform_indices = #map}, {transform_indices = #map}, {transform_indices = #map}]} {
    %mul3A = arith.constant 2 : i32
    %mul3A_0 = arith.muli %arg1, %mul3A : i32
    %add3A = arith.addi %mul3A_0, %arg0 : i32
    %mul3A_1 = arith.constant 64 : i32
    %mul3A_2 = arith.muli %add3A, %mul3A_1 : i32
    "tpu.region"() ({
      %run_scoped3A = tpu.sem_alloc : memref<!tpu.dma_semaphore, #tpu.memory_space<semaphore_mem>>
      %dma_start3A_60 = tpu.memref_slice %arg3[%mul3A_2] : memref<2048xi32, #tpu.memory_space<hbm>> -> memref<32xi32, #tpu.memory_space<hbm>>
      %dma_start3A_61 = tpu.memref_slice %arg3[%mul3A_2] : memref<2048xi32, #tpu.memory_space<hbm>> -> memref<32xi32, #tpu.memory_space<hbm>>
      tpu.enqueue_dma source(%dma_start3A_61 : memref<32xi32, #tpu.memory_space<hbm>>) target(%arg12 : memref<32xi32, #tpu.memory_space<vmem>>) target_semaphore(%run_scoped3A : memref<!tpu.dma_semaphore, #tpu.memory_space<semaphore_mem>>)
      %dma_wait3A_62 = tpu.memref_slice %arg3[%mul3A_2] : memref<2048xi32, #tpu.memory_space<hbm>> -> memref<32xi32, #tpu.memory_space<hbm>>
      %dma_wait3A_63 = tpu.memref_slice %arg3[%mul3A_2] : memref<2048xi32, #tpu.memory_space<hbm>> -> memref<32xi32, #tpu.memory_space<hbm>>
      tpu.wait_dma2 semaphore(%run_scoped3A : memref<!tpu.dma_semaphore, #tpu.memory_space<semaphore_mem>>) src(%dma_wait3A_63 : memref<32xi32, #tpu.memory_space<hbm>>) dst(%arg12 : memref<32xi32, #tpu.memory_space<vmem>>)
      tpu.yield
    }) : () -> ()
    "tpu.region"() ({
      %run_scoped3A = tpu.sem_alloc : memref<!tpu.dma_semaphore, #tpu.memory_space<semaphore_mem>>
      %dma_start3A_60 = tpu.memref_slice %arg4[%mul3A_2] : memref<2048xi32, #tpu.memory_space<hbm>> -> memref<32xi32, #tpu.memory_space<hbm>>
      %dma_start3A_61 = tpu.memref_slice %arg4[%mul3A_2] : memref<2048xi32, #tpu.memory_space<hbm>> -> memref<32xi32, #tpu.memory_space<hbm>>
      tpu.enqueue_dma source(%dma_start3A_61 : memref<32xi32, #tpu.memory_space<hbm>>) target(%arg13 : memref<32xi32, #tpu.memory_space<vmem>>) target_semaphore(%run_scoped3A : memref<!tpu.dma_semaphore, #tpu.memory_space<semaphore_mem>>)
      %dma_wait3A_62 = tpu.memref_slice %arg4[%mul3A_2] : memref<2048xi32, #tpu.memory_space<hbm>> -> memref<32xi32, #tpu.memory_space<hbm>>
      %dma_wait3A_63 = tpu.memref_slice %arg4[%mul3A_2] : memref<2048xi32, #tpu.memory_space<hbm>> -> memref<32xi32, #tpu.memory_space<hbm>>
      tpu.wait_dma2 semaphore(%run_scoped3A : memref<!tpu.dma_semaphore, #tpu.memory_space<semaphore_mem>>) src(%dma_wait3A_63 : memref<32xi32, #tpu.memory_space<hbm>>) dst(%arg13 : memref<32xi32, #tpu.memory_space<vmem>>)
      tpu.yield
    }) : () -> ()
    %dma_start3A = arith.constant 0 : i32
    %dma_start3A_3 = arith.constant 0 : i32
    %dma_start3A_4 = tpu.memref_slice %arg2[%dma_start3A, %dma_start3A_3] : memref<5120x768xf32, #tpu.memory_space<hbm>> -> memref<5120x768xf32, #tpu.memory_space<hbm>>
    tpu.enqueue_indirect_dma source(%dma_start3A_4 : memref<5120x768xf32, #tpu.memory_space<hbm>>) target(%arg8 : memref<32x768xf32, #tpu.memory_space<vmem>>) offsets(%arg12 : memref<32xi32, #tpu.memory_space<vmem>>) semaphore(%arg18 : memref<!tpu.dma_semaphore, #tpu.memory_space<semaphore_mem>>)
    %dma_start3A_5 = arith.constant 0 : i32
    %dma_start3A_6 = arith.constant 0 : i32
    %dma_start3A_7 = tpu.memref_slice %arg2[%dma_start3A_5, %dma_start3A_6] : memref<5120x768xf32, #tpu.memory_space<hbm>> -> memref<5120x768xf32, #tpu.memory_space<hbm>>
    tpu.enqueue_indirect_dma source(%dma_start3A_7 : memref<5120x768xf32, #tpu.memory_space<hbm>>) target(%arg9 : memref<32x768xf32, #tpu.memory_space<vmem>>) offsets(%arg13 : memref<32xi32, #tpu.memory_space<vmem>>) semaphore(%arg18 : memref<!tpu.dma_semaphore, #tpu.memory_space<semaphore_mem>>)
    %add3A_8 = arith.constant 32 : i32
    %add3A_9 = arith.addi %mul3A_2, %add3A_8 : i32
    "tpu.region"() ({
      %run_scoped3A = tpu.sem_alloc : memref<!tpu.dma_semaphore, #tpu.memory_space<semaphore_mem>>
      %dma_start3A_60 = tpu.memref_slice %arg3[%add3A_9] : memref<2048xi32, #tpu.memory_space<hbm>> -> memref<32xi32, #tpu.memory_space<hbm>>
      %dma_start3A_61 = tpu.memref_slice %arg3[%add3A_9] : memref<2048xi32, #tpu.memory_space<hbm>> -> memref<32xi32, #tpu.memory_space<hbm>>
      tpu.enqueue_dma source(%dma_start3A_61 : memref<32xi32, #tpu.memory_space<hbm>>) target(%arg14 : memref<32xi32, #tpu.memory_space<vmem>>) target_semaphore(%run_scoped3A : memref<!tpu.dma_semaphore, #tpu.memory_space<semaphore_mem>>)
      %dma_wait3A_62 = tpu.memref_slice %arg3[%add3A_9] : memref<2048xi32, #tpu.memory_space<hbm>> -> memref<32xi32, #tpu.memory_space<hbm>>
      %dma_wait3A_63 = tpu.memref_slice %arg3[%add3A_9] : memref<2048xi32, #tpu.memory_space<hbm>> -> memref<32xi32, #tpu.memory_space<hbm>>
      tpu.wait_dma2 semaphore(%run_scoped3A : memref<!tpu.dma_semaphore, #tpu.memory_space<semaphore_mem>>) src(%dma_wait3A_63 : memref<32xi32, #tpu.memory_space<hbm>>) dst(%arg14 : memref<32xi32, #tpu.memory_space<vmem>>)
      tpu.yield
    }) : () -> ()
    %add3A_10 = arith.constant 32 : i32
    %add3A_11 = arith.addi %mul3A_2, %add3A_10 : i32
    "tpu.region"() ({
      %run_scoped3A = tpu.sem_alloc : memref<!tpu.dma_semaphore, #tpu.memory_space<semaphore_mem>>
      %dma_start3A_60 = tpu.memref_slice %arg4[%add3A_11] : memref<2048xi32, #tpu.memory_space<hbm>> -> memref<32xi32, #tpu.memory_space<hbm>>
      %dma_start3A_61 = tpu.memref_slice %arg4[%add3A_11] : memref<2048xi32, #tpu.memory_space<hbm>> -> memref<32xi32, #tpu.memory_space<hbm>>
      tpu.enqueue_dma source(%dma_start3A_61 : memref<32xi32, #tpu.memory_space<hbm>>) target(%arg15 : memref<32xi32, #tpu.memory_space<vmem>>) target_semaphore(%run_scoped3A : memref<!tpu.dma_semaphore, #tpu.memory_space<semaphore_mem>>)
      %dma_wait3A_62 = tpu.memref_slice %arg4[%add3A_11] : memref<2048xi32, #tpu.memory_space<hbm>> -> memref<32xi32, #tpu.memory_space<hbm>>
      %dma_wait3A_63 = tpu.memref_slice %arg4[%add3A_11] : memref<2048xi32, #tpu.memory_space<hbm>> -> memref<32xi32, #tpu.memory_space<hbm>>
      tpu.wait_dma2 semaphore(%run_scoped3A : memref<!tpu.dma_semaphore, #tpu.memory_space<semaphore_mem>>) src(%dma_wait3A_63 : memref<32xi32, #tpu.memory_space<hbm>>) dst(%arg15 : memref<32xi32, #tpu.memory_space<vmem>>)
      tpu.yield
    }) : () -> ()
    %dma_start3A_12 = arith.constant 0 : i32
    %dma_start3A_13 = arith.constant 0 : i32
    %dma_start3A_14 = tpu.memref_slice %arg2[%dma_start3A_12, %dma_start3A_13] : memref<5120x768xf32, #tpu.memory_space<hbm>> -> memref<5120x768xf32, #tpu.memory_space<hbm>>
    tpu.enqueue_indirect_dma source(%dma_start3A_14 : memref<5120x768xf32, #tpu.memory_space<hbm>>) target(%arg10 : memref<32x768xf32, #tpu.memory_space<vmem>>) offsets(%arg14 : memref<32xi32, #tpu.memory_space<vmem>>) semaphore(%arg19 : memref<!tpu.dma_semaphore, #tpu.memory_space<semaphore_mem>>)
    %dma_start3A_15 = arith.constant 0 : i32
    %dma_start3A_16 = arith.constant 0 : i32
    %dma_start3A_17 = tpu.memref_slice %arg2[%dma_start3A_15, %dma_start3A_16] : memref<5120x768xf32, #tpu.memory_space<hbm>> -> memref<5120x768xf32, #tpu.memory_space<hbm>>
    tpu.enqueue_indirect_dma source(%dma_start3A_17 : memref<5120x768xf32, #tpu.memory_space<hbm>>) target(%arg11 : memref<32x768xf32, #tpu.memory_space<vmem>>) offsets(%arg15 : memref<32xi32, #tpu.memory_space<vmem>>) semaphore(%arg19 : memref<!tpu.dma_semaphore, #tpu.memory_space<semaphore_mem>>)
    "tpu.region"() ({
      %run_scoped3A = tpu.sem_alloc : memref<!tpu.dma_semaphore, #tpu.memory_space<semaphore_mem>>
      %dma_start3A_60 = arith.constant 0 : i32
      %dma_start3A_61 = tpu.memref_slice %arg5[%mul3A_2, %dma_start3A_60] : memref<2048x16xf32, #tpu.memory_space<hbm>> -> memref<64x16xf32, #tpu.memory_space<hbm>>
      %dma_start3A_62 = arith.constant 0 : i32
      %dma_start3A_63 = tpu.memref_slice %arg5[%mul3A_2, %dma_start3A_62] : memref<2048x16xf32, #tpu.memory_space<hbm>> -> memref<64x16xf32, #tpu.memory_space<hbm>>
      tpu.enqueue_dma source(%dma_start3A_63 : memref<64x16xf32, #tpu.memory_space<hbm>>) target(%arg16 : memref<64x16xf32, #tpu.memory_space<vmem>>) target_semaphore(%run_scoped3A : memref<!tpu.dma_semaphore, #tpu.memory_space<semaphore_mem>>)
      %dma_wait3A_64 = arith.constant 0 : i32
      %dma_wait3A_65 = tpu.memref_slice %arg5[%mul3A_2, %dma_wait3A_64] : memref<2048x16xf32, #tpu.memory_space<hbm>> -> memref<64x16xf32, #tpu.memory_space<hbm>>
      %dma_wait3A_66 = arith.constant 0 : i32
      %dma_wait3A_67 = tpu.memref_slice %arg5[%mul3A_2, %dma_wait3A_66] : memref<2048x16xf32, #tpu.memory_space<hbm>> -> memref<64x16xf32, #tpu.memory_space<hbm>>
      tpu.wait_dma2 semaphore(%run_scoped3A : memref<!tpu.dma_semaphore, #tpu.memory_space<semaphore_mem>>) src(%dma_wait3A_67 : memref<64x16xf32, #tpu.memory_space<hbm>>) dst(%arg16 : memref<64x16xf32, #tpu.memory_space<vmem>>)
      tpu.yield
    }) : () -> ()
    "tpu.region"() ({
      %run_scoped3A = tpu.sem_alloc : memref<!tpu.dma_semaphore, #tpu.memory_space<semaphore_mem>>
      %dma_start3A_60 = arith.constant 0 : i32
      %dma_start3A_61 = tpu.memref_slice %arg6[%mul3A_2, %dma_start3A_60] : memref<2048x16xf32, #tpu.memory_space<hbm>> -> memref<64x16xf32, #tpu.memory_space<hbm>>
      %dma_start3A_62 = arith.constant 0 : i32
      %dma_start3A_63 = tpu.memref_slice %arg6[%mul3A_2, %dma_start3A_62] : memref<2048x16xf32, #tpu.memory_space<hbm>> -> memref<64x16xf32, #tpu.memory_space<hbm>>
      tpu.enqueue_dma source(%dma_start3A_63 : memref<64x16xf32, #tpu.memory_space<hbm>>) target(%arg17 : memref<64x16xf32, #tpu.memory_space<vmem>>) target_semaphore(%run_scoped3A : memref<!tpu.dma_semaphore, #tpu.memory_space<semaphore_mem>>)
      %dma_wait3A_64 = arith.constant 0 : i32
      %dma_wait3A_65 = tpu.memref_slice %arg6[%mul3A_2, %dma_wait3A_64] : memref<2048x16xf32, #tpu.memory_space<hbm>> -> memref<64x16xf32, #tpu.memory_space<hbm>>
      %dma_wait3A_66 = arith.constant 0 : i32
      %dma_wait3A_67 = tpu.memref_slice %arg6[%mul3A_2, %dma_wait3A_66] : memref<2048x16xf32, #tpu.memory_space<hbm>> -> memref<64x16xf32, #tpu.memory_space<hbm>>
      tpu.wait_dma2 semaphore(%run_scoped3A : memref<!tpu.dma_semaphore, #tpu.memory_space<semaphore_mem>>) src(%dma_wait3A_67 : memref<64x16xf32, #tpu.memory_space<hbm>>) dst(%arg17 : memref<64x16xf32, #tpu.memory_space<vmem>>)
      tpu.yield
    }) : () -> ()
    %dma_wait3A = arith.constant 0 : i32
    %dma_wait3A_18 = arith.constant 0 : i32
    %dma_wait3A_19 = tpu.memref_slice %arg2[%dma_wait3A, %dma_wait3A_18] : memref<5120x768xf32, #tpu.memory_space<hbm>> -> memref<5120x768xf32, #tpu.memory_space<hbm>>
    tpu.wait_indirect_dma semaphore(%arg18 : memref<!tpu.dma_semaphore, #tpu.memory_space<semaphore_mem>>) src(%dma_wait3A_19 : memref<5120x768xf32, #tpu.memory_space<hbm>>) dst(%arg8 : memref<32x768xf32, #tpu.memory_space<vmem>>)
    %dma_wait3A_20 = arith.constant 0 : i32
    %dma_wait3A_21 = arith.constant 0 : i32
    %dma_wait3A_22 = tpu.memref_slice %arg2[%dma_wait3A_20, %dma_wait3A_21] : memref<5120x768xf32, #tpu.memory_space<hbm>> -> memref<5120x768xf32, #tpu.memory_space<hbm>>
    tpu.wait_indirect_dma semaphore(%arg18 : memref<!tpu.dma_semaphore, #tpu.memory_space<semaphore_mem>>) src(%dma_wait3A_22 : memref<5120x768xf32, #tpu.memory_space<hbm>>) dst(%arg9 : memref<32x768xf32, #tpu.memory_space<vmem>>)
    %scan3A = arith.constant 0 : i32
    %scan3A_23 = arith.constant 0 : i32
    %scan3A_24 = arith.constant 32 : i32
    %scan3A_25 = arith.addi %scan3A_23, %scan3A_24 : i32
    %scan3A_26 = arith.constant 1 : i32
    %scan3A_27 = scf.for %scan3A_60 = %scan3A_23 to %scan3A_25 step %scan3A_26 iter_args(%scan3A_61 = %scan3A) -> (i32)  : i32 {
      %add3A_62 = arith.constant 0 : i32
      %add3A_63 = arith.addi %add3A_62, %scan3A_60 : i32
      %get3A = arith.index_cast %add3A_63 : i32 to index
      %get3A_64 = arith.constant 0 : index
      %get3A_65 = tpu.vector_load %arg16[%get3A, %get3A_64] {strides = array<i32>} : memref<64x16xf32, #tpu.memory_space<vmem>>, vector<1x16xf32>,
      %get3A_66 = vector.shape_cast %get3A_65 : vector<1x16xf32> to vector<16xf32>
      %add3A_67 = arith.constant 0 : i32
      %add3A_68 = arith.addi %add3A_67, %scan3A_60 : i32
      %get3A_69 = arith.index_cast %add3A_68 : i32 to index
      %get3A_70 = arith.constant 0 : index
      %get3A_71 = tpu.vector_load %arg17[%get3A_69, %get3A_70] {strides = array<i32>} : memref<64x16xf32, #tpu.memory_space<vmem>>, vector<1x16xf32>,
      %get3A_72 = vector.shape_cast %get3A_71 : vector<1x16xf32> to vector<16xf32>
      %get3A_73 = arith.index_cast %scan3A_60 : i32 to index
      %get3A_74 = arith.constant 0 : index
      %get3A_75 = tpu.vector_load %arg8[%get3A_73, %get3A_74] {strides = array<i32>} : memref<32x768xf32, #tpu.memory_space<vmem>>, vector<1x16xf32>,
      %get3A_76 = vector.shape_cast %get3A_75 : vector<1x16xf32> to vector<16xf32>
      %mul3A_77 = arith.mulf %get3A_76, %get3A_66 : vector<16xf32>
      %get3A_78 = arith.index_cast %scan3A_60 : i32 to index
      %get3A_79 = arith.constant 0 : index
      %get3A_80 = tpu.vector_load %arg9[%get3A_78, %get3A_79] {strides = array<i32>} : memref<32x768xf32, #tpu.memory_space<vmem>>, vector<1x16xf32>,
      %get3A_81 = vector.shape_cast %get3A_80 : vector<1x16xf32> to vector<16xf32>
      %mul3A_82 = arith.mulf %get3A_81, %get3A_72 : vector<16xf32>
      %add3A_83 = arith.addf %mul3A_77, %mul3A_82 : vector<16xf32>
      %swap3A = arith.index_cast %scan3A_60 : i32 to index
      %swap3A_84 = arith.constant 0 : index
      %swap3A_85 = tpu.vector_load %arg8[%swap3A, %swap3A_84] {strides = array<i32>} : memref<32x768xf32, #tpu.memory_space<vmem>>, vector<1x16xf32>,
      %swap3A_86 = vector.shape_cast %swap3A_85 : vector<1x16xf32> to vector<16xf32>
      %swap3A_87 = vector.shape_cast %add3A_83 : vector<16xf32> to vector<1x16xf32>
      tpu.vector_store %arg8[%swap3A, %swap3A_84], %swap3A_87 {strides = array<i32>} : memref<32x768xf32, #tpu.memory_space<vmem>>, vector<1x16xf32>,
      %get3A_88 = arith.index_cast %scan3A_60 : i32 to index
      %get3A_89 = arith.constant 16 : index
      %get3A_90 = tpu.vector_load %arg8[%get3A_88, %get3A_89] {strides = array<i32>} : memref<32x768xf32, #tpu.memory_space<vmem>>, vector<1x16xf32>,
      %get3A_91 = vector.shape_cast %get3A_90 : vector<1x16xf32> to vector<16xf32>
      %mul3A_92 = arith.mulf %get3A_91, %get3A_66 : vector<16xf32>
      %get3A_93 = arith.index_cast %scan3A_60 : i32 to index
      %get3A_94 = arith.constant 16 : index
      %get3A_95 = tpu.vector_load %arg9[%get3A_93, %get3A_94] {strides = array<i32>} : memref<32x768xf32, #tpu.memory_space<vmem>>, vector<1x16xf32>,
      %get3A_96 = vector.shape_cast %get3A_95 : vector<1x16xf32> to vector<16xf32>
      %mul3A_97 = arith.mulf %get3A_96, %get3A_72 : vector<16xf32>
      %add3A_98 = arith.addf %mul3A_92, %mul3A_97 : vector<16xf32>
      %swap3A_99 = arith.index_cast %scan3A_60 : i32 to index
      %swap3A_100 = arith.constant 16 : index
      %swap3A_101 = tpu.vector_load %arg8[%swap3A_99, %swap3A_100] {strides = array<i32>} : memref<32x768xf32, #tpu.memory_space<vmem>>, vector<1x16xf32>,
      %swap3A_102 = vector.shape_cast %swap3A_101 : vector<1x16xf32> to vector<16xf32>
      %swap3A_103 = vector.shape_cast %add3A_98 : vector<16xf32> to vector<1x16xf32>
      tpu.vector_store %arg8[%swap3A_99, %swap3A_100], %swap3A_103 {strides = array<i32>} : memref<32x768xf32, #tpu.memory_space<vmem>>, vector<1x16xf32>,
      %get3A_104 = arith.index_cast %scan3A_60 : i32 to index
      %get3A_105 = arith.constant 32 : index
      %get3A_106 = tpu.vector_load %arg8[%get3A_104, %get3A_105] {strides = array<i32>} : memref<32x768xf32, #tpu.memory_space<vmem>>, vector<1x16xf32>,
      %get3A_107 = vector.shape_cast %get3A_106 : vector<1x16xf32> to vector<16xf32>
      %mul3A_108 = arith.mulf %get3A_107, %get3A_66 : vector<16xf32>
      %get3A_109 = arith.index_cast %scan3A_60 : i32 to index
      %get3A_110 = arith.constant 32 : index
      %get3A_111 = tpu.vector_load %arg9[%get3A_109, %get3A_110] {strides = array<i32>} : memref<32x768xf32, #tpu.memory_space<vmem>>, vector<1x16xf32>,
      %get3A_112 = vector.shape_cast %get3A_111 : vector<1x16xf32> to vector<16xf32>
      %mul3A_113 = arith.mulf %get3A_112, %get3A_72 : vector<16xf32>
      %add3A_114 = arith.addf %mul3A_108, %mul3A_113 : vector<16xf32>
      %swap3A_115 = arith.index_cast %scan3A_60 : i32 to index
      %swap3A_116 = arith.constant 32 : index
      %swap3A_117 = tpu.vector_load %arg8[%swap3A_115, %swap3A_116] {strides = array<i32>} : memref<32x768xf32, #tpu.memory_space<vmem>>, vector<1x16xf32>,
      %swap3A_118 = vector.shape_cast %swap3A_117 : vector<1x16xf32> to vector<16xf32>
      %swap3A_119 = vector.shape_cast %add3A_114 : vector<16xf32> to vector<1x16xf32>
      tpu.vector_store %arg8[%swap3A_115, %swap3A_116], %swap3A_119 {strides = array<i32>} : memref<32x768xf32, #tpu.memory_space<vmem>>, vector<1x16xf32>,
      %get3A_120 = arith.index_cast %scan3A_60 : i32 to index
      %get3A_121 = arith.constant 48 : index
      %get3A_122 = tpu.vector_load %arg8[%get3A_120, %get3A_121] {strides = array<i32>} : memref<32x768xf32, #tpu.memory_space<vmem>>, vector<1x16xf32>,
      %get3A_123 = vector.shape_cast %get3A_122 : vector<1x16xf32> to vector<16xf32>
      %mul3A_124 = arith.mulf %get3A_123, %get3A_66 : vector<16xf32>
      %get3A_125 = arith.index_cast %scan3A_60 : i32 to index
      %get3A_126 = arith.constant 48 : index
      %get3A_127 = tpu.vector_load %arg9[%get3A_125, %get3A_126] {strides = array<i32>} : memref<32x768xf32, #tpu.memory_space<vmem>>, vector<1x16xf32>,
      %get3A_128 = vector.shape_cast %get3A_127 : vector<1x16xf32> to vector<16xf32>
      %mul3A_129 = arith.mulf %get3A_128, %get3A_72 : vector<16xf32>
      %add3A_130 = arith.addf %mul3A_124, %mul3A_129 : vector<16xf32>
      %swap3A_131 = arith.index_cast %scan3A_60 : i32 to index
      %swap3A_132 = arith.constant 48 : index
      %swap3A_133 = tpu.vector_load %arg8[%swap3A_131, %swap3A_132] {strides = array<i32>} : memref<32x768xf32, #tpu.memory_space<vmem>>, vector<1x16xf32>,
      %swap3A_134 = vector.shape_cast %swap3A_133 : vector<1x16xf32> to vector<16xf32>
      %swap3A_135 = vector.shape_cast %add3A_130 : vector<16xf32> to vector<1x16xf32>
      tpu.vector_store %arg8[%swap3A_131, %swap3A_132], %swap3A_135 {strides = array<i32>} : memref<32x768xf32, #tpu.memory_space<vmem>>, vector<1x16xf32>,
      %get3A_136 = arith.index_cast %scan3A_60 : i32 to index
      %get3A_137 = arith.constant 64 : index
      %get3A_138 = tpu.vector_load %arg8[%get3A_136, %get3A_137] {strides = array<i32>} : memref<32x768xf32, #tpu.memory_space<vmem>>, vector<1x16xf32>,
      %get3A_139 = vector.shape_cast %get3A_138 : vector<1x16xf32> to vector<16xf32>
      %mul3A_140 = arith.mulf %get3A_139, %get3A_66 : vector<16xf32>
      %get3A_141 = arith.index_cast %scan3A_60 : i32 to index
      %get3A_142 = arith.constant 64 : index
      %get3A_143 = tpu.vector_load %arg9[%get3A_141, %get3A_142] {strides = array<i32>} : memref<32x768xf32, #tpu.memory_space<vmem>>, vector<1x16xf32>,
      %get3A_144 = vector.shape_cast %get3A_143 : vector<1x16xf32> to vector<16xf32>
      %mul3A_145 = arith.mulf %get3A_144, %get3A_72 : vector<16xf32>
      %add3A_146 = arith.addf %mul3A_140, %mul3A_145 : vector<16xf32>
      %swap3A_147 = arith.index_cast %scan3A_60 : i32 to index
      %swap3A_148 = arith.constant 64 : index
      %swap3A_149 = tpu.vector_load %arg8[%swap3A_147, %swap3A_148] {strides = array<i32>} : memref<32x768xf32, #tpu.memory_space<vmem>>, vector<1x16xf32>,
      %swap3A_150 = vector.shape_cast %swap3A_149 : vector<1x16xf32> to vector<16xf32>
      %swap3A_151 = vector.shape_cast %add3A_146 : vector<16xf32> to vector<1x16xf32>
      tpu.vector_store %arg8[%swap3A_147, %swap3A_148], %swap3A_151 {strides = array<i32>} : memref<32x768xf32, #tpu.memory_space<vmem>>, vector<1x16xf32>,
      %get3A_152 = arith.index_cast %scan3A_60 : i32 to index
      %get3A_153 = arith.constant 80 : index
      %get3A_154 = tpu.vector_load %arg8[%get3A_152, %get3A_153] {strides = array<i32>} : memref<32x768xf32, #tpu.memory_space<vmem>>, vector<1x16xf32>,
      %get3A_155 = vector.shape_cast %get3A_154 : vector<1x16xf32> to vector<16xf32>
      %mul3A_156 = arith.mulf %get3A_155, %get3A_66 : vector<16xf32>
      %get3A_157 = arith.index_cast %scan3A_60 : i32 to index
      %get3A_158 = arith.constant 80 : index
      %get3A_159 = tpu.vector_load %arg9[%get3A_157, %get3A_158] {strides = array<i32>} : memref<32x768xf32, #tpu.memory_space<vmem>>, vector<1x16xf32>,
      %get3A_160 = vector.shape_cast %get3A_159 : vector<1x16xf32> to vector<16xf32>
      %mul3A_161 = arith.mulf %get3A_160, %get3A_72 : vector<16xf32>
      %add3A_162 = arith.addf %mul3A_156, %mul3A_161 : vector<16xf32>
      %swap3A_163 = arith.index_cast %scan3A_60 : i32 to index
      %swap3A_164 = arith.constant 80 : index
      %swap3A_165 = tpu.vector_load %arg8[%swap3A_163, %swap3A_164] {strides = array<i32>} : memref<32x768xf32, #tpu.memory_space<vmem>>, vector<1x16xf32>,
      %swap3A_166 = vector.shape_cast %swap3A_165 : vector<1x16xf32> to vector<16xf32>
      %swap3A_167 = vector.shape_cast %add3A_162 : vector<16xf32> to vector<1x16xf32>
      tpu.vector_store %arg8[%swap3A_163, %swap3A_164], %swap3A_167 {strides = array<i32>} : memref<32x768xf32, #tpu.memory_space<vmem>>, vector<1x16xf32>,
      %get3A_168 = arith.index_cast %scan3A_60 : i32 to index
      %get3A_169 = arith.constant 96 : index
      %get3A_170 = tpu.vector_load %arg8[%get3A_168, %get3A_169] {strides = array<i32>} : memref<32x768xf32, #tpu.memory_space<vmem>>, vector<1x16xf32>,
      %get3A_171 = vector.shape_cast %get3A_170 : vector<1x16xf32> to vector<16xf32>
      %mul3A_172 = arith.mulf %get3A_171, %get3A_66 : vector<16xf32>
      %get3A_173 = arith.index_cast %scan3A_60 : i32 to index
      %get3A_174 = arith.constant 96 : index
      %get3A_175 = tpu.vector_load %arg9[%get3A_173, %get3A_174] {strides = array<i32>} : memref<32x768xf32, #tpu.memory_space<vmem>>, vector<1x16xf32>,
      %get3A_176 = vector.shape_cast %get3A_175 : vector<1x16xf32> to vector<16xf32>
      %mul3A_177 = arith.mulf %get3A_176, %get3A_72 : vector<16xf32>
      %add3A_178 = arith.addf %mul3A_172, %mul3A_177 : vector<16xf32>
      %swap3A_179 = arith.index_cast %scan3A_60 : i32 to index
      %swap3A_180 = arith.constant 96 : index
      %swap3A_181 = tpu.vector_load %arg8[%swap3A_179, %swap3A_180] {strides = array<i32>} : memref<32x768xf32, #tpu.memory_space<vmem>>, vector<1x16xf32>,
      %swap3A_182 = vector.shape_cast %swap3A_181 : vector<1x16xf32> to vector<16xf32>
      %swap3A_183 = vector.shape_cast %add3A_178 : vector<16xf32> to vector<1x16xf32>
      tpu.vector_store %arg8[%swap3A_179, %swap3A_180], %swap3A_183 {strides = array<i32>} : memref<32x768xf32, #tpu.memory_space<vmem>>, vector<1x16xf32>,
      %get3A_184 = arith.index_cast %scan3A_60 : i32 to index
      %get3A_185 = arith.constant 112 : index
      %get3A_186 = tpu.vector_load %arg8[%get3A_184, %get3A_185] {strides = array<i32>} : memref<32x768xf32, #tpu.memory_space<vmem>>, vector<1x16xf32>,
      %get3A_187 = vector.shape_cast %get3A_186 : vector<1x16xf32> to vector<16xf32>
      %mul3A_188 = arith.mulf %get3A_187, %get3A_66 : vector<16xf32>
      %get3A_189 = arith.index_cast %scan3A_60 : i32 to index
      %get3A_190 = arith.constant 112 : index
      %get3A_191 = tpu.vector_load %arg9[%get3A_189, %get3A_190] {strides = array<i32>} : memref<32x768xf32, #tpu.memory_space<vmem>>, vector<1x16xf32>,
      %get3A_192 = vector.shape_cast %get3A_191 : vector<1x16xf32> to vector<16xf32>
      %mul3A_193 = arith.mulf %get3A_192, %get3A_72 : vector<16xf32>
      %add3A_194 = arith.addf %mul3A_188, %mul3A_193 : vector<16xf32>
      %swap3A_195 = arith.index_cast %scan3A_60 : i32 to index
      %swap3A_196 = arith.constant 112 : index
      %swap3A_197 = tpu.vector_load %arg8[%swap3A_195, %swap3A_196] {strides = array<i32>} : memref<32x768xf32, #tpu.memory_space<vmem>>, vector<1x16xf32>,
      %swap3A_198 = vector.shape_cast %swap3A_197 : vector<1x16xf32> to vector<16xf32>
      %swap3A_199 = vector.shape_cast %add3A_194 : vector<16xf32> to vector<1x16xf32>
      tpu.vector_store %arg8[%swap3A_195, %swap3A_196], %swap3A_199 {strides = array<i32>} : memref<32x768xf32, #tpu.memory_space<vmem>>, vector<1x16xf32>,
      %get3A_200 = arith.index_cast %scan3A_60 : i32 to index
      %get3A_201 = arith.constant 128 : index
      %get3A_202 = tpu.vector_load %arg8[%get3A_200, %get3A_201] {strides = array<i32>} : memref<32x768xf32, #tpu.memory_space<vmem>>, vector<1x16xf32>,
      %get3A_203 = vector.shape_cast %get3A_202 : vector<1x16xf32> to vector<16xf32>
      %mul3A_204 = arith.mulf %get3A_203, %get3A_66 : vector<16xf32>
      %get3A_205 = arith.index_cast %scan3A_60 : i32 to index
      %get3A_206 = arith.constant 128 : index
      %get3A_207 = tpu.vector_load %arg9[%get3A_205, %get3A_206] {strides = array<i32>} : memref<32x768xf32, #tpu.memory_space<vmem>>, vector<1x16xf32>,
      %get3A_208 = vector.shape_cast %get3A_207 : vector<1x16xf32> to vector<16xf32>
      %mul3A_209 = arith.mulf %get3A_208, %get3A_72 : vector<16xf32>
      %add3A_210 = arith.addf %mul3A_204, %mul3A_209 : vector<16xf32>
      %swap3A_211 = arith.index_cast %scan3A_60 : i32 to index
      %swap3A_212 = arith.constant 128 : index
      %swap3A_213 = tpu.vector_load %arg8[%swap3A_211, %swap3A_212] {strides = array<i32>} : memref<32x768xf32, #tpu.memory_space<vmem>>, vector<1x16xf32>,
      %swap3A_214 = vector.shape_cast %swap3A_213 : vector<1x16xf32> to vector<16xf32>
      %swap3A_215 = vector.shape_cast %add3A_210 : vector<16xf32> to vector<1x16xf32>
      tpu.vector_store %arg8[%swap3A_211, %swap3A_212], %swap3A_215 {strides = array<i32>} : memref<32x768xf32, #tpu.memory_space<vmem>>, vector<1x16xf32>,
      %get3A_216 = arith.index_cast %scan3A_60 : i32 to index
      %get3A_217 = arith.constant 144 : index
      %get3A_218 = tpu.vector_load %arg8[%get3A_216, %get3A_217] {strides = array<i32>} : memref<32x768xf32, #tpu.memory_space<vmem>>, vector<1x16xf32>,
      %get3A_219 = vector.shape_cast %get3A_218 : vector<1x16xf32> to vector<16xf32>
      %mul3A_220 = arith.mulf %get3A_219, %get3A_66 : vector<16xf32>
      %get3A_221 = arith.index_cast %scan3A_60 : i32 to index
      %get3A_222 = arith.constant 144 : index
      %get3A_223 = tpu.vector_load %arg9[%get3A_221, %get3A_222] {strides = array<i32>} : memref<32x768xf32, #tpu.memory_space<vmem>>, vector<1x16xf32>,
      %get3A_224 = vector.shape_cast %get3A_223 : vector<1x16xf32> to vector<16xf32>
      %mul3A_225 = arith.mulf %get3A_224, %get3A_72 : vector<16xf32>
      %add3A_226 = arith.addf %mul3A_220, %mul3A_225 : vector<16xf32>
      %swap3A_227 = arith.index_cast %scan3A_60 : i32 to index
      %swap3A_228 = arith.constant 144 : index
      %swap3A_229 = tpu.vector_load %arg8[%swap3A_227, %swap3A_228] {strides = array<i32>} : memref<32x768xf32, #tpu.memory_space<vmem>>, vector<1x16xf32>,
      %swap3A_230 = vector.shape_cast %swap3A_229 : vector<1x16xf32> to vector<16xf32>
      %swap3A_231 = vector.shape_cast %add3A_226 : vector<16xf32> to vector<1x16xf32>
      tpu.vector_store %arg8[%swap3A_227, %swap3A_228], %swap3A_231 {strides = array<i32>} : memref<32x768xf32, #tpu.memory_space<vmem>>, vector<1x16xf32>,
      %get3A_232 = arith.index_cast %scan3A_60 : i32 to index
      %get3A_233 = arith.constant 160 : index
      %get3A_234 = tpu.vector_load %arg8[%get3A_232, %get3A_233] {strides = array<i32>} : memref<32x768xf32, #tpu.memory_space<vmem>>, vector<1x16xf32>,
      %get3A_235 = vector.shape_cast %get3A_234 : vector<1x16xf32> to vector<16xf32>
      %mul3A_236 = arith.mulf %get3A_235, %get3A_66 : vector<16xf32>
      %get3A_237 = arith.index_cast %scan3A_60 : i32 to index
      %get3A_238 = arith.constant 160 : index
      %get3A_239 = tpu.vector_load %arg9[%get3A_237, %get3A_238] {strides = array<i32>} : memref<32x768xf32, #tpu.memory_space<vmem>>, vector<1x16xf32>,
      %get3A_240 = vector.shape_cast %get3A_239 : vector<1x16xf32> to vector<16xf32>
      %mul3A_241 = arith.mulf %get3A_240, %get3A_72 : vector<16xf32>
      %add3A_242 = arith.addf %mul3A_236, %mul3A_241 : vector<16xf32>
      %swap3A_243 = arith.index_cast %scan3A_60 : i32 to index
      %swap3A_244 = arith.constant 160 : index
      %swap3A_245 = tpu.vector_load %arg8[%swap3A_243, %swap3A_244] {strides = array<i32>} : memref<32x768xf32, #tpu.memory_space<vmem>>, vector<1x16xf32>,
      %swap3A_246 = vector.shape_cast %swap3A_245 : vector<1x16xf32> to vector<16xf32>
      %swap3A_247 = vector.shape_cast %add3A_242 : vector<16xf32> to vector<1x16xf32>
      tpu.vector_store %arg8[%swap3A_243, %swap3A_244], %swap3A_247 {strides = array<i32>} : memref<32x768xf32, #tpu.memory_space<vmem>>, vector<1x16xf32>,
      %get3A_248 = arith.index_cast %scan3A_60 : i32 to index
      %get3A_249 = arith.constant 176 : index
      %get3A_250 = tpu.vector_load %arg8[%get3A_248, %get3A_249] {strides = array<i32>} : memref<32x768xf32, #tpu.memory_space<vmem>>, vector<1x16xf32>,
      %get3A_251 = vector.shape_cast %get3A_250 : vector<1x16xf32> to vector<16xf32>
      %mul3A_252 = arith.mulf %get3A_251, %get3A_66 : vector<16xf32>
      %get3A_253 = arith.index_cast %scan3A_60 : i32 to index
      %get3A_254 = arith.constant 176 : index
      %get3A_255 = tpu.vector_load %arg9[%get3A_253, %get3A_254] {strides = array<i32>} : memref<32x768xf32, #tpu.memory_space<vmem>>, vector<1x16xf32>,
      %get3A_256 = vector.shape_cast %get3A_255 : vector<1x16xf32> to vector<16xf32>
      %mul3A_257 = arith.mulf %get3A_256, %get3A_72 : vector<16xf32>
      %add3A_258 = arith.addf %mul3A_252, %mul3A_257 : vector<16xf32>
      %swap3A_259 = arith.index_cast %scan3A_60 : i32 to index
      %swap3A_260 = arith.constant 176 : index
      %swap3A_261 = tpu.vector_load %arg8[%swap3A_259, %swap3A_260] {strides = array<i32>} : memref<32x768xf32, #tpu.memory_space<vmem>>, vector<1x16xf32>,
      %swap3A_262 = vector.shape_cast %swap3A_261 : vector<1x16xf32> to vector<16xf32>
      %swap3A_263 = vector.shape_cast %add3A_258 : vector<16xf32> to vector<1x16xf32>
      tpu.vector_store %arg8[%swap3A_259, %swap3A_260], %swap3A_263 {strides = array<i32>} : memref<32x768xf32, #tpu.memory_space<vmem>>, vector<1x16xf32>,
      %get3A_264 = arith.index_cast %scan3A_60 : i32 to index
      %get3A_265 = arith.constant 192 : index
      %get3A_266 = tpu.vector_load %arg8[%get3A_264, %get3A_265] {strides = array<i32>} : memref<32x768xf32, #tpu.memory_space<vmem>>, vector<1x16xf32>,
      %get3A_267 = vector.shape_cast %get3A_266 : vector<1x16xf32> to vector<16xf32>
      %mul3A_268 = arith.mulf %get3A_267, %get3A_66 : vector<16xf32>
      %get3A_269 = arith.index_cast %scan3A_60 : i32 to index
      %get3A_270 = arith.constant 192 : index
      %get3A_271 = tpu.vector_load %arg9[%get3A_269, %get3A_270] {strides = array<i32>} : memref<32x768xf32, #tpu.memory_space<vmem>>, vector<1x16xf32>,
      %get3A_272 = vector.shape_cast %get3A_271 : vector<1x16xf32> to vector<16xf32>
      %mul3A_273 = arith.mulf %get3A_272, %get3A_72 : vector<16xf32>
      %add3A_274 = arith.addf %mul3A_268, %mul3A_273 : vector<16xf32>
      %swap3A_275 = arith.index_cast %scan3A_60 : i32 to index
      %swap3A_276 = arith.constant 192 : index
      %swap3A_277 = tpu.vector_load %arg8[%swap3A_275, %swap3A_276] {strides = array<i32>} : memref<32x768xf32, #tpu.memory_space<vmem>>, vector<1x16xf32>,
      %swap3A_278 = vector.shape_cast %swap3A_277 : vector<1x16xf32> to vector<16xf32>
      %swap3A_279 = vector.shape_cast %add3A_274 : vector<16xf32> to vector<1x16xf32>
      tpu.vector_store %arg8[%swap3A_275, %swap3A_276], %swap3A_279 {strides = array<i32>} : memref<32x768xf32, #tpu.memory_space<vmem>>, vector<1x16xf32>,
      %get3A_280 = arith.index_cast %scan3A_60 : i32 to index
      %get3A_281 = arith.constant 208 : index
      %get3A_282 = tpu.vector_load %arg8[%get3A_280, %get3A_281] {strides = array<i32>} : memref<32x768xf32, #tpu.memory_space<vmem>>, vector<1x16xf32>,
      %get3A_283 = vector.shape_cast %get3A_282 : vector<1x16xf32> to vector<16xf32>
      %mul3A_284 = arith.mulf %get3A_283, %get3A_66 : vector<16xf32>
      %get3A_285 = arith.index_cast %scan3A_60 : i32 to index
      %get3A_286 = arith.constant 208 : index
      %get3A_287 = tpu.vector_load %arg9[%get3A_285, %get3A_286] {strides = array<i32>} : memref<32x768xf32, #tpu.memory_space<vmem>>, vector<1x16xf32>,
      %get3A_288 = vector.shape_cast %get3A_287 : vector<1x16xf32> to vector<16xf32>
      %mul3A_289 = arith.mulf %get3A_288, %get3A_72 : vector<16xf32>
      %add3A_290 = arith.addf %mul3A_284, %mul3A_289 : vector<16xf32>
      %swap3A_291 = arith.index_cast %scan3A_60 : i32 to index
      %swap3A_292 = arith.constant 208 : index
      %swap3A_293 = tpu.vector_load %arg8[%swap3A_291, %swap3A_292] {strides = array<i32>} : memref<32x768xf32, #tpu.memory_space<vmem>>, vector<1x16xf32>,
      %swap3A_294 = vector.shape_cast %swap3A_293 : vector<1x16xf32> to vector<16xf32>
      %swap3A_295 = vector.shape_cast %add3A_290 : vector<16xf32> to vector<1x16xf32>
      tpu.vector_store %arg8[%swap3A_291, %swap3A_292], %swap3A_295 {strides = array<i32>} : memref<32x768xf32, #tpu.memory_space<vmem>>, vector<1x16xf32>,
      %get3A_296 = arith.index_cast %scan3A_60 : i32 to index
      %get3A_297 = arith.constant 224 : index
      %get3A_298 = tpu.vector_load %arg8[%get3A_296, %get3A_297] {strides = array<i32>} : memref<32x768xf32, #tpu.memory_space<vmem>>, vector<1x16xf32>,
      %get3A_299 = vector.shape_cast %get3A_298 : vector<1x16xf32> to vector<16xf32>
      %mul3A_300 = arith.mulf %get3A_299, %get3A_66 : vector<16xf32>
      %get3A_301 = arith.index_cast %scan3A_60 : i32 to index
      %get3A_302 = arith.constant 224 : index
      %get3A_303 = tpu.vector_load %arg9[%get3A_301, %get3A_302] {strides = array<i32>} : memref<32x768xf32, #tpu.memory_space<vmem>>, vector<1x16xf32>,
      %get3A_304 = vector.shape_cast %get3A_303 : vector<1x16xf32> to vector<16xf32>
      %mul3A_305 = arith.mulf %get3A_304, %get3A_72 : vector<16xf32>
      %add3A_306 = arith.addf %mul3A_300, %mul3A_305 : vector<16xf32>
      %swap3A_307 = arith.index_cast %scan3A_60 : i32 to index
      %swap3A_308 = arith.constant 224 : index
      %swap3A_309 = tpu.vector_load %arg8[%swap3A_307, %swap3A_308] {strides = array<i32>} : memref<32x768xf32, #tpu.memory_space<vmem>>, vector<1x16xf32>,
      %swap3A_310 = vector.shape_cast %swap3A_309 : vector<1x16xf32> to vector<16xf32>
      %swap3A_311 = vector.shape_cast %add3A_306 : vector<16xf32> to vector<1x16xf32>
      tpu.vector_store %arg8[%swap3A_307, %swap3A_308], %swap3A_311 {strides = array<i32>} : memref<32x768xf32, #tpu.memory_space<vmem>>, vector<1x16xf32>,
      %get3A_312 = arith.index_cast %scan3A_60 : i32 to index
      %get3A_313 = arith.constant 240 : index
      %get3A_314 = tpu.vector_load %arg8[%get3A_312, %get3A_313] {strides = array<i32>} : memref<32x768xf32, #tpu.memory_space<vmem>>, vector<1x16xf32>,
      %get3A_315 = vector.shape_cast %get3A_314 : vector<1x16xf32> to vector<16xf32>
      %mul3A_316 = arith.mulf %get3A_315, %get3A_66 : vector<16xf32>
      %get3A_317 = arith.index_cast %scan3A_60 : i32 to index
      %get3A_318 = arith.constant 240 : index
      %get3A_319 = tpu.vector_load %arg9[%get3A_317, %get3A_318] {strides = array<i32>} : memref<32x768xf32, #tpu.memory_space<vmem>>, vector<1x16xf32>,
      %get3A_320 = vector.shape_cast %get3A_319 : vector<1x16xf32> to vector<16xf32>
      %mul3A_321 = arith.mulf %get3A_320, %get3A_72 : vector<16xf32>
      %add3A_322 = arith.addf %mul3A_316, %mul3A_321 : vector<16xf32>
      %swap3A_323 = arith.index_cast %scan3A_60 : i32 to index
      %swap3A_324 = arith.constant 240 : index
      %swap3A_325 = tpu.vector_load %arg8[%swap3A_323, %swap3A_324] {strides = array<i32>} : memref<32x768xf32, #tpu.memory_space<vmem>>, vector<1x16xf32>,
      %swap3A_326 = vector.shape_cast %swap3A_325 : vector<1x16xf32> to vector<16xf32>
      %swap3A_327 = vector.shape_cast %add3A_322 : vector<16xf32> to vector<1x16xf32>
      tpu.vector_store %arg8[%swap3A_323, %swap3A_324], %swap3A_327 {strides = array<i32>} : memref<32x768xf32, #tpu.memory_space<vmem>>, vector<1x16xf32>,
      %get3A_328 = arith.index_cast %scan3A_60 : i32 to index
      %get3A_329 = arith.constant 256 : index
      %get3A_330 = tpu.vector_load %arg8[%get3A_328, %get3A_329] {strides = array<i32>} : memref<32x768xf32, #tpu.memory_space<vmem>>, vector<1x16xf32>,
      %get3A_331 = vector.shape_cast %get3A_330 : vector<1x16xf32> to vector<16xf32>
      %mul3A_332 = arith.mulf %get3A_331, %get3A_66 : vector<16xf32>
      %get3A_333 = arith.index_cast %scan3A_60 : i32 to index
      %get3A_334 = arith.constant 256 : index
      %get3A_335 = tpu.vector_load %arg9[%get3A_333, %get3A_334] {strides = array<i32>} : memref<32x768xf32, #tpu.memory_space<vmem>>, vector<1x16xf32>,
      %get3A_336 = vector.shape_cast %get3A_335 : vector<1x16xf32> to vector<16xf32>
      %mul3A_337 = arith.mulf %get3A_336, %get3A_72 : vector<16xf32>
      %add3A_338 = arith.addf %mul3A_332, %mul3A_337 : vector<16xf32>
      %swap3A_339 = arith.index_cast %scan3A_60 : i32 to index
      %swap3A_340 = arith.constant 256 : index
      %swap3A_341 = tpu.vector_load %arg8[%swap3A_339, %swap3A_340] {strides = array<i32>} : memref<32x768xf32, #tpu.memory_space<vmem>>, vector<1x16xf32>,
      %swap3A_342 = vector.shape_cast %swap3A_341 : vector<1x16xf32> to vector<16xf32>
      %swap3A_343 = vector.shape_cast %add3A_338 : vector<16xf32> to vector<1x16xf32>
      tpu.vector_store %arg8[%swap3A_339, %swap3A_340], %swap3A_343 {strides = array<i32>} : memref<32x768xf32, #tpu.memory_space<vmem>>, vector<1x16xf32>,
      %get3A_344 = arith.index_cast %scan3A_60 : i32 to index
      %get3A_345 = arith.constant 272 : index
      %get3A_346 = tpu.vector_load %arg8[%get3A_344, %get3A_345] {strides = array<i32>} : memref<32x768xf32, #tpu.memory_space<vmem>>, vector<1x16xf32>,
      %get3A_347 = vector.shape_cast %get3A_346 : vector<1x16xf32> to vector<16xf32>
      %mul3A_348 = arith.mulf %get3A_347, %get3A_66 : vector<16xf32>
      %get3A_349 = arith.index_cast %scan3A_60 : i32 to index
      %get3A_350 = arith.constant 272 : index
      %get3A_351 = tpu.vector_load %arg9[%get3A_349, %get3A_350] {strides = array<i32>} : memref<32x768xf32, #tpu.memory_space<vmem>>, vector<1x16xf32>,
      %get3A_352 = vector.shape_cast %get3A_351 : vector<1x16xf32> to vector<16xf32>
      %mul3A_353 = arith.mulf %get3A_352, %get3A_72 : vector<16xf32>
      %add3A_354 = arith.addf %mul3A_348, %mul3A_353 : vector<16xf32>
      %swap3A_355 = arith.index_cast %scan3A_60 : i32 to index
      %swap3A_356 = arith.constant 272 : index
      %swap3A_357 = tpu.vector_load %arg8[%swap3A_355, %swap3A_356] {strides = array<i32>} : memref<32x768xf32, #tpu.memory_space<vmem>>, vector<1x16xf32>,
      %swap3A_358 = vector.shape_cast %swap3A_357 : vector<1x16xf32> to vector<16xf32>
      %swap3A_359 = vector.shape_cast %add3A_354 : vector<16xf32> to vector<1x16xf32>
      tpu.vector_store %arg8[%swap3A_355, %swap3A_356], %swap3A_359 {strides = array<i32>} : memref<32x768xf32, #tpu.memory_space<vmem>>, vector<1x16xf32>,
      %get3A_360 = arith.index_cast %scan3A_60 : i32 to index
      %get3A_361 = arith.constant 288 : index
      %get3A_362 = tpu.vector_load %arg8[%get3A_360, %get3A_361] {strides = array<i32>} : memref<32x768xf32, #tpu.memory_space<vmem>>, vector<1x16xf32>,
      %get3A_363 = vector.shape_cast %get3A_362 : vector<1x16xf32> to vector<16xf32>
      %mul3A_364 = arith.mulf %get3A_363, %get3A_66 : vector<16xf32>
      %get3A_365 = arith.index_cast %scan3A_60 : i32 to index
      %get3A_366 = arith.constant 288 : index
      %get3A_367 = tpu.vector_load %arg9[%get3A_365, %get3A_366] {strides = array<i32>} : memref<32x768xf32, #tpu.memory_space<vmem>>, vector<1x16xf32>,
      %get3A_368 = vector.shape_cast %get3A_367 : vector<1x16xf32> to vector<16xf32>
      %mul3A_369 = arith.mulf %get3A_368, %get3A_72 : vector<16xf32>
      %add3A_370 = arith.addf %mul3A_364, %mul3A_369 : vector<16xf32>
      %swap3A_371 = arith.index_cast %scan3A_60 : i32 to index
      %swap3A_372 = arith.constant 288 : index
      %swap3A_373 = tpu.vector_load %arg8[%swap3A_371, %swap3A_372] {strides = array<i32>} : memref<32x768xf32, #tpu.memory_space<vmem>>, vector<1x16xf32>,
      %swap3A_374 = vector.shape_cast %swap3A_373 : vector<1x16xf32> to vector<16xf32>
      %swap3A_375 = vector.shape_cast %add3A_370 : vector<16xf32> to vector<1x16xf32>
      tpu.vector_store %arg8[%swap3A_371, %swap3A_372], %swap3A_375 {strides = array<i32>} : memref<32x768xf32, #tpu.memory_space<vmem>>, vector<1x16xf32>,
      %get3A_376 = arith.index_cast %scan3A_60 : i32 to index
      %get3A_377 = arith.constant 304 : index
      %get3A_378 = tpu.vector_load %arg8[%get3A_376, %get3A_377] {strides = array<i32>} : memref<32x768xf32, #tpu.memory_space<vmem>>, vector<1x16xf32>,
      %get3A_379 = vector.shape_cast %get3A_378 : vector<1x16xf32> to vector<16xf32>
      %mul3A_380 = arith.mulf %get3A_379, %get3A_66 : vector<16xf32>
      %get3A_381 = arith.index_cast %scan3A_60 : i32 to index
      %get3A_382 = arith.constant 304 : index
      %get3A_383 = tpu.vector_load %arg9[%get3A_381, %get3A_382] {strides = array<i32>} : memref<32x768xf32, #tpu.memory_space<vmem>>, vector<1x16xf32>,
      %get3A_384 = vector.shape_cast %get3A_383 : vector<1x16xf32> to vector<16xf32>
      %mul3A_385 = arith.mulf %get3A_384, %get3A_72 : vector<16xf32>
      %add3A_386 = arith.addf %mul3A_380, %mul3A_385 : vector<16xf32>
      %swap3A_387 = arith.index_cast %scan3A_60 : i32 to index
      %swap3A_388 = arith.constant 304 : index
      %swap3A_389 = tpu.vector_load %arg8[%swap3A_387, %swap3A_388] {strides = array<i32>} : memref<32x768xf32, #tpu.memory_space<vmem>>, vector<1x16xf32>,
      %swap3A_390 = vector.shape_cast %swap3A_389 : vector<1x16xf32> to vector<16xf32>
      %swap3A_391 = vector.shape_cast %add3A_386 : vector<16xf32> to vector<1x16xf32>
      tpu.vector_store %arg8[%swap3A_387, %swap3A_388], %swap3A_391 {strides = array<i32>} : memref<32x768xf32, #tpu.memory_space<vmem>>, vector<1x16xf32>,
      %get3A_392 = arith.index_cast %scan3A_60 : i32 to index
      %get3A_393 = arith.constant 320 : index
      %get3A_394 = tpu.vector_load %arg8[%get3A_392, %get3A_393] {strides = array<i32>} : memref<32x768xf32, #tpu.memory_space<vmem>>, vector<1x16xf32>,
      %get3A_395 = vector.shape_cast %get3A_394 : vector<1x16xf32> to vector<16xf32>
      %mul3A_396 = arith.mulf %get3A_395, %get3A_66 : vector<16xf32>
      %get3A_397 = arith.index_cast %scan3A_60 : i32 to index
      %get3A_398 = arith.constant 320 : index
      %get3A_399 = tpu.vector_load %arg9[%get3A_397, %get3A_398] {strides = array<i32>} : memref<32x768xf32, #tpu.memory_space<vmem>>, vector<1x16xf32>,
      %get3A_400 = vector.shape_cast %get3A_399 : vector<1x16xf32> to vector<16xf32>
      %mul3A_401 = arith.mulf %get3A_400, %get3A_72 : vector<16xf32>
      %add3A_402 = arith.addf %mul3A_396, %mul3A_401 : vector<16xf32>
      %swap3A_403 = arith.index_cast %scan3A_60 : i32 to index
      %swap3A_404 = arith.constant 320 : index
      %swap3A_405 = tpu.vector_load %arg8[%swap3A_403, %swap3A_404] {strides = array<i32>} : memref<32x768xf32, #tpu.memory_space<vmem>>, vector<1x16xf32>,
      %swap3A_406 = vector.shape_cast %swap3A_405 : vector<1x16xf32> to vector<16xf32>
      %swap3A_407 = vector.shape_cast %add3A_402 : vector<16xf32> to vector<1x16xf32>
      tpu.vector_store %arg8[%swap3A_403, %swap3A_404], %swap3A_407 {strides = array<i32>} : memref<32x768xf32, #tpu.memory_space<vmem>>, vector<1x16xf32>,
      %get3A_408 = arith.index_cast %scan3A_60 : i32 to index
      %get3A_409 = arith.constant 336 : index
      %get3A_410 = tpu.vector_load %arg8[%get3A_408, %get3A_409] {strides = array<i32>} : memref<32x768xf32, #tpu.memory_space<vmem>>, vector<1x16xf32>,
      %get3A_411 = vector.shape_cast %get3A_410 : vector<1x16xf32> to vector<16xf32>
      %mul3A_412 = arith.mulf %get3A_411, %get3A_66 : vector<16xf32>
      %get3A_413 = arith.index_cast %scan3A_60 : i32 to index
      %get3A_414 = arith.constant 336 : index
      %get3A_415 = tpu.vector_load %arg9[%get3A_413, %get3A_414] {strides = array<i32>} : memref<32x768xf32, #tpu.memory_space<vmem>>, vector<1x16xf32>,
      %get3A_416 = vector.shape_cast %get3A_415 : vector<1x16xf32> to vector<16xf32>
      %mul3A_417 = arith.mulf %get3A_416, %get3A_72 : vector<16xf32>
      %add3A_418 = arith.addf %mul3A_412, %mul3A_417 : vector<16xf32>
      %swap3A_419 = arith.index_cast %scan3A_60 : i32 to index
      %swap3A_420 = arith.constant 336 : index
      %swap3A_421 = tpu.vector_load %arg8[%swap3A_419, %swap3A_420] {strides = array<i32>} : memref<32x768xf32, #tpu.memory_space<vmem>>, vector<1x16xf32>,
      %swap3A_422 = vector.shape_cast %swap3A_421 : vector<1x16xf32> to vector<16xf32>
      %swap3A_423 = vector.shape_cast %add3A_418 : vector<16xf32> to vector<1x16xf32>
      tpu.vector_store %arg8[%swap3A_419, %swap3A_420], %swap3A_423 {strides = array<i32>} : memref<32x768xf32, #tpu.memory_space<vmem>>, vector<1x16xf32>,
      %get3A_424 = arith.index_cast %scan3A_60 : i32 to index
      %get3A_425 = arith.constant 352 : index
      %get3A_426 = tpu.vector_load %arg8[%get3A_424, %get3A_425] {strides = array<i32>} : memref<32x768xf32, #tpu.memory_space<vmem>>, vector<1x16xf32>,
      %get3A_427 = vector.shape_cast %get3A_426 : vector<1x16xf32> to vector<16xf32>
      %mul3A_428 = arith.mulf %get3A_427, %get3A_66 : vector<16xf32>
      %get3A_429 = arith.index_cast %scan3A_60 : i32 to index
      %get3A_430 = arith.constant 352 : index
      %get3A_431 = tpu.vector_load %arg9[%get3A_429, %get3A_430] {strides = array<i32>} : memref<32x768xf32, #tpu.memory_space<vmem>>, vector<1x16xf32>,
      %get3A_432 = vector.shape_cast %get3A_431 : vector<1x16xf32> to vector<16xf32>
      %mul3A_433 = arith.mulf %get3A_432, %get3A_72 : vector<16xf32>
      %add3A_434 = arith.addf %mul3A_428, %mul3A_433 : vector<16xf32>
      %swap3A_435 = arith.index_cast %scan3A_60 : i32 to index
      %swap3A_436 = arith.constant 352 : index
      %swap3A_437 = tpu.vector_load %arg8[%swap3A_435, %swap3A_436] {strides = array<i32>} : memref<32x768xf32, #tpu.memory_space<vmem>>, vector<1x16xf32>,
      %swap3A_438 = vector.shape_cast %swap3A_437 : vector<1x16xf32> to vector<16xf32>
      %swap3A_439 = vector.shape_cast %add3A_434 : vector<16xf32> to vector<1x16xf32>
      tpu.vector_store %arg8[%swap3A_435, %swap3A_436], %swap3A_439 {strides = array<i32>} : memref<32x768xf32, #tpu.memory_space<vmem>>, vector<1x16xf32>,
      %get3A_440 = arith.index_cast %scan3A_60 : i32 to index
      %get3A_441 = arith.constant 368 : index
      %get3A_442 = tpu.vector_load %arg8[%get3A_440, %get3A_441] {strides = array<i32>} : memref<32x768xf32, #tpu.memory_space<vmem>>, vector<1x16xf32>,
      %get3A_443 = vector.shape_cast %get3A_442 : vector<1x16xf32> to vector<16xf32>
      %mul3A_444 = arith.mulf %get3A_443, %get3A_66 : vector<16xf32>
      %get3A_445 = arith.index_cast %scan3A_60 : i32 to index
      %get3A_446 = arith.constant 368 : index
      %get3A_447 = tpu.vector_load %arg9[%get3A_445, %get3A_446] {strides = array<i32>} : memref<32x768xf32, #tpu.memory_space<vmem>>, vector<1x16xf32>,
      %get3A_448 = vector.shape_cast %get3A_447 : vector<1x16xf32> to vector<16xf32>
      %mul3A_449 = arith.mulf %get3A_448, %get3A_72 : vector<16xf32>
      %add3A_450 = arith.addf %mul3A_444, %mul3A_449 : vector<16xf32>
      %swap3A_451 = arith.index_cast %scan3A_60 : i32 to index
      %swap3A_452 = arith.constant 368 : index
      %swap3A_453 = tpu.vector_load %arg8[%swap3A_451, %swap3A_452] {strides = array<i32>} : memref<32x768xf32, #tpu.memory_space<vmem>>, vector<1x16xf32>,
      %swap3A_454 = vector.shape_cast %swap3A_453 : vector<1x16xf32> to vector<16xf32>
      %swap3A_455 = vector.shape_cast %add3A_450 : vector<16xf32> to vector<1x16xf32>
      tpu.vector_store %arg8[%swap3A_451, %swap3A_452], %swap3A_455 {strides = array<i32>} : memref<32x768xf32, #tpu.memory_space<vmem>>, vector<1x16xf32>,
      %get3A_456 = arith.index_cast %scan3A_60 : i32 to index
      %get3A_457 = arith.constant 384 : index
      %get3A_458 = tpu.vector_load %arg8[%get3A_456, %get3A_457] {strides = array<i32>} : memref<32x768xf32, #tpu.memory_space<vmem>>, vector<1x16xf32>,
      %get3A_459 = vector.shape_cast %get3A_458 : vector<1x16xf32> to vector<16xf32>
      %mul3A_460 = arith.mulf %get3A_459, %get3A_66 : vector<16xf32>
      %get3A_461 = arith.index_cast %scan3A_60 : i32 to index
      %get3A_462 = arith.constant 384 : index
      %get3A_463 = tpu.vector_load %arg9[%get3A_461, %get3A_462] {strides = array<i32>} : memref<32x768xf32, #tpu.memory_space<vmem>>, vector<1x16xf32>,
      %get3A_464 = vector.shape_cast %get3A_463 : vector<1x16xf32> to vector<16xf32>
      %mul3A_465 = arith.mulf %get3A_464, %get3A_72 : vector<16xf32>
      %add3A_466 = arith.addf %mul3A_460, %mul3A_465 : vector<16xf32>
      %swap3A_467 = arith.index_cast %scan3A_60 : i32 to index
      %swap3A_468 = arith.constant 384 : index
      %swap3A_469 = tpu.vector_load %arg8[%swap3A_467, %swap3A_468] {strides = array<i32>} : memref<32x768xf32, #tpu.memory_space<vmem>>, vector<1x16xf32>,
      %swap3A_470 = vector.shape_cast %swap3A_469 : vector<1x16xf32> to vector<16xf32>
      %swap3A_471 = vector.shape_cast %add3A_466 : vector<16xf32> to vector<1x16xf32>
      tpu.vector_store %arg8[%swap3A_467, %swap3A_468], %swap3A_471 {strides = array<i32>} : memref<32x768xf32, #tpu.memory_space<vmem>>, vector<1x16xf32>,
      %get3A_472 = arith.index_cast %scan3A_60 : i32 to index
      %get3A_473 = arith.constant 400 : index
      %get3A_474 = tpu.vector_load %arg8[%get3A_472, %get3A_473] {strides = array<i32>} : memref<32x768xf32, #tpu.memory_space<vmem>>, vector<1x16xf32>,
      %get3A_475 = vector.shape_cast %get3A_474 : vector<1x16xf32> to vector<16xf32>
      %mul3A_476 = arith.mulf %get3A_475, %get3A_66 : vector<16xf32>
      %get3A_477 = arith.index_cast %scan3A_60 : i32 to index
      %get3A_478 = arith.constant 400 : index
      %get3A_479 = tpu.vector_load %arg9[%get3A_477, %get3A_478] {strides = array<i32>} : memref<32x768xf32, #tpu.memory_space<vmem>>, vector<1x16xf32>,
      %get3A_480 = vector.shape_cast %get3A_479 : vector<1x16xf32> to vector<16xf32>
      %mul3A_481 = arith.mulf %get3A_480, %get3A_72 : vector<16xf32>
      %add3A_482 = arith.addf %mul3A_476, %mul3A_481 : vector<16xf32>
      %swap3A_483 = arith.index_cast %scan3A_60 : i32 to index
      %swap3A_484 = arith.constant 400 : index
      %swap3A_485 = tpu.vector_load %arg8[%swap3A_483, %swap3A_484] {strides = array<i32>} : memref<32x768xf32, #tpu.memory_space<vmem>>, vector<1x16xf32>,
      %swap3A_486 = vector.shape_cast %swap3A_485 : vector<1x16xf32> to vector<16xf32>
      %swap3A_487 = vector.shape_cast %add3A_482 : vector<16xf32> to vector<1x16xf32>
      tpu.vector_store %arg8[%swap3A_483, %swap3A_484], %swap3A_487 {strides = array<i32>} : memref<32x768xf32, #tpu.memory_space<vmem>>, vector<1x16xf32>,
      %get3A_488 = arith.index_cast %scan3A_60 : i32 to index
      %get3A_489 = arith.constant 416 : index
      %get3A_490 = tpu.vector_load %arg8[%get3A_488, %get3A_489] {strides = array<i32>} : memref<32x768xf32, #tpu.memory_space<vmem>>, vector<1x16xf32>,
      %get3A_491 = vector.shape_cast %get3A_490 : vector<1x16xf32> to vector<16xf32>
      %mul3A_492 = arith.mulf %get3A_491, %get3A_66 : vector<16xf32>
      %get3A_493 = arith.index_cast %scan3A_60 : i32 to index
      %get3A_494 = arith.constant 416 : index
      %get3A_495 = tpu.vector_load %arg9[%get3A_493, %get3A_494] {strides = array<i32>} : memref<32x768xf32, #tpu.memory_space<vmem>>, vector<1x16xf32>,
      %get3A_496 = vector.shape_cast %get3A_495 : vector<1x16xf32> to vector<16xf32>
      %mul3A_497 = arith.mulf %get3A_496, %get3A_72 : vector<16xf32>
      %add3A_498 = arith.addf %mul3A_492, %mul3A_497 : vector<16xf32>
      %swap3A_499 = arith.index_cast %scan3A_60 : i32 to index
      %swap3A_500 = arith.constant 416 : index
      %swap3A_501 = tpu.vector_load %arg8[%swap3A_499, %swap3A_500] {strides = array<i32>} : memref<32x768xf32, #tpu.memory_space<vmem>>, vector<1x16xf32>,
      %swap3A_502 = vector.shape_cast %swap3A_501 : vector<1x16xf32> to vector<16xf32>
      %swap3A_503 = vector.shape_cast %add3A_498 : vector<16xf32> to vector<1x16xf32>
      tpu.vector_store %arg8[%swap3A_499, %swap3A_500], %swap3A_503 {strides = array<i32>} : memref<32x768xf32, #tpu.memory_space<vmem>>, vector<1x16xf32>,
      %get3A_504 = arith.index_cast %scan3A_60 : i32 to index
      %get3A_505 = arith.constant 432 : index
      %get3A_506 = tpu.vector_load %arg8[%get3A_504, %get3A_505] {strides = array<i32>} : memref<32x768xf32, #tpu.memory_space<vmem>>, vector<1x16xf32>,
      %get3A_507 = vector.shape_cast %get3A_506 : vector<1x16xf32> to vector<16xf32>
      %mul3A_508 = arith.mulf %get3A_507, %get3A_66 : vector<16xf32>
      %get3A_509 = arith.index_cast %scan3A_60 : i32 to index
      %get3A_510 = arith.constant 432 : index
      %get3A_511 = tpu.vector_load %arg9[%get3A_509, %get3A_510] {strides = array<i32>} : memref<32x768xf32, #tpu.memory_space<vmem>>, vector<1x16xf32>,
      %get3A_512 = vector.shape_cast %get3A_511 : vector<1x16xf32> to vector<16xf32>
      %mul3A_513 = arith.mulf %get3A_512, %get3A_72 : vector<16xf32>
      %add3A_514 = arith.addf %mul3A_508, %mul3A_513 : vector<16xf32>
      %swap3A_515 = arith.index_cast %scan3A_60 : i32 to index
      %swap3A_516 = arith.constant 432 : index
      %swap3A_517 = tpu.vector_load %arg8[%swap3A_515, %swap3A_516] {strides = array<i32>} : memref<32x768xf32, #tpu.memory_space<vmem>>, vector<1x16xf32>,
      %swap3A_518 = vector.shape_cast %swap3A_517 : vector<1x16xf32> to vector<16xf32>
      %swap3A_519 = vector.shape_cast %add3A_514 : vector<16xf32> to vector<1x16xf32>
      tpu.vector_store %arg8[%swap3A_515, %swap3A_516], %swap3A_519 {strides = array<i32>} : memref<32x768xf32, #tpu.memory_space<vmem>>, vector<1x16xf32>,
      %get3A_520 = arith.index_cast %scan3A_60 : i32 to index
      %get3A_521 = arith.constant 448 : index
      %get3A_522 = tpu.vector_load %arg8[%get3A_520, %get3A_521] {strides = array<i32>} : memref<32x768xf32, #tpu.memory_space<vmem>>, vector<1x16xf32>,
      %get3A_523 = vector.shape_cast %get3A_522 : vector<1x16xf32> to vector<16xf32>
      %mul3A_524 = arith.mulf %get3A_523, %get3A_66 : vector<16xf32>
      %get3A_525 = arith.index_cast %scan3A_60 : i32 to index
      %get3A_526 = arith.constant 448 : index
      %get3A_527 = tpu.vector_load %arg9[%get3A_525, %get3A_526] {strides = array<i32>} : memref<32x768xf32, #tpu.memory_space<vmem>>, vector<1x16xf32>,
      %get3A_528 = vector.shape_cast %get3A_527 : vector<1x16xf32> to vector<16xf32>
      %mul3A_529 = arith.mulf %get3A_528, %get3A_72 : vector<16xf32>
      %add3A_530 = arith.addf %mul3A_524, %mul3A_529 : vector<16xf32>
      %swap3A_531 = arith.index_cast %scan3A_60 : i32 to index
      %swap3A_532 = arith.constant 448 : index
      %swap3A_533 = tpu.vector_load %arg8[%swap3A_531, %swap3A_532] {strides = array<i32>} : memref<32x768xf32, #tpu.memory_space<vmem>>, vector<1x16xf32>,
      %swap3A_534 = vector.shape_cast %swap3A_533 : vector<1x16xf32> to vector<16xf32>
      %swap3A_535 = vector.shape_cast %add3A_530 : vector<16xf32> to vector<1x16xf32>
      tpu.vector_store %arg8[%swap3A_531, %swap3A_532], %swap3A_535 {strides = array<i32>} : memref<32x768xf32, #tpu.memory_space<vmem>>, vector<1x16xf32>,
      %get3A_536 = arith.index_cast %scan3A_60 : i32 to index
      %get3A_537 = arith.constant 464 : index
      %get3A_538 = tpu.vector_load %arg8[%get3A_536, %get3A_537] {strides = array<i32>} : memref<32x768xf32, #tpu.memory_space<vmem>>, vector<1x16xf32>,
      %get3A_539 = vector.shape_cast %get3A_538 : vector<1x16xf32> to vector<16xf32>
      %mul3A_540 = arith.mulf %get3A_539, %get3A_66 : vector<16xf32>
      %get3A_541 = arith.index_cast %scan3A_60 : i32 to index
      %get3A_542 = arith.constant 464 : index
      %get3A_543 = tpu.vector_load %arg9[%get3A_541, %get3A_542] {strides = array<i32>} : memref<32x768xf32, #tpu.memory_space<vmem>>, vector<1x16xf32>,
      %get3A_544 = vector.shape_cast %get3A_543 : vector<1x16xf32> to vector<16xf32>
      %mul3A_545 = arith.mulf %get3A_544, %get3A_72 : vector<16xf32>
      %add3A_546 = arith.addf %mul3A_540, %mul3A_545 : vector<16xf32>
      %swap3A_547 = arith.index_cast %scan3A_60 : i32 to index
      %swap3A_548 = arith.constant 464 : index
      %swap3A_549 = tpu.vector_load %arg8[%swap3A_547, %swap3A_548] {strides = array<i32>} : memref<32x768xf32, #tpu.memory_space<vmem>>, vector<1x16xf32>,
      %swap3A_550 = vector.shape_cast %swap3A_549 : vector<1x16xf32> to vector<16xf32>
      %swap3A_551 = vector.shape_cast %add3A_546 : vector<16xf32> to vector<1x16xf32>
      tpu.vector_store %arg8[%swap3A_547, %swap3A_548], %swap3A_551 {strides = array<i32>} : memref<32x768xf32, #tpu.memory_space<vmem>>, vector<1x16xf32>,
      %get3A_552 = arith.index_cast %scan3A_60 : i32 to index
      %get3A_553 = arith.constant 480 : index
      %get3A_554 = tpu.vector_load %arg8[%get3A_552, %get3A_553] {strides = array<i32>} : memref<32x768xf32, #tpu.memory_space<vmem>>, vector<1x16xf32>,
      %get3A_555 = vector.shape_cast %get3A_554 : vector<1x16xf32> to vector<16xf32>
      %mul3A_556 = arith.mulf %get3A_555, %get3A_66 : vector<16xf32>
      %get3A_557 = arith.index_cast %scan3A_60 : i32 to index
      %get3A_558 = arith.constant 480 : index
      %get3A_559 = tpu.vector_load %arg9[%get3A_557, %get3A_558] {strides = array<i32>} : memref<32x768xf32, #tpu.memory_space<vmem>>, vector<1x16xf32>,
      %get3A_560 = vector.shape_cast %get3A_559 : vector<1x16xf32> to vector<16xf32>
      %mul3A_561 = arith.mulf %get3A_560, %get3A_72 : vector<16xf32>
      %add3A_562 = arith.addf %mul3A_556, %mul3A_561 : vector<16xf32>
      %swap3A_563 = arith.index_cast %scan3A_60 : i32 to index
      %swap3A_564 = arith.constant 480 : index
      %swap3A_565 = tpu.vector_load %arg8[%swap3A_563, %swap3A_564] {strides = array<i32>} : memref<32x768xf32, #tpu.memory_space<vmem>>, vector<1x16xf32>,
      %swap3A_566 = vector.shape_cast %swap3A_565 : vector<1x16xf32> to vector<16xf32>
      %swap3A_567 = vector.shape_cast %add3A_562 : vector<16xf32> to vector<1x16xf32>
      tpu.vector_store %arg8[%swap3A_563, %swap3A_564], %swap3A_567 {strides = array<i32>} : memref<32x768xf32, #tpu.memory_space<vmem>>, vector<1x16xf32>,
      %get3A_568 = arith.index_cast %scan3A_60 : i32 to index
      %get3A_569 = arith.constant 496 : index
      %get3A_570 = tpu.vector_load %arg8[%get3A_568, %get3A_569] {strides = array<i32>} : memref<32x768xf32, #tpu.memory_space<vmem>>, vector<1x16xf32>,
      %get3A_571 = vector.shape_cast %get3A_570 : vector<1x16xf32> to vector<16xf32>
      %mul3A_572 = arith.mulf %get3A_571, %get3A_66 : vector<16xf32>
      %get3A_573 = arith.index_cast %scan3A_60 : i32 to index
      %get3A_574 = arith.constant 496 : index
      %get3A_575 = tpu.vector_load %arg9[%get3A_573, %get3A_574] {strides = array<i32>} : memref<32x768xf32, #tpu.memory_space<vmem>>, vector<1x16xf32>,
      %get3A_576 = vector.shape_cast %get3A_575 : vector<1x16xf32> to vector<16xf32>
      %mul3A_577 = arith.mulf %get3A_576, %get3A_72 : vector<16xf32>
      %add3A_578 = arith.addf %mul3A_572, %mul3A_577 : vector<16xf32>
      %swap3A_579 = arith.index_cast %scan3A_60 : i32 to index
      %swap3A_580 = arith.constant 496 : index
      %swap3A_581 = tpu.vector_load %arg8[%swap3A_579, %swap3A_580] {strides = array<i32>} : memref<32x768xf32, #tpu.memory_space<vmem>>, vector<1x16xf32>,
      %swap3A_582 = vector.shape_cast %swap3A_581 : vector<1x16xf32> to vector<16xf32>
      %swap3A_583 = vector.shape_cast %add3A_578 : vector<16xf32> to vector<1x16xf32>
      tpu.vector_store %arg8[%swap3A_579, %swap3A_580], %swap3A_583 {strides = array<i32>} : memref<32x768xf32, #tpu.memory_space<vmem>>, vector<1x16xf32>,
      %get3A_584 = arith.index_cast %scan3A_60 : i32 to index
      %get3A_585 = arith.constant 512 : index
      %get3A_586 = tpu.vector_load %arg8[%get3A_584, %get3A_585] {strides = array<i32>} : memref<32x768xf32, #tpu.memory_space<vmem>>, vector<1x16xf32>,
      %get3A_587 = vector.shape_cast %get3A_586 : vector<1x16xf32> to vector<16xf32>
      %mul3A_588 = arith.mulf %get3A_587, %get3A_66 : vector<16xf32>
      %get3A_589 = arith.index_cast %scan3A_60 : i32 to index
      %get3A_590 = arith.constant 512 : index
      %get3A_591 = tpu.vector_load %arg9[%get3A_589, %get3A_590] {strides = array<i32>} : memref<32x768xf32, #tpu.memory_space<vmem>>, vector<1x16xf32>,
      %get3A_592 = vector.shape_cast %get3A_591 : vector<1x16xf32> to vector<16xf32>
      %mul3A_593 = arith.mulf %get3A_592, %get3A_72 : vector<16xf32>
      %add3A_594 = arith.addf %mul3A_588, %mul3A_593 : vector<16xf32>
      %swap3A_595 = arith.index_cast %scan3A_60 : i32 to index
      %swap3A_596 = arith.constant 512 : index
      %swap3A_597 = tpu.vector_load %arg8[%swap3A_595, %swap3A_596] {strides = array<i32>} : memref<32x768xf32, #tpu.memory_space<vmem>>, vector<1x16xf32>,
      %swap3A_598 = vector.shape_cast %swap3A_597 : vector<1x16xf32> to vector<16xf32>
      %swap3A_599 = vector.shape_cast %add3A_594 : vector<16xf32> to vector<1x16xf32>
      tpu.vector_store %arg8[%swap3A_595, %swap3A_596], %swap3A_599 {strides = array<i32>} : memref<32x768xf32, #tpu.memory_space<vmem>>, vector<1x16xf32>,
      %get3A_600 = arith.index_cast %scan3A_60 : i32 to index
      %get3A_601 = arith.constant 528 : index
      %get3A_602 = tpu.vector_load %arg8[%get3A_600, %get3A_601] {strides = array<i32>} : memref<32x768xf32, #tpu.memory_space<vmem>>, vector<1x16xf32>,
      %get3A_603 = vector.shape_cast %get3A_602 : vector<1x16xf32> to vector<16xf32>
      %mul3A_604 = arith.mulf %get3A_603, %get3A_66 : vector<16xf32>
      %get3A_605 = arith.index_cast %scan3A_60 : i32 to index
      %get3A_606 = arith.constant 528 : index
      %get3A_607 = tpu.vector_load %arg9[%get3A_605, %get3A_606] {strides = array<i32>} : memref<32x768xf32, #tpu.memory_space<vmem>>, vector<1x16xf32>,
      %get3A_608 = vector.shape_cast %get3A_607 : vector<1x16xf32> to vector<16xf32>
      %mul3A_609 = arith.mulf %get3A_608, %get3A_72 : vector<16xf32>
      %add3A_610 = arith.addf %mul3A_604, %mul3A_609 : vector<16xf32>
      %swap3A_611 = arith.index_cast %scan3A_60 : i32 to index
      %swap3A_612 = arith.constant 528 : index
      %swap3A_613 = tpu.vector_load %arg8[%swap3A_611, %swap3A_612] {strides = array<i32>} : memref<32x768xf32, #tpu.memory_space<vmem>>, vector<1x16xf32>,
      %swap3A_614 = vector.shape_cast %swap3A_613 : vector<1x16xf32> to vector<16xf32>
      %swap3A_615 = vector.shape_cast %add3A_610 : vector<16xf32> to vector<1x16xf32>
      tpu.vector_store %arg8[%swap3A_611, %swap3A_612], %swap3A_615 {strides = array<i32>} : memref<32x768xf32, #tpu.memory_space<vmem>>, vector<1x16xf32>,
      %get3A_616 = arith.index_cast %scan3A_60 : i32 to index
      %get3A_617 = arith.constant 544 : index
      %get3A_618 = tpu.vector_load %arg8[%get3A_616, %get3A_617] {strides = array<i32>} : memref<32x768xf32, #tpu.memory_space<vmem>>, vector<1x16xf32>,
      %get3A_619 = vector.shape_cast %get3A_618 : vector<1x16xf32> to vector<16xf32>
      %mul3A_620 = arith.mulf %get3A_619, %get3A_66 : vector<16xf32>
      %get3A_621 = arith.index_cast %scan3A_60 : i32 to index
      %get3A_622 = arith.constant 544 : index
      %get3A_623 = tpu.vector_load %arg9[%get3A_621, %get3A_622] {strides = array<i32>} : memref<32x768xf32, #tpu.memory_space<vmem>>, vector<1x16xf32>,
      %get3A_624 = vector.shape_cast %get3A_623 : vector<1x16xf32> to vector<16xf32>
      %mul3A_625 = arith.mulf %get3A_624, %get3A_72 : vector<16xf32>
      %add3A_626 = arith.addf %mul3A_620, %mul3A_625 : vector<16xf32>
      %swap3A_627 = arith.index_cast %scan3A_60 : i32 to index
      %swap3A_628 = arith.constant 544 : index
      %swap3A_629 = tpu.vector_load %arg8[%swap3A_627, %swap3A_628] {strides = array<i32>} : memref<32x768xf32, #tpu.memory_space<vmem>>, vector<1x16xf32>,
      %swap3A_630 = vector.shape_cast %swap3A_629 : vector<1x16xf32> to vector<16xf32>
      %swap3A_631 = vector.shape_cast %add3A_626 : vector<16xf32> to vector<1x16xf32>
      tpu.vector_store %arg8[%swap3A_627, %swap3A_628], %swap3A_631 {strides = array<i32>} : memref<32x768xf32, #tpu.memory_space<vmem>>, vector<1x16xf32>,
      %get3A_632 = arith.index_cast %scan3A_60 : i32 to index
      %get3A_633 = arith.constant 560 : index
      %get3A_634 = tpu.vector_load %arg8[%get3A_632, %get3A_633] {strides = array<i32>} : memref<32x768xf32, #tpu.memory_space<vmem>>, vector<1x16xf32>,
      %get3A_635 = vector.shape_cast %get3A_634 : vector<1x16xf32> to vector<16xf32>
      %mul3A_636 = arith.mulf %get3A_635, %get3A_66 : vector<16xf32>
      %get3A_637 = arith.index_cast %scan3A_60 : i32 to index
      %get3A_638 = arith.constant 560 : index
      %get3A_639 = tpu.vector_load %arg9[%get3A_637, %get3A_638] {strides = array<i32>} : memref<32x768xf32, #tpu.memory_space<vmem>>, vector<1x16xf32>,
      %get3A_640 = vector.shape_cast %get3A_639 : vector<1x16xf32> to vector<16xf32>
      %mul3A_641 = arith.mulf %get3A_640, %get3A_72 : vector<16xf32>
      %add3A_642 = arith.addf %mul3A_636, %mul3A_641 : vector<16xf32>
      %swap3A_643 = arith.index_cast %scan3A_60 : i32 to index
      %swap3A_644 = arith.constant 560 : index
      %swap3A_645 = tpu.vector_load %arg8[%swap3A_643, %swap3A_644] {strides = array<i32>} : memref<32x768xf32, #tpu.memory_space<vmem>>, vector<1x16xf32>,
      %swap3A_646 = vector.shape_cast %swap3A_645 : vector<1x16xf32> to vector<16xf32>
      %swap3A_647 = vector.shape_cast %add3A_642 : vector<16xf32> to vector<1x16xf32>
      tpu.vector_store %arg8[%swap3A_643, %swap3A_644], %swap3A_647 {strides = array<i32>} : memref<32x768xf32, #tpu.memory_space<vmem>>, vector<1x16xf32>,
      %get3A_648 = arith.index_cast %scan3A_60 : i32 to index
      %get3A_649 = arith.constant 576 : index
      %get3A_650 = tpu.vector_load %arg8[%get3A_648, %get3A_649] {strides = array<i32>} : memref<32x768xf32, #tpu.memory_space<vmem>>, vector<1x16xf32>,
      %get3A_651 = vector.shape_cast %get3A_650 : vector<1x16xf32> to vector<16xf32>
      %mul3A_652 = arith.mulf %get3A_651, %get3A_66 : vector<16xf32>
      %get3A_653 = arith.index_cast %scan3A_60 : i32 to index
      %get3A_654 = arith.constant 576 : index
      %get3A_655 = tpu.vector_load %arg9[%get3A_653, %get3A_654] {strides = array<i32>} : memref<32x768xf32, #tpu.memory_space<vmem>>, vector<1x16xf32>,
      %get3A_656 = vector.shape_cast %get3A_655 : vector<1x16xf32> to vector<16xf32>
      %mul3A_657 = arith.mulf %get3A_656, %get3A_72 : vector<16xf32>
      %add3A_658 = arith.addf %mul3A_652, %mul3A_657 : vector<16xf32>
      %swap3A_659 = arith.index_cast %scan3A_60 : i32 to index
      %swap3A_660 = arith.constant 576 : index
      %swap3A_661 = tpu.vector_load %arg8[%swap3A_659, %swap3A_660] {strides = array<i32>} : memref<32x768xf32, #tpu.memory_space<vmem>>, vector<1x16xf32>,
      %swap3A_662 = vector.shape_cast %swap3A_661 : vector<1x16xf32> to vector<16xf32>
      %swap3A_663 = vector.shape_cast %add3A_658 : vector<16xf32> to vector<1x16xf32>
      tpu.vector_store %arg8[%swap3A_659, %swap3A_660], %swap3A_663 {strides = array<i32>} : memref<32x768xf32, #tpu.memory_space<vmem>>, vector<1x16xf32>,
      %get3A_664 = arith.index_cast %scan3A_60 : i32 to index
      %get3A_665 = arith.constant 592 : index
      %get3A_666 = tpu.vector_load %arg8[%get3A_664, %get3A_665] {strides = array<i32>} : memref<32x768xf32, #tpu.memory_space<vmem>>, vector<1x16xf32>,
      %get3A_667 = vector.shape_cast %get3A_666 : vector<1x16xf32> to vector<16xf32>
      %mul3A_668 = arith.mulf %get3A_667, %get3A_66 : vector<16xf32>
      %get3A_669 = arith.index_cast %scan3A_60 : i32 to index
      %get3A_670 = arith.constant 592 : index
      %get3A_671 = tpu.vector_load %arg9[%get3A_669, %get3A_670] {strides = array<i32>} : memref<32x768xf32, #tpu.memory_space<vmem>>, vector<1x16xf32>,
      %get3A_672 = vector.shape_cast %get3A_671 : vector<1x16xf32> to vector<16xf32>
      %mul3A_673 = arith.mulf %get3A_672, %get3A_72 : vector<16xf32>
      %add3A_674 = arith.addf %mul3A_668, %mul3A_673 : vector<16xf32>
      %swap3A_675 = arith.index_cast %scan3A_60 : i32 to index
      %swap3A_676 = arith.constant 592 : index
      %swap3A_677 = tpu.vector_load %arg8[%swap3A_675, %swap3A_676] {strides = array<i32>} : memref<32x768xf32, #tpu.memory_space<vmem>>, vector<1x16xf32>,
      %swap3A_678 = vector.shape_cast %swap3A_677 : vector<1x16xf32> to vector<16xf32>
      %swap3A_679 = vector.shape_cast %add3A_674 : vector<16xf32> to vector<1x16xf32>
      tpu.vector_store %arg8[%swap3A_675, %swap3A_676], %swap3A_679 {strides = array<i32>} : memref<32x768xf32, #tpu.memory_space<vmem>>, vector<1x16xf32>,
      %get3A_680 = arith.index_cast %scan3A_60 : i32 to index
      %get3A_681 = arith.constant 608 : index
      %get3A_682 = tpu.vector_load %arg8[%get3A_680, %get3A_681] {strides = array<i32>} : memref<32x768xf32, #tpu.memory_space<vmem>>, vector<1x16xf32>,
      %get3A_683 = vector.shape_cast %get3A_682 : vector<1x16xf32> to vector<16xf32>
      %mul3A_684 = arith.mulf %get3A_683, %get3A_66 : vector<16xf32>
      %get3A_685 = arith.index_cast %scan3A_60 : i32 to index
      %get3A_686 = arith.constant 608 : index
      %get3A_687 = tpu.vector_load %arg9[%get3A_685, %get3A_686] {strides = array<i32>} : memref<32x768xf32, #tpu.memory_space<vmem>>, vector<1x16xf32>,
      %get3A_688 = vector.shape_cast %get3A_687 : vector<1x16xf32> to vector<16xf32>
      %mul3A_689 = arith.mulf %get3A_688, %get3A_72 : vector<16xf32>
      %add3A_690 = arith.addf %mul3A_684, %mul3A_689 : vector<16xf32>
      %swap3A_691 = arith.index_cast %scan3A_60 : i32 to index
      %swap3A_692 = arith.constant 608 : index
      %swap3A_693 = tpu.vector_load %arg8[%swap3A_691, %swap3A_692] {strides = array<i32>} : memref<32x768xf32, #tpu.memory_space<vmem>>, vector<1x16xf32>,
      %swap3A_694 = vector.shape_cast %swap3A_693 : vector<1x16xf32> to vector<16xf32>
      %swap3A_695 = vector.shape_cast %add3A_690 : vector<16xf32> to vector<1x16xf32>
      tpu.vector_store %arg8[%swap3A_691, %swap3A_692], %swap3A_695 {strides = array<i32>} : memref<32x768xf32, #tpu.memory_space<vmem>>, vector<1x16xf32>,
      %get3A_696 = arith.index_cast %scan3A_60 : i32 to index
      %get3A_697 = arith.constant 624 : index
      %get3A_698 = tpu.vector_load %arg8[%get3A_696, %get3A_697] {strides = array<i32>} : memref<32x768xf32, #tpu.memory_space<vmem>>, vector<1x16xf32>,
      %get3A_699 = vector.shape_cast %get3A_698 : vector<1x16xf32> to vector<16xf32>
      %mul3A_700 = arith.mulf %get3A_699, %get3A_66 : vector<16xf32>
      %get3A_701 = arith.index_cast %scan3A_60 : i32 to index
      %get3A_702 = arith.constant 624 : index
      %get3A_703 = tpu.vector_load %arg9[%get3A_701, %get3A_702] {strides = array<i32>} : memref<32x768xf32, #tpu.memory_space<vmem>>, vector<1x16xf32>,
      %get3A_704 = vector.shape_cast %get3A_703 : vector<1x16xf32> to vector<16xf32>
      %mul3A_705 = arith.mulf %get3A_704, %get3A_72 : vector<16xf32>
      %add3A_706 = arith.addf %mul3A_700, %mul3A_705 : vector<16xf32>
      %swap3A_707 = arith.index_cast %scan3A_60 : i32 to index
      %swap3A_708 = arith.constant 624 : index
      %swap3A_709 = tpu.vector_load %arg8[%swap3A_707, %swap3A_708] {strides = array<i32>} : memref<32x768xf32, #tpu.memory_space<vmem>>, vector<1x16xf32>,
      %swap3A_710 = vector.shape_cast %swap3A_709 : vector<1x16xf32> to vector<16xf32>
      %swap3A_711 = vector.shape_cast %add3A_706 : vector<16xf32> to vector<1x16xf32>
      tpu.vector_store %arg8[%swap3A_707, %swap3A_708], %swap3A_711 {strides = array<i32>} : memref<32x768xf32, #tpu.memory_space<vmem>>, vector<1x16xf32>,
      %get3A_712 = arith.index_cast %scan3A_60 : i32 to index
      %get3A_713 = arith.constant 640 : index
      %get3A_714 = tpu.vector_load %arg8[%get3A_712, %get3A_713] {strides = array<i32>} : memref<32x768xf32, #tpu.memory_space<vmem>>, vector<1x16xf32>,
      %get3A_715 = vector.shape_cast %get3A_714 : vector<1x16xf32> to vector<16xf32>
      %mul3A_716 = arith.mulf %get3A_715, %get3A_66 : vector<16xf32>
      %get3A_717 = arith.index_cast %scan3A_60 : i32 to index
      %get3A_718 = arith.constant 640 : index
      %get3A_719 = tpu.vector_load %arg9[%get3A_717, %get3A_718] {strides = array<i32>} : memref<32x768xf32, #tpu.memory_space<vmem>>, vector<1x16xf32>,
      %get3A_720 = vector.shape_cast %get3A_719 : vector<1x16xf32> to vector<16xf32>
      %mul3A_721 = arith.mulf %get3A_720, %get3A_72 : vector<16xf32>
      %add3A_722 = arith.addf %mul3A_716, %mul3A_721 : vector<16xf32>
      %swap3A_723 = arith.index_cast %scan3A_60 : i32 to index
      %swap3A_724 = arith.constant 640 : index
      %swap3A_725 = tpu.vector_load %arg8[%swap3A_723, %swap3A_724] {strides = array<i32>} : memref<32x768xf32, #tpu.memory_space<vmem>>, vector<1x16xf32>,
      %swap3A_726 = vector.shape_cast %swap3A_725 : vector<1x16xf32> to vector<16xf32>
      %swap3A_727 = vector.shape_cast %add3A_722 : vector<16xf32> to vector<1x16xf32>
      tpu.vector_store %arg8[%swap3A_723, %swap3A_724], %swap3A_727 {strides = array<i32>} : memref<32x768xf32, #tpu.memory_space<vmem>>, vector<1x16xf32>,
      %get3A_728 = arith.index_cast %scan3A_60 : i32 to index
      %get3A_729 = arith.constant 656 : index
      %get3A_730 = tpu.vector_load %arg8[%get3A_728, %get3A_729] {strides = array<i32>} : memref<32x768xf32, #tpu.memory_space<vmem>>, vector<1x16xf32>,
      %get3A_731 = vector.shape_cast %get3A_730 : vector<1x16xf32> to vector<16xf32>
      %mul3A_732 = arith.mulf %get3A_731, %get3A_66 : vector<16xf32>
      %get3A_733 = arith.index_cast %scan3A_60 : i32 to index
      %get3A_734 = arith.constant 656 : index
      %get3A_735 = tpu.vector_load %arg9[%get3A_733, %get3A_734] {strides = array<i32>} : memref<32x768xf32, #tpu.memory_space<vmem>>, vector<1x16xf32>,
      %get3A_736 = vector.shape_cast %get3A_735 : vector<1x16xf32> to vector<16xf32>
      %mul3A_737 = arith.mulf %get3A_736, %get3A_72 : vector<16xf32>
      %add3A_738 = arith.addf %mul3A_732, %mul3A_737 : vector<16xf32>
      %swap3A_739 = arith.index_cast %scan3A_60 : i32 to index
      %swap3A_740 = arith.constant 656 : index
      %swap3A_741 = tpu.vector_load %arg8[%swap3A_739, %swap3A_740] {strides = array<i32>} : memref<32x768xf32, #tpu.memory_space<vmem>>, vector<1x16xf32>,
      %swap3A_742 = vector.shape_cast %swap3A_741 : vector<1x16xf32> to vector<16xf32>
      %swap3A_743 = vector.shape_cast %add3A_738 : vector<16xf32> to vector<1x16xf32>
      tpu.vector_store %arg8[%swap3A_739, %swap3A_740], %swap3A_743 {strides = array<i32>} : memref<32x768xf32, #tpu.memory_space<vmem>>, vector<1x16xf32>,
      %get3A_744 = arith.index_cast %scan3A_60 : i32 to index
      %get3A_745 = arith.constant 672 : index
      %get3A_746 = tpu.vector_load %arg8[%get3A_744, %get3A_745] {strides = array<i32>} : memref<32x768xf32, #tpu.memory_space<vmem>>, vector<1x16xf32>,
      %get3A_747 = vector.shape_cast %get3A_746 : vector<1x16xf32> to vector<16xf32>
      %mul3A_748 = arith.mulf %get3A_747, %get3A_66 : vector<16xf32>
      %get3A_749 = arith.index_cast %scan3A_60 : i32 to index
      %get3A_750 = arith.constant 672 : index
      %get3A_751 = tpu.vector_load %arg9[%get3A_749, %get3A_750] {strides = array<i32>} : memref<32x768xf32, #tpu.memory_space<vmem>>, vector<1x16xf32>,
      %get3A_752 = vector.shape_cast %get3A_751 : vector<1x16xf32> to vector<16xf32>
      %mul3A_753 = arith.mulf %get3A_752, %get3A_72 : vector<16xf32>
      %add3A_754 = arith.addf %mul3A_748, %mul3A_753 : vector<16xf32>
      %swap3A_755 = arith.index_cast %scan3A_60 : i32 to index
      %swap3A_756 = arith.constant 672 : index
      %swap3A_757 = tpu.vector_load %arg8[%swap3A_755, %swap3A_756] {strides = array<i32>} : memref<32x768xf32, #tpu.memory_space<vmem>>, vector<1x16xf32>,
      %swap3A_758 = vector.shape_cast %swap3A_757 : vector<1x16xf32> to vector<16xf32>
      %swap3A_759 = vector.shape_cast %add3A_754 : vector<16xf32> to vector<1x16xf32>
      tpu.vector_store %arg8[%swap3A_755, %swap3A_756], %swap3A_759 {strides = array<i32>} : memref<32x768xf32, #tpu.memory_space<vmem>>, vector<1x16xf32>,
      %get3A_760 = arith.index_cast %scan3A_60 : i32 to index
      %get3A_761 = arith.constant 688 : index
      %get3A_762 = tpu.vector_load %arg8[%get3A_760, %get3A_761] {strides = array<i32>} : memref<32x768xf32, #tpu.memory_space<vmem>>, vector<1x16xf32>,
      %get3A_763 = vector.shape_cast %get3A_762 : vector<1x16xf32> to vector<16xf32>
      %mul3A_764 = arith.mulf %get3A_763, %get3A_66 : vector<16xf32>
      %get3A_765 = arith.index_cast %scan3A_60 : i32 to index
      %get3A_766 = arith.constant 688 : index
      %get3A_767 = tpu.vector_load %arg9[%get3A_765, %get3A_766] {strides = array<i32>} : memref<32x768xf32, #tpu.memory_space<vmem>>, vector<1x16xf32>,
      %get3A_768 = vector.shape_cast %get3A_767 : vector<1x16xf32> to vector<16xf32>
      %mul3A_769 = arith.mulf %get3A_768, %get3A_72 : vector<16xf32>
      %add3A_770 = arith.addf %mul3A_764, %mul3A_769 : vector<16xf32>
      %swap3A_771 = arith.index_cast %scan3A_60 : i32 to index
      %swap3A_772 = arith.constant 688 : index
      %swap3A_773 = tpu.vector_load %arg8[%swap3A_771, %swap3A_772] {strides = array<i32>} : memref<32x768xf32, #tpu.memory_space<vmem>>, vector<1x16xf32>,
      %swap3A_774 = vector.shape_cast %swap3A_773 : vector<1x16xf32> to vector<16xf32>
      %swap3A_775 = vector.shape_cast %add3A_770 : vector<16xf32> to vector<1x16xf32>
      tpu.vector_store %arg8[%swap3A_771, %swap3A_772], %swap3A_775 {strides = array<i32>} : memref<32x768xf32, #tpu.memory_space<vmem>>, vector<1x16xf32>,
      %get3A_776 = arith.index_cast %scan3A_60 : i32 to index
      %get3A_777 = arith.constant 704 : index
      %get3A_778 = tpu.vector_load %arg8[%get3A_776, %get3A_777] {strides = array<i32>} : memref<32x768xf32, #tpu.memory_space<vmem>>, vector<1x16xf32>,
      %get3A_779 = vector.shape_cast %get3A_778 : vector<1x16xf32> to vector<16xf32>
      %mul3A_780 = arith.mulf %get3A_779, %get3A_66 : vector<16xf32>
      %get3A_781 = arith.index_cast %scan3A_60 : i32 to index
      %get3A_782 = arith.constant 704 : index
      %get3A_783 = tpu.vector_load %arg9[%get3A_781, %get3A_782] {strides = array<i32>} : memref<32x768xf32, #tpu.memory_space<vmem>>, vector<1x16xf32>,
      %get3A_784 = vector.shape_cast %get3A_783 : vector<1x16xf32> to vector<16xf32>
      %mul3A_785 = arith.mulf %get3A_784, %get3A_72 : vector<16xf32>
      %add3A_786 = arith.addf %mul3A_780, %mul3A_785 : vector<16xf32>
      %swap3A_787 = arith.index_cast %scan3A_60 : i32 to index
      %swap3A_788 = arith.constant 704 : index
      %swap3A_789 = tpu.vector_load %arg8[%swap3A_787, %swap3A_788] {strides = array<i32>} : memref<32x768xf32, #tpu.memory_space<vmem>>, vector<1x16xf32>,
      %swap3A_790 = vector.shape_cast %swap3A_789 : vector<1x16xf32> to vector<16xf32>
      %swap3A_791 = vector.shape_cast %add3A_786 : vector<16xf32> to vector<1x16xf32>
      tpu.vector_store %arg8[%swap3A_787, %swap3A_788], %swap3A_791 {strides = array<i32>} : memref<32x768xf32, #tpu.memory_space<vmem>>, vector<1x16xf32>,
      %get3A_792 = arith.index_cast %scan3A_60 : i32 to index
      %get3A_793 = arith.constant 720 : index
      %get3A_794 = tpu.vector_load %arg8[%get3A_792, %get3A_793] {strides = array<i32>} : memref<32x768xf32, #tpu.memory_space<vmem>>, vector<1x16xf32>,
      %get3A_795 = vector.shape_cast %get3A_794 : vector<1x16xf32> to vector<16xf32>
      %mul3A_796 = arith.mulf %get3A_795, %get3A_66 : vector<16xf32>
      %get3A_797 = arith.index_cast %scan3A_60 : i32 to index
      %get3A_798 = arith.constant 720 : index
      %get3A_799 = tpu.vector_load %arg9[%get3A_797, %get3A_798] {strides = array<i32>} : memref<32x768xf32, #tpu.memory_space<vmem>>, vector<1x16xf32>,
      %get3A_800 = vector.shape_cast %get3A_799 : vector<1x16xf32> to vector<16xf32>
      %mul3A_801 = arith.mulf %get3A_800, %get3A_72 : vector<16xf32>
      %add3A_802 = arith.addf %mul3A_796, %mul3A_801 : vector<16xf32>
      %swap3A_803 = arith.index_cast %scan3A_60 : i32 to index
      %swap3A_804 = arith.constant 720 : index
      %swap3A_805 = tpu.vector_load %arg8[%swap3A_803, %swap3A_804] {strides = array<i32>} : memref<32x768xf32, #tpu.memory_space<vmem>>, vector<1x16xf32>,
      %swap3A_806 = vector.shape_cast %swap3A_805 : vector<1x16xf32> to vector<16xf32>
      %swap3A_807 = vector.shape_cast %add3A_802 : vector<16xf32> to vector<1x16xf32>
      tpu.vector_store %arg8[%swap3A_803, %swap3A_804], %swap3A_807 {strides = array<i32>} : memref<32x768xf32, #tpu.memory_space<vmem>>, vector<1x16xf32>,
      %get3A_808 = arith.index_cast %scan3A_60 : i32 to index
      %get3A_809 = arith.constant 736 : index
      %get3A_810 = tpu.vector_load %arg8[%get3A_808, %get3A_809] {strides = array<i32>} : memref<32x768xf32, #tpu.memory_space<vmem>>, vector<1x16xf32>,
      %get3A_811 = vector.shape_cast %get3A_810 : vector<1x16xf32> to vector<16xf32>
      %mul3A_812 = arith.mulf %get3A_811, %get3A_66 : vector<16xf32>
      %get3A_813 = arith.index_cast %scan3A_60 : i32 to index
      %get3A_814 = arith.constant 736 : index
      %get3A_815 = tpu.vector_load %arg9[%get3A_813, %get3A_814] {strides = array<i32>} : memref<32x768xf32, #tpu.memory_space<vmem>>, vector<1x16xf32>,
      %get3A_816 = vector.shape_cast %get3A_815 : vector<1x16xf32> to vector<16xf32>
      %mul3A_817 = arith.mulf %get3A_816, %get3A_72 : vector<16xf32>
      %add3A_818 = arith.addf %mul3A_812, %mul3A_817 : vector<16xf32>
      %swap3A_819 = arith.index_cast %scan3A_60 : i32 to index
      %swap3A_820 = arith.constant 736 : index
      %swap3A_821 = tpu.vector_load %arg8[%swap3A_819, %swap3A_820] {strides = array<i32>} : memref<32x768xf32, #tpu.memory_space<vmem>>, vector<1x16xf32>,
      %swap3A_822 = vector.shape_cast %swap3A_821 : vector<1x16xf32> to vector<16xf32>
      %swap3A_823 = vector.shape_cast %add3A_818 : vector<16xf32> to vector<1x16xf32>
      tpu.vector_store %arg8[%swap3A_819, %swap3A_820], %swap3A_823 {strides = array<i32>} : memref<32x768xf32, #tpu.memory_space<vmem>>, vector<1x16xf32>,
      %get3A_824 = arith.index_cast %scan3A_60 : i32 to index
      %get3A_825 = arith.constant 752 : index
      %get3A_826 = tpu.vector_load %arg8[%get3A_824, %get3A_825] {strides = array<i32>} : memref<32x768xf32, #tpu.memory_space<vmem>>, vector<1x16xf32>,
      %get3A_827 = vector.shape_cast %get3A_826 : vector<1x16xf32> to vector<16xf32>
      %mul3A_828 = arith.mulf %get3A_827, %get3A_66 : vector<16xf32>
      %get3A_829 = arith.index_cast %scan3A_60 : i32 to index
      %get3A_830 = arith.constant 752 : index
      %get3A_831 = tpu.vector_load %arg9[%get3A_829, %get3A_830] {strides = array<i32>} : memref<32x768xf32, #tpu.memory_space<vmem>>, vector<1x16xf32>,
      %get3A_832 = vector.shape_cast %get3A_831 : vector<1x16xf32> to vector<16xf32>
      %mul3A_833 = arith.mulf %get3A_832, %get3A_72 : vector<16xf32>
      %add3A_834 = arith.addf %mul3A_828, %mul3A_833 : vector<16xf32>
      %swap3A_835 = arith.index_cast %scan3A_60 : i32 to index
      %swap3A_836 = arith.constant 752 : index
      %swap3A_837 = tpu.vector_load %arg8[%swap3A_835, %swap3A_836] {strides = array<i32>} : memref<32x768xf32, #tpu.memory_space<vmem>>, vector<1x16xf32>,
      %swap3A_838 = vector.shape_cast %swap3A_837 : vector<1x16xf32> to vector<16xf32>
      %swap3A_839 = vector.shape_cast %add3A_834 : vector<16xf32> to vector<1x16xf32>
      tpu.vector_store %arg8[%swap3A_835, %swap3A_836], %swap3A_839 {strides = array<i32>} : memref<32x768xf32, #tpu.memory_space<vmem>>, vector<1x16xf32>,
      %scan3A_840 = arith.constant 0 : i32
      scf.yield %scan3A_840 : i32
    }
    %scan3A_28 = arith.constant 32 : i32
    %dma_start3A_29 = arith.constant 0 : i32
    %dma_start3A_30 = tpu.memref_slice %arg7[%mul3A_2, %dma_start3A_29] : memref<2048x768xf32, #tpu.memory_space<hbm>> -> memref<32x768xf32, #tpu.memory_space<hbm>>
    %dma_start3A_31 = arith.constant 0 : i32
    %dma_start3A_32 = tpu.memref_slice %arg7[%mul3A_2, %dma_start3A_31] : memref<2048x768xf32, #tpu.memory_space<hbm>> -> memref<32x768xf32, #tpu.memory_space<hbm>>
    tpu.enqueue_dma source(%arg8 : memref<32x768xf32, #tpu.memory_space<vmem>>) target(%dma_start3A_32 : memref<32x768xf32, #tpu.memory_space<hbm>>) target_semaphore(%arg20 : memref<!tpu.dma_semaphore, #tpu.memory_space<semaphore_mem>>)
    %dma_wait3A_33 = arith.constant 0 : i32
    %dma_wait3A_34 = arith.constant 0 : i32
    %dma_wait3A_35 = tpu.memref_slice %arg2[%dma_wait3A_33, %dma_wait3A_34] : memref<5120x768xf32, #tpu.memory_space<hbm>> -> memref<5120x768xf32, #tpu.memory_space<hbm>>
    tpu.wait_indirect_dma semaphore(%arg19 : memref<!tpu.dma_semaphore, #tpu.memory_space<semaphore_mem>>) src(%dma_wait3A_35 : memref<5120x768xf32, #tpu.memory_space<hbm>>) dst(%arg10 : memref<32x768xf32, #tpu.memory_space<vmem>>)
    %dma_wait3A_36 = arith.constant 0 : i32
    %dma_wait3A_37 = arith.constant 0 : i32
    %dma_wait3A_38 = tpu.memref_slice %arg2[%dma_wait3A_36, %dma_wait3A_37] : memref<5120x768xf32, #tpu.memory_space<hbm>> -> memref<5120x768xf32, #tpu.memory_space<hbm>>
    tpu.wait_indirect_dma semaphore(%arg19 : memref<!tpu.dma_semaphore, #tpu.memory_space<semaphore_mem>>) src(%dma_wait3A_38 : memref<5120x768xf32, #tpu.memory_space<hbm>>) dst(%arg11 : memref<32x768xf32, #tpu.memory_space<vmem>>)
    %scan3A_39 = arith.constant 0 : i32
    %scan3A_40 = arith.constant 0 : i32
    %scan3A_41 = arith.constant 32 : i32
    %scan3A_42 = arith.addi %scan3A_40, %scan3A_41 : i32
    %scan3A_43 = arith.constant 1 : i32
    %scan3A_44 = scf.for %scan3A_60 = %scan3A_40 to %scan3A_42 step %scan3A_43 iter_args(%scan3A_61 = %scan3A_39) -> (i32)  : i32 {
      %add3A_62 = arith.constant 32 : i32
      %add3A_63 = arith.addi %add3A_62, %scan3A_60 : i32
      %get3A = arith.index_cast %add3A_63 : i32 to index
      %get3A_64 = arith.constant 0 : index
      %get3A_65 = tpu.vector_load %arg16[%get3A, %get3A_64] {strides = array<i32>} : memref<64x16xf32, #tpu.memory_space<vmem>>, vector<1x16xf32>,
      %get3A_66 = vector.shape_cast %get3A_65 : vector<1x16xf32> to vector<16xf32>
      %add3A_67 = arith.constant 32 : i32
      %add3A_68 = arith.addi %add3A_67, %scan3A_60 : i32
      %get3A_69 = arith.index_cast %add3A_68 : i32 to index
      %get3A_70 = arith.constant 0 : index
      %get3A_71 = tpu.vector_load %arg17[%get3A_69, %get3A_70] {strides = array<i32>} : memref<64x16xf32, #tpu.memory_space<vmem>>, vector<1x16xf32>,
      %get3A_72 = vector.shape_cast %get3A_71 : vector<1x16xf32> to vector<16xf32>
      %get3A_73 = arith.index_cast %scan3A_60 : i32 to index
      %get3A_74 = arith.constant 0 : index
      %get3A_75 = tpu.vector_load %arg10[%get3A_73, %get3A_74] {strides = array<i32>} : memref<32x768xf32, #tpu.memory_space<vmem>>, vector<1x16xf32>,
      %get3A_76 = vector.shape_cast %get3A_75 : vector<1x16xf32> to vector<16xf32>
      %mul3A_77 = arith.mulf %get3A_76, %get3A_66 : vector<16xf32>
      %get3A_78 = arith.index_cast %scan3A_60 : i32 to index
      %get3A_79 = arith.constant 0 : index
      %get3A_80 = tpu.vector_load %arg11[%get3A_78, %get3A_79] {strides = array<i32>} : memref<32x768xf32, #tpu.memory_space<vmem>>, vector<1x16xf32>,
      %get3A_81 = vector.shape_cast %get3A_80 : vector<1x16xf32> to vector<16xf32>
      %mul3A_82 = arith.mulf %get3A_81, %get3A_72 : vector<16xf32>
      %add3A_83 = arith.addf %mul3A_77, %mul3A_82 : vector<16xf32>
      %swap3A = arith.index_cast %scan3A_60 : i32 to index
      %swap3A_84 = arith.constant 0 : index
      %swap3A_85 = tpu.vector_load %arg10[%swap3A, %swap3A_84] {strides = array<i32>} : memref<32x768xf32, #tpu.memory_space<vmem>>, vector<1x16xf32>,
      %swap3A_86 = vector.shape_cast %swap3A_85 : vector<1x16xf32> to vector<16xf32>
      %swap3A_87 = vector.shape_cast %add3A_83 : vector<16xf32> to vector<1x16xf32>
      tpu.vector_store %arg10[%swap3A, %swap3A_84], %swap3A_87 {strides = array<i32>} : memref<32x768xf32, #tpu.memory_space<vmem>>, vector<1x16xf32>,
      %get3A_88 = arith.index_cast %scan3A_60 : i32 to index
      %get3A_89 = arith.constant 16 : index
      %get3A_90 = tpu.vector_load %arg10[%get3A_88, %get3A_89] {strides = array<i32>} : memref<32x768xf32, #tpu.memory_space<vmem>>, vector<1x16xf32>,
      %get3A_91 = vector.shape_cast %get3A_90 : vector<1x16xf32> to vector<16xf32>
      %mul3A_92 = arith.mulf %get3A_91, %get3A_66 : vector<16xf32>
      %get3A_93 = arith.index_cast %scan3A_60 : i32 to index
      %get3A_94 = arith.constant 16 : index
      %get3A_95 = tpu.vector_load %arg11[%get3A_93, %get3A_94] {strides = array<i32>} : memref<32x768xf32, #tpu.memory_space<vmem>>, vector<1x16xf32>,
      %get3A_96 = vector.shape_cast %get3A_95 : vector<1x16xf32> to vector<16xf32>
      %mul3A_97 = arith.mulf %get3A_96, %get3A_72 : vector<16xf32>
      %add3A_98 = arith.addf %mul3A_92, %mul3A_97 : vector<16xf32>
      %swap3A_99 = arith.index_cast %scan3A_60 : i32 to index
      %swap3A_100 = arith.constant 16 : index
      %swap3A_101 = tpu.vector_load %arg10[%swap3A_99, %swap3A_100] {strides = array<i32>} : memref<32x768xf32, #tpu.memory_space<vmem>>, vector<1x16xf32>,
      %swap3A_102 = vector.shape_cast %swap3A_101 : vector<1x16xf32> to vector<16xf32>
      %swap3A_103 = vector.shape_cast %add3A_98 : vector<16xf32> to vector<1x16xf32>
      tpu.vector_store %arg10[%swap3A_99, %swap3A_100], %swap3A_103 {strides = array<i32>} : memref<32x768xf32, #tpu.memory_space<vmem>>, vector<1x16xf32>,
      %get3A_104 = arith.index_cast %scan3A_60 : i32 to index
      %get3A_105 = arith.constant 32 : index
      %get3A_106 = tpu.vector_load %arg10[%get3A_104, %get3A_105] {strides = array<i32>} : memref<32x768xf32, #tpu.memory_space<vmem>>, vector<1x16xf32>,
      %get3A_107 = vector.shape_cast %get3A_106 : vector<1x16xf32> to vector<16xf32>
      %mul3A_108 = arith.mulf %get3A_107, %get3A_66 : vector<16xf32>
      %get3A_109 = arith.index_cast %scan3A_60 : i32 to index
      %get3A_110 = arith.constant 32 : index
      %get3A_111 = tpu.vector_load %arg11[%get3A_109, %get3A_110] {strides = array<i32>} : memref<32x768xf32, #tpu.memory_space<vmem>>, vector<1x16xf32>,
      %get3A_112 = vector.shape_cast %get3A_111 : vector<1x16xf32> to vector<16xf32>
      %mul3A_113 = arith.mulf %get3A_112, %get3A_72 : vector<16xf32>
      %add3A_114 = arith.addf %mul3A_108, %mul3A_113 : vector<16xf32>
      %swap3A_115 = arith.index_cast %scan3A_60 : i32 to index
      %swap3A_116 = arith.constant 32 : index
      %swap3A_117 = tpu.vector_load %arg10[%swap3A_115, %swap3A_116] {strides = array<i32>} : memref<32x768xf32, #tpu.memory_space<vmem>>, vector<1x16xf32>,
      %swap3A_118 = vector.shape_cast %swap3A_117 : vector<1x16xf32> to vector<16xf32>
      %swap3A_119 = vector.shape_cast %add3A_114 : vector<16xf32> to vector<1x16xf32>
      tpu.vector_store %arg10[%swap3A_115, %swap3A_116], %swap3A_119 {strides = array<i32>} : memref<32x768xf32, #tpu.memory_space<vmem>>, vector<1x16xf32>,
      %get3A_120 = arith.index_cast %scan3A_60 : i32 to index
      %get3A_121 = arith.constant 48 : index
      %get3A_122 = tpu.vector_load %arg10[%get3A_120, %get3A_121] {strides = array<i32>} : memref<32x768xf32, #tpu.memory_space<vmem>>, vector<1x16xf32>,
      %get3A_123 = vector.shape_cast %get3A_122 : vector<1x16xf32> to vector<16xf32>
      %mul3A_124 = arith.mulf %get3A_123, %get3A_66 : vector<16xf32>
      %get3A_125 = arith.index_cast %scan3A_60 : i32 to index
      %get3A_126 = arith.constant 48 : index
      %get3A_127 = tpu.vector_load %arg11[%get3A_125, %get3A_126] {strides = array<i32>} : memref<32x768xf32, #tpu.memory_space<vmem>>, vector<1x16xf32>,
      %get3A_128 = vector.shape_cast %get3A_127 : vector<1x16xf32> to vector<16xf32>
      %mul3A_129 = arith.mulf %get3A_128, %get3A_72 : vector<16xf32>
      %add3A_130 = arith.addf %mul3A_124, %mul3A_129 : vector<16xf32>
      %swap3A_131 = arith.index_cast %scan3A_60 : i32 to index
      %swap3A_132 = arith.constant 48 : index
      %swap3A_133 = tpu.vector_load %arg10[%swap3A_131, %swap3A_132] {strides = array<i32>} : memref<32x768xf32, #tpu.memory_space<vmem>>, vector<1x16xf32>,
      %swap3A_134 = vector.shape_cast %swap3A_133 : vector<1x16xf32> to vector<16xf32>
      %swap3A_135 = vector.shape_cast %add3A_130 : vector<16xf32> to vector<1x16xf32>
      tpu.vector_store %arg10[%swap3A_131, %swap3A_132], %swap3A_135 {strides = array<i32>} : memref<32x768xf32, #tpu.memory_space<vmem>>, vector<1x16xf32>,
      %get3A_136 = arith.index_cast %scan3A_60 : i32 to index
      %get3A_137 = arith.constant 64 : index
      %get3A_138 = tpu.vector_load %arg10[%get3A_136, %get3A_137] {strides = array<i32>} : memref<32x768xf32, #tpu.memory_space<vmem>>, vector<1x16xf32>,
      %get3A_139 = vector.shape_cast %get3A_138 : vector<1x16xf32> to vector<16xf32>
      %mul3A_140 = arith.mulf %get3A_139, %get3A_66 : vector<16xf32>
      %get3A_141 = arith.index_cast %scan3A_60 : i32 to index
      %get3A_142 = arith.constant 64 : index
      %get3A_143 = tpu.vector_load %arg11[%get3A_141, %get3A_142] {strides = array<i32>} : memref<32x768xf32, #tpu.memory_space<vmem>>, vector<1x16xf32>,
      %get3A_144 = vector.shape_cast %get3A_143 : vector<1x16xf32> to vector<16xf32>
      %mul3A_145 = arith.mulf %get3A_144, %get3A_72 : vector<16xf32>
      %add3A_146 = arith.addf %mul3A_140, %mul3A_145 : vector<16xf32>
      %swap3A_147 = arith.index_cast %scan3A_60 : i32 to index
      %swap3A_148 = arith.constant 64 : index
      %swap3A_149 = tpu.vector_load %arg10[%swap3A_147, %swap3A_148] {strides = array<i32>} : memref<32x768xf32, #tpu.memory_space<vmem>>, vector<1x16xf32>,
      %swap3A_150 = vector.shape_cast %swap3A_149 : vector<1x16xf32> to vector<16xf32>
      %swap3A_151 = vector.shape_cast %add3A_146 : vector<16xf32> to vector<1x16xf32>
      tpu.vector_store %arg10[%swap3A_147, %swap3A_148], %swap3A_151 {strides = array<i32>} : memref<32x768xf32, #tpu.memory_space<vmem>>, vector<1x16xf32>,
      %get3A_152 = arith.index_cast %scan3A_60 : i32 to index
      %get3A_153 = arith.constant 80 : index
      %get3A_154 = tpu.vector_load %arg10[%get3A_152, %get3A_153] {strides = array<i32>} : memref<32x768xf32, #tpu.memory_space<vmem>>, vector<1x16xf32>,
      %get3A_155 = vector.shape_cast %get3A_154 : vector<1x16xf32> to vector<16xf32>
      %mul3A_156 = arith.mulf %get3A_155, %get3A_66 : vector<16xf32>
      %get3A_157 = arith.index_cast %scan3A_60 : i32 to index
      %get3A_158 = arith.constant 80 : index
      %get3A_159 = tpu.vector_load %arg11[%get3A_157, %get3A_158] {strides = array<i32>} : memref<32x768xf32, #tpu.memory_space<vmem>>, vector<1x16xf32>,
      %get3A_160 = vector.shape_cast %get3A_159 : vector<1x16xf32> to vector<16xf32>
      %mul3A_161 = arith.mulf %get3A_160, %get3A_72 : vector<16xf32>
      %add3A_162 = arith.addf %mul3A_156, %mul3A_161 : vector<16xf32>
      %swap3A_163 = arith.index_cast %scan3A_60 : i32 to index
      %swap3A_164 = arith.constant 80 : index
      %swap3A_165 = tpu.vector_load %arg10[%swap3A_163, %swap3A_164] {strides = array<i32>} : memref<32x768xf32, #tpu.memory_space<vmem>>, vector<1x16xf32>,
      %swap3A_166 = vector.shape_cast %swap3A_165 : vector<1x16xf32> to vector<16xf32>
      %swap3A_167 = vector.shape_cast %add3A_162 : vector<16xf32> to vector<1x16xf32>
      tpu.vector_store %arg10[%swap3A_163, %swap3A_164], %swap3A_167 {strides = array<i32>} : memref<32x768xf32, #tpu.memory_space<vmem>>, vector<1x16xf32>,
      %get3A_168 = arith.index_cast %scan3A_60 : i32 to index
      %get3A_169 = arith.constant 96 : index
      %get3A_170 = tpu.vector_load %arg10[%get3A_168, %get3A_169] {strides = array<i32>} : memref<32x768xf32, #tpu.memory_space<vmem>>, vector<1x16xf32>,
      %get3A_171 = vector.shape_cast %get3A_170 : vector<1x16xf32> to vector<16xf32>
      %mul3A_172 = arith.mulf %get3A_171, %get3A_66 : vector<16xf32>
      %get3A_173 = arith.index_cast %scan3A_60 : i32 to index
      %get3A_174 = arith.constant 96 : index
      %get3A_175 = tpu.vector_load %arg11[%get3A_173, %get3A_174] {strides = array<i32>} : memref<32x768xf32, #tpu.memory_space<vmem>>, vector<1x16xf32>,
      %get3A_176 = vector.shape_cast %get3A_175 : vector<1x16xf32> to vector<16xf32>
      %mul3A_177 = arith.mulf %get3A_176, %get3A_72 : vector<16xf32>
      %add3A_178 = arith.addf %mul3A_172, %mul3A_177 : vector<16xf32>
      %swap3A_179 = arith.index_cast %scan3A_60 : i32 to index
      %swap3A_180 = arith.constant 96 : index
      %swap3A_181 = tpu.vector_load %arg10[%swap3A_179, %swap3A_180] {strides = array<i32>} : memref<32x768xf32, #tpu.memory_space<vmem>>, vector<1x16xf32>,
      %swap3A_182 = vector.shape_cast %swap3A_181 : vector<1x16xf32> to vector<16xf32>
      %swap3A_183 = vector.shape_cast %add3A_178 : vector<16xf32> to vector<1x16xf32>
      tpu.vector_store %arg10[%swap3A_179, %swap3A_180], %swap3A_183 {strides = array<i32>} : memref<32x768xf32, #tpu.memory_space<vmem>>, vector<1x16xf32>,
      %get3A_184 = arith.index_cast %scan3A_60 : i32 to index
      %get3A_185 = arith.constant 112 : index
      %get3A_186 = tpu.vector_load %arg10[%get3A_184, %get3A_185] {strides = array<i32>} : memref<32x768xf32, #tpu.memory_space<vmem>>, vector<1x16xf32>,
      %get3A_187 = vector.shape_cast %get3A_186 : vector<1x16xf32> to vector<16xf32>
      %mul3A_188 = arith.mulf %get3A_187, %get3A_66 : vector<16xf32>
      %get3A_189 = arith.index_cast %scan3A_60 : i32 to index
      %get3A_190 = arith.constant 112 : index
      %get3A_191 = tpu.vector_load %arg11[%get3A_189, %get3A_190] {strides = array<i32>} : memref<32x768xf32, #tpu.memory_space<vmem>>, vector<1x16xf32>,
      %get3A_192 = vector.shape_cast %get3A_191 : vector<1x16xf32> to vector<16xf32>
      %mul3A_193 = arith.mulf %get3A_192, %get3A_72 : vector<16xf32>
      %add3A_194 = arith.addf %mul3A_188, %mul3A_193 : vector<16xf32>
      %swap3A_195 = arith.index_cast %scan3A_60 : i32 to index
      %swap3A_196 = arith.constant 112 : index
      %swap3A_197 = tpu.vector_load %arg10[%swap3A_195, %swap3A_196] {strides = array<i32>} : memref<32x768xf32, #tpu.memory_space<vmem>>, vector<1x16xf32>,
      %swap3A_198 = vector.shape_cast %swap3A_197 : vector<1x16xf32> to vector<16xf32>
      %swap3A_199 = vector.shape_cast %add3A_194 : vector<16xf32> to vector<1x16xf32>
      tpu.vector_store %arg10[%swap3A_195, %swap3A_196], %swap3A_199 {strides = array<i32>} : memref<32x768xf32, #tpu.memory_space<vmem>>, vector<1x16xf32>,
      %get3A_200 = arith.index_cast %scan3A_60 : i32 to index
      %get3A_201 = arith.constant 128 : index
      %get3A_202 = tpu.vector_load %arg10[%get3A_200, %get3A_201] {strides = array<i32>} : memref<32x768xf32, #tpu.memory_space<vmem>>, vector<1x16xf32>,
      %get3A_203 = vector.shape_cast %get3A_202 : vector<1x16xf32> to vector<16xf32>
      %mul3A_204 = arith.mulf %get3A_203, %get3A_66 : vector<16xf32>
      %get3A_205 = arith.index_cast %scan3A_60 : i32 to index
      %get3A_206 = arith.constant 128 : index
      %get3A_207 = tpu.vector_load %arg11[%get3A_205, %get3A_206] {strides = array<i32>} : memref<32x768xf32, #tpu.memory_space<vmem>>, vector<1x16xf32>,
      %get3A_208 = vector.shape_cast %get3A_207 : vector<1x16xf32> to vector<16xf32>
      %mul3A_209 = arith.mulf %get3A_208, %get3A_72 : vector<16xf32>
      %add3A_210 = arith.addf %mul3A_204, %mul3A_209 : vector<16xf32>
      %swap3A_211 = arith.index_cast %scan3A_60 : i32 to index
      %swap3A_212 = arith.constant 128 : index
      %swap3A_213 = tpu.vector_load %arg10[%swap3A_211, %swap3A_212] {strides = array<i32>} : memref<32x768xf32, #tpu.memory_space<vmem>>, vector<1x16xf32>,
      %swap3A_214 = vector.shape_cast %swap3A_213 : vector<1x16xf32> to vector<16xf32>
      %swap3A_215 = vector.shape_cast %add3A_210 : vector<16xf32> to vector<1x16xf32>
      tpu.vector_store %arg10[%swap3A_211, %swap3A_212], %swap3A_215 {strides = array<i32>} : memref<32x768xf32, #tpu.memory_space<vmem>>, vector<1x16xf32>,
      %get3A_216 = arith.index_cast %scan3A_60 : i32 to index
      %get3A_217 = arith.constant 144 : index
      %get3A_218 = tpu.vector_load %arg10[%get3A_216, %get3A_217] {strides = array<i32>} : memref<32x768xf32, #tpu.memory_space<vmem>>, vector<1x16xf32>,
      %get3A_219 = vector.shape_cast %get3A_218 : vector<1x16xf32> to vector<16xf32>
      %mul3A_220 = arith.mulf %get3A_219, %get3A_66 : vector<16xf32>
      %get3A_221 = arith.index_cast %scan3A_60 : i32 to index
      %get3A_222 = arith.constant 144 : index
      %get3A_223 = tpu.vector_load %arg11[%get3A_221, %get3A_222] {strides = array<i32>} : memref<32x768xf32, #tpu.memory_space<vmem>>, vector<1x16xf32>,
      %get3A_224 = vector.shape_cast %get3A_223 : vector<1x16xf32> to vector<16xf32>
      %mul3A_225 = arith.mulf %get3A_224, %get3A_72 : vector<16xf32>
      %add3A_226 = arith.addf %mul3A_220, %mul3A_225 : vector<16xf32>
      %swap3A_227 = arith.index_cast %scan3A_60 : i32 to index
      %swap3A_228 = arith.constant 144 : index
      %swap3A_229 = tpu.vector_load %arg10[%swap3A_227, %swap3A_228] {strides = array<i32>} : memref<32x768xf32, #tpu.memory_space<vmem>>, vector<1x16xf32>,
      %swap3A_230 = vector.shape_cast %swap3A_229 : vector<1x16xf32> to vector<16xf32>
      %swap3A_231 = vector.shape_cast %add3A_226 : vector<16xf32> to vector<1x16xf32>
      tpu.vector_store %arg10[%swap3A_227, %swap3A_228], %swap3A_231 {strides = array<i32>} : memref<32x768xf32, #tpu.memory_space<vmem>>, vector<1x16xf32>,
      %get3A_232 = arith.index_cast %scan3A_60 : i32 to index
      %get3A_233 = arith.constant 160 : index
      %get3A_234 = tpu.vector_load %arg10[%get3A_232, %get3A_233] {strides = array<i32>} : memref<32x768xf32, #tpu.memory_space<vmem>>, vector<1x16xf32>,
      %get3A_235 = vector.shape_cast %get3A_234 : vector<1x16xf32> to vector<16xf32>
      %mul3A_236 = arith.mulf %get3A_235, %get3A_66 : vector<16xf32>
      %get3A_237 = arith.index_cast %scan3A_60 : i32 to index
      %get3A_238 = arith.constant 160 : index
      %get3A_239 = tpu.vector_load %arg11[%get3A_237, %get3A_238] {strides = array<i32>} : memref<32x768xf32, #tpu.memory_space<vmem>>, vector<1x16xf32>,
      %get3A_240 = vector.shape_cast %get3A_239 : vector<1x16xf32> to vector<16xf32>
      %mul3A_241 = arith.mulf %get3A_240, %get3A_72 : vector<16xf32>
      %add3A_242 = arith.addf %mul3A_236, %mul3A_241 : vector<16xf32>
      %swap3A_243 = arith.index_cast %scan3A_60 : i32 to index
      %swap3A_244 = arith.constant 160 : index
      %swap3A_245 = tpu.vector_load %arg10[%swap3A_243, %swap3A_244] {strides = array<i32>} : memref<32x768xf32, #tpu.memory_space<vmem>>, vector<1x16xf32>,
      %swap3A_246 = vector.shape_cast %swap3A_245 : vector<1x16xf32> to vector<16xf32>
      %swap3A_247 = vector.shape_cast %add3A_242 : vector<16xf32> to vector<1x16xf32>
      tpu.vector_store %arg10[%swap3A_243, %swap3A_244], %swap3A_247 {strides = array<i32>} : memref<32x768xf32, #tpu.memory_space<vmem>>, vector<1x16xf32>,
      %get3A_248 = arith.index_cast %scan3A_60 : i32 to index
      %get3A_249 = arith.constant 176 : index
      %get3A_250 = tpu.vector_load %arg10[%get3A_248, %get3A_249] {strides = array<i32>} : memref<32x768xf32, #tpu.memory_space<vmem>>, vector<1x16xf32>,
      %get3A_251 = vector.shape_cast %get3A_250 : vector<1x16xf32> to vector<16xf32>
      %mul3A_252 = arith.mulf %get3A_251, %get3A_66 : vector<16xf32>
      %get3A_253 = arith.index_cast %scan3A_60 : i32 to index
      %get3A_254 = arith.constant 176 : index
      %get3A_255 = tpu.vector_load %arg11[%get3A_253, %get3A_254] {strides = array<i32>} : memref<32x768xf32, #tpu.memory_space<vmem>>, vector<1x16xf32>,
      %get3A_256 = vector.shape_cast %get3A_255 : vector<1x16xf32> to vector<16xf32>
      %mul3A_257 = arith.mulf %get3A_256, %get3A_72 : vector<16xf32>
      %add3A_258 = arith.addf %mul3A_252, %mul3A_257 : vector<16xf32>
      %swap3A_259 = arith.index_cast %scan3A_60 : i32 to index
      %swap3A_260 = arith.constant 176 : index
      %swap3A_261 = tpu.vector_load %arg10[%swap3A_259, %swap3A_260] {strides = array<i32>} : memref<32x768xf32, #tpu.memory_space<vmem>>, vector<1x16xf32>,
      %swap3A_262 = vector.shape_cast %swap3A_261 : vector<1x16xf32> to vector<16xf32>
      %swap3A_263 = vector.shape_cast %add3A_258 : vector<16xf32> to vector<1x16xf32>
      tpu.vector_store %arg10[%swap3A_259, %swap3A_260], %swap3A_263 {strides = array<i32>} : memref<32x768xf32, #tpu.memory_space<vmem>>, vector<1x16xf32>,
      %get3A_264 = arith.index_cast %scan3A_60 : i32 to index
      %get3A_265 = arith.constant 192 : index
      %get3A_266 = tpu.vector_load %arg10[%get3A_264, %get3A_265] {strides = array<i32>} : memref<32x768xf32, #tpu.memory_space<vmem>>, vector<1x16xf32>,
      %get3A_267 = vector.shape_cast %get3A_266 : vector<1x16xf32> to vector<16xf32>
      %mul3A_268 = arith.mulf %get3A_267, %get3A_66 : vector<16xf32>
      %get3A_269 = arith.index_cast %scan3A_60 : i32 to index
      %get3A_270 = arith.constant 192 : index
      %get3A_271 = tpu.vector_load %arg11[%get3A_269, %get3A_270] {strides = array<i32>} : memref<32x768xf32, #tpu.memory_space<vmem>>, vector<1x16xf32>,
      %get3A_272 = vector.shape_cast %get3A_271 : vector<1x16xf32> to vector<16xf32>
      %mul3A_273 = arith.mulf %get3A_272, %get3A_72 : vector<16xf32>
      %add3A_274 = arith.addf %mul3A_268, %mul3A_273 : vector<16xf32>
      %swap3A_275 = arith.index_cast %scan3A_60 : i32 to index
      %swap3A_276 = arith.constant 192 : index
      %swap3A_277 = tpu.vector_load %arg10[%swap3A_275, %swap3A_276] {strides = array<i32>} : memref<32x768xf32, #tpu.memory_space<vmem>>, vector<1x16xf32>,
      %swap3A_278 = vector.shape_cast %swap3A_277 : vector<1x16xf32> to vector<16xf32>
      %swap3A_279 = vector.shape_cast %add3A_274 : vector<16xf32> to vector<1x16xf32>
      tpu.vector_store %arg10[%swap3A_275, %swap3A_276], %swap3A_279 {strides = array<i32>} : memref<32x768xf32, #tpu.memory_space<vmem>>, vector<1x16xf32>,
      %get3A_280 = arith.index_cast %scan3A_60 : i32 to index
      %get3A_281 = arith.constant 208 : index
      %get3A_282 = tpu.vector_load %arg10[%get3A_280, %get3A_281] {strides = array<i32>} : memref<32x768xf32, #tpu.memory_space<vmem>>, vector<1x16xf32>,
      %get3A_283 = vector.shape_cast %get3A_282 : vector<1x16xf32> to vector<16xf32>
      %mul3A_284 = arith.mulf %get3A_283, %get3A_66 : vector<16xf32>
      %get3A_285 = arith.index_cast %scan3A_60 : i32 to index
      %get3A_286 = arith.constant 208 : index
      %get3A_287 = tpu.vector_load %arg11[%get3A_285, %get3A_286] {strides = array<i32>} : memref<32x768xf32, #tpu.memory_space<vmem>>, vector<1x16xf32>,
      %get3A_288 = vector.shape_cast %get3A_287 : vector<1x16xf32> to vector<16xf32>
      %mul3A_289 = arith.mulf %get3A_288, %get3A_72 : vector<16xf32>
      %add3A_290 = arith.addf %mul3A_284, %mul3A_289 : vector<16xf32>
      %swap3A_291 = arith.index_cast %scan3A_60 : i32 to index
      %swap3A_292 = arith.constant 208 : index
      %swap3A_293 = tpu.vector_load %arg10[%swap3A_291, %swap3A_292] {strides = array<i32>} : memref<32x768xf32, #tpu.memory_space<vmem>>, vector<1x16xf32>,
      %swap3A_294 = vector.shape_cast %swap3A_293 : vector<1x16xf32> to vector<16xf32>
      %swap3A_295 = vector.shape_cast %add3A_290 : vector<16xf32> to vector<1x16xf32>
      tpu.vector_store %arg10[%swap3A_291, %swap3A_292], %swap3A_295 {strides = array<i32>} : memref<32x768xf32, #tpu.memory_space<vmem>>, vector<1x16xf32>,
      %get3A_296 = arith.index_cast %scan3A_60 : i32 to index
      %get3A_297 = arith.constant 224 : index
      %get3A_298 = tpu.vector_load %arg10[%get3A_296, %get3A_297] {strides = array<i32>} : memref<32x768xf32, #tpu.memory_space<vmem>>, vector<1x16xf32>,
      %get3A_299 = vector.shape_cast %get3A_298 : vector<1x16xf32> to vector<16xf32>
      %mul3A_300 = arith.mulf %get3A_299, %get3A_66 : vector<16xf32>
      %get3A_301 = arith.index_cast %scan3A_60 : i32 to index
      %get3A_302 = arith.constant 224 : index
      %get3A_303 = tpu.vector_load %arg11[%get3A_301, %get3A_302] {strides = array<i32>} : memref<32x768xf32, #tpu.memory_space<vmem>>, vector<1x16xf32>,
      %get3A_304 = vector.shape_cast %get3A_303 : vector<1x16xf32> to vector<16xf32>
      %mul3A_305 = arith.mulf %get3A_304, %get3A_72 : vector<16xf32>
      %add3A_306 = arith.addf %mul3A_300, %mul3A_305 : vector<16xf32>
      %swap3A_307 = arith.index_cast %scan3A_60 : i32 to index
      %swap3A_308 = arith.constant 224 : index
      %swap3A_309 = tpu.vector_load %arg10[%swap3A_307, %swap3A_308] {strides = array<i32>} : memref<32x768xf32, #tpu.memory_space<vmem>>, vector<1x16xf32>,
      %swap3A_310 = vector.shape_cast %swap3A_309 : vector<1x16xf32> to vector<16xf32>
      %swap3A_311 = vector.shape_cast %add3A_306 : vector<16xf32> to vector<1x16xf32>
      tpu.vector_store %arg10[%swap3A_307, %swap3A_308], %swap3A_311 {strides = array<i32>} : memref<32x768xf32, #tpu.memory_space<vmem>>, vector<1x16xf32>,
      %get3A_312 = arith.index_cast %scan3A_60 : i32 to index
      %get3A_313 = arith.constant 240 : index
      %get3A_314 = tpu.vector_load %arg10[%get3A_312, %get3A_313] {strides = array<i32>} : memref<32x768xf32, #tpu.memory_space<vmem>>, vector<1x16xf32>,
      %get3A_315 = vector.shape_cast %get3A_314 : vector<1x16xf32> to vector<16xf32>
      %mul3A_316 = arith.mulf %get3A_315, %get3A_66 : vector<16xf32>
      %get3A_317 = arith.index_cast %scan3A_60 : i32 to index
      %get3A_318 = arith.constant 240 : index
      %get3A_319 = tpu.vector_load %arg11[%get3A_317, %get3A_318] {strides = array<i32>} : memref<32x768xf32, #tpu.memory_space<vmem>>, vector<1x16xf32>,
      %get3A_320 = vector.shape_cast %get3A_319 : vector<1x16xf32> to vector<16xf32>
      %mul3A_321 = arith.mulf %get3A_320, %get3A_72 : vector<16xf32>
      %add3A_322 = arith.addf %mul3A_316, %mul3A_321 : vector<16xf32>
      %swap3A_323 = arith.index_cast %scan3A_60 : i32 to index
      %swap3A_324 = arith.constant 240 : index
      %swap3A_325 = tpu.vector_load %arg10[%swap3A_323, %swap3A_324] {strides = array<i32>} : memref<32x768xf32, #tpu.memory_space<vmem>>, vector<1x16xf32>,
      %swap3A_326 = vector.shape_cast %swap3A_325 : vector<1x16xf32> to vector<16xf32>
      %swap3A_327 = vector.shape_cast %add3A_322 : vector<16xf32> to vector<1x16xf32>
      tpu.vector_store %arg10[%swap3A_323, %swap3A_324], %swap3A_327 {strides = array<i32>} : memref<32x768xf32, #tpu.memory_space<vmem>>, vector<1x16xf32>,
      %get3A_328 = arith.index_cast %scan3A_60 : i32 to index
      %get3A_329 = arith.constant 256 : index
      %get3A_330 = tpu.vector_load %arg10[%get3A_328, %get3A_329] {strides = array<i32>} : memref<32x768xf32, #tpu.memory_space<vmem>>, vector<1x16xf32>,
      %get3A_331 = vector.shape_cast %get3A_330 : vector<1x16xf32> to vector<16xf32>
      %mul3A_332 = arith.mulf %get3A_331, %get3A_66 : vector<16xf32>
      %get3A_333 = arith.index_cast %scan3A_60 : i32 to index
      %get3A_334 = arith.constant 256 : index
      %get3A_335 = tpu.vector_load %arg11[%get3A_333, %get3A_334] {strides = array<i32>} : memref<32x768xf32, #tpu.memory_space<vmem>>, vector<1x16xf32>,
      %get3A_336 = vector.shape_cast %get3A_335 : vector<1x16xf32> to vector<16xf32>
      %mul3A_337 = arith.mulf %get3A_336, %get3A_72 : vector<16xf32>
      %add3A_338 = arith.addf %mul3A_332, %mul3A_337 : vector<16xf32>
      %swap3A_339 = arith.index_cast %scan3A_60 : i32 to index
      %swap3A_340 = arith.constant 256 : index
      %swap3A_341 = tpu.vector_load %arg10[%swap3A_339, %swap3A_340] {strides = array<i32>} : memref<32x768xf32, #tpu.memory_space<vmem>>, vector<1x16xf32>,
      %swap3A_342 = vector.shape_cast %swap3A_341 : vector<1x16xf32> to vector<16xf32>
      %swap3A_343 = vector.shape_cast %add3A_338 : vector<16xf32> to vector<1x16xf32>
      tpu.vector_store %arg10[%swap3A_339, %swap3A_340], %swap3A_343 {strides = array<i32>} : memref<32x768xf32, #tpu.memory_space<vmem>>, vector<1x16xf32>,
      %get3A_344 = arith.index_cast %scan3A_60 : i32 to index
      %get3A_345 = arith.constant 272 : index
      %get3A_346 = tpu.vector_load %arg10[%get3A_344, %get3A_345] {strides = array<i32>} : memref<32x768xf32, #tpu.memory_space<vmem>>, vector<1x16xf32>,
      %get3A_347 = vector.shape_cast %get3A_346 : vector<1x16xf32> to vector<16xf32>
      %mul3A_348 = arith.mulf %get3A_347, %get3A_66 : vector<16xf32>
      %get3A_349 = arith.index_cast %scan3A_60 : i32 to index
      %get3A_350 = arith.constant 272 : index
      %get3A_351 = tpu.vector_load %arg11[%get3A_349, %get3A_350] {strides = array<i32>} : memref<32x768xf32, #tpu.memory_space<vmem>>, vector<1x16xf32>,
      %get3A_352 = vector.shape_cast %get3A_351 : vector<1x16xf32> to vector<16xf32>
      %mul3A_353 = arith.mulf %get3A_352, %get3A_72 : vector<16xf32>
      %add3A_354 = arith.addf %mul3A_348, %mul3A_353 : vector<16xf32>
      %swap3A_355 = arith.index_cast %scan3A_60 : i32 to index
      %swap3A_356 = arith.constant 272 : index
      %swap3A_357 = tpu.vector_load %arg10[%swap3A_355, %swap3A_356] {strides = array<i32>} : memref<32x768xf32, #tpu.memory_space<vmem>>, vector<1x16xf32>,
      %swap3A_358 = vector.shape_cast %swap3A_357 : vector<1x16xf32> to vector<16xf32>
      %swap3A_359 = vector.shape_cast %add3A_354 : vector<16xf32> to vector<1x16xf32>
      tpu.vector_store %arg10[%swap3A_355, %swap3A_356], %swap3A_359 {strides = array<i32>} : memref<32x768xf32, #tpu.memory_space<vmem>>, vector<1x16xf32>,
      %get3A_360 = arith.index_cast %scan3A_60 : i32 to index
      %get3A_361 = arith.constant 288 : index
      %get3A_362 = tpu.vector_load %arg10[%get3A_360, %get3A_361] {strides = array<i32>} : memref<32x768xf32, #tpu.memory_space<vmem>>, vector<1x16xf32>,
      %get3A_363 = vector.shape_cast %get3A_362 : vector<1x16xf32> to vector<16xf32>
      %mul3A_364 = arith.mulf %get3A_363, %get3A_66 : vector<16xf32>
      %get3A_365 = arith.index_cast %scan3A_60 : i32 to index
      %get3A_366 = arith.constant 288 : index
      %get3A_367 = tpu.vector_load %arg11[%get3A_365, %get3A_366] {strides = array<i32>} : memref<32x768xf32, #tpu.memory_space<vmem>>, vector<1x16xf32>,
      %get3A_368 = vector.shape_cast %get3A_367 : vector<1x16xf32> to vector<16xf32>
      %mul3A_369 = arith.mulf %get3A_368, %get3A_72 : vector<16xf32>
      %add3A_370 = arith.addf %mul3A_364, %mul3A_369 : vector<16xf32>
      %swap3A_371 = arith.index_cast %scan3A_60 : i32 to index
      %swap3A_372 = arith.constant 288 : index
      %swap3A_373 = tpu.vector_load %arg10[%swap3A_371, %swap3A_372] {strides = array<i32>} : memref<32x768xf32, #tpu.memory_space<vmem>>, vector<1x16xf32>,
      %swap3A_374 = vector.shape_cast %swap3A_373 : vector<1x16xf32> to vector<16xf32>
      %swap3A_375 = vector.shape_cast %add3A_370 : vector<16xf32> to vector<1x16xf32>
      tpu.vector_store %arg10[%swap3A_371, %swap3A_372], %swap3A_375 {strides = array<i32>} : memref<32x768xf32, #tpu.memory_space<vmem>>, vector<1x16xf32>,
      %get3A_376 = arith.index_cast %scan3A_60 : i32 to index
      %get3A_377 = arith.constant 304 : index
      %get3A_378 = tpu.vector_load %arg10[%get3A_376, %get3A_377] {strides = array<i32>} : memref<32x768xf32, #tpu.memory_space<vmem>>, vector<1x16xf32>,
      %get3A_379 = vector.shape_cast %get3A_378 : vector<1x16xf32> to vector<16xf32>
      %mul3A_380 = arith.mulf %get3A_379, %get3A_66 : vector<16xf32>
      %get3A_381 = arith.index_cast %scan3A_60 : i32 to index
      %get3A_382 = arith.constant 304 : index
      %get3A_383 = tpu.vector_load %arg11[%get3A_381, %get3A_382] {strides = array<i32>} : memref<32x768xf32, #tpu.memory_space<vmem>>, vector<1x16xf32>,
      %get3A_384 = vector.shape_cast %get3A_383 : vector<1x16xf32> to vector<16xf32>
      %mul3A_385 = arith.mulf %get3A_384, %get3A_72 : vector<16xf32>
      %add3A_386 = arith.addf %mul3A_380, %mul3A_385 : vector<16xf32>
      %swap3A_387 = arith.index_cast %scan3A_60 : i32 to index
      %swap3A_388 = arith.constant 304 : index
      %swap3A_389 = tpu.vector_load %arg10[%swap3A_387, %swap3A_388] {strides = array<i32>} : memref<32x768xf32, #tpu.memory_space<vmem>>, vector<1x16xf32>,
      %swap3A_390 = vector.shape_cast %swap3A_389 : vector<1x16xf32> to vector<16xf32>
      %swap3A_391 = vector.shape_cast %add3A_386 : vector<16xf32> to vector<1x16xf32>
      tpu.vector_store %arg10[%swap3A_387, %swap3A_388], %swap3A_391 {strides = array<i32>} : memref<32x768xf32, #tpu.memory_space<vmem>>, vector<1x16xf32>,
      %get3A_392 = arith.index_cast %scan3A_60 : i32 to index
      %get3A_393 = arith.constant 320 : index
      %get3A_394 = tpu.vector_load %arg10[%get3A_392, %get3A_393] {strides = array<i32>} : memref<32x768xf32, #tpu.memory_space<vmem>>, vector<1x16xf32>,
      %get3A_395 = vector.shape_cast %get3A_394 : vector<1x16xf32> to vector<16xf32>
      %mul3A_396 = arith.mulf %get3A_395, %get3A_66 : vector<16xf32>
      %get3A_397 = arith.index_cast %scan3A_60 : i32 to index
      %get3A_398 = arith.constant 320 : index
      %get3A_399 = tpu.vector_load %arg11[%get3A_397, %get3A_398] {strides = array<i32>} : memref<32x768xf32, #tpu.memory_space<vmem>>, vector<1x16xf32>,
      %get3A_400 = vector.shape_cast %get3A_399 : vector<1x16xf32> to vector<16xf32>
      %mul3A_401 = arith.mulf %get3A_400, %get3A_72 : vector<16xf32>
      %add3A_402 = arith.addf %mul3A_396, %mul3A_401 : vector<16xf32>
      %swap3A_403 = arith.index_cast %scan3A_60 : i32 to index
      %swap3A_404 = arith.constant 320 : index
      %swap3A_405 = tpu.vector_load %arg10[%swap3A_403, %swap3A_404] {strides = array<i32>} : memref<32x768xf32, #tpu.memory_space<vmem>>, vector<1x16xf32>,
      %swap3A_406 = vector.shape_cast %swap3A_405 : vector<1x16xf32> to vector<16xf32>
      %swap3A_407 = vector.shape_cast %add3A_402 : vector<16xf32> to vector<1x16xf32>
      tpu.vector_store %arg10[%swap3A_403, %swap3A_404], %swap3A_407 {strides = array<i32>} : memref<32x768xf32, #tpu.memory_space<vmem>>, vector<1x16xf32>,
      %get3A_408 = arith.index_cast %scan3A_60 : i32 to index
      %get3A_409 = arith.constant 336 : index
      %get3A_410 = tpu.vector_load %arg10[%get3A_408, %get3A_409] {strides = array<i32>} : memref<32x768xf32, #tpu.memory_space<vmem>>, vector<1x16xf32>,
      %get3A_411 = vector.shape_cast %get3A_410 : vector<1x16xf32> to vector<16xf32>
      %mul3A_412 = arith.mulf %get3A_411, %get3A_66 : vector<16xf32>
      %get3A_413 = arith.index_cast %scan3A_60 : i32 to index
      %get3A_414 = arith.constant 336 : index
      %get3A_415 = tpu.vector_load %arg11[%get3A_413, %get3A_414] {strides = array<i32>} : memref<32x768xf32, #tpu.memory_space<vmem>>, vector<1x16xf32>,
      %get3A_416 = vector.shape_cast %get3A_415 : vector<1x16xf32> to vector<16xf32>
      %mul3A_417 = arith.mulf %get3A_416, %get3A_72 : vector<16xf32>
      %add3A_418 = arith.addf %mul3A_412, %mul3A_417 : vector<16xf32>
      %swap3A_419 = arith.index_cast %scan3A_60 : i32 to index
      %swap3A_420 = arith.constant 336 : index
      %swap3A_421 = tpu.vector_load %arg10[%swap3A_419, %swap3A_420] {strides = array<i32>} : memref<32x768xf32, #tpu.memory_space<vmem>>, vector<1x16xf32>,
      %swap3A_422 = vector.shape_cast %swap3A_421 : vector<1x16xf32> to vector<16xf32>
      %swap3A_423 = vector.shape_cast %add3A_418 : vector<16xf32> to vector<1x16xf32>
      tpu.vector_store %arg10[%swap3A_419, %swap3A_420], %swap3A_423 {strides = array<i32>} : memref<32x768xf32, #tpu.memory_space<vmem>>, vector<1x16xf32>,
      %get3A_424 = arith.index_cast %scan3A_60 : i32 to index
      %get3A_425 = arith.constant 352 : index
      %get3A_426 = tpu.vector_load %arg10[%get3A_424, %get3A_425] {strides = array<i32>} : memref<32x768xf32, #tpu.memory_space<vmem>>, vector<1x16xf32>,
      %get3A_427 = vector.shape_cast %get3A_426 : vector<1x16xf32> to vector<16xf32>
      %mul3A_428 = arith.mulf %get3A_427, %get3A_66 : vector<16xf32>
      %get3A_429 = arith.index_cast %scan3A_60 : i32 to index
      %get3A_430 = arith.constant 352 : index
      %get3A_431 = tpu.vector_load %arg11[%get3A_429, %get3A_430] {strides = array<i32>} : memref<32x768xf32, #tpu.memory_space<vmem>>, vector<1x16xf32>,
      %get3A_432 = vector.shape_cast %get3A_431 : vector<1x16xf32> to vector<16xf32>
      %mul3A_433 = arith.mulf %get3A_432, %get3A_72 : vector<16xf32>
      %add3A_434 = arith.addf %mul3A_428, %mul3A_433 : vector<16xf32>
      %swap3A_435 = arith.index_cast %scan3A_60 : i32 to index
      %swap3A_436 = arith.constant 352 : index
      %swap3A_437 = tpu.vector_load %arg10[%swap3A_435, %swap3A_436] {strides = array<i32>} : memref<32x768xf32, #tpu.memory_space<vmem>>, vector<1x16xf32>,
      %swap3A_438 = vector.shape_cast %swap3A_437 : vector<1x16xf32> to vector<16xf32>
      %swap3A_439 = vector.shape_cast %add3A_434 : vector<16xf32> to vector<1x16xf32>
      tpu.vector_store %arg10[%swap3A_435, %swap3A_436], %swap3A_439 {strides = array<i32>} : memref<32x768xf32, #tpu.memory_space<vmem>>, vector<1x16xf32>,
      %get3A_440 = arith.index_cast %scan3A_60 : i32 to index
      %get3A_441 = arith.constant 368 : index
      %get3A_442 = tpu.vector_load %arg10[%get3A_440, %get3A_441] {strides = array<i32>} : memref<32x768xf32, #tpu.memory_space<vmem>>, vector<1x16xf32>,
      %get3A_443 = vector.shape_cast %get3A_442 : vector<1x16xf32> to vector<16xf32>
      %mul3A_444 = arith.mulf %get3A_443, %get3A_66 : vector<16xf32>
      %get3A_445 = arith.index_cast %scan3A_60 : i32 to index
      %get3A_446 = arith.constant 368 : index
      %get3A_447 = tpu.vector_load %arg11[%get3A_445, %get3A_446] {strides = array<i32>} : memref<32x768xf32, #tpu.memory_space<vmem>>, vector<1x16xf32>,
      %get3A_448 = vector.shape_cast %get3A_447 : vector<1x16xf32> to vector<16xf32>
      %mul3A_449 = arith.mulf %get3A_448, %get3A_72 : vector<16xf32>
      %add3A_450 = arith.addf %mul3A_444, %mul3A_449 : vector<16xf32>
      %swap3A_451 = arith.index_cast %scan3A_60 : i32 to index
      %swap3A_452 = arith.constant 368 : index
      %swap3A_453 = tpu.vector_load %arg10[%swap3A_451, %swap3A_452] {strides = array<i32>} : memref<32x768xf32, #tpu.memory_space<vmem>>, vector<1x16xf32>,
      %swap3A_454 = vector.shape_cast %swap3A_453 : vector<1x16xf32> to vector<16xf32>
      %swap3A_455 = vector.shape_cast %add3A_450 : vector<16xf32> to vector<1x16xf32>
      tpu.vector_store %arg10[%swap3A_451, %swap3A_452], %swap3A_455 {strides = array<i32>} : memref<32x768xf32, #tpu.memory_space<vmem>>, vector<1x16xf32>,
      %get3A_456 = arith.index_cast %scan3A_60 : i32 to index
      %get3A_457 = arith.constant 384 : index
      %get3A_458 = tpu.vector_load %arg10[%get3A_456, %get3A_457] {strides = array<i32>} : memref<32x768xf32, #tpu.memory_space<vmem>>, vector<1x16xf32>,
      %get3A_459 = vector.shape_cast %get3A_458 : vector<1x16xf32> to vector<16xf32>
      %mul3A_460 = arith.mulf %get3A_459, %get3A_66 : vector<16xf32>
      %get3A_461 = arith.index_cast %scan3A_60 : i32 to index
      %get3A_462 = arith.constant 384 : index
      %get3A_463 = tpu.vector_load %arg11[%get3A_461, %get3A_462] {strides = array<i32>} : memref<32x768xf32, #tpu.memory_space<vmem>>, vector<1x16xf32>,
      %get3A_464 = vector.shape_cast %get3A_463 : vector<1x16xf32> to vector<16xf32>
      %mul3A_465 = arith.mulf %get3A_464, %get3A_72 : vector<16xf32>
      %add3A_466 = arith.addf %mul3A_460, %mul3A_465 : vector<16xf32>
      %swap3A_467 = arith.index_cast %scan3A_60 : i32 to index
      %swap3A_468 = arith.constant 384 : index
      %swap3A_469 = tpu.vector_load %arg10[%swap3A_467, %swap3A_468] {strides = array<i32>} : memref<32x768xf32, #tpu.memory_space<vmem>>, vector<1x16xf32>,
      %swap3A_470 = vector.shape_cast %swap3A_469 : vector<1x16xf32> to vector<16xf32>
      %swap3A_471 = vector.shape_cast %add3A_466 : vector<16xf32> to vector<1x16xf32>
      tpu.vector_store %arg10[%swap3A_467, %swap3A_468], %swap3A_471 {strides = array<i32>} : memref<32x768xf32, #tpu.memory_space<vmem>>, vector<1x16xf32>,
      %get3A_472 = arith.index_cast %scan3A_60 : i32 to index
      %get3A_473 = arith.constant 400 : index
      %get3A_474 = tpu.vector_load %arg10[%get3A_472, %get3A_473] {strides = array<i32>} : memref<32x768xf32, #tpu.memory_space<vmem>>, vector<1x16xf32>,
      %get3A_475 = vector.shape_cast %get3A_474 : vector<1x16xf32> to vector<16xf32>
      %mul3A_476 = arith.mulf %get3A_475, %get3A_66 : vector<16xf32>
      %get3A_477 = arith.index_cast %scan3A_60 : i32 to index
      %get3A_478 = arith.constant 400 : index
      %get3A_479 = tpu.vector_load %arg11[%get3A_477, %get3A_478] {strides = array<i32>} : memref<32x768xf32, #tpu.memory_space<vmem>>, vector<1x16xf32>,
      %get3A_480 = vector.shape_cast %get3A_479 : vector<1x16xf32> to vector<16xf32>
      %mul3A_481 = arith.mulf %get3A_480, %get3A_72 : vector<16xf32>
      %add3A_482 = arith.addf %mul3A_476, %mul3A_481 : vector<16xf32>
      %swap3A_483 = arith.index_cast %scan3A_60 : i32 to index
      %swap3A_484 = arith.constant 400 : index
      %swap3A_485 = tpu.vector_load %arg10[%swap3A_483, %swap3A_484] {strides = array<i32>} : memref<32x768xf32, #tpu.memory_space<vmem>>, vector<1x16xf32>,
      %swap3A_486 = vector.shape_cast %swap3A_485 : vector<1x16xf32> to vector<16xf32>
      %swap3A_487 = vector.shape_cast %add3A_482 : vector<16xf32> to vector<1x16xf32>
      tpu.vector_store %arg10[%swap3A_483, %swap3A_484], %swap3A_487 {strides = array<i32>} : memref<32x768xf32, #tpu.memory_space<vmem>>, vector<1x16xf32>,
      %get3A_488 = arith.index_cast %scan3A_60 : i32 to index
      %get3A_489 = arith.constant 416 : index
      %get3A_490 = tpu.vector_load %arg10[%get3A_488, %get3A_489] {strides = array<i32>} : memref<32x768xf32, #tpu.memory_space<vmem>>, vector<1x16xf32>,
      %get3A_491 = vector.shape_cast %get3A_490 : vector<1x16xf32> to vector<16xf32>
      %mul3A_492 = arith.mulf %get3A_491, %get3A_66 : vector<16xf32>
      %get3A_493 = arith.index_cast %scan3A_60 : i32 to index
      %get3A_494 = arith.constant 416 : index
      %get3A_495 = tpu.vector_load %arg11[%get3A_493, %get3A_494] {strides = array<i32>} : memref<32x768xf32, #tpu.memory_space<vmem>>, vector<1x16xf32>,
      %get3A_496 = vector.shape_cast %get3A_495 : vector<1x16xf32> to vector<16xf32>
      %mul3A_497 = arith.mulf %get3A_496, %get3A_72 : vector<16xf32>
      %add3A_498 = arith.addf %mul3A_492, %mul3A_497 : vector<16xf32>
      %swap3A_499 = arith.index_cast %scan3A_60 : i32 to index
      %swap3A_500 = arith.constant 416 : index
      %swap3A_501 = tpu.vector_load %arg10[%swap3A_499, %swap3A_500] {strides = array<i32>} : memref<32x768xf32, #tpu.memory_space<vmem>>, vector<1x16xf32>,
      %swap3A_502 = vector.shape_cast %swap3A_501 : vector<1x16xf32> to vector<16xf32>
      %swap3A_503 = vector.shape_cast %add3A_498 : vector<16xf32> to vector<1x16xf32>
      tpu.vector_store %arg10[%swap3A_499, %swap3A_500], %swap3A_503 {strides = array<i32>} : memref<32x768xf32, #tpu.memory_space<vmem>>, vector<1x16xf32>,
      %get3A_504 = arith.index_cast %scan3A_60 : i32 to index
      %get3A_505 = arith.constant 432 : index
      %get3A_506 = tpu.vector_load %arg10[%get3A_504, %get3A_505] {strides = array<i32>} : memref<32x768xf32, #tpu.memory_space<vmem>>, vector<1x16xf32>,
      %get3A_507 = vector.shape_cast %get3A_506 : vector<1x16xf32> to vector<16xf32>
      %mul3A_508 = arith.mulf %get3A_507, %get3A_66 : vector<16xf32>
      %get3A_509 = arith.index_cast %scan3A_60 : i32 to index
      %get3A_510 = arith.constant 432 : index
      %get3A_511 = tpu.vector_load %arg11[%get3A_509, %get3A_510] {strides = array<i32>} : memref<32x768xf32, #tpu.memory_space<vmem>>, vector<1x16xf32>,
      %get3A_512 = vector.shape_cast %get3A_511 : vector<1x16xf32> to vector<16xf32>
      %mul3A_513 = arith.mulf %get3A_512, %get3A_72 : vector<16xf32>
      %add3A_514 = arith.addf %mul3A_508, %mul3A_513 : vector<16xf32>
      %swap3A_515 = arith.index_cast %scan3A_60 : i32 to index
      %swap3A_516 = arith.constant 432 : index
      %swap3A_517 = tpu.vector_load %arg10[%swap3A_515, %swap3A_516] {strides = array<i32>} : memref<32x768xf32, #tpu.memory_space<vmem>>, vector<1x16xf32>,
      %swap3A_518 = vector.shape_cast %swap3A_517 : vector<1x16xf32> to vector<16xf32>
      %swap3A_519 = vector.shape_cast %add3A_514 : vector<16xf32> to vector<1x16xf32>
      tpu.vector_store %arg10[%swap3A_515, %swap3A_516], %swap3A_519 {strides = array<i32>} : memref<32x768xf32, #tpu.memory_space<vmem>>, vector<1x16xf32>,
      %get3A_520 = arith.index_cast %scan3A_60 : i32 to index
      %get3A_521 = arith.constant 448 : index
      %get3A_522 = tpu.vector_load %arg10[%get3A_520, %get3A_521] {strides = array<i32>} : memref<32x768xf32, #tpu.memory_space<vmem>>, vector<1x16xf32>,
      %get3A_523 = vector.shape_cast %get3A_522 : vector<1x16xf32> to vector<16xf32>
      %mul3A_524 = arith.mulf %get3A_523, %get3A_66 : vector<16xf32>
      %get3A_525 = arith.index_cast %scan3A_60 : i32 to index
      %get3A_526 = arith.constant 448 : index
      %get3A_527 = tpu.vector_load %arg11[%get3A_525, %get3A_526] {strides = array<i32>} : memref<32x768xf32, #tpu.memory_space<vmem>>, vector<1x16xf32>,
      %get3A_528 = vector.shape_cast %get3A_527 : vector<1x16xf32> to vector<16xf32>
      %mul3A_529 = arith.mulf %get3A_528, %get3A_72 : vector<16xf32>
      %add3A_530 = arith.addf %mul3A_524, %mul3A_529 : vector<16xf32>
      %swap3A_531 = arith.index_cast %scan3A_60 : i32 to index
      %swap3A_532 = arith.constant 448 : index
      %swap3A_533 = tpu.vector_load %arg10[%swap3A_531, %swap3A_532] {strides = array<i32>} : memref<32x768xf32, #tpu.memory_space<vmem>>, vector<1x16xf32>,
      %swap3A_534 = vector.shape_cast %swap3A_533 : vector<1x16xf32> to vector<16xf32>
      %swap3A_535 = vector.shape_cast %add3A_530 : vector<16xf32> to vector<1x16xf32>
      tpu.vector_store %arg10[%swap3A_531, %swap3A_532], %swap3A_535 {strides = array<i32>} : memref<32x768xf32, #tpu.memory_space<vmem>>, vector<1x16xf32>,
      %get3A_536 = arith.index_cast %scan3A_60 : i32 to index
      %get3A_537 = arith.constant 464 : index
      %get3A_538 = tpu.vector_load %arg10[%get3A_536, %get3A_537] {strides = array<i32>} : memref<32x768xf32, #tpu.memory_space<vmem>>, vector<1x16xf32>,
      %get3A_539 = vector.shape_cast %get3A_538 : vector<1x16xf32> to vector<16xf32>
      %mul3A_540 = arith.mulf %get3A_539, %get3A_66 : vector<16xf32>
      %get3A_541 = arith.index_cast %scan3A_60 : i32 to index
      %get3A_542 = arith.constant 464 : index
      %get3A_543 = tpu.vector_load %arg11[%get3A_541, %get3A_542] {strides = array<i32>} : memref<32x768xf32, #tpu.memory_space<vmem>>, vector<1x16xf32>,
      %get3A_544 = vector.shape_cast %get3A_543 : vector<1x16xf32> to vector<16xf32>
      %mul3A_545 = arith.mulf %get3A_544, %get3A_72 : vector<16xf32>
      %add3A_546 = arith.addf %mul3A_540, %mul3A_545 : vector<16xf32>
      %swap3A_547 = arith.index_cast %scan3A_60 : i32 to index
      %swap3A_548 = arith.constant 464 : index
      %swap3A_549 = tpu.vector_load %arg10[%swap3A_547, %swap3A_548] {strides = array<i32>} : memref<32x768xf32, #tpu.memory_space<vmem>>, vector<1x16xf32>,
      %swap3A_550 = vector.shape_cast %swap3A_549 : vector<1x16xf32> to vector<16xf32>
      %swap3A_551 = vector.shape_cast %add3A_546 : vector<16xf32> to vector<1x16xf32>
      tpu.vector_store %arg10[%swap3A_547, %swap3A_548], %swap3A_551 {strides = array<i32>} : memref<32x768xf32, #tpu.memory_space<vmem>>, vector<1x16xf32>,
      %get3A_552 = arith.index_cast %scan3A_60 : i32 to index
      %get3A_553 = arith.constant 480 : index
      %get3A_554 = tpu.vector_load %arg10[%get3A_552, %get3A_553] {strides = array<i32>} : memref<32x768xf32, #tpu.memory_space<vmem>>, vector<1x16xf32>,
      %get3A_555 = vector.shape_cast %get3A_554 : vector<1x16xf32> to vector<16xf32>
      %mul3A_556 = arith.mulf %get3A_555, %get3A_66 : vector<16xf32>
      %get3A_557 = arith.index_cast %scan3A_60 : i32 to index
      %get3A_558 = arith.constant 480 : index
      %get3A_559 = tpu.vector_load %arg11[%get3A_557, %get3A_558] {strides = array<i32>} : memref<32x768xf32, #tpu.memory_space<vmem>>, vector<1x16xf32>,
      %get3A_560 = vector.shape_cast %get3A_559 : vector<1x16xf32> to vector<16xf32>
      %mul3A_561 = arith.mulf %get3A_560, %get3A_72 : vector<16xf32>
      %add3A_562 = arith.addf %mul3A_556, %mul3A_561 : vector<16xf32>
      %swap3A_563 = arith.index_cast %scan3A_60 : i32 to index
      %swap3A_564 = arith.constant 480 : index
      %swap3A_565 = tpu.vector_load %arg10[%swap3A_563, %swap3A_564] {strides = array<i32>} : memref<32x768xf32, #tpu.memory_space<vmem>>, vector<1x16xf32>,
      %swap3A_566 = vector.shape_cast %swap3A_565 : vector<1x16xf32> to vector<16xf32>
      %swap3A_567 = vector.shape_cast %add3A_562 : vector<16xf32> to vector<1x16xf32>
      tpu.vector_store %arg10[%swap3A_563, %swap3A_564], %swap3A_567 {strides = array<i32>} : memref<32x768xf32, #tpu.memory_space<vmem>>, vector<1x16xf32>,
      %get3A_568 = arith.index_cast %scan3A_60 : i32 to index
      %get3A_569 = arith.constant 496 : index
      %get3A_570 = tpu.vector_load %arg10[%get3A_568, %get3A_569] {strides = array<i32>} : memref<32x768xf32, #tpu.memory_space<vmem>>, vector<1x16xf32>,
      %get3A_571 = vector.shape_cast %get3A_570 : vector<1x16xf32> to vector<16xf32>
      %mul3A_572 = arith.mulf %get3A_571, %get3A_66 : vector<16xf32>
      %get3A_573 = arith.index_cast %scan3A_60 : i32 to index
      %get3A_574 = arith.constant 496 : index
      %get3A_575 = tpu.vector_load %arg11[%get3A_573, %get3A_574] {strides = array<i32>} : memref<32x768xf32, #tpu.memory_space<vmem>>, vector<1x16xf32>,
      %get3A_576 = vector.shape_cast %get3A_575 : vector<1x16xf32> to vector<16xf32>
      %mul3A_577 = arith.mulf %get3A_576, %get3A_72 : vector<16xf32>
      %add3A_578 = arith.addf %mul3A_572, %mul3A_577 : vector<16xf32>
      %swap3A_579 = arith.index_cast %scan3A_60 : i32 to index
      %swap3A_580 = arith.constant 496 : index
      %swap3A_581 = tpu.vector_load %arg10[%swap3A_579, %swap3A_580] {strides = array<i32>} : memref<32x768xf32, #tpu.memory_space<vmem>>, vector<1x16xf32>,
      %swap3A_582 = vector.shape_cast %swap3A_581 : vector<1x16xf32> to vector<16xf32>
      %swap3A_583 = vector.shape_cast %add3A_578 : vector<16xf32> to vector<1x16xf32>
      tpu.vector_store %arg10[%swap3A_579, %swap3A_580], %swap3A_583 {strides = array<i32>} : memref<32x768xf32, #tpu.memory_space<vmem>>, vector<1x16xf32>,
      %get3A_584 = arith.index_cast %scan3A_60 : i32 to index
      %get3A_585 = arith.constant 512 : index
      %get3A_586 = tpu.vector_load %arg10[%get3A_584, %get3A_585] {strides = array<i32>} : memref<32x768xf32, #tpu.memory_space<vmem>>, vector<1x16xf32>,
      %get3A_587 = vector.shape_cast %get3A_586 : vector<1x16xf32> to vector<16xf32>
      %mul3A_588 = arith.mulf %get3A_587, %get3A_66 : vector<16xf32>
      %get3A_589 = arith.index_cast %scan3A_60 : i32 to index
      %get3A_590 = arith.constant 512 : index
      %get3A_591 = tpu.vector_load %arg11[%get3A_589, %get3A_590] {strides = array<i32>} : memref<32x768xf32, #tpu.memory_space<vmem>>, vector<1x16xf32>,
      %get3A_592 = vector.shape_cast %get3A_591 : vector<1x16xf32> to vector<16xf32>
      %mul3A_593 = arith.mulf %get3A_592, %get3A_72 : vector<16xf32>
      %add3A_594 = arith.addf %mul3A_588, %mul3A_593 : vector<16xf32>
      %swap3A_595 = arith.index_cast %scan3A_60 : i32 to index
      %swap3A_596 = arith.constant 512 : index
      %swap3A_597 = tpu.vector_load %arg10[%swap3A_595, %swap3A_596] {strides = array<i32>} : memref<32x768xf32, #tpu.memory_space<vmem>>, vector<1x16xf32>,
      %swap3A_598 = vector.shape_cast %swap3A_597 : vector<1x16xf32> to vector<16xf32>
      %swap3A_599 = vector.shape_cast %add3A_594 : vector<16xf32> to vector<1x16xf32>
      tpu.vector_store %arg10[%swap3A_595, %swap3A_596], %swap3A_599 {strides = array<i32>} : memref<32x768xf32, #tpu.memory_space<vmem>>, vector<1x16xf32>,
      %get3A_600 = arith.index_cast %scan3A_60 : i32 to index
      %get3A_601 = arith.constant 528 : index
      %get3A_602 = tpu.vector_load %arg10[%get3A_600, %get3A_601] {strides = array<i32>} : memref<32x768xf32, #tpu.memory_space<vmem>>, vector<1x16xf32>,
      %get3A_603 = vector.shape_cast %get3A_602 : vector<1x16xf32> to vector<16xf32>
      %mul3A_604 = arith.mulf %get3A_603, %get3A_66 : vector<16xf32>
      %get3A_605 = arith.index_cast %scan3A_60 : i32 to index
      %get3A_606 = arith.constant 528 : index
      %get3A_607 = tpu.vector_load %arg11[%get3A_605, %get3A_606] {strides = array<i32>} : memref<32x768xf32, #tpu.memory_space<vmem>>, vector<1x16xf32>,
      %get3A_608 = vector.shape_cast %get3A_607 : vector<1x16xf32> to vector<16xf32>
      %mul3A_609 = arith.mulf %get3A_608, %get3A_72 : vector<16xf32>
      %add3A_610 = arith.addf %mul3A_604, %mul3A_609 : vector<16xf32>
      %swap3A_611 = arith.index_cast %scan3A_60 : i32 to index
      %swap3A_612 = arith.constant 528 : index
      %swap3A_613 = tpu.vector_load %arg10[%swap3A_611, %swap3A_612] {strides = array<i32>} : memref<32x768xf32, #tpu.memory_space<vmem>>, vector<1x16xf32>,
      %swap3A_614 = vector.shape_cast %swap3A_613 : vector<1x16xf32> to vector<16xf32>
      %swap3A_615 = vector.shape_cast %add3A_610 : vector<16xf32> to vector<1x16xf32>
      tpu.vector_store %arg10[%swap3A_611, %swap3A_612], %swap3A_615 {strides = array<i32>} : memref<32x768xf32, #tpu.memory_space<vmem>>, vector<1x16xf32>,
      %get3A_616 = arith.index_cast %scan3A_60 : i32 to index
      %get3A_617 = arith.constant 544 : index
      %get3A_618 = tpu.vector_load %arg10[%get3A_616, %get3A_617] {strides = array<i32>} : memref<32x768xf32, #tpu.memory_space<vmem>>, vector<1x16xf32>,
      %get3A_619 = vector.shape_cast %get3A_618 : vector<1x16xf32> to vector<16xf32>
      %mul3A_620 = arith.mulf %get3A_619, %get3A_66 : vector<16xf32>
      %get3A_621 = arith.index_cast %scan3A_60 : i32 to index
      %get3A_622 = arith.constant 544 : index
      %get3A_623 = tpu.vector_load %arg11[%get3A_621, %get3A_622] {strides = array<i32>} : memref<32x768xf32, #tpu.memory_space<vmem>>, vector<1x16xf32>,
      %get3A_624 = vector.shape_cast %get3A_623 : vector<1x16xf32> to vector<16xf32>
      %mul3A_625 = arith.mulf %get3A_624, %get3A_72 : vector<16xf32>
      %add3A_626 = arith.addf %mul3A_620, %mul3A_625 : vector<16xf32>
      %swap3A_627 = arith.index_cast %scan3A_60 : i32 to index
      %swap3A_628 = arith.constant 544 : index
      %swap3A_629 = tpu.vector_load %arg10[%swap3A_627, %swap3A_628] {strides = array<i32>} : memref<32x768xf32, #tpu.memory_space<vmem>>, vector<1x16xf32>,
      %swap3A_630 = vector.shape_cast %swap3A_629 : vector<1x16xf32> to vector<16xf32>
      %swap3A_631 = vector.shape_cast %add3A_626 : vector<16xf32> to vector<1x16xf32>
      tpu.vector_store %arg10[%swap3A_627, %swap3A_628], %swap3A_631 {strides = array<i32>} : memref<32x768xf32, #tpu.memory_space<vmem>>, vector<1x16xf32>,
      %get3A_632 = arith.index_cast %scan3A_60 : i32 to index
      %get3A_633 = arith.constant 560 : index
      %get3A_634 = tpu.vector_load %arg10[%get3A_632, %get3A_633] {strides = array<i32>} : memref<32x768xf32, #tpu.memory_space<vmem>>, vector<1x16xf32>,
      %get3A_635 = vector.shape_cast %get3A_634 : vector<1x16xf32> to vector<16xf32>
      %mul3A_636 = arith.mulf %get3A_635, %get3A_66 : vector<16xf32>
      %get3A_637 = arith.index_cast %scan3A_60 : i32 to index
      %get3A_638 = arith.constant 560 : index
      %get3A_639 = tpu.vector_load %arg11[%get3A_637, %get3A_638] {strides = array<i32>} : memref<32x768xf32, #tpu.memory_space<vmem>>, vector<1x16xf32>,
      %get3A_640 = vector.shape_cast %get3A_639 : vector<1x16xf32> to vector<16xf32>
      %mul3A_641 = arith.mulf %get3A_640, %get3A_72 : vector<16xf32>
      %add3A_642 = arith.addf %mul3A_636, %mul3A_641 : vector<16xf32>
      %swap3A_643 = arith.index_cast %scan3A_60 : i32 to index
      %swap3A_644 = arith.constant 560 : index
      %swap3A_645 = tpu.vector_load %arg10[%swap3A_643, %swap3A_644] {strides = array<i32>} : memref<32x768xf32, #tpu.memory_space<vmem>>, vector<1x16xf32>,
      %swap3A_646 = vector.shape_cast %swap3A_645 : vector<1x16xf32> to vector<16xf32>
      %swap3A_647 = vector.shape_cast %add3A_642 : vector<16xf32> to vector<1x16xf32>
      tpu.vector_store %arg10[%swap3A_643, %swap3A_644], %swap3A_647 {strides = array<i32>} : memref<32x768xf32, #tpu.memory_space<vmem>>, vector<1x16xf32>,
      %get3A_648 = arith.index_cast %scan3A_60 : i32 to index
      %get3A_649 = arith.constant 576 : index
      %get3A_650 = tpu.vector_load %arg10[%get3A_648, %get3A_649] {strides = array<i32>} : memref<32x768xf32, #tpu.memory_space<vmem>>, vector<1x16xf32>,
      %get3A_651 = vector.shape_cast %get3A_650 : vector<1x16xf32> to vector<16xf32>
      %mul3A_652 = arith.mulf %get3A_651, %get3A_66 : vector<16xf32>
      %get3A_653 = arith.index_cast %scan3A_60 : i32 to index
      %get3A_654 = arith.constant 576 : index
      %get3A_655 = tpu.vector_load %arg11[%get3A_653, %get3A_654] {strides = array<i32>} : memref<32x768xf32, #tpu.memory_space<vmem>>, vector<1x16xf32>,
      %get3A_656 = vector.shape_cast %get3A_655 : vector<1x16xf32> to vector<16xf32>
      %mul3A_657 = arith.mulf %get3A_656, %get3A_72 : vector<16xf32>
      %add3A_658 = arith.addf %mul3A_652, %mul3A_657 : vector<16xf32>
      %swap3A_659 = arith.index_cast %scan3A_60 : i32 to index
      %swap3A_660 = arith.constant 576 : index
      %swap3A_661 = tpu.vector_load %arg10[%swap3A_659, %swap3A_660] {strides = array<i32>} : memref<32x768xf32, #tpu.memory_space<vmem>>, vector<1x16xf32>,
      %swap3A_662 = vector.shape_cast %swap3A_661 : vector<1x16xf32> to vector<16xf32>
      %swap3A_663 = vector.shape_cast %add3A_658 : vector<16xf32> to vector<1x16xf32>
      tpu.vector_store %arg10[%swap3A_659, %swap3A_660], %swap3A_663 {strides = array<i32>} : memref<32x768xf32, #tpu.memory_space<vmem>>, vector<1x16xf32>,
      %get3A_664 = arith.index_cast %scan3A_60 : i32 to index
      %get3A_665 = arith.constant 592 : index
      %get3A_666 = tpu.vector_load %arg10[%get3A_664, %get3A_665] {strides = array<i32>} : memref<32x768xf32, #tpu.memory_space<vmem>>, vector<1x16xf32>,
      %get3A_667 = vector.shape_cast %get3A_666 : vector<1x16xf32> to vector<16xf32>
      %mul3A_668 = arith.mulf %get3A_667, %get3A_66 : vector<16xf32>
      %get3A_669 = arith.index_cast %scan3A_60 : i32 to index
      %get3A_670 = arith.constant 592 : index
      %get3A_671 = tpu.vector_load %arg11[%get3A_669, %get3A_670] {strides = array<i32>} : memref<32x768xf32, #tpu.memory_space<vmem>>, vector<1x16xf32>,
      %get3A_672 = vector.shape_cast %get3A_671 : vector<1x16xf32> to vector<16xf32>
      %mul3A_673 = arith.mulf %get3A_672, %get3A_72 : vector<16xf32>
      %add3A_674 = arith.addf %mul3A_668, %mul3A_673 : vector<16xf32>
      %swap3A_675 = arith.index_cast %scan3A_60 : i32 to index
      %swap3A_676 = arith.constant 592 : index
      %swap3A_677 = tpu.vector_load %arg10[%swap3A_675, %swap3A_676] {strides = array<i32>} : memref<32x768xf32, #tpu.memory_space<vmem>>, vector<1x16xf32>,
      %swap3A_678 = vector.shape_cast %swap3A_677 : vector<1x16xf32> to vector<16xf32>
      %swap3A_679 = vector.shape_cast %add3A_674 : vector<16xf32> to vector<1x16xf32>
      tpu.vector_store %arg10[%swap3A_675, %swap3A_676], %swap3A_679 {strides = array<i32>} : memref<32x768xf32, #tpu.memory_space<vmem>>, vector<1x16xf32>,
      %get3A_680 = arith.index_cast %scan3A_60 : i32 to index
      %get3A_681 = arith.constant 608 : index
      %get3A_682 = tpu.vector_load %arg10[%get3A_680, %get3A_681] {strides = array<i32>} : memref<32x768xf32, #tpu.memory_space<vmem>>, vector<1x16xf32>,
      %get3A_683 = vector.shape_cast %get3A_682 : vector<1x16xf32> to vector<16xf32>
      %mul3A_684 = arith.mulf %get3A_683, %get3A_66 : vector<16xf32>
      %get3A_685 = arith.index_cast %scan3A_60 : i32 to index
      %get3A_686 = arith.constant 608 : index
      %get3A_687 = tpu.vector_load %arg11[%get3A_685, %get3A_686] {strides = array<i32>} : memref<32x768xf32, #tpu.memory_space<vmem>>, vector<1x16xf32>,
      %get3A_688 = vector.shape_cast %get3A_687 : vector<1x16xf32> to vector<16xf32>
      %mul3A_689 = arith.mulf %get3A_688, %get3A_72 : vector<16xf32>
      %add3A_690 = arith.addf %mul3A_684, %mul3A_689 : vector<16xf32>
      %swap3A_691 = arith.index_cast %scan3A_60 : i32 to index
      %swap3A_692 = arith.constant 608 : index
      %swap3A_693 = tpu.vector_load %arg10[%swap3A_691, %swap3A_692] {strides = array<i32>} : memref<32x768xf32, #tpu.memory_space<vmem>>, vector<1x16xf32>,
      %swap3A_694 = vector.shape_cast %swap3A_693 : vector<1x16xf32> to vector<16xf32>
      %swap3A_695 = vector.shape_cast %add3A_690 : vector<16xf32> to vector<1x16xf32>
      tpu.vector_store %arg10[%swap3A_691, %swap3A_692], %swap3A_695 {strides = array<i32>} : memref<32x768xf32, #tpu.memory_space<vmem>>, vector<1x16xf32>,
      %get3A_696 = arith.index_cast %scan3A_60 : i32 to index
      %get3A_697 = arith.constant 624 : index
      %get3A_698 = tpu.vector_load %arg10[%get3A_696, %get3A_697] {strides = array<i32>} : memref<32x768xf32, #tpu.memory_space<vmem>>, vector<1x16xf32>,
      %get3A_699 = vector.shape_cast %get3A_698 : vector<1x16xf32> to vector<16xf32>
      %mul3A_700 = arith.mulf %get3A_699, %get3A_66 : vector<16xf32>
      %get3A_701 = arith.index_cast %scan3A_60 : i32 to index
      %get3A_702 = arith.constant 624 : index
      %get3A_703 = tpu.vector_load %arg11[%get3A_701, %get3A_702] {strides = array<i32>} : memref<32x768xf32, #tpu.memory_space<vmem>>, vector<1x16xf32>,
      %get3A_704 = vector.shape_cast %get3A_703 : vector<1x16xf32> to vector<16xf32>
      %mul3A_705 = arith.mulf %get3A_704, %get3A_72 : vector<16xf32>
      %add3A_706 = arith.addf %mul3A_700, %mul3A_705 : vector<16xf32>
      %swap3A_707 = arith.index_cast %scan3A_60 : i32 to index
      %swap3A_708 = arith.constant 624 : index
      %swap3A_709 = tpu.vector_load %arg10[%swap3A_707, %swap3A_708] {strides = array<i32>} : memref<32x768xf32, #tpu.memory_space<vmem>>, vector<1x16xf32>,
      %swap3A_710 = vector.shape_cast %swap3A_709 : vector<1x16xf32> to vector<16xf32>
      %swap3A_711 = vector.shape_cast %add3A_706 : vector<16xf32> to vector<1x16xf32>
      tpu.vector_store %arg10[%swap3A_707, %swap3A_708], %swap3A_711 {strides = array<i32>} : memref<32x768xf32, #tpu.memory_space<vmem>>, vector<1x16xf32>,
      %get3A_712 = arith.index_cast %scan3A_60 : i32 to index
      %get3A_713 = arith.constant 640 : index
      %get3A_714 = tpu.vector_load %arg10[%get3A_712, %get3A_713] {strides = array<i32>} : memref<32x768xf32, #tpu.memory_space<vmem>>, vector<1x16xf32>,
      %get3A_715 = vector.shape_cast %get3A_714 : vector<1x16xf32> to vector<16xf32>
      %mul3A_716 = arith.mulf %get3A_715, %get3A_66 : vector<16xf32>
      %get3A_717 = arith.index_cast %scan3A_60 : i32 to index
      %get3A_718 = arith.constant 640 : index
      %get3A_719 = tpu.vector_load %arg11[%get3A_717, %get3A_718] {strides = array<i32>} : memref<32x768xf32, #tpu.memory_space<vmem>>, vector<1x16xf32>,
      %get3A_720 = vector.shape_cast %get3A_719 : vector<1x16xf32> to vector<16xf32>
      %mul3A_721 = arith.mulf %get3A_720, %get3A_72 : vector<16xf32>
      %add3A_722 = arith.addf %mul3A_716, %mul3A_721 : vector<16xf32>
      %swap3A_723 = arith.index_cast %scan3A_60 : i32 to index
      %swap3A_724 = arith.constant 640 : index
      %swap3A_725 = tpu.vector_load %arg10[%swap3A_723, %swap3A_724] {strides = array<i32>} : memref<32x768xf32, #tpu.memory_space<vmem>>, vector<1x16xf32>,
      %swap3A_726 = vector.shape_cast %swap3A_725 : vector<1x16xf32> to vector<16xf32>
      %swap3A_727 = vector.shape_cast %add3A_722 : vector<16xf32> to vector<1x16xf32>
      tpu.vector_store %arg10[%swap3A_723, %swap3A_724], %swap3A_727 {strides = array<i32>} : memref<32x768xf32, #tpu.memory_space<vmem>>, vector<1x16xf32>,
      %get3A_728 = arith.index_cast %scan3A_60 : i32 to index
      %get3A_729 = arith.constant 656 : index
      %get3A_730 = tpu.vector_load %arg10[%get3A_728, %get3A_729] {strides = array<i32>} : memref<32x768xf32, #tpu.memory_space<vmem>>, vector<1x16xf32>,
      %get3A_731 = vector.shape_cast %get3A_730 : vector<1x16xf32> to vector<16xf32>
      %mul3A_732 = arith.mulf %get3A_731, %get3A_66 : vector<16xf32>
      %get3A_733 = arith.index_cast %scan3A_60 : i32 to index
      %get3A_734 = arith.constant 656 : index
      %get3A_735 = tpu.vector_load %arg11[%get3A_733, %get3A_734] {strides = array<i32>} : memref<32x768xf32, #tpu.memory_space<vmem>>, vector<1x16xf32>,
      %get3A_736 = vector.shape_cast %get3A_735 : vector<1x16xf32> to vector<16xf32>
      %mul3A_737 = arith.mulf %get3A_736, %get3A_72 : vector<16xf32>
      %add3A_738 = arith.addf %mul3A_732, %mul3A_737 : vector<16xf32>
      %swap3A_739 = arith.index_cast %scan3A_60 : i32 to index
      %swap3A_740 = arith.constant 656 : index
      %swap3A_741 = tpu.vector_load %arg10[%swap3A_739, %swap3A_740] {strides = array<i32>} : memref<32x768xf32, #tpu.memory_space<vmem>>, vector<1x16xf32>,
      %swap3A_742 = vector.shape_cast %swap3A_741 : vector<1x16xf32> to vector<16xf32>
      %swap3A_743 = vector.shape_cast %add3A_738 : vector<16xf32> to vector<1x16xf32>
      tpu.vector_store %arg10[%swap3A_739, %swap3A_740], %swap3A_743 {strides = array<i32>} : memref<32x768xf32, #tpu.memory_space<vmem>>, vector<1x16xf32>,
      %get3A_744 = arith.index_cast %scan3A_60 : i32 to index
      %get3A_745 = arith.constant 672 : index
      %get3A_746 = tpu.vector_load %arg10[%get3A_744, %get3A_745] {strides = array<i32>} : memref<32x768xf32, #tpu.memory_space<vmem>>, vector<1x16xf32>,
      %get3A_747 = vector.shape_cast %get3A_746 : vector<1x16xf32> to vector<16xf32>
      %mul3A_748 = arith.mulf %get3A_747, %get3A_66 : vector<16xf32>
      %get3A_749 = arith.index_cast %scan3A_60 : i32 to index
      %get3A_750 = arith.constant 672 : index
      %get3A_751 = tpu.vector_load %arg11[%get3A_749, %get3A_750] {strides = array<i32>} : memref<32x768xf32, #tpu.memory_space<vmem>>, vector<1x16xf32>,
      %get3A_752 = vector.shape_cast %get3A_751 : vector<1x16xf32> to vector<16xf32>
      %mul3A_753 = arith.mulf %get3A_752, %get3A_72 : vector<16xf32>
      %add3A_754 = arith.addf %mul3A_748, %mul3A_753 : vector<16xf32>
      %swap3A_755 = arith.index_cast %scan3A_60 : i32 to index
      %swap3A_756 = arith.constant 672 : index
      %swap3A_757 = tpu.vector_load %arg10[%swap3A_755, %swap3A_756] {strides = array<i32>} : memref<32x768xf32, #tpu.memory_space<vmem>>, vector<1x16xf32>,
      %swap3A_758 = vector.shape_cast %swap3A_757 : vector<1x16xf32> to vector<16xf32>
      %swap3A_759 = vector.shape_cast %add3A_754 : vector<16xf32> to vector<1x16xf32>
      tpu.vector_store %arg10[%swap3A_755, %swap3A_756], %swap3A_759 {strides = array<i32>} : memref<32x768xf32, #tpu.memory_space<vmem>>, vector<1x16xf32>,
      %get3A_760 = arith.index_cast %scan3A_60 : i32 to index
      %get3A_761 = arith.constant 688 : index
      %get3A_762 = tpu.vector_load %arg10[%get3A_760, %get3A_761] {strides = array<i32>} : memref<32x768xf32, #tpu.memory_space<vmem>>, vector<1x16xf32>,
      %get3A_763 = vector.shape_cast %get3A_762 : vector<1x16xf32> to vector<16xf32>
      %mul3A_764 = arith.mulf %get3A_763, %get3A_66 : vector<16xf32>
      %get3A_765 = arith.index_cast %scan3A_60 : i32 to index
      %get3A_766 = arith.constant 688 : index
      %get3A_767 = tpu.vector_load %arg11[%get3A_765, %get3A_766] {strides = array<i32>} : memref<32x768xf32, #tpu.memory_space<vmem>>, vector<1x16xf32>,
      %get3A_768 = vector.shape_cast %get3A_767 : vector<1x16xf32> to vector<16xf32>
      %mul3A_769 = arith.mulf %get3A_768, %get3A_72 : vector<16xf32>
      %add3A_770 = arith.addf %mul3A_764, %mul3A_769 : vector<16xf32>
      %swap3A_771 = arith.index_cast %scan3A_60 : i32 to index
      %swap3A_772 = arith.constant 688 : index
      %swap3A_773 = tpu.vector_load %arg10[%swap3A_771, %swap3A_772] {strides = array<i32>} : memref<32x768xf32, #tpu.memory_space<vmem>>, vector<1x16xf32>,
      %swap3A_774 = vector.shape_cast %swap3A_773 : vector<1x16xf32> to vector<16xf32>
      %swap3A_775 = vector.shape_cast %add3A_770 : vector<16xf32> to vector<1x16xf32>
      tpu.vector_store %arg10[%swap3A_771, %swap3A_772], %swap3A_775 {strides = array<i32>} : memref<32x768xf32, #tpu.memory_space<vmem>>, vector<1x16xf32>,
      %get3A_776 = arith.index_cast %scan3A_60 : i32 to index
      %get3A_777 = arith.constant 704 : index
      %get3A_778 = tpu.vector_load %arg10[%get3A_776, %get3A_777] {strides = array<i32>} : memref<32x768xf32, #tpu.memory_space<vmem>>, vector<1x16xf32>,
      %get3A_779 = vector.shape_cast %get3A_778 : vector<1x16xf32> to vector<16xf32>
      %mul3A_780 = arith.mulf %get3A_779, %get3A_66 : vector<16xf32>
      %get3A_781 = arith.index_cast %scan3A_60 : i32 to index
      %get3A_782 = arith.constant 704 : index
      %get3A_783 = tpu.vector_load %arg11[%get3A_781, %get3A_782] {strides = array<i32>} : memref<32x768xf32, #tpu.memory_space<vmem>>, vector<1x16xf32>,
      %get3A_784 = vector.shape_cast %get3A_783 : vector<1x16xf32> to vector<16xf32>
      %mul3A_785 = arith.mulf %get3A_784, %get3A_72 : vector<16xf32>
      %add3A_786 = arith.addf %mul3A_780, %mul3A_785 : vector<16xf32>
      %swap3A_787 = arith.index_cast %scan3A_60 : i32 to index
      %swap3A_788 = arith.constant 704 : index
      %swap3A_789 = tpu.vector_load %arg10[%swap3A_787, %swap3A_788] {strides = array<i32>} : memref<32x768xf32, #tpu.memory_space<vmem>>, vector<1x16xf32>,
      %swap3A_790 = vector.shape_cast %swap3A_789 : vector<1x16xf32> to vector<16xf32>
      %swap3A_791 = vector.shape_cast %add3A_786 : vector<16xf32> to vector<1x16xf32>
      tpu.vector_store %arg10[%swap3A_787, %swap3A_788], %swap3A_791 {strides = array<i32>} : memref<32x768xf32, #tpu.memory_space<vmem>>, vector<1x16xf32>,
      %get3A_792 = arith.index_cast %scan3A_60 : i32 to index
      %get3A_793 = arith.constant 720 : index
      %get3A_794 = tpu.vector_load %arg10[%get3A_792, %get3A_793] {strides = array<i32>} : memref<32x768xf32, #tpu.memory_space<vmem>>, vector<1x16xf32>,
      %get3A_795 = vector.shape_cast %get3A_794 : vector<1x16xf32> to vector<16xf32>
      %mul3A_796 = arith.mulf %get3A_795, %get3A_66 : vector<16xf32>
      %get3A_797 = arith.index_cast %scan3A_60 : i32 to index
      %get3A_798 = arith.constant 720 : index
      %get3A_799 = tpu.vector_load %arg11[%get3A_797, %get3A_798] {strides = array<i32>} : memref<32x768xf32, #tpu.memory_space<vmem>>, vector<1x16xf32>,
      %get3A_800 = vector.shape_cast %get3A_799 : vector<1x16xf32> to vector<16xf32>
      %mul3A_801 = arith.mulf %get3A_800, %get3A_72 : vector<16xf32>
      %add3A_802 = arith.addf %mul3A_796, %mul3A_801 : vector<16xf32>
      %swap3A_803 = arith.index_cast %scan3A_60 : i32 to index
      %swap3A_804 = arith.constant 720 : index
      %swap3A_805 = tpu.vector_load %arg10[%swap3A_803, %swap3A_804] {strides = array<i32>} : memref<32x768xf32, #tpu.memory_space<vmem>>, vector<1x16xf32>,
      %swap3A_806 = vector.shape_cast %swap3A_805 : vector<1x16xf32> to vector<16xf32>
      %swap3A_807 = vector.shape_cast %add3A_802 : vector<16xf32> to vector<1x16xf32>
      tpu.vector_store %arg10[%swap3A_803, %swap3A_804], %swap3A_807 {strides = array<i32>} : memref<32x768xf32, #tpu.memory_space<vmem>>, vector<1x16xf32>,
      %get3A_808 = arith.index_cast %scan3A_60 : i32 to index
      %get3A_809 = arith.constant 736 : index
      %get3A_810 = tpu.vector_load %arg10[%get3A_808, %get3A_809] {strides = array<i32>} : memref<32x768xf32, #tpu.memory_space<vmem>>, vector<1x16xf32>,
      %get3A_811 = vector.shape_cast %get3A_810 : vector<1x16xf32> to vector<16xf32>
      %mul3A_812 = arith.mulf %get3A_811, %get3A_66 : vector<16xf32>
      %get3A_813 = arith.index_cast %scan3A_60 : i32 to index
      %get3A_814 = arith.constant 736 : index
      %get3A_815 = tpu.vector_load %arg11[%get3A_813, %get3A_814] {strides = array<i32>} : memref<32x768xf32, #tpu.memory_space<vmem>>, vector<1x16xf32>,
      %get3A_816 = vector.shape_cast %get3A_815 : vector<1x16xf32> to vector<16xf32>
      %mul3A_817 = arith.mulf %get3A_816, %get3A_72 : vector<16xf32>
      %add3A_818 = arith.addf %mul3A_812, %mul3A_817 : vector<16xf32>
      %swap3A_819 = arith.index_cast %scan3A_60 : i32 to index
      %swap3A_820 = arith.constant 736 : index
      %swap3A_821 = tpu.vector_load %arg10[%swap3A_819, %swap3A_820] {strides = array<i32>} : memref<32x768xf32, #tpu.memory_space<vmem>>, vector<1x16xf32>,
      %swap3A_822 = vector.shape_cast %swap3A_821 : vector<1x16xf32> to vector<16xf32>
      %swap3A_823 = vector.shape_cast %add3A_818 : vector<16xf32> to vector<1x16xf32>
      tpu.vector_store %arg10[%swap3A_819, %swap3A_820], %swap3A_823 {strides = array<i32>} : memref<32x768xf32, #tpu.memory_space<vmem>>, vector<1x16xf32>,
      %get3A_824 = arith.index_cast %scan3A_60 : i32 to index
      %get3A_825 = arith.constant 752 : index
      %get3A_826 = tpu.vector_load %arg10[%get3A_824, %get3A_825] {strides = array<i32>} : memref<32x768xf32, #tpu.memory_space<vmem>>, vector<1x16xf32>,
      %get3A_827 = vector.shape_cast %get3A_826 : vector<1x16xf32> to vector<16xf32>
      %mul3A_828 = arith.mulf %get3A_827, %get3A_66 : vector<16xf32>
      %get3A_829 = arith.index_cast %scan3A_60 : i32 to index
      %get3A_830 = arith.constant 752 : index
      %get3A_831 = tpu.vector_load %arg11[%get3A_829, %get3A_830] {strides = array<i32>} : memref<32x768xf32, #tpu.memory_space<vmem>>, vector<1x16xf32>,
      %get3A_832 = vector.shape_cast %get3A_831 : vector<1x16xf32> to vector<16xf32>
      %mul3A_833 = arith.mulf %get3A_832, %get3A_72 : vector<16xf32>
      %add3A_834 = arith.addf %mul3A_828, %mul3A_833 : vector<16xf32>
      %swap3A_835 = arith.index_cast %scan3A_60 : i32 to index
      %swap3A_836 = arith.constant 752 : index
      %swap3A_837 = tpu.vector_load %arg10[%swap3A_835, %swap3A_836] {strides = array<i32>} : memref<32x768xf32, #tpu.memory_space<vmem>>, vector<1x16xf32>,
      %swap3A_838 = vector.shape_cast %swap3A_837 : vector<1x16xf32> to vector<16xf32>
      %swap3A_839 = vector.shape_cast %add3A_834 : vector<16xf32> to vector<1x16xf32>
      tpu.vector_store %arg10[%swap3A_835, %swap3A_836], %swap3A_839 {strides = array<i32>} : memref<32x768xf32, #tpu.memory_space<vmem>>, vector<1x16xf32>,
      %scan3A_840 = arith.constant 0 : i32
      scf.yield %scan3A_840 : i32
    }
    %scan3A_45 = arith.constant 32 : i32
    %add3A_46 = arith.constant 32 : i32
    %add3A_47 = arith.addi %mul3A_2, %add3A_46 : i32
    %dma_start3A_48 = arith.constant 0 : i32
    %dma_start3A_49 = tpu.memref_slice %arg7[%add3A_47, %dma_start3A_48] : memref<2048x768xf32, #tpu.memory_space<hbm>> -> memref<32x768xf32, #tpu.memory_space<hbm>>
    %dma_start3A_50 = arith.constant 0 : i32
    %dma_start3A_51 = tpu.memref_slice %arg7[%add3A_47, %dma_start3A_50] : memref<2048x768xf32, #tpu.memory_space<hbm>> -> memref<32x768xf32, #tpu.memory_space<hbm>>
    tpu.enqueue_dma source(%arg10 : memref<32x768xf32, #tpu.memory_space<vmem>>) target(%dma_start3A_51 : memref<32x768xf32, #tpu.memory_space<hbm>>) target_semaphore(%arg20 : memref<!tpu.dma_semaphore, #tpu.memory_space<semaphore_mem>>)
    %dma_wait3A_52 = arith.constant 0 : i32
    %dma_wait3A_53 = tpu.memref_slice %arg7[%mul3A_2, %dma_wait3A_52] : memref<2048x768xf32, #tpu.memory_space<hbm>> -> memref<32x768xf32, #tpu.memory_space<hbm>>
    %dma_wait3A_54 = arith.constant 0 : i32
    %dma_wait3A_55 = tpu.memref_slice %arg7[%mul3A_2, %dma_wait3A_54] : memref<2048x768xf32, #tpu.memory_space<hbm>> -> memref<32x768xf32, #tpu.memory_space<hbm>>
    tpu.wait_dma2 semaphore(%arg20 : memref<!tpu.dma_semaphore, #tpu.memory_space<semaphore_mem>>) src(%arg8 : memref<32x768xf32, #tpu.memory_space<vmem>>) dst(%dma_wait3A_55 : memref<32x768xf32, #tpu.memory_space<hbm>>)
    %dma_wait3A_56 = arith.constant 0 : i32
    %dma_wait3A_57 = tpu.memref_slice %arg7[%add3A_47, %dma_wait3A_56] : memref<2048x768xf32, #tpu.memory_space<hbm>> -> memref<32x768xf32, #tpu.memory_space<hbm>>
    %dma_wait3A_58 = arith.constant 0 : i32
    %dma_wait3A_59 = tpu.memref_slice %arg7[%add3A_47, %dma_wait3A_58] : memref<2048x768xf32, #tpu.memory_space<hbm>> -> memref<32x768xf32, #tpu.memory_space<hbm>>
    tpu.wait_dma2 semaphore(%arg20 : memref<!tpu.dma_semaphore, #tpu.memory_space<semaphore_mem>>) src(%arg10 : memref<32x768xf32, #tpu.memory_space<vmem>>) dst(%dma_wait3A_59 : memref<32x768xf32, #tpu.memory_space<hbm>>)
    return
  }
}

module attributes {stable_mosaic.version = 14 : i64} {
  func.func @_expert_body(%arg0: i32, %arg1: memref<40xi32, #tpu.memory_space<smem>>, %arg2: memref<128x768xf32, #tpu.memory_space<vmem>>, %arg3: memref<1x768x768xf32, #tpu.memory_space<vmem>>, %arg4: memref<1x1x768xf32, #tpu.memory_space<vmem>>, %arg5: memref<1x768x768xf32, #tpu.memory_space<vmem>>, %arg6: memref<1x1x768xf32, #tpu.memory_space<vmem>>, %arg7: memref<128x768xf32, #tpu.memory_space<vmem>>) attributes {dimension_semantics = [#tpu.dimension_semantics<arbitrary>], iteration_bounds = array<i64: 40>, scalar_prefetch = 1 : i64, scratch_operands = 0 : i64, tpu.core_type = #tpu.core_type<tc>, window_params = [{transform_indices = @transform_0, window_bounds = array<i64: 128, 768>}, {transform_indices = @transform_1, window_bounds = array<i64: 1, 768, 768>}, {transform_indices = @transform_2, window_bounds = array<i64: 1, 1, 768>}, {transform_indices = @transform_3, window_bounds = array<i64: 1, 768, 768>}, {transform_indices = @transform_4, window_bounds = array<i64: 1, 1, 768>}, {transform_indices = @transform_5, window_bounds = array<i64: 128, 768>}]} {
    %get3A = arith.constant 0 : index
    %get3A_0 = arith.constant 0 : index
    %get3A_1 = vector.load %arg2[%get3A, %get3A_0] : memref<128x768xf32, #tpu.memory_space<vmem>>, vector<128x768xf32>
    %get3A_2 = arith.constant 0 : index
    %get3A_3 = arith.constant 0 : index
    %get3A_4 = arith.constant 0 : index
    %get3A_5 = vector.load %arg3[%get3A_2, %get3A_3, %get3A_4] : memref<1x768x768xf32, #tpu.memory_space<vmem>>, vector<1x768x768xf32>
    %get3A_6 = vector.shape_cast %get3A_5 : vector<1x768x768xf32> to vector<768x768xf32>
    %dot_general3A = arith.constant dense<0.000000e+00> : vector<128x768xf32>
    %dot_general3A_7 = tpu.matmul %get3A_1, %get3A_6, %dot_general3A {dimension_numbers = #tpu.dot_dimension_numbers<[1], [0], [0], [1], [0, 0, 1, 1], [], []>, transpose_lhs_hint = false} : vector<128x768xf32>, vector<768x768xf32>, vector<128x768xf32> -> vector<128x768xf32>
    %get3A_8 = arith.constant 0 : index
    %get3A_9 = arith.constant 0 : index
    %get3A_10 = arith.constant 0 : index
    %get3A_11 = vector.load %arg4[%get3A_8, %get3A_9, %get3A_10] : memref<1x1x768xf32, #tpu.memory_space<vmem>>, vector<1x1x768xf32>
    %get3A_12 = vector.shape_cast %get3A_11 : vector<1x1x768xf32> to vector<1x768xf32>
    %add3A = vector.broadcast %get3A_12 : vector<1x768xf32> to vector<128x768xf32>
    %add3A_13 = arith.addf %dot_general3A_7, %add3A : vector<128x768xf32>
    %max3A = arith.constant 0.000000e+00 : f32
    %max3A_14 = vector.broadcast %max3A : f32 to vector<128x768xf32>
    %max3A_15 = arith.maximumf %add3A_13, %max3A_14 : vector<128x768xf32>
    %get3A_16 = arith.constant 0 : index
    %get3A_17 = arith.constant 0 : index
    %get3A_18 = arith.constant 0 : index
    %get3A_19 = vector.load %arg5[%get3A_16, %get3A_17, %get3A_18] : memref<1x768x768xf32, #tpu.memory_space<vmem>>, vector<1x768x768xf32>
    %get3A_20 = vector.shape_cast %get3A_19 : vector<1x768x768xf32> to vector<768x768xf32>
    %dot_general3A_21 = arith.constant dense<0.000000e+00> : vector<128x768xf32>
    %dot_general3A_22 = tpu.matmul %max3A_15, %get3A_20, %dot_general3A_21 {dimension_numbers = #tpu.dot_dimension_numbers<[1], [0], [0], [1], [0, 0, 1, 1], [], []>, transpose_lhs_hint = false} : vector<128x768xf32>, vector<768x768xf32>, vector<128x768xf32> -> vector<128x768xf32>
    %get3A_23 = arith.constant 0 : index
    %get3A_24 = arith.constant 0 : index
    %get3A_25 = arith.constant 0 : index
    %get3A_26 = vector.load %arg6[%get3A_23, %get3A_24, %get3A_25] : memref<1x1x768xf32, #tpu.memory_space<vmem>>, vector<1x1x768xf32>
    %get3A_27 = vector.shape_cast %get3A_26 : vector<1x1x768xf32> to vector<1x768xf32>
    %add3A_28 = vector.broadcast %get3A_27 : vector<1x768xf32> to vector<128x768xf32>
    %add3A_29 = arith.addf %dot_general3A_22, %add3A_28 : vector<128x768xf32>
    %swap3A = arith.constant 0 : index
    %swap3A_30 = arith.constant 0 : index
    %swap3A_31 = vector.load %arg7[%swap3A, %swap3A_30] : memref<128x768xf32, #tpu.memory_space<vmem>>, vector<128x768xf32>
    tpu.vector_store %arg7[%swap3A, %swap3A_30], %add3A_29 {strides = array<i32>} : memref<128x768xf32, #tpu.memory_space<vmem>>, vector<128x768xf32>,
    return
  }
  func.func @transform_0(%arg0: i32, %arg1: memref<40xi32, #tpu.memory_space<smem>>) -> (i32, i32) {
    %c0_i32 = arith.constant 0 : i32
    %c0_i32_0 = arith.constant 0 : i32
    return %arg0, %c0_i32 : i32, i32
  }
  func.func @transform_1(%arg0: i32, %arg1: memref<40xi32, #tpu.memory_space<smem>>) -> (i32, i32, i32) {
    %get3A = arith.index_cast %arg0 : i32 to index
    %get3A_0 = memref.load %arg1[%get3A] : memref<40xi32, #tpu.memory_space<smem>>
    %c0_i32 = arith.constant 0 : i32
    %c0_i32_1 = arith.constant 0 : i32
    %c0_i32_2 = arith.constant 0 : i32
    return %get3A_0, %c0_i32, %c0_i32_1 : i32, i32, i32
  }
  func.func @transform_2(%arg0: i32, %arg1: memref<40xi32, #tpu.memory_space<smem>>) -> (i32, i32, i32) {
    %get3A = arith.index_cast %arg0 : i32 to index
    %get3A_0 = memref.load %arg1[%get3A] : memref<40xi32, #tpu.memory_space<smem>>
    %c0_i32 = arith.constant 0 : i32
    %c0_i32_1 = arith.constant 0 : i32
    %c0_i32_2 = arith.constant 0 : i32
    return %get3A_0, %c0_i32, %c0_i32_1 : i32, i32, i32
  }
  func.func @transform_3(%arg0: i32, %arg1: memref<40xi32, #tpu.memory_space<smem>>) -> (i32, i32, i32) {
    %get3A = arith.index_cast %arg0 : i32 to index
    %get3A_0 = memref.load %arg1[%get3A] : memref<40xi32, #tpu.memory_space<smem>>
    %c0_i32 = arith.constant 0 : i32
    %c0_i32_1 = arith.constant 0 : i32
    %c0_i32_2 = arith.constant 0 : i32
    return %get3A_0, %c0_i32, %c0_i32_1 : i32, i32, i32
  }
  func.func @transform_4(%arg0: i32, %arg1: memref<40xi32, #tpu.memory_space<smem>>) -> (i32, i32, i32) {
    %get3A = arith.index_cast %arg0 : i32 to index
    %get3A_0 = memref.load %arg1[%get3A] : memref<40xi32, #tpu.memory_space<smem>>
    %c0_i32 = arith.constant 0 : i32
    %c0_i32_1 = arith.constant 0 : i32
    %c0_i32_2 = arith.constant 0 : i32
    return %get3A_0, %c0_i32, %c0_i32_1 : i32, i32, i32
  }
  func.func @transform_5(%arg0: i32, %arg1: memref<40xi32, #tpu.memory_space<smem>>) -> (i32, i32) {
    %c0_i32 = arith.constant 0 : i32
    %c0_i32_0 = arith.constant 0 : i32
    return %arg0, %c0_i32 : i32, i32
  }
}

module attributes {stable_mosaic.version = 14 : i64} {
  func.func @_router_body(%arg0: i32, %arg1: memref<256x768xf32, #tpu.memory_space<vmem>>, %arg2: memref<768x8xf32, #tpu.memory_space<vmem>>, %arg3: memref<1x8xf32, #tpu.memory_space<vmem>>, %arg4: memref<2048x1xi32, #tpu.memory_space<vmem>>, %arg5: memref<2048x1xi32, #tpu.memory_space<vmem>>, %arg6: memref<2048x16xf32, #tpu.memory_space<vmem>>, %arg7: memref<2048x16xf32, #tpu.memory_space<vmem>>, %arg8: memref<40x1xi32, #tpu.memory_space<vmem>>, %arg9: memref<2048x8xf32, #tpu.memory_space<vmem>>, %arg10: memref<2048x8xf32, #tpu.memory_space<vmem>>, %arg11: memref<2048x8xf32, #tpu.memory_space<vmem>>) attributes {dimension_semantics = [#tpu.dimension_semantics<arbitrary>], iteration_bounds = array<i64: 8>, scalar_prefetch = 0 : i64, scratch_operands = 3 : i64, tpu.core_type = #tpu.core_type<tc>, window_params = [{transform_indices = @transform_0, window_bounds = array<i64: 256, 768>}, {pipeline_mode = #tpu.pipeline_mode<synchronous>, transform_indices = @transform_1, window_bounds = array<i64: 768, 8>}, {pipeline_mode = #tpu.pipeline_mode<synchronous>, transform_indices = @transform_2, window_bounds = array<i64: 1, 8>}, {pipeline_mode = #tpu.pipeline_mode<synchronous>, transform_indices = @transform_3, window_bounds = array<i64: 2048, 1>}, {pipeline_mode = #tpu.pipeline_mode<synchronous>, transform_indices = @transform_4, window_bounds = array<i64: 2048, 1>}, {pipeline_mode = #tpu.pipeline_mode<synchronous>, transform_indices = @transform_5, window_bounds = array<i64: 2048, 16>}, {pipeline_mode = #tpu.pipeline_mode<synchronous>, transform_indices = @transform_6, window_bounds = array<i64: 2048, 16>}, {pipeline_mode = #tpu.pipeline_mode<synchronous>, transform_indices = @transform_7, window_bounds = array<i64: 40, 1>}]} {
    %mul3A = arith.constant 256 : i32
    %mul3A_0 = arith.muli %arg0, %mul3A : i32
    %get3A = arith.constant 0 : index
    %get3A_1 = arith.constant 0 : index
    %get3A_2 = vector.load %arg1[%get3A, %get3A_1] : memref<256x768xf32, #tpu.memory_space<vmem>>, vector<256x768xf32>
    %get3A_3 = arith.constant 0 : index
    %get3A_4 = arith.constant 0 : index
    %get3A_5 = vector.load %arg2[%get3A_3, %get3A_4] : memref<768x8xf32, #tpu.memory_space<vmem>>, vector<768x8xf32>
    %dot_general3A = arith.constant dense<0.000000e+00> : vector<256x8xf32>
    %dot_general3A_6 = tpu.matmul %get3A_2, %get3A_5, %dot_general3A {dimension_numbers = #tpu.dot_dimension_numbers<[1], [0], [0], [1], [0, 0, 1, 1], [], []>, transpose_lhs_hint = false} : vector<256x768xf32>, vector<768x8xf32>, vector<256x8xf32> -> vector<256x8xf32>
    %get3A_7 = arith.constant 0 : index
    %get3A_8 = arith.constant 0 : index
    %get3A_9 = vector.load %arg3[%get3A_7, %get3A_8] : memref<1x8xf32, #tpu.memory_space<vmem>>, vector<1x8xf32>
    %add3A = vector.broadcast %get3A_9 : vector<1x8xf32> to vector<256x8xf32>
    %add3A_10 = arith.addf %dot_general3A_6, %add3A : vector<256x8xf32>
    %iota3A = tpu.iota {dimensions = array<i32: 1>} : vector<256x8xi32>
    %reduce_max3A = arith.constant dense<0xFF800000> : vector<256xf32>
    %reduce_max3A_11 = vector.multi_reduction <maximumf>, %add3A_10, %reduce_max3A [1] : vector<256x8xf32> to vector<256xf32>
    %broadcast_in_dim3A = vector.shape_cast %reduce_max3A_11 : vector<256xf32> to vector<256x1xf32>
    %eq3A = vector.broadcast %broadcast_in_dim3A : vector<256x1xf32> to vector<256x8xf32>
    %eq3A_12 = arith.cmpf oeq, %add3A_10, %eq3A : vector<256x8xf32>
    %jit3A = arith.constant 8 : i32
    %broadcast_in_dim3A_13 = vector.broadcast %jit3A : i32 to vector<256x8xi32>
    %select_n3A = arith.select %eq3A_12, %iota3A, %broadcast_in_dim3A_13 : vector<256x8xi1>, vector<256x8xi32>
    %reduce_min3A = arith.constant dense<2147483647> : vector<256xi32>
    %reduce_min3A_14 = vector.multi_reduction <minsi>, %select_n3A, %reduce_min3A [1] : vector<256x8xi32> to vector<256xi32>
    %broadcast_in_dim3A_15 = vector.shape_cast %reduce_min3A_14 : vector<256xi32> to vector<256x1xi32>
    %eq3A_16 = vector.broadcast %broadcast_in_dim3A_15 : vector<256x1xi32> to vector<256x8xi32>
    %eq3A_17 = arith.cmpi eq, %iota3A, %eq3A_16 : vector<256x8xi32>
    %jit3A_18 = arith.constant 0xFF800000 : f32
    %broadcast_in_dim3A_19 = vector.broadcast %jit3A_18 : f32 to vector<256x8xf32>
    %select_n3A_20 = arith.select %eq3A_17, %broadcast_in_dim3A_19, %add3A_10 : vector<256x8xi1>, vector<256x8xf32>
    %reduce_max3A_21 = arith.constant dense<0xFF800000> : vector<256xf32>
    %reduce_max3A_22 = vector.multi_reduction <maximumf>, %select_n3A_20, %reduce_max3A_21 [1] : vector<256x8xf32> to vector<256xf32>
    %broadcast_in_dim3A_23 = vector.shape_cast %reduce_max3A_22 : vector<256xf32> to vector<256x1xf32>
    %eq3A_24 = vector.broadcast %broadcast_in_dim3A_23 : vector<256x1xf32> to vector<256x8xf32>
    %eq3A_25 = arith.cmpf oeq, %select_n3A_20, %eq3A_24 : vector<256x8xf32>
    %jit3A_26 = arith.constant 8 : i32
    %broadcast_in_dim3A_27 = vector.broadcast %jit3A_26 : i32 to vector<256x8xi32>
    %select_n3A_28 = arith.select %eq3A_25, %iota3A, %broadcast_in_dim3A_27 : vector<256x8xi1>, vector<256x8xi32>
    %reduce_min3A_29 = arith.constant dense<2147483647> : vector<256xi32>
    %reduce_min3A_30 = vector.multi_reduction <minsi>, %select_n3A_28, %reduce_min3A_29 [1] : vector<256x8xi32> to vector<256xi32>
    %broadcast_in_dim3A_31 = vector.shape_cast %reduce_min3A_30 : vector<256xi32> to vector<256x1xi32>
    %eq3A_32 = vector.broadcast %broadcast_in_dim3A_31 : vector<256x1xi32> to vector<256x8xi32>
    %eq3A_33 = arith.cmpi eq, %iota3A, %eq3A_32 : vector<256x8xi32>
    %sub3A = vector.broadcast %broadcast_in_dim3A : vector<256x1xf32> to vector<256x8xf32>
    %sub3A_34 = arith.subf %add3A_10, %sub3A : vector<256x8xf32>
    %exp3A = math.exp %sub3A_34 : vector<256x8xf32>
    %reduce_sum3A = arith.constant dense<0.000000e+00> : vector<256xf32>
    %reduce_sum3A_35 = vector.multi_reduction <add>, %exp3A, %reduce_sum3A [1] : vector<256x8xf32> to vector<256xf32>
    %broadcast_in_dim3A_36 = vector.shape_cast %reduce_sum3A_35 : vector<256xf32> to vector<256x1xf32>
    %div3A = vector.broadcast %broadcast_in_dim3A_36 : vector<256x1xf32> to vector<256x8xf32>
    %div3A_37 = arith.divf %exp3A, %div3A : vector<256x8xf32>
    %or3A = arith.ori %eq3A_17, %eq3A_33 : vector<256x8xi1>
    %convert_element_type3A = arith.extui %or3A : vector<256x8xi1> to vector<256x8xi32>
    %convert_element_type3A_38 = arith.sitofp %convert_element_type3A : vector<256x8xi32> to vector<256x8xf32>
    %mul3A_39 = arith.mulf %div3A_37, %convert_element_type3A_38 : vector<256x8xf32>
    %reduce_sum3A_40 = arith.constant dense<0.000000e+00> : vector<256xf32>
    %reduce_sum3A_41 = vector.multi_reduction <add>, %mul3A_39, %reduce_sum3A_40 [1] : vector<256x8xf32> to vector<256xf32>
    %broadcast_in_dim3A_42 = vector.shape_cast %reduce_sum3A_41 : vector<256xf32> to vector<256x1xf32>
    %add3A_43 = arith.constant 9.99999993E-9 : f32
    %add3A_44 = vector.broadcast %add3A_43 : f32 to vector<256x1xf32>
    %add3A_45 = arith.addf %broadcast_in_dim3A_42, %add3A_44 : vector<256x1xf32>
    %div3A_46 = vector.broadcast %add3A_45 : vector<256x1xf32> to vector<256x8xf32>
    %div3A_47 = arith.divf %mul3A_39, %div3A_46 : vector<256x8xf32>
    %jit3A_48 = arith.constant 0.000000e+00 : f32
    %broadcast_in_dim3A_49 = vector.broadcast %jit3A_48 : f32 to vector<256x8xf32>
    %select_n3A_50 = arith.select %eq3A_17, %div3A_47, %broadcast_in_dim3A_49 : vector<256x8xi1>, vector<256x8xf32>
    %reduce_sum3A_51 = arith.constant dense<0.000000e+00> : vector<256xf32>
    %reduce_sum3A_52 = vector.multi_reduction <add>, %select_n3A_50, %reduce_sum3A_51 [1] : vector<256x8xf32> to vector<256xf32>
    %broadcast_in_dim3A_53 = vector.shape_cast %reduce_sum3A_52 : vector<256xf32> to vector<256x1xf32>
    %broadcast_in_dim3A_54 = vector.shape_cast %broadcast_in_dim3A_53 : vector<256x1xf32> to vector<256x1xf32>
    %broadcast_in_dim3A_55 = vector.broadcast %broadcast_in_dim3A_54 : vector<256x1xf32> to vector<256x16xf32>
    %swap3A = arith.index_cast %mul3A_0 : i32 to index
    %swap3A_56 = arith.constant 0 : index
    %swap3A_57 = vector.load %arg6[%swap3A, %swap3A_56] : memref<2048x16xf32, #tpu.memory_space<vmem>>, vector<256x16xf32>
    tpu.vector_store %arg6[%swap3A, %swap3A_56], %broadcast_in_dim3A_55 {strides = array<i32>} : memref<2048x16xf32, #tpu.memory_space<vmem>>, vector<256x16xf32>,
    %jit3A_58 = arith.constant 0.000000e+00 : f32
    %broadcast_in_dim3A_59 = vector.broadcast %jit3A_58 : f32 to vector<256x8xf32>
    %select_n3A_60 = arith.select %eq3A_33, %div3A_47, %broadcast_in_dim3A_59 : vector<256x8xi1>, vector<256x8xf32>
    %reduce_sum3A_61 = arith.constant dense<0.000000e+00> : vector<256xf32>
    %reduce_sum3A_62 = vector.multi_reduction <add>, %select_n3A_60, %reduce_sum3A_61 [1] : vector<256x8xf32> to vector<256xf32>
    %broadcast_in_dim3A_63 = vector.shape_cast %reduce_sum3A_62 : vector<256xf32> to vector<256x1xf32>
    %broadcast_in_dim3A_64 = vector.shape_cast %broadcast_in_dim3A_63 : vector<256x1xf32> to vector<256x1xf32>
    %broadcast_in_dim3A_65 = vector.broadcast %broadcast_in_dim3A_64 : vector<256x1xf32> to vector<256x16xf32>
    %swap3A_66 = arith.index_cast %mul3A_0 : i32 to index
    %swap3A_67 = arith.constant 0 : index
    %swap3A_68 = vector.load %arg7[%swap3A_66, %swap3A_67] : memref<2048x16xf32, #tpu.memory_space<vmem>>, vector<256x16xf32>
    tpu.vector_store %arg7[%swap3A_66, %swap3A_67], %broadcast_in_dim3A_65 {strides = array<i32>} : memref<2048x16xf32, #tpu.memory_space<vmem>>, vector<256x16xf32>,
    %convert_element_type3A_69 = arith.extui %eq3A_17 : vector<256x8xi1> to vector<256x8xi32>
    %convert_element_type3A_70 = arith.sitofp %convert_element_type3A_69 : vector<256x8xi32> to vector<256x8xf32>
    %swap3A_71 = arith.index_cast %mul3A_0 : i32 to index
    %swap3A_72 = arith.constant 0 : index
    %swap3A_73 = vector.load %arg11[%swap3A_71, %swap3A_72] : memref<2048x8xf32, #tpu.memory_space<vmem>>, vector<256x8xf32>
    tpu.vector_store %arg11[%swap3A_71, %swap3A_72], %convert_element_type3A_70 {strides = array<i32>} : memref<2048x8xf32, #tpu.memory_space<vmem>>, vector<256x8xf32>,
    %convert_element_type3A_74 = arith.extui %eq3A_33 : vector<256x8xi1> to vector<256x8xi32>
    %convert_element_type3A_75 = arith.sitofp %convert_element_type3A_74 : vector<256x8xi32> to vector<256x8xf32>
    %add3A_76 = arith.addf %convert_element_type3A_70, %convert_element_type3A_75 : vector<256x8xf32>
    %swap3A_77 = arith.index_cast %mul3A_0 : i32 to index
    %swap3A_78 = arith.constant 0 : index
    %swap3A_79 = vector.load %arg10[%swap3A_77, %swap3A_78] : memref<2048x8xf32, #tpu.memory_space<vmem>>, vector<256x8xf32>
    tpu.vector_store %arg10[%swap3A_77, %swap3A_78], %add3A_76 {strides = array<i32>} : memref<2048x8xf32, #tpu.memory_space<vmem>>, vector<256x8xf32>,
    %eq3A_80 = arith.constant 7 : i32
    %eq3A_81 = arith.cmpi eq, %arg0, %eq3A_80 : i32
    %convert_element_type3A_82 = arith.extui %eq3A_81 : i1 to i32
    %cond3A = arith.constant 0 : i32
    %cond3A_83 = arith.cmpi ne, %convert_element_type3A_82, %cond3A : i32
    scf.if %cond3A_83 {
      %iota3A_84 = tpu.iota {dimensions = array<i32: 0>} : vector<256x256xi32>
      %iota3A_85 = tpu.iota {dimensions = array<i32: 1>} : vector<256x256xi32>
      %lt3A = arith.cmpi slt, %iota3A_85, %iota3A_84 : vector<256x256xi32>
      %convert_element_type3A_86 = arith.extui %lt3A : vector<256x256xi1> to vector<256x256xi32>
      %convert_element_type3A_87 = arith.sitofp %convert_element_type3A_86 : vector<256x256xi32> to vector<256x256xf32>
      %broadcast_in_dim3A_88 = arith.constant 0.000000e+00 : f32
      %broadcast_in_dim3A_89 = vector.broadcast %broadcast_in_dim3A_88 : f32 to vector<1x8xf32>
      %scan3A = arith.constant 0 : i32
      %scan3A_90 = arith.constant 8 : i32
      %scan3A_91 = arith.addi %scan3A, %scan3A_90 : i32
      %scan3A_92 = arith.constant 1 : i32
      %scan3A_93 = scf.for %scan3A_152 = %scan3A to %scan3A_91 step %scan3A_92 iter_args(%scan3A_153 = %broadcast_in_dim3A_89) -> (vector<1x8xf32>)  : i32 {
        %mul3A_154 = arith.constant 256 : i32
        %mul3A_155 = arith.muli %scan3A_152, %mul3A_154 : i32
        %get3A_156 = arith.index_cast %mul3A_155 : i32 to index
        %get3A_157 = arith.constant 0 : index
        %get3A_158 = vector.load %arg10[%get3A_156, %get3A_157] : memref<2048x8xf32, #tpu.memory_space<vmem>>, vector<256x8xf32>
        %dot_general3A_159 = arith.constant dense<0.000000e+00> : vector<256x8xf32>
        %dot_general3A_160 = tpu.matmul %convert_element_type3A_87, %get3A_158, %dot_general3A_159 {dimension_numbers = #tpu.dot_dimension_numbers<[1], [0], [0], [1], [0, 0, 1, 1], [], []>, precision = #tpu.contract_precision<fp32>, transpose_lhs_hint = false} : vector<256x256xf32>, vector<256x8xf32>, vector<256x8xf32> -> vector<256x8xf32>
        %add3A_161 = vector.broadcast %scan3A_153 : vector<1x8xf32> to vector<256x8xf32>
        %add3A_162 = arith.addf %add3A_161, %dot_general3A_160 : vector<256x8xf32>
        %swap3A_163 = arith.index_cast %mul3A_155 : i32 to index
        %swap3A_164 = arith.constant 0 : index
        %swap3A_165 = vector.load %arg9[%swap3A_163, %swap3A_164] : memref<2048x8xf32, #tpu.memory_space<vmem>>, vector<256x8xf32>
        tpu.vector_store %arg9[%swap3A_163, %swap3A_164], %add3A_162 {strides = array<i32>} : memref<2048x8xf32, #tpu.memory_space<vmem>>, vector<256x8xf32>,
        %reduce_sum3A_166 = arith.constant dense<0.000000e+00> : vector<8xf32>
        %reduce_sum3A_167 = vector.multi_reduction <add>, %get3A_158, %reduce_sum3A_166 [0] : vector<256x8xf32> to vector<8xf32>
        %broadcast_in_dim3A_168 = vector.shape_cast %reduce_sum3A_167 : vector<8xf32> to vector<1x8xf32>
        %add3A_169 = arith.addf %scan3A_153, %broadcast_in_dim3A_168 : vector<1x8xf32>
        scf.yield %add3A_169 : vector<1x8xf32>
      }
      %scan3A_94 = arith.constant 8 : i32
      %div3A_95 = arith.constant 1.280000e+02 : f32
      %div3A_96 = vector.broadcast %div3A_95 : f32 to vector<1x8xf32>
      %div3A_97 = arith.divf %scan3A_93, %div3A_96 : vector<1x8xf32>
      %ceil3A = math.ceil %div3A_97 : vector<1x8xf32>
      %mul3A_98 = arith.constant 1.280000e+02 : f32
      %mul3A_99 = vector.broadcast %mul3A_98 : f32 to vector<1x8xf32>
      %mul3A_100 = arith.mulf %ceil3A, %mul3A_99 : vector<1x8xf32>
      %iota3A_101 = tpu.iota {dimensions = array<i32: 0>} : vector<8x8xi32>
      %iota3A_102 = tpu.iota {dimensions = array<i32: 1>} : vector<8x8xi32>
      %lt3A_103 = arith.cmpi slt, %iota3A_101, %iota3A_102 : vector<8x8xi32>
      %convert_element_type3A_104 = arith.extui %lt3A_103 : vector<8x8xi1> to vector<8x8xi32>
      %convert_element_type3A_105 = arith.sitofp %convert_element_type3A_104 : vector<8x8xi32> to vector<8x8xf32>
      %dot_general3A_106 = arith.constant dense<0.000000e+00> : vector<1x8xf32>
      %dot_general3A_107 = tpu.matmul %mul3A_100, %convert_element_type3A_105, %dot_general3A_106 {dimension_numbers = #tpu.dot_dimension_numbers<[1], [0], [0], [1], [0, 0, 1, 1], [], []>, precision = #tpu.contract_precision<fp32>, transpose_lhs_hint = false} : vector<1x8xf32>, vector<8x8xf32>, vector<1x8xf32> -> vector<1x8xf32>
      %get3A_108 = arith.constant 0 : index
      %get3A_109 = arith.constant 0 : index
      %get3A_110 = vector.load %arg11[%get3A_108, %get3A_109] : memref<2048x8xf32, #tpu.memory_space<vmem>>, vector<2048x8xf32>
      %get3A_111 = arith.constant 0 : index
      %get3A_112 = arith.constant 0 : index
      %get3A_113 = vector.load %arg10[%get3A_111, %get3A_112] : memref<2048x8xf32, #tpu.memory_space<vmem>>, vector<2048x8xf32>
      %sub3A_114 = arith.subf %get3A_113, %get3A_110 : vector<2048x8xf32>
      %get3A_115 = arith.constant 0 : index
      %get3A_116 = arith.constant 0 : index
      %get3A_117 = vector.load %arg9[%get3A_115, %get3A_116] : memref<2048x8xf32, #tpu.memory_space<vmem>>, vector<2048x8xf32>
      %add3A_118 = vector.broadcast %dot_general3A_107 : vector<1x8xf32> to vector<2048x8xf32>
      %add3A_119 = arith.addf %get3A_117, %add3A_118 : vector<2048x8xf32>
      %mul3A_120 = arith.mulf %add3A_119, %get3A_110 : vector<2048x8xf32>
      %reduce_sum3A_121 = arith.constant dense<0.000000e+00> : vector<2048xf32>
      %reduce_sum3A_122 = vector.multi_reduction <add>, %mul3A_120, %reduce_sum3A_121 [1] : vector<2048x8xf32> to vector<2048xf32>
      %broadcast_in_dim3A_123 = vector.shape_cast %reduce_sum3A_122 : vector<2048xf32> to vector<2048x1xf32>
      %convert_element_type3A_124 = arith.fptosi %broadcast_in_dim3A_123 : vector<2048x1xf32> to vector<2048x1xi32>
      %swap3A_125 = arith.constant 0 : index
      %swap3A_126 = arith.constant 0 : index
      %swap3A_127 = vector.load %arg4[%swap3A_125, %swap3A_126] : memref<2048x1xi32, #tpu.memory_space<vmem>>, vector<2048x1xi32>
      tpu.vector_store %arg4[%swap3A_125, %swap3A_126], %convert_element_type3A_124 {strides = array<i32>} : memref<2048x1xi32, #tpu.memory_space<vmem>>, vector<2048x1xi32>,
      %mul3A_128 = arith.mulf %add3A_119, %sub3A_114 : vector<2048x8xf32>
      %reduce_sum3A_129 = arith.constant dense<0.000000e+00> : vector<2048xf32>
      %reduce_sum3A_130 = vector.multi_reduction <add>, %mul3A_128, %reduce_sum3A_129 [1] : vector<2048x8xf32> to vector<2048xf32>
      %broadcast_in_dim3A_131 = vector.shape_cast %reduce_sum3A_130 : vector<2048xf32> to vector<2048x1xf32>
      %convert_element_type3A_132 = arith.fptosi %broadcast_in_dim3A_131 : vector<2048x1xf32> to vector<2048x1xi32>
      %swap3A_133 = arith.constant 0 : index
      %swap3A_134 = arith.constant 0 : index
      %swap3A_135 = vector.load %arg5[%swap3A_133, %swap3A_134] : memref<2048x1xi32, #tpu.memory_space<vmem>>, vector<2048x1xi32>
      tpu.vector_store %arg5[%swap3A_133, %swap3A_134], %convert_element_type3A_132 {strides = array<i32>} : memref<2048x1xi32, #tpu.memory_space<vmem>>, vector<2048x1xi32>,
      %add3A_136 = arith.addf %dot_general3A_107, %mul3A_100 : vector<1x8xf32>
      %iota3A_137 = tpu.iota {dimensions = array<i32: 0>} : vector<40x8xi32>
      %convert_element_type3A_138 = arith.sitofp %iota3A_137 : vector<40x8xi32> to vector<40x8xf32>
      %mul3A_139 = arith.constant 1.280000e+02 : f32
      %mul3A_140 = vector.broadcast %mul3A_139 : f32 to vector<40x8xf32>
      %mul3A_141 = arith.mulf %convert_element_type3A_138, %mul3A_140 : vector<40x8xf32>
      %ge3A = vector.broadcast %add3A_136 : vector<1x8xf32> to vector<40x8xf32>
      %ge3A_142 = arith.cmpf oge, %mul3A_141, %ge3A : vector<40x8xf32>
      %convert_element_type3A_143 = arith.extui %ge3A_142 : vector<40x8xi1> to vector<40x8xi32>
      %reduce_sum3A_144 = arith.constant dense<0> : vector<40xi32>
      %reduce_sum3A_145 = vector.multi_reduction <add>, %convert_element_type3A_143, %reduce_sum3A_144 [1] : vector<40x8xi32> to vector<40xi32>
      %broadcast_in_dim3A_146 = vector.shape_cast %reduce_sum3A_145 : vector<40xi32> to vector<40x1xi32>
      %min3A = arith.constant 7 : i32
      %min3A_147 = vector.broadcast %min3A : i32 to vector<40x1xi32>
      %min3A_148 = arith.minsi %broadcast_in_dim3A_146, %min3A_147 : vector<40x1xi32>
      %swap3A_149 = arith.constant 0 : index
      %swap3A_150 = arith.constant 0 : index
      %swap3A_151 = vector.load %arg8[%swap3A_149, %swap3A_150] : memref<40x1xi32, #tpu.memory_space<vmem>>, vector<40x1xi32>
      tpu.vector_store %arg8[%swap3A_149, %swap3A_150], %min3A_148 {strides = array<i32>} : memref<40x1xi32, #tpu.memory_space<vmem>>, vector<40x1xi32>,
    } else {
    }
    return
  }
  func.func @transform_0(%arg0: i32) -> (i32, i32) {
    %c0_i32 = arith.constant 0 : i32
    %c0_i32_0 = arith.constant 0 : i32
    return %arg0, %c0_i32 : i32, i32
  }
  func.func @transform_1(%arg0: i32) -> (i32, i32) {
    %c0_i32 = arith.constant 0 : i32
    %c0_i32_0 = arith.constant 0 : i32
    %c0_i32_1 = arith.constant 0 : i32
    return %c0_i32, %c0_i32_0 : i32, i32
  }
  func.func @transform_2(%arg0: i32) -> (i32, i32) {
    %c0_i32 = arith.constant 0 : i32
    %c0_i32_0 = arith.constant 0 : i32
    %c0_i32_1 = arith.constant 0 : i32
    return %c0_i32, %c0_i32_0 : i32, i32
  }
  func.func @transform_3(%arg0: i32) -> (i32, i32) {
    %c0_i32 = arith.constant 0 : i32
    %c0_i32_0 = arith.constant 0 : i32
    %c0_i32_1 = arith.constant 0 : i32
    return %c0_i32, %c0_i32_0 : i32, i32
  }
  func.func @transform_4(%arg0: i32) -> (i32, i32) {
    %c0_i32 = arith.constant 0 : i32
    %c0_i32_0 = arith.constant 0 : i32
    %c0_i32_1 = arith.constant 0 : i32
    return %c0_i32, %c0_i32_0 : i32, i32
  }
  func.func @transform_5(%arg0: i32) -> (i32, i32) {
    %c0_i32 = arith.constant 0 : i32
    %c0_i32_0 = arith.constant 0 : i32
    %c0_i32_1 = arith.constant 0 : i32
    return %c0_i32, %c0_i32_0 : i32, i32
  }
  func.func @transform_6(%arg0: i32) -> (i32, i32) {
    %c0_i32 = arith.constant 0 : i32
    %c0_i32_0 = arith.constant 0 : i32
    %c0_i32_1 = arith.constant 0 : i32
    return %c0_i32, %c0_i32_0 : i32, i32
  }
  func.func @transform_7(%arg0: i32) -> (i32, i32) {
    %c0_i32 = arith.constant 0 : i32
    %c0_i32_0 = arith.constant 0 : i32
    %c0_i32_1 = arith.constant 0 : i32
    return %c0_i32, %c0_i32_0 : i32, i32
  }
}

</mosaic_0001>

<sc_bundles>
// kernel: kernel.6.cloned.1.call-start
scs
__scs_entry_jumppad:
0x0: {  	(pc) =	sbr.rel $0x88, $3  }
0x1: {  	(tag) =	ssettag $0x0;
	lr =	simm.s32 $0x1  }
0x2: {  	[smem:$0x3F9A] =	sst lr;
	_ =	strace $0xD0000000  }
0x3: {  	_ = 	snop  }
0x4: {  	_ = 	snop  }
0x5: {  	_ = 	snop  }
0x6: {  	_ = 	snop  }
0x7: {  	_ = 	snop  }
__scs_overlays_trampoline_lowered:
0x8: {  	[smem:$0x3FA9] =	sst s0  }
0x9: {  	[smem:$0x3FAA] =	sst s1  }
0xa: {  	[smem:$0x3FAB] =	sst s2  }
0xb: {  	[smem:$0x3FAC] =	sst s3  }
0xc: {  	[smem:$0x3FAD] =	sst s4  }
0xd: {  	[smem:$0x3FAE] =	sst s5  }
0xe: {  	[smem:$0x3FAF] =	sst s6  }
0xf: {  	[smem:$0x3FB0] =	sst s7  }
0x10: {  	[smem:$0x3FB1] =	sst s8  }
0x11: {  	[smem:$0x3FB2] =	sst s9;
	s0 =	simm.s32 @!p0 $0x0  }
0x12: {  	s1 =	sld [smem:$0x3F98];
	s0 =	simm.s32 @p0 $0x1  }
0x13: {  	[smem:$0x3FB3] =	sst s0;
	s0 =	simm.s32 @!p1 $0x0  }
0x14: {  	s2 =	sld [smem:$0x3F97];
	s0 =	simm.s32 @p1 $0x1  }
0x15: {  	[smem:$0x3FB4] =	sst s0;
	s0 =	simm.s32 @!p2 $0x0  }
0x16: {  	s3 =	sld [smem:$0x3FDB];
	s0 =	simm.s32 @p2 $0x1  }
0x17: {  	s4 =	simm.s32 $0x1BF5;
	[smem:$0x3FB6] =	sst s0  }
0x18: {  	s0 =	sld [smem:$0x3F99];
	_ =	swait.ge [sflag:s4], $0x0  }
0x19: {  	s7 =	sld [smem:$0x3F9A]  }
0x1a: {  	s8 =	sadd.s32 $0xFFFFE003, lr  }
0x1b: {  	s9 =	sadd.s32 $0xFFFFFEF7, lr;
	s5 =	simm.s32 $0xFFFFFFFF;
	p2 =	slt.u32 s8, $0xFFFFF086  }
0x1c: {  	p1 =	slt.u32 s9, $0xF7A;
	s5 =	simm.s32 @!p2 $0x0  }
0x1d: {  	s5 =	simm.s32 @p1 $0x1;
	p0 =	seq.s32 s7, s2  }
0x1e: {  	s7 =	smul.u32 @!p0 $0xF7A, s2;
	p2 =	seq.s32 @!p0 s5, $0x0  }
0x1f: {  	s9 =	smul.u32 $0xF7A, s1;
	s8 =	simm.s32 @!p0 $0x1BF5;
	p2 =	por !p2, p0  }
0x20: {  	[sflag:s8] =	ssyncset.s32 @!p0 $0xFFFFF086;
	s6 =	sadd.s32 @!p0 s3, s7;
	s7 =	simm.s32 @!p0 $0x108  }
0x21: {  	s3 =	sadd.s32 s3, s9;
	s6 =	sadd.s32 @!p0 $0x88, s6;
	s7 =	simm.s32 @p2 $0x1082  }
0x22: {  	[simem:s7], [sflag:s8] =	dma.local @!p0 [hbm:s6], $0xF7A  }
0x23: {  	s9 =	sor.u32 $0xD0000000, s2;
	s6 =	simm.s32 $0x108;
	_ =	swait.ge @!p0 [sflag:s8], $0x0  }
0x24: {  	s3 =	sadd.s32 $0x88, s3;
	s6 =	simm.s32 @!p1 $0x1082;
	[sflag:s4] =	ssyncset.s32 $0xFFFFF086  }
0x25: {  	[simem:s6], [sflag:s4] =	dma.local [hbm:s3], $0xF7A  }
0x26: {  	[smem:$0x3F9A] =	sst s1;
	(tag) =	ssettag s2;
	_ =	strace s9  }
0x27: {  	s1 =	sld [smem:$0x3FAA]  }
0x28: {  	s2 =	sld [smem:$0x3FAB]  }
0x29: {  	s4 =	sld [smem:$0x3FAD]  }
0x2a: {  	p0 =	seq.s32 s5, $0x0;
	s5 =	sld [smem:$0x3FAE]  }
0x2b: {  	s6 =	sld [smem:$0x3FAF]  }
0x2c: {  	s7 =	sld [smem:$0x3FB0]  }
0x2d: {  	s3 =	simm.s32 $0x108;
	s8 =	sld [smem:$0x3FB1]  }
0x2e: {  	s3 =	simm.s32 @!p0 $0x1082;
	s9 =	sld [smem:$0x3FB2]  }
0x2f: {  	lr =	sadd.s32 s0, s3;
	s0 =	sld [smem:$0x3FA9]  }
0x30: {  	s3 =	sld [smem:$0x3FAC]  }
0x31: {  	[smem:$0x3FB5] =	sst s10  }
0x32: {  	s10 =	sld [smem:$0x3FB3];
	_ =	sdelay $0x3  }
0x33: {  	p0 =	seq.s32 s10, $0x1;
	s10 =	sld [smem:$0x3FB5];
	_ =	sdelay $0x3  }
0x34: {  	[smem:$0x3FB5] =	sst s10  }
0x35: {  	s10 =	sld [smem:$0x3FB4];
	_ =	sdelay $0x3  }
0x36: {  	p1 =	seq.s32 s10, $0x1;
	s10 =	sld [smem:$0x3FB5];
	_ =	sdelay $0x3  }
0x37: {  	[smem:$0x3FB5] =	sst s10  }
0x38: {  	s10 =	sld [smem:$0x3FB6]  }
0x39: {  	_ = 	snop;
	(pc) =	sbr.ind lr, $3  }
0x3a: {  	_ = 	snop  }
0x3b: {  	_ = 	snop  }
0x3c: {  	p2 =	seq.s32 s10, $0x1;
	s10 =	sld [smem:$0x3FB5]  }
0x3d: {  	_ =	shalt  }
0x3e: {  	_ =	shalt  }
0x3f: {  	_ =	shalt  }
0x40: {  	_ =	shalt  }
0x41: {  	_ =	shalt  }
0x42: {  	_ =	shalt  }
0x43: {  	_ =	shalt  }
0x44: {  	_ =	shalt  }
0x45: {  	_ =	shalt  }
0x46: {  	_ =	shalt  }
0x47: {  	_ =	shalt  }
0x48: {  	_ =	shalt  }
0x49: {  	_ =	shalt  }
0x4a: {  	_ =	shalt  }
0x4b: {  	_ =	shalt  }
0x4c: {  	_ =	shalt  }
0x4d: {  	_ =	shalt  }
0x4e: {  	_ =	shalt  }
0x4f: {  	_ =	shalt  }
0x50: {  	_ =	shalt  }
0x51: {  	_ =	shalt  }
0x52: {  	_ =	shalt  }
0x53: {  	_ =	shalt  }
0x54: {  	_ =	shalt  }
0x55: {  	_ =	shalt  }
0x56: {  	_ =	shalt  }
0x57: {  	_ =	shalt  }
0x58: {  	_ =	shalt  }
0x59: {  	_ =	shalt  }
0x5a: {  	_ =	shalt  }
0x5b: {  	_ =	shalt  }
0x5c: {  	_ =	shalt  }
0x5d: {  	_ =	shalt  }
0x5e: {  	_ =	shalt  }
0x5f: {  	_ =	shalt  }
0x60: {  	_ =	shalt  }
0x61: {  	_ =	shalt  }
0x62: {  	_ =	shalt  }
0x63: {  	_ =	shalt  }
0x64: {  	_ =	shalt  }
0x65: {  	_ =	shalt  }
0x66: {  	_ =	shalt  }
0x67: {  	_ =	shalt  }
0x68: {  	_ =	shalt  }
0x69: {  	_ =	shalt  }
0x6a: {  	_ =	shalt  }
0x6b: {  	_ =	shalt  }
0x6c: {  	_ =	shalt  }
0x6d: {  	_ =	shalt  }
0x6e: {  	_ =	shalt  }
0x6f: {  	_ =	shalt  }
0x70: {  	_ =	shalt  }
0x71: {  	_ =	shalt  }
0x72: {  	_ =	shalt  }
0x73: {  	_ =	shalt  }
0x74: {  	_ =	shalt  }
0x75: {  	_ =	shalt  }
0x76: {  	_ =	shalt  }
0x77: {  	_ =	shalt  }
0x78: {  	_ =	shalt  }
0x79: {  	_ =	shalt  }
0x7a: {  	_ =	shalt  }
0x7b: {  	_ =	shalt  }
0x7c: {  	_ =	shalt  }
0x7d: {  	_ =	shalt  }
0x7e: {  	_ =	shalt  }
0x7f: {  	_ =	shalt  }
0x80: {  	_ =	shalt  }
0x81: {  	_ =	shalt  }
0x82: {  	_ =	shalt  }
0x83: {  	_ =	shalt  }
0x84: {  	_ =	shalt  }
0x85: {  	_ =	shalt  }
0x86: {  	_ =	shalt  }
0x87: {  	_ =	shalt  }
.Lfunc_end0:
.L_simem_size_0:
called_computation_lowered:
.L_overlay_start_0:
0x88: {  	s2 =	sld [smem:$0x3FD9]  }
0x89: {  	s3 =	sld [smem:$0x3FFE];
	_ =	sdelay $0x1  }
0x8a: {  	s1 =	srdreg.scid  }
0x8b: {  	s0 =	sand.u32 $0x1, s1  }
0x8c: {  	s17 =	sshll.u32 s0, $0xA;
	s2 =	sadd.s32 s3, s2  }
0x8d: {  	s2 =	sadd.s32 s2, s17  }
0x8e: {  	[smem:$0x3FC1] =	sst s2  }
0x8f: {  	_ = 	snop  }
0x90: {  	s2 =	sld [smem:$0x3FC9];
	(tm) =	ssettm $0x1  }
0x91: {  	s18 =	sld [smem:$0x3FFB];
	_ =	sdelay $0x3  }
0x92: {  	_ =	strace s18  }
0x93: {  	s3 =	sld [smem:$0x3FFC];
	_ =	sdelay $0x3  }
0x94: {  	_ =	strace s3  }
0x95: {  	s3 =	sld [smem:$0x3FFD];
	_ =	sdelay $0x3  }
0x96: {  	_ =	strace s3  }
0x97: {  	_ =	strace $0x8FFFFFFF  }
0x98: {  	s19 =	sld [smem:$0x3FDB];
	_ =	sdelay $0x1  }
0x99: {  	s4 =	simm.s32 $_scs_section_size  }
0x9a: {  	s5 =	simm.s32 $_size__tile_overlayer_lowered;
	s6 =	simm.s32 $_tile_overlayer_lowered  }
0x9b: {  	s22 =	simm.s32 $0x1BFF;
	s21 =	sshll.u32 s6, $0x1;
	s3 =	sadd.s32 s4, s19  }
0x9c: {  	s7 =	simm.s32 $0x0;
	s20 =	sshll.u32 s5, $0x1;
	s5 =	sadd.s32 s21, s3  }
0x9d: {  	[timem:s7], [sflag:s22] =	dma.local [hbm:s5], s20  }
0x9e: {  	_ =	swait.ge [sflag:s22], s20  }
0x9f: {  	s4 =	ssub.s32 $0x0, s20;
	[sflag:s22] =	ssyncset.done $0x0  }
0xa0: {  	[sflag:s22] =	ssyncadd.s32 s4;
	_ =	sdelay $0x1  }
0xa1: {  	s23 =	simm.s32 $0x1B8B  }
0xa2: {  	_ =	swait.ge [sflag:s23], $0x1  }
0xa3: {  	[sflag:s23] =	ssyncset.done $0x0  }
0xa4: {  	s25 =	simm.s32 $0x1B8E;
	s24 =	sld [smem:$0x3FFE];
	[sflag:s23] =	ssyncadd.s32 $0xFFFFFFFF  }
0xa5: {  	s26 =	simm.s32 $execute0_lowered;
	[smem:$0x3FD2] =	sst s25  }
0xa6: {  	s5 =	sshll.u32 s26, $0x1;
	_ =	strace $0x80000046;
	[dreg:$0x1] =	wrdreg $0xFFFFFFFF  }
0xa7: {  	s28 =	simm.s32 $_size_execute0_lowered;
	s3 =	sadd.s32 s3, s5;
	[dreg:$0x0] =	wrdreg $0x0  }
0xa8: {  	s5 =	sshll.u32 s28, $0x1;
	[dreg:$0x2] =	wrdreg s3  }
0xa9: {  	[dreg:$0x3] =	wrdreg s5  }
0xaa: {  	[dreg:$0x4] =	wrdreg $0xC0  }
0xab: {  	_ =	task [dreg:s7], $0x5FFFF  }
0xac: {  	[dreg:$0x1] =	wrdreg $0xFFFFFFFF  }
0xad: {  	[dreg:$0x0] =	wrdreg $0x60  }
0xae: {  	[dreg:$0x2] =	wrdreg s2  }
0xaf: {  	[dreg:$0x3] =	wrdreg s24  }
0xb0: {  	[dreg:$0x4] =	wrdreg $0x9  }
0xb1: {  	_ =	task.clear_ibuf [dreg:s7], $0x5FFFF;
	_ =	strace $0x90000046  }
0xb2: {  	s29 =	simm.s32 $0x9;
	_ =	strace $0x80000048  }
0xb3: {  	_ =	swait.ge [sflag:s29], $0x1  }
0xb4: {  	[sflag:s29] =	ssyncadd.s32 $0xFFFFFFFF  }
0xb5: {  	_ =	strace $0x90000048  }
0xb6: {  	_ =	sfence  }
0xb7: {  	s30 =	sld [smem:$0x0];
	_ =	sdelay $0x2  }
0xb8: {  	s31 =	sshll.u32 s1, $0xD;
	s1 =	sshrl.u32 s1, $0x2  }
0xb9: {  	s3 =	sand.u32 $0x4000, s31;
	s1 =	sadd.s32 s1, s30  }
0xba: {  	s0 =	sor.u32 s3, s0;
	s1 =	sshll.u32 s1, $0x11  }
0xbb: {  	s0 =	sor.u32 s1, s0  }
0xbc: {  	s0 =	sadd.s32 $0x8F2B, s0  }
0xbd: {  	[sflag:s0] =	ssyncadd.remote.s32 $0x1  }
0xbe: {  	_ =	sfence.sel $0xFFFF  }
0xbf: {  	[dreg:$0x0] =	wrdreg $0xFFFFFFFF;
	(pc) =	sbr.abs _section_cstart, $3  }
0xc0: {  	[dreg:$0x1] =	wrdreg $0xFFFFFFFF  }
0xc1: {  	_ =	task.clear_ibuf [dreg:s7], $0x2FFFF;
	_ =	strace $0x9FFFFFFF  }
0xc2: {  	(tm) =	ssettm $0x7FFFFFFF  }
0xc3: {  	_ =	shalt  }
tec
execute0_lowered:
.L_overlay_start_1:
0x0: {  	(tag) =	ssettag $0x1  }
0x1: {  	s1 =	srdreg.scid  }
0x2: {  	s4 =	rddreg [dreg:$0x0];
	s0 =	stileid.u32  }
0x3: {  	s5 =	rddreg [dreg:$0x1];
	s2 =	simm.s32 $0x0;
	s26 =	simm.s32 $0xC000  }
0x4: {  	s8 =	simm.s32 $0xC080;
	s9 =	simm.s32 $0x1000;
	s10 =	simm.s32 $0x1800  }
0x5: {  	s11 =	simm.s32 $0x2000;
	s12 =	simm.s32 $0x2800;
	s13 =	simm.s32 $0x3000  }
0x6: {  	s14 =	simm.s32 $0x3800;
	s15 =	simm.s32 $0x4000;
	s16 =	simm.s32 $0x4800  }
0x7: {  	s17 =	simm.s32 $0x5000;
	s18 =	simm.s32 $0x5800;
	s19 =	simm.s32 $0x6000  }
0x8: {  	s20 =	simm.s32 $0x6800;
	s21 =	simm.s32 $0x7000;
	s22 =	simm.s32 $0x7800  }
0x9: {  	s28 =	simm.s32 $0xA000;
	s29 =	simm.s32 $0xA800;
	s30 =	simm.s32 $0xB000  }
0xa: {  	s31 =	simm.s32 $0xB800;
	s1 =	sand.u32 $0x1, s1;
	[smem:$0x7FF] =	sst s2  }
0xb: {  	s3 =	sshll.u32 s0, $0x4;
	_ =	strace $0x80000047;
	[dreg:$0x6] =	wrdreg s26  }
0xc: {  	s6 =	sshll.u32 s1, $0x3;
	s1 =	ssub.s32 $0x2, s1;
	[dreg:$0x7] =	wrdreg s8  }
0xd: {  	s26 =	simm.s32 $0x9800;
	s3 =	sor.u32 s6, s3;
	s23 =	sshrl.u32 s1, $0x1  }
0xe: {  	s6 =	smul.u32 $0x300, s3;
	s7 =	sadd.s32 s3, s5;
	s3 =	sadd.s32 $0x10C00, s5  }
0xf: {  	s1 =	ssub.s32 s1, s23;
	s23 =	simm.s32 $0x8000;
	s24 =	sadd.s32 $0x10800, s7  }
0x10: {  	s25 =	sadd.s32 $0x10A00, s7;
	s7 =	simm.s32 $0x2;
	[dreg:$0x4] =	wrdreg s24  }
0x11: {  	v2 =	vlaneseq.u32;
	s4 =	sadd.s32 s4, s6;
	[dreg:$0x5] =	wrdreg s25;
	s6 =	smax.u32 s1, $0x1  }
0x12: {  	vm0 =	vmmov $0xffff;
	v1 =	vshrl.u32 v2, $0x3;
	s24 =	simm.s32 $0x8800;
	s25 =	simm.s32 $0x9000;
	s1 =	simm.s32 $0x1  }
0x13: {  	v0 =	vand.u32 $0x7, v2;
	v2 =	vor.u32 $0x8, v2;
	v1 =	vmul.u32 $0x8, v1;
	[dreg:$0x3] =	wrdreg s4;
	s4 =	sadd.s32 $0x10D00, s5;
	s5 =	sadd.s32 $0x10E00, s5  }
.LBB2_1:
0x14: {  	s0 =	rddreg [dreg:$0x3]  }
0x15: {  	[tilespmem:s2], [sflag:$0x2] =	stream.linear.gather [hbm4b:s0+s2], $0xC000, $0x38;
	[tilespmem:$0xC100] =	vst v63  }
0x16: {  	_ =	swait.ge [sflag:s7], $0xC000  }
0x17: {  	s0 =	rddreg [dreg:$0x4];
	[sflag:s7] =	ssyncset.done $0x0  }
0x18: {  	s8 =	rddreg [dreg:$0x6];
	[sflag:s7] =	ssyncadd.s32 $0xFFFF4000  }
0x19: {  	[tilespmem:s8], [sflag:$0x2] =	stream.linear.gather [hbm4b:s0+s2], $0x40, $0x38;
	[tilespmem:$0xC100] =	vst v63  }
0x1a: {  	_ =	swait.ge [sflag:s7], $0x40  }
0x1b: {  	s0 =	rddreg [dreg:$0x5];
	[sflag:s7] =	ssyncset.done $0x0  }
0x1c: {  	s8 =	rddreg [dreg:$0x7];
	[sflag:s7] =	ssyncadd.s32 $0xFFFFFFC0  }
0x1d: {  	[tilespmem:s8], [sflag:$0x2] =	stream.linear.gather [hbm4b:s0+s2], $0x40, $0x38;
	[tilespmem:$0xC100] =	vst v63  }
0x1e: {  	_ =	swait.ge [sflag:s7], $0x40  }
0x1f: {  	[sflag:s7] =	ssyncset.done $0x0  }
0x20: {  	[sflag:s7] =	ssyncadd.s32 $0xFFFFFFC0  }
0x21: {  	v3 =	vld [tilespmem:$0xC000];
	_ =	sdelay $0x4  }
0x22: {  	v4 =	vshrl.u32 v3, $0x3  }
0x23: {  	v4 =	vmul.u32 $0x30, v4  }
0x24: {  	v3 =	vand.u32 $0x7, v3  }
0x25: {  	v3 =	vor.u32 v3, v4  }
0x26: {  	v4 =	vperm.xlane v3, v0;
	_ =	sdelay $0x1  }
0x27: {  	v4 =	vadd.s32 v1, v4;
	_ =	sdelay $0x3  }
0x28: {  	v3 =	vperm.xlane v3, v2  }
0x29: {  	[hbm4b:s3+s2] =	stream.indirect_vreg.scatter [tilespmem:s2], [sflag:$0x1], $0x80, v4, vm0, $0xb8;
	[tilespmem:$0xC100] =	vst v63  }
0x2a: {  	s8 =	simm.s32 $0x800;
	v3 =	vadd.s32 v1, v3  }
0x2b: {  	[hbm4b:s4+s2] =	stream.indirect_vreg.scatter [tilespmem:s8], [sflag:$0x1], $0x80, v4, vm0, $0xb8;
	[tilespmem:$0xC100] =	vst v63  }
0x2c: {  	_ = 	snop  }
0x2d: {  	[hbm4b:s5+s2] =	stream.indirect_vreg.scatter [tilespmem:s9], [sflag:$0x1], $0x80, v4, vm0, $0xb8;
	[tilespmem:$0xC100] =	vst v63  }
0x2e: {  	_ = 	snop  }
0x2f: {  	[hbm4b:s3+s2] =	stream.indirect_vreg.scatter [tilespmem:s10], [sflag:$0x1], $0x80, v3, vm0, $0xb8;
	[tilespmem:$0xC100] =	vst v63  }
0x30: {  	_ = 	snop  }
0x31: {  	[hbm4b:s4+s2] =	stream.indirect_vreg.scatter [tilespmem:s11], [sflag:$0x1], $0x80, v3, vm0, $0xb8;
	[tilespmem:$0xC100] =	vst v63  }
0x32: {  	_ = 	snop  }
0x33: {  	[hbm4b:s5+s2] =	stream.indirect_vreg.scatter [tilespmem:s12], [sflag:$0x1], $0x80, v3, vm0, $0xb8;
	[tilespmem:$0xC100] =	vst v63  }
0x34: {  	v3 =	vld [tilespmem:$0xC010];
	_ =	sdelay $0x4  }
0x35: {  	v57 =	vshrl.u32 v3, $0x3  }
0x36: {  	v4 =	vmul.u32 $0x30, v57  }
0x37: {  	v3 =	vand.u32 $0x7, v3  }
0x38: {  	v3 =	vor.u32 v3, v4  }
0x39: {  	v4 =	vperm.xlane v3, v0;
	_ =	sdelay $0x1  }
0x3a: {  	v4 =	vadd.s32 v1, v4;
	_ =	sdelay $0x3  }
0x3b: {  	v3 =	vperm.xlane v3, v2  }
0x3c: {  	[hbm4b:s3+s2] =	stream.indirect_vreg.scatter [tilespmem:s13], [sflag:$0x1], $0x80, v4, vm0, $0xb8;
	[tilespmem:$0xC100] =	vst v63  }
0x3d: {  	v3 =	vadd.s32 v1, v3  }
0x3e: {  	[hbm4b:s4+s2] =	stream.indirect_vreg.scatter [tilespmem:s14], [sflag:$0x1], $0x80, v4, vm0, $0xb8;
	[tilespmem:$0xC100] =	vst v63  }
0x3f: {  	_ = 	snop  }
0x40: {  	[hbm4b:s5+s2] =	stream.indirect_vreg.scatter [tilespmem:s15], [sflag:$0x1], $0x80, v4, vm0, $0xb8;
	[tilespmem:$0xC100] =	vst v63  }
0x41: {  	_ = 	snop  }
0x42: {  	[hbm4b:s3+s2] =	stream.indirect_vreg.scatter [tilespmem:s16], [sflag:$0x1], $0x80, v3, vm0, $0xb8;
	[tilespmem:$0xC100] =	vst v63  }
0x43: {  	_ = 	snop  }
0x44: {  	[hbm4b:s4+s2] =	stream.indirect_vreg.scatter [tilespmem:s17], [sflag:$0x1], $0x80, v3, vm0, $0xb8;
	[tilespmem:$0xC100] =	vst v63  }
0x45: {  	_ = 	snop  }
0x46: {  	[hbm4b:s5+s2] =	stream.indirect_vreg.scatter [tilespmem:s18], [sflag:$0x1], $0x80, v3, vm0, $0xb8;
	[tilespmem:$0xC100] =	vst v63  }
0x47: {  	v3 =	vld [tilespmem:$0xC020];
	_ =	sdelay $0x4  }
0x48: {  	v58 =	vshrl.u32 v3, $0x3  }
0x49: {  	v4 =	vmul.u32 $0x30, v58  }
0x4a: {  	v3 =	vand.u32 $0x7, v3  }
0x4b: {  	v3 =	vor.u32 v3, v4  }
0x4c: {  	v4 =	vperm.xlane v3, v0;
	_ =	sdelay $0x1  }
0x4d: {  	v4 =	vadd.s32 v1, v4;
	_ =	sdelay $0x3  }
0x4e: {  	v3 =	vperm.xlane v3, v2  }
0x4f: {  	[hbm4b:s3+s2] =	stream.indirect_vreg.scatter [tilespmem:s19], [sflag:$0x1], $0x80, v4, vm0, $0xb8;
	[tilespmem:$0xC100] =	vst v63  }
0x50: {  	v3 =	vadd.s32 v1, v3  }
0x51: {  	[hbm4b:s4+s2] =	stream.indirect_vreg.scatter [tilespmem:s20], [sflag:$0x1], $0x80, v4, vm0, $0xb8;
	[tilespmem:$0xC100] =	vst v63  }
0x52: {  	_ = 	snop  }
0x53: {  	[hbm4b:s5+s2] =	stream.indirect_vreg.scatter [tilespmem:s21], [sflag:$0x1], $0x80, v4, vm0, $0xb8;
	[tilespmem:$0xC100] =	vst v63  }
0x54: {  	_ = 	snop  }
0x55: {  	[hbm4b:s3+s2] =	stream.indirect_vreg.scatter [tilespmem:s22], [sflag:$0x1], $0x80, v3, vm0, $0xb8;
	[tilespmem:$0xC100] =	vst v63  }
0x56: {  	_ = 	snop  }
0x57: {  	[hbm4b:s4+s2] =	stream.indirect_vreg.scatter [tilespmem:s23], [sflag:$0x1], $0x80, v3, vm0, $0xb8;
	[tilespmem:$0xC100] =	vst v63  }
0x58: {  	_ = 	snop  }
0x59: {  	[hbm4b:s5+s2] =	stream.indirect_vreg.scatter [tilespmem:s24], [sflag:$0x1], $0x80, v3, vm0, $0xb8;
	[tilespmem:$0xC100] =	vst v63  }
0x5a: {  	v3 =	vld [tilespmem:$0xC030];
	_ =	sdelay $0x4  }
0x5b: {  	v59 =	vshrl.u32 v3, $0x3  }
0x5c: {  	v4 =	vmul.u32 $0x30, v59  }
0x5d: {  	v3 =	vand.u32 $0x7, v3  }
0x5e: {  	v3 =	vor.u32 v3, v4  }
0x5f: {  	v4 =	vperm.xlane v3, v0;
	_ =	sdelay $0x1  }
0x60: {  	v4 =	vadd.s32 v1, v4;
	_ =	sdelay $0x3  }
0x61: {  	v3 =	vperm.xlane v3, v2  }
0x62: {  	[hbm4b:s3+s2] =	stream.indirect_vreg.scatter [tilespmem:s25], [sflag:$0x1], $0x80, v4, vm0, $0xb8;
	[tilespmem:$0xC100] =	vst v63  }
0x63: {  	v3 =	vadd.s32 v1, v3  }
0x64: {  	[hbm4b:s4+s2] =	stream.indirect_vreg.scatter [tilespmem:s26], [sflag:$0x1], $0x80, v4, vm0, $0xb8;
	[tilespmem:$0xC100] =	vst v63  }
0x65: {  	_ = 	snop  }
0x66: {  	[hbm4b:s5+s2] =	stream.indirect_vreg.scatter [tilespmem:s28], [sflag:$0x1], $0x80, v4, vm0, $0xb8;
	[tilespmem:$0xC100] =	vst v63  }
0x67: {  	_ = 	snop  }
0x68: {  	[hbm4b:s3+s2] =	stream.indirect_vreg.scatter [tilespmem:s29], [sflag:$0x1], $0x80, v3, vm0, $0xb8;
	[tilespmem:$0xC100] =	vst v63  }
0x69: {  	_ = 	snop  }
0x6a: {  	[hbm4b:s4+s2] =	stream.indirect_vreg.scatter [tilespmem:s30], [sflag:$0x1], $0x80, v3, vm0, $0xb8;
	[tilespmem:$0xC100] =	vst v63  }
0x6b: {  	_ = 	snop  }
0x6c: {  	[hbm4b:s5+s2] =	stream.indirect_vreg.scatter [tilespmem:s31], [sflag:$0x1], $0x80, v3, vm0, $0xb8;
	[tilespmem:$0xC100] =	vst v63  }
0x6d: {  	v3 =	vld [tilespmem:$0xC080];
	_ =	sdelay $0x4  }
0x6e: {  	v60 =	vshrl.u32 v3, $0x3  }
0x6f: {  	v4 =	vmul.u32 $0x30, v60  }
0x70: {  	v3 =	vand.u32 $0x7, v3  }
0x71: {  	v3 =	vor.u32 v3, v4  }
0x72: {  	v4 =	vperm.xlane v3, v0;
	_ =	sdelay $0x1  }
0x73: {  	v4 =	vadd.s32 v1, v4;
	_ =	sdelay $0x3  }
0x74: {  	v3 =	vperm.xlane v3, v2  }
0x75: {  	[hbm4b:s3+s2] =	stream.indirect_vreg.scatter [tilespmem:s2], [sflag:$0x1], $0x80, v4, vm0, $0xb8;
	[tilespmem:$0xC100] =	vst v63  }
0x76: {  	v3 =	vadd.s32 v1, v3  }
0x77: {  	[hbm4b:s4+s2] =	stream.indirect_vreg.scatter [tilespmem:s8], [sflag:$0x1], $0x80, v4, vm0, $0xb8;
	[tilespmem:$0xC100] =	vst v63  }
0x78: {  	_ = 	snop  }
0x79: {  	[hbm4b:s5+s2] =	stream.indirect_vreg.scatter [tilespmem:s9], [sflag:$0x1], $0x80, v4, vm0, $0xb8;
	[tilespmem:$0xC100] =	vst v63  }
0x7a: {  	_ = 	snop  }
0x7b: {  	[hbm4b:s3+s2] =	stream.indirect_vreg.scatter [tilespmem:s10], [sflag:$0x1], $0x80, v3, vm0, $0xb8;
	[tilespmem:$0xC100] =	vst v63  }
0x7c: {  	_ = 	snop  }
0x7d: {  	[hbm4b:s4+s2] =	stream.indirect_vreg.scatter [tilespmem:s11], [sflag:$0x1], $0x80, v3, vm0, $0xb8;
	[tilespmem:$0xC100] =	vst v63  }
0x7e: {  	_ = 	snop  }
0x7f: {  	[hbm4b:s5+s2] =	stream.indirect_vreg.scatter [tilespmem:s12], [sflag:$0x1], $0x80, v3, vm0, $0xb8;
	[tilespmem:$0xC100] =	vst v63  }
0x80: {  	v3 =	vld [tilespmem:$0xC090];
	_ =	sdelay $0x4  }
0x81: {  	v61 =	vshrl.u32 v3, $0x3  }
0x82: {  	v4 =	vmul.u32 $0x30, v61  }
0x83: {  	v3 =	vand.u32 $0x7, v3  }
0x84: {  	v3 =	vor.u32 v3, v4  }
0x85: {  	v4 =	vperm.xlane v3, v0;
	_ =	sdelay $0x1  }
0x86: {  	v4 =	vadd.s32 v1, v4;
	_ =	sdelay $0x3  }
0x87: {  	v3 =	vperm.xlane v3, v2  }
0x88: {  	[hbm4b:s3+s2] =	stream.indirect_vreg.scatter [tilespmem:s13], [sflag:$0x1], $0x80, v4, vm0, $0xb8;
	[tilespmem:$0xC100] =	vst v63  }
0x89: {  	v3 =	vadd.s32 v1, v3  }
0x8a: {  	[hbm4b:s4+s2] =	stream.indirect_vreg.scatter [tilespmem:s14], [sflag:$0x1], $0x80, v4, vm0, $0xb8;
	[tilespmem:$0xC100] =	vst v63  }
0x8b: {  	_ = 	snop  }
0x8c: {  	[hbm4b:s5+s2] =	stream.indirect_vreg.scatter [tilespmem:s15], [sflag:$0x1], $0x80, v4, vm0, $0xb8;
	[tilespmem:$0xC100] =	vst v63  }
0x8d: {  	_ = 	snop  }
0x8e: {  	[hbm4b:s3+s2] =	stream.indirect_vreg.scatter [tilespmem:s16], [sflag:$0x1], $0x80, v3, vm0, $0xb8;
	[tilespmem:$0xC100] =	vst v63  }
0x8f: {  	_ = 	snop  }
0x90: {  	[hbm4b:s4+s2] =	stream.indirect_vreg.scatter [tilespmem:s17], [sflag:$0x1], $0x80, v3, vm0, $0xb8;
	[tilespmem:$0xC100] =	vst v63  }
0x91: {  	_ = 	snop  }
0x92: {  	[hbm4b:s5+s2] =	stream.indirect_vreg.scatter [tilespmem:s18], [sflag:$0x1], $0x80, v3, vm0, $0xb8;
	[tilespmem:$0xC100] =	vst v63  }
0x93: {  	v3 =	vld [tilespmem:$0xC0A0];
	_ =	sdelay $0x4  }
0x94: {  	v62 =	vshrl.u32 v3, $0x3  }
0x95: {  	v4 =	vmul.u32 $0x30, v62  }
0x96: {  	v3 =	vand.u32 $0x7, v3  }
0x97: {  	v3 =	vor.u32 v3, v4  }
0x98: {  	v4 =	vperm.xlane v3, v0;
	_ =	sdelay $0x1  }
0x99: {  	v4 =	vadd.s32 v1, v4;
	_ =	sdelay $0x3  }
0x9a: {  	v3 =	vperm.xlane v3, v2  }
0x9b: {  	[hbm4b:s3+s2] =	stream.indirect_vreg.scatter [tilespmem:s19], [sflag:$0x1], $0x80, v4, vm0, $0xb8;
	[tilespmem:$0xC100] =	vst v63  }
0x9c: {  	v3 =	vadd.s32 v1, v3  }
0x9d: {  	[hbm4b:s4+s2] =	stream.indirect_vreg.scatter [tilespmem:s20], [sflag:$0x1], $0x80, v4, vm0, $0xb8;
	[tilespmem:$0xC100] =	vst v63  }
0x9e: {  	_ = 	snop  }
0x9f: {  	[hbm4b:s5+s2] =	stream.indirect_vreg.scatter [tilespmem:s21], [sflag:$0x1], $0x80, v4, vm0, $0xb8;
	[tilespmem:$0xC100] =	vst v63  }
0xa0: {  	_ = 	snop  }
0xa1: {  	[hbm4b:s3+s2] =	stream.indirect_vreg.scatter [tilespmem:s22], [sflag:$0x1], $0x80, v3, vm0, $0xb8;
	[tilespmem:$0xC100] =	vst v63  }
0xa2: {  	_ = 	snop  }
0xa3: {  	[hbm4b:s4+s2] =	stream.indirect_vreg.scatter [tilespmem:s23], [sflag:$0x1], $0x80, v3, vm0, $0xb8;
	[tilespmem:$0xC100] =	vst v63  }
0xa4: {  	_ = 	snop  }
0xa5: {  	[hbm4b:s5+s2] =	stream.indirect_vreg.scatter [tilespmem:s24], [sflag:$0x1], $0x80, v3, vm0, $0xb8;
	[tilespmem:$0xC100] =	vst v63  }
0xa6: {  	v3 =	vld [tilespmem:$0xC0B0];
	_ =	sdelay $0x4  }
0xa7: {  	v63 =	vshrl.u32 v3, $0x3  }
0xa8: {  	v4 =	vmul.u32 $0x30, v63  }
0xa9: {  	v3 =	vand.u32 $0x7, v3  }
0xaa: {  	v3 =	vor.u32 v3, v4  }
0xab: {  	v4 =	vperm.xlane v3, v0;
	_ =	sdelay $0x1  }
0xac: {  	v4 =	vadd.s32 v1, v4;
	_ =	sdelay $0x3  }
0xad: {  	v3 =	vperm.xlane v3, v2  }
0xae: {  	[hbm4b:s3+s2] =	stream.indirect_vreg.scatter [tilespmem:s25], [sflag:$0x1], $0x80, v4, vm0, $0xb8;
	[tilespmem:$0xC100] =	vst v63  }
0xaf: {  	v3 =	vadd.s32 v1, v3  }
0xb0: {  	[hbm4b:s4+s2] =	stream.indirect_vreg.scatter [tilespmem:s26], [sflag:$0x1], $0x80, v4, vm0, $0xb8;
	[tilespmem:$0xC100] =	vst v63  }
0xb1: {  	_ = 	snop  }
0xb2: {  	[hbm4b:s5+s2] =	stream.indirect_vreg.scatter [tilespmem:s28], [sflag:$0x1], $0x80, v4, vm0, $0xb8;
	[tilespmem:$0xC100] =	vst v63  }
0xb3: {  	_ = 	snop  }
0xb4: {  	[hbm4b:s3+s2] =	stream.indirect_vreg.scatter [tilespmem:s29], [sflag:$0x1], $0x80, v3, vm0, $0xb8;
	[tilespmem:$0xC100] =	vst v63  }
0xb5: {  	_ = 	snop  }
0xb6: {  	[hbm4b:s4+s2] =	stream.indirect_vreg.scatter [tilespmem:s30], [sflag:$0x1], $0x80, v3, vm0, $0xb8;
	[tilespmem:$0xC100] =	vst v63  }
0xb7: {  	_ = 	snop  }
0xb8: {  	[hbm4b:s5+s2] =	stream.indirect_vreg.scatter [tilespmem:s31], [sflag:$0x1], $0x80, v3, vm0, $0xb8;
	[tilespmem:$0xC100] =	vst v63  }
0xb9: {  	p0 =	sne.s32 s6, $0x1;
	_ =	swait.ge [sflag:s1], $0xC000  }
.Ltmp0:
0xba: {  	[sflag:s1] =	ssyncset.done $0x0;
	(pc) =	sbr.rel @p0 .LBB2_1-.Ltmp0, $4  }
0xbb: {  	[sflag:s1] =	ssyncadd.s32 $0xFFFF4000  }
0xbc: {  	_ =	swait.ge [sflag:s1], $0xC000  }
0xbd: {  	[sflag:s1] =	ssyncset.done $0x0  }
0xbe: {  	s6 =	sadd.s32 $0xFFFFFFFF, s6;
	[sflag:s1] =	ssyncadd.s32 $0xFFFF4000  }
0xbf: {  	_ =	sfence.sel $0x180000  }
0xc0: {  	[bflag:$0x0] =	sbarrier.arrive $0xFFFF  }
0xc1: {  	_ =	strace $0x90000047  }
0xc2: {  	s0 =	stileid.u32;
	[bflag:$0x2] =	sbarrier.arrive $0xFFFF  }
0xc3: {  	p0 =	sne.s32 s0, $0x0;
	s0 =	rddreg [dreg:$0x2]  }
0xc4: {  	s0 =	sadd.s32 @!p0 $0x100000, s0  }
0xc5: {  	[sflag:s0] =	ssyncadd.tile.s32 @!p0 $0x1;
	_ =	shalt  }
.Lfunc_end2:
_tile_overlayer_lowered:
.L_overlay_start_2:
0xc6: {  	(tag) =	ssettag $0x2  }
0xc7: {  	s0 =	rddreg [dreg:$0x0];
	s2 =	stileid.u32  }
0xc8: {  	s1 =	rddreg [dreg:$0x1];
	p0 =	sne.s32 s2, $0x0  }
0xc9: {  	s3 =	rddreg [dreg:$0x2];
	[bflag:$0x3] =	sbarrier.arrive $0xFFFF;
	s2 =	simm.s32 @!p0 $0x1C02  }
0xca: {  	[timem:s3], [sflag:s2] =	dma.local @!p0 [hbm:s0], s1  }
0xcb: {  	s0 =	simm.s32 @!p0 $0x2  }
0xcc: {  	_ =	swait.ge @!p0 [sflag:s0], s1  }
0xcd: {  	s1 =	ssub.s32 @!p0 $0x0, s1;
	[sflag:s0] =	ssyncset.done @!p0 $0x0  }
0xce: {  	[sflag:s0] =	ssyncadd.s32 @!p0 s1  }
0xcf: {  	[bflag:$0x3] =	sbarrier.arrive $0xFFFF  }
0xd0: {  	_ =	shalt  }

// kernel: kernel.9.cloned.1.call-start
scs
__scs_entry_jumppad:
0x0: {  	(pc) =	sbr.rel $0x88, $3  }
0x1: {  	(tag) =	ssettag $0x0;
	lr =	simm.s32 $0x1  }
0x2: {  	[smem:$0x3F9A] =	sst lr;
	_ =	strace $0xD0000000  }
0x3: {  	_ = 	snop  }
0x4: {  	_ = 	snop  }
0x5: {  	_ = 	snop  }
0x6: {  	_ = 	snop  }
0x7: {  	_ = 	snop  }
__scs_overlays_trampoline_lowered:
0x8: {  	[smem:$0x3FA9] =	sst s0  }
0x9: {  	[smem:$0x3FAA] =	sst s1  }
0xa: {  	[smem:$0x3FAB] =	sst s2  }
0xb: {  	[smem:$0x3FAC] =	sst s3  }
0xc: {  	[smem:$0x3FAD] =	sst s4  }
0xd: {  	[smem:$0x3FAE] =	sst s5  }
0xe: {  	[smem:$0x3FAF] =	sst s6  }
0xf: {  	[smem:$0x3FB0] =	sst s7  }
0x10: {  	[smem:$0x3FB1] =	sst s8  }
0x11: {  	[smem:$0x3FB2] =	sst s9;
	s0 =	simm.s32 @!p0 $0x0  }
0x12: {  	s1 =	sld [smem:$0x3F98];
	s0 =	simm.s32 @p0 $0x1  }
0x13: {  	[smem:$0x3FB3] =	sst s0;
	s0 =	simm.s32 @!p1 $0x0  }
0x14: {  	s2 =	sld [smem:$0x3F97];
	s0 =	simm.s32 @p1 $0x1  }
0x15: {  	[smem:$0x3FB4] =	sst s0;
	s0 =	simm.s32 @!p2 $0x0  }
0x16: {  	s3 =	sld [smem:$0x3FDB];
	s0 =	simm.s32 @p2 $0x1  }
0x17: {  	s4 =	simm.s32 $0x1BF5;
	[smem:$0x3FB6] =	sst s0  }
0x18: {  	s0 =	sld [smem:$0x3F99];
	_ =	swait.ge [sflag:s4], $0x0  }
0x19: {  	s7 =	sld [smem:$0x3F9A]  }
0x1a: {  	s8 =	sadd.s32 $0xFFFFE003, lr  }
0x1b: {  	s9 =	sadd.s32 $0xFFFFFEF7, lr;
	s5 =	simm.s32 $0xFFFFFFFF;
	p2 =	slt.u32 s8, $0xFFFFF086  }
0x1c: {  	p1 =	slt.u32 s9, $0xF7A;
	s5 =	simm.s32 @!p2 $0x0  }
0x1d: {  	s5 =	simm.s32 @p1 $0x1;
	p0 =	seq.s32 s7, s2  }
0x1e: {  	s7 =	smul.u32 @!p0 $0xF7A, s2;
	p2 =	seq.s32 @!p0 s5, $0x0  }
0x1f: {  	s9 =	smul.u32 $0xF7A, s1;
	s8 =	simm.s32 @!p0 $0x1BF5;
	p2 =	por !p2, p0  }
0x20: {  	[sflag:s8] =	ssyncset.s32 @!p0 $0xFFFFF086;
	s6 =	sadd.s32 @!p0 s3, s7;
	s7 =	simm.s32 @!p0 $0x108  }
0x21: {  	s3 =	sadd.s32 s3, s9;
	s6 =	sadd.s32 @!p0 $0x88, s6;
	s7 =	simm.s32 @p2 $0x1082  }
0x22: {  	[simem:s7], [sflag:s8] =	dma.local @!p0 [hbm:s6], $0xF7A  }
0x23: {  	s9 =	sor.u32 $0xD0000000, s2;
	s6 =	simm.s32 $0x108;
	_ =	swait.ge @!p0 [sflag:s8], $0x0  }
0x24: {  	s3 =	sadd.s32 $0x88, s3;
	s6 =	simm.s32 @!p1 $0x1082;
	[sflag:s4] =	ssyncset.s32 $0xFFFFF086  }
0x25: {  	[simem:s6], [sflag:s4] =	dma.local [hbm:s3], $0xF7A  }
0x26: {  	[smem:$0x3F9A] =	sst s1;
	(tag) =	ssettag s2;
	_ =	strace s9  }
0x27: {  	s1 =	sld [smem:$0x3FAA]  }
0x28: {  	s2 =	sld [smem:$0x3FAB]  }
0x29: {  	s4 =	sld [smem:$0x3FAD]  }
0x2a: {  	p0 =	seq.s32 s5, $0x0;
	s5 =	sld [smem:$0x3FAE]  }
0x2b: {  	s6 =	sld [smem:$0x3FAF]  }
0x2c: {  	s7 =	sld [smem:$0x3FB0]  }
0x2d: {  	s3 =	simm.s32 $0x108;
	s8 =	sld [smem:$0x3FB1]  }
0x2e: {  	s3 =	simm.s32 @!p0 $0x1082;
	s9 =	sld [smem:$0x3FB2]  }
0x2f: {  	lr =	sadd.s32 s0, s3;
	s0 =	sld [smem:$0x3FA9]  }
0x30: {  	s3 =	sld [smem:$0x3FAC]  }
0x31: {  	[smem:$0x3FB5] =	sst s10  }
0x32: {  	s10 =	sld [smem:$0x3FB3];
	_ =	sdelay $0x3  }
0x33: {  	p0 =	seq.s32 s10, $0x1;
	s10 =	sld [smem:$0x3FB5];
	_ =	sdelay $0x3  }
0x34: {  	[smem:$0x3FB5] =	sst s10  }
0x35: {  	s10 =	sld [smem:$0x3FB4];
	_ =	sdelay $0x3  }
0x36: {  	p1 =	seq.s32 s10, $0x1;
	s10 =	sld [smem:$0x3FB5];
	_ =	sdelay $0x3  }
0x37: {  	[smem:$0x3FB5] =	sst s10  }
0x38: {  	s10 =	sld [smem:$0x3FB6]  }
0x39: {  	_ = 	snop;
	(pc) =	sbr.ind lr, $3  }
0x3a: {  	_ = 	snop  }
0x3b: {  	_ = 	snop  }
0x3c: {  	p2 =	seq.s32 s10, $0x1;
	s10 =	sld [smem:$0x3FB5]  }
0x3d: {  	_ =	shalt  }
0x3e: {  	_ =	shalt  }
0x3f: {  	_ =	shalt  }
0x40: {  	_ =	shalt  }
0x41: {  	_ =	shalt  }
0x42: {  	_ =	shalt  }
0x43: {  	_ =	shalt  }
0x44: {  	_ =	shalt  }
0x45: {  	_ =	shalt  }
0x46: {  	_ =	shalt  }
0x47: {  	_ =	shalt  }
0x48: {  	_ =	shalt  }
0x49: {  	_ =	shalt  }
0x4a: {  	_ =	shalt  }
0x4b: {  	_ =	shalt  }
0x4c: {  	_ =	shalt  }
0x4d: {  	_ =	shalt  }
0x4e: {  	_ =	shalt  }
0x4f: {  	_ =	shalt  }
0x50: {  	_ =	shalt  }
0x51: {  	_ =	shalt  }
0x52: {  	_ =	shalt  }
0x53: {  	_ =	shalt  }
0x54: {  	_ =	shalt  }
0x55: {  	_ =	shalt  }
0x56: {  	_ =	shalt  }
0x57: {  	_ =	shalt  }
0x58: {  	_ =	shalt  }
0x59: {  	_ =	shalt  }
0x5a: {  	_ =	shalt  }
0x5b: {  	_ =	shalt  }
0x5c: {  	_ =	shalt  }
0x5d: {  	_ =	shalt  }
0x5e: {  	_ =	shalt  }
0x5f: {  	_ =	shalt  }
0x60: {  	_ =	shalt  }
0x61: {  	_ =	shalt  }
0x62: {  	_ =	shalt  }
0x63: {  	_ =	shalt  }
0x64: {  	_ =	shalt  }
0x65: {  	_ =	shalt  }
0x66: {  	_ =	shalt  }
0x67: {  	_ =	shalt  }
0x68: {  	_ =	shalt  }
0x69: {  	_ =	shalt  }
0x6a: {  	_ =	shalt  }
0x6b: {  	_ =	shalt  }
0x6c: {  	_ =	shalt  }
0x6d: {  	_ =	shalt  }
0x6e: {  	_ =	shalt  }
0x6f: {  	_ =	shalt  }
0x70: {  	_ =	shalt  }
0x71: {  	_ =	shalt  }
0x72: {  	_ =	shalt  }
0x73: {  	_ =	shalt  }
0x74: {  	_ =	shalt  }
0x75: {  	_ =	shalt  }
0x76: {  	_ =	shalt  }
0x77: {  	_ =	shalt  }
0x78: {  	_ =	shalt  }
0x79: {  	_ =	shalt  }
0x7a: {  	_ =	shalt  }
0x7b: {  	_ =	shalt  }
0x7c: {  	_ =	shalt  }
0x7d: {  	_ =	shalt  }
0x7e: {  	_ =	shalt  }
0x7f: {  	_ =	shalt  }
0x80: {  	_ =	shalt  }
0x81: {  	_ =	shalt  }
0x82: {  	_ =	shalt  }
0x83: {  	_ =	shalt  }
0x84: {  	_ =	shalt  }
0x85: {  	_ =	shalt  }
0x86: {  	_ =	shalt  }
0x87: {  	_ =	shalt  }
.Lfunc_end0:
.L_simem_size_0:
called_computation.1_lowered:
.L_overlay_start_0:
0x88: {  	s2 =	sld [smem:$0x3FD9]  }
0x89: {  	s3 =	sld [smem:$0x3FFE];
	_ =	sdelay $0x1  }
0x8a: {  	s1 =	srdreg.scid  }
0x8b: {  	s0 =	sand.u32 $0x1, s1  }
0x8c: {  	s17 =	sshll.u32 s0, $0xA;
	s2 =	sadd.s32 s3, s2  }
0x8d: {  	s2 =	sadd.s32 s2, s17  }
0x8e: {  	[smem:$0x3FC1] =	sst s2  }
0x8f: {  	_ = 	snop  }
0x90: {  	s2 =	sld [smem:$0x3FD0];
	(tm) =	ssettm $0x1  }
0x91: {  	s18 =	sld [smem:$0x3FFB];
	_ =	sdelay $0x3  }
0x92: {  	_ =	strace s18  }
0x93: {  	s3 =	sld [smem:$0x3FFC];
	_ =	sdelay $0x3  }
0x94: {  	_ =	strace s3  }
0x95: {  	s3 =	sld [smem:$0x3FFD];
	_ =	sdelay $0x3  }
0x96: {  	_ =	strace s3  }
0x97: {  	_ =	strace $0x8FFFFFFF  }
0x98: {  	s19 =	sld [smem:$0x3FDB];
	_ =	sdelay $0x1  }
0x99: {  	s4 =	simm.s32 $_scs_section_size  }
0x9a: {  	s5 =	simm.s32 $_size__tile_overlayer_lowered;
	s6 =	simm.s32 $_tile_overlayer_lowered  }
0x9b: {  	s22 =	simm.s32 $0x1BFF;
	s21 =	sshll.u32 s6, $0x1;
	s3 =	sadd.s32 s4, s19  }
0x9c: {  	s7 =	simm.s32 $0x0;
	s20 =	sshll.u32 s5, $0x1;
	s5 =	sadd.s32 s21, s3  }
0x9d: {  	[timem:s7], [sflag:s22] =	dma.local [hbm:s5], s20  }
0x9e: {  	_ =	swait.ge [sflag:s22], s20  }
0x9f: {  	s4 =	ssub.s32 $0x0, s20;
	[sflag:s22] =	ssyncset.done $0x0  }
0xa0: {  	[sflag:s22] =	ssyncadd.s32 s4;
	_ =	sdelay $0x1  }
0xa1: {  	s23 =	simm.s32 $0x1B8B  }
0xa2: {  	_ =	swait.ge [sflag:s23], $0x1  }
0xa3: {  	[sflag:s23] =	ssyncset.done $0x0  }
0xa4: {  	s25 =	simm.s32 $0x1B8E;
	s24 =	sld [smem:$0x3FFE];
	[sflag:s23] =	ssyncadd.s32 $0xFFFFFFFF  }
0xa5: {  	s26 =	simm.s32 $execute0_lowered;
	[smem:$0x3FD2] =	sst s25  }
0xa6: {  	s5 =	sshll.u32 s26, $0x1;
	_ =	strace $0x80000049;
	[dreg:$0x1] =	wrdreg $0xFFFFFFFF  }
0xa7: {  	s28 =	simm.s32 $_size_execute0_lowered;
	s3 =	sadd.s32 s3, s5;
	[dreg:$0x0] =	wrdreg $0x0  }
0xa8: {  	s5 =	sshll.u32 s28, $0x1;
	[dreg:$0x2] =	wrdreg s3  }
0xa9: {  	[dreg:$0x3] =	wrdreg s5  }
0xaa: {  	[dreg:$0x4] =	wrdreg $0xC0  }
0xab: {  	_ =	task [dreg:s7], $0x5FFFF  }
0xac: {  	[dreg:$0x1] =	wrdreg $0xFFFFFFFF  }
0xad: {  	[dreg:$0x0] =	wrdreg $0x60  }
0xae: {  	[dreg:$0x2] =	wrdreg s24  }
0xaf: {  	[dreg:$0x3] =	wrdreg s2  }
0xb0: {  	[dreg:$0x4] =	wrdreg $0x9  }
0xb1: {  	_ =	task.clear_ibuf [dreg:s7], $0x5FFFF;
	_ =	strace $0x90000049  }
0xb2: {  	s29 =	simm.s32 $0x9;
	_ =	strace $0x8000004B  }
0xb3: {  	_ =	swait.ge [sflag:s29], $0x1  }
0xb4: {  	[sflag:s29] =	ssyncadd.s32 $0xFFFFFFFF  }
0xb5: {  	_ =	strace $0x9000004B  }
0xb6: {  	_ =	sfence  }
0xb7: {  	s30 =	sld [smem:$0x0];
	_ =	sdelay $0x2  }
0xb8: {  	s31 =	sshll.u32 s1, $0xD;
	s1 =	sshrl.u32 s1, $0x2  }
0xb9: {  	s3 =	sand.u32 $0x4000, s31;
	s1 =	sadd.s32 s1, s30  }
0xba: {  	s0 =	sor.u32 s3, s0;
	s1 =	sshll.u32 s1, $0x11  }
0xbb: {  	s0 =	sor.u32 s1, s0  }
0xbc: {  	s0 =	sadd.s32 $0x8F2B, s0  }
0xbd: {  	[sflag:s0] =	ssyncadd.remote.s32 $0x1  }
0xbe: {  	_ =	sfence.sel $0xFFFF  }
0xbf: {  	[dreg:$0x0] =	wrdreg $0xFFFFFFFF;
	(pc) =	sbr.abs _section_cstart, $3  }
0xc0: {  	[dreg:$0x1] =	wrdreg $0xFFFFFFFF  }
0xc1: {  	_ =	task.clear_ibuf [dreg:s7], $0x2FFFF;
	_ =	strace $0x9FFFFFFF  }
0xc2: {  	(tm) =	ssettm $0x7FFFFFFF  }
0xc3: {  	_ =	shalt  }
tec
execute0_lowered:
.L_overlay_start_1:
0x0: {  	(tag) =	ssettag $0x1  }
0x1: {  	s0 =	rddreg [dreg:$0x0]  }
0x2: {  	s2 =	rddreg [dreg:$0x1];
	s1 =	simm.s32 $0x0  }
0x3: {  	s4 =	srdreg.scid;
	s5 =	stileid.u32;
	s16 =	simm.s32 $0x4  }
0x4: {  	s26 =	simm.s32 $0xC000;
	s30 =	simm.s32 $0x15800;
	s31 =	simm.s32 $0x16000  }
0x5: {  	s15 =	simm.s32 $0x17800;
	s17 =	simm.s32 $0x1;
	s18 =	simm.s32 $0x2  }
0x6: {  	s19 =	simm.s32 $0x3;
	s20 =	simm.s32 $0x0;
	[smem:$0x7FF] =	sst s1  }
0x7: {  	s3 =	sadd.s32 $0x10C00, s0;
	s4 =	sand.u32 $0x1, s4;
	s8 =	sadd.s32 $0x10800, s0  }
0x8: {  	s5 =	sshll.u32 s5, $0x7;
	s9 =	sadd.s32 $0x10A00, s0;
	s6 =	sshll.u32 s4, $0x6  }
0x9: {  	_ =	strace $0x8000004A;
	s4 =	ssub.s32 $0x2, s4;
	s5 =	sor.u32 s6, s5  }
0xa: {  	s7 =	sshrl.u32 s4, $0x1;
	s6 =	sshll.u32 s5, $0x4;
	s10 =	sshrl.u32 s5, $0x3  }
0xb: {  	s14 =	ssub.s32 s4, s7;
	s7 =	sadd.s32 $0x10E00, s0;
	s11 =	sadd.s32 s6, s0  }
0xc: {  	s4 =	sadd.s32 s8, s10;
	s5 =	sadd.s32 s9, s10;
	s12 =	sor.u32 $0x4, s10  }
0xd: {  	s13 =	smul.u32 $0x300, s10;
	s6 =	sadd.s32 $0x10D00, s0;
	s14 =	smax.u32 s14, $0x1  }
0xe: {  	v2 =	vlaneseq.u32;
	s0 =	simm.s32 $0x16800;
	s29 =	smul.u32 $0x300, s12;
	s8 =	sadd.s32 s8, s12  }
0xf: {  	vm0 =	vmmov $0xffff;
	v1 =	vshrl.u32 v2, $0x3;
	s9 =	sadd.s32 s9, s12;
	s10 =	sadd.s32 $0x800, s11;
	s11 =	sadd.s32 $0x8800, s11  }
0x10: {  	v0 =	vand.u32 $0x7, v2;
	v2 =	vor.u32 $0x8, v2;
	v1 =	vmul.u32 $0x8, v1;
	s12 =	sadd.s32 s2, s13;
	s13 =	sadd.s32 s2, s29;
	s2 =	simm.s32 $0x17000  }
.LBB2_1:
0x11: {  	s21 =	simm.s32 $0x18000  }
0x12: {  	[tilespmem:s21], [sflag:$0x4] =	stream.linear.gather [hbm4b:s4+s1], $0x20, $0x38;
	[tilespmem:$0x1C200] =	vst v63  }
0x13: {  	_ =	swait.ge [sflag:s16], $0x20  }
0x14: {  	[sflag:s16] =	ssyncset.done $0x0  }
0x15: {  	s25 =	simm.s32 $0x18080;
	[sflag:s16] =	ssyncadd.s32 $0xFFFFFFE0  }
0x16: {  	[tilespmem:s25], [sflag:$0x4] =	stream.linear.gather [hbm4b:s5+s1], $0x20, $0x38;
	[tilespmem:$0x1C200] =	vst v63  }
0x17: {  	_ =	swait.ge [sflag:s16], $0x20  }
0x18: {  	[sflag:s16] =	ssyncset.done $0x0  }
0x19: {  	[sflag:s16] =	ssyncadd.s32 $0xFFFFFFE0  }
0x1a: {  	v3 =	vld [tilespmem:$0x18000];
	_ =	sdelay $0x4  }
0x1b: {  	v4 =	vshrl.u32 v3, $0x3  }
0x1c: {  	v4 =	vmul.u32 $0x30, v4  }
0x1d: {  	v3 =	vand.u32 $0x7, v3  }
0x1e: {  	v3 =	vor.u32 v3, v4  }
0x1f: {  	v4 =	vperm.xlane v3, v0;
	_ =	sdelay $0x1  }
0x20: {  	v4 =	vadd.s32 v1, v4;
	_ =	sdelay $0x3  }
0x21: {  	v3 =	vperm.xlane v3, v2  }
0x22: {  	[tilespmem:s1], [sflag:$0x1] =	stream.indirect_vreg.gather [hbm4b:s3+s1], $0x80, v4, vm0, $0xb8;
	[tilespmem:$0x1C200] =	vst v63  }
0x23: {  	s28 =	simm.s32 $0x800;
	v3 =	vadd.s32 v1, v3  }
0x24: {  	[tilespmem:s28], [sflag:$0x1] =	stream.indirect_vreg.gather [hbm4b:s6+s1], $0x80, v4, vm0, $0xb8;
	[tilespmem:$0x1C200] =	vst v63  }
0x25: {  	s29 =	simm.s32 $0x1000  }
0x26: {  	[tilespmem:s29], [sflag:$0x1] =	stream.indirect_vreg.gather [hbm4b:s7+s1], $0x80, v4, vm0, $0xb8;
	[tilespmem:$0x1C200] =	vst v63  }
0x27: {  	s22 =	simm.s32 $0x1800  }
0x28: {  	[tilespmem:s22], [sflag:$0x1] =	stream.indirect_vreg.gather [hbm4b:s3+s1], $0x80, v3, vm0, $0xb8;
	[tilespmem:$0x1C200] =	vst v63  }
0x29: {  	s23 =	simm.s32 $0x2000  }
0x2a: {  	[tilespmem:s23], [sflag:$0x1] =	stream.indirect_vreg.gather [hbm4b:s6+s1], $0x80, v3, vm0, $0xb8;
	[tilespmem:$0x1C200] =	vst v63  }
0x2b: {  	s24 =	simm.s32 $0x2800  }
0x2c: {  	[tilespmem:s24], [sflag:$0x1] =	stream.indirect_vreg.gather [hbm4b:s7+s1], $0x80, v3, vm0, $0xb8;
	[tilespmem:$0x1C200] =	vst v63  }
0x2d: {  	v3 =	vld [tilespmem:$0x18010];
	_ =	sdelay $0x4  }
0x2e: {  	v4 =	vshrl.u32 v3, $0x3  }
0x2f: {  	v4 =	vmul.u32 $0x30, v4  }
0x30: {  	v3 =	vand.u32 $0x7, v3  }
0x31: {  	v3 =	vor.u32 v3, v4  }
0x32: {  	v4 =	vperm.xlane v3, v0;
	_ =	sdelay $0x1  }
0x33: {  	v4 =	vadd.s32 v1, v4;
	_ =	sdelay $0x3  }
0x34: {  	s25 =	simm.s32 $0x3000;
	v3 =	vperm.xlane v3, v2  }
0x35: {  	[tilespmem:s25], [sflag:$0x1] =	stream.indirect_vreg.gather [hbm4b:s3+s1], $0x80, v4, vm0, $0xb8;
	[tilespmem:$0x1C200] =	vst v63  }
0x36: {  	s28 =	simm.s32 $0x3800;
	v3 =	vadd.s32 v1, v3  }
0x37: {  	[tilespmem:s28], [sflag:$0x1] =	stream.indirect_vreg.gather [hbm4b:s6+s1], $0x80, v4, vm0, $0xb8;
	[tilespmem:$0x1C200] =	vst v63  }
0x38: {  	s29 =	simm.s32 $0x4000  }
0x39: {  	[tilespmem:s29], [sflag:$0x1] =	stream.indirect_vreg.gather [hbm4b:s7+s1], $0x80, v4, vm0, $0xb8;
	[tilespmem:$0x1C200] =	vst v63  }
0x3a: {  	s22 =	simm.s32 $0x4800  }
0x3b: {  	[tilespmem:s22], [sflag:$0x1] =	stream.indirect_vreg.gather [hbm4b:s3+s1], $0x80, v3, vm0, $0xb8;
	[tilespmem:$0x1C200] =	vst v63  }
0x3c: {  	s23 =	simm.s32 $0x5000  }
0x3d: {  	[tilespmem:s23], [sflag:$0x1] =	stream.indirect_vreg.gather [hbm4b:s6+s1], $0x80, v3, vm0, $0xb8;
	[tilespmem:$0x1C200] =	vst v63  }
0x3e: {  	s24 =	simm.s32 $0x5800  }
0x3f: {  	[tilespmem:s24], [sflag:$0x1] =	stream.indirect_vreg.gather [hbm4b:s7+s1], $0x80, v3, vm0, $0xb8;
	[tilespmem:$0x1C200] =	vst v63  }
0x40: {  	v3 =	vld [tilespmem:$0x18080];
	_ =	sdelay $0x4  }
0x41: {  	v4 =	vshrl.u32 v3, $0x3  }
0x42: {  	v4 =	vmul.u32 $0x30, v4  }
0x43: {  	v3 =	vand.u32 $0x7, v3  }
0x44: {  	v3 =	vor.u32 v3, v4  }
0x45: {  	v4 =	vperm.xlane v3, v0;
	_ =	sdelay $0x1  }
0x46: {  	v4 =	vadd.s32 v1, v4;
	_ =	sdelay $0x3  }
0x47: {  	s25 =	simm.s32 $0x6000;
	v3 =	vperm.xlane v3, v2  }
0x48: {  	[tilespmem:s25], [sflag:$0x1] =	stream.indirect_vreg.gather [hbm4b:s3+s1], $0x80, v4, vm0, $0xb8;
	[tilespmem:$0x1C200] =	vst v63  }
0x49: {  	s28 =	simm.s32 $0x6800;
	v3 =	vadd.s32 v1, v3  }
0x4a: {  	[tilespmem:s28], [sflag:$0x1] =	stream.indirect_vreg.gather [hbm4b:s6+s1], $0x80, v4, vm0, $0xb8;
	[tilespmem:$0x1C200] =	vst v63  }
0x4b: {  	s29 =	simm.s32 $0x7000  }
0x4c: {  	[tilespmem:s29], [sflag:$0x1] =	stream.indirect_vreg.gather [hbm4b:s7+s1], $0x80, v4, vm0, $0xb8;
	[tilespmem:$0x1C200] =	vst v63  }
0x4d: {  	s22 =	simm.s32 $0x7800  }
0x4e: {  	[tilespmem:s22], [sflag:$0x1] =	stream.indirect_vreg.gather [hbm4b:s3+s1], $0x80, v3, vm0, $0xb8;
	[tilespmem:$0x1C200] =	vst v63  }
0x4f: {  	s23 =	simm.s32 $0x8000  }
0x50: {  	[tilespmem:s23], [sflag:$0x1] =	stream.indirect_vreg.gather [hbm4b:s6+s1], $0x80, v3, vm0, $0xb8;
	[tilespmem:$0x1C200] =	vst v63  }
0x51: {  	s24 =	simm.s32 $0x8800  }
0x52: {  	[tilespmem:s24], [sflag:$0x1] =	stream.indirect_vreg.gather [hbm4b:s7+s1], $0x80, v3, vm0, $0xb8;
	[tilespmem:$0x1C200] =	vst v63  }
0x53: {  	v3 =	vld [tilespmem:$0x18090];
	_ =	sdelay $0x4  }
0x54: {  	v4 =	vshrl.u32 v3, $0x3  }
0x55: {  	v4 =	vmul.u32 $0x30, v4  }
0x56: {  	v3 =	vand.u32 $0x7, v3  }
0x57: {  	v3 =	vor.u32 v3, v4  }
0x58: {  	v4 =	vperm.xlane v3, v0;
	_ =	sdelay $0x1  }
0x59: {  	v4 =	vadd.s32 v1, v4;
	_ =	sdelay $0x3  }
0x5a: {  	s25 =	simm.s32 $0x9000;
	v3 =	vperm.xlane v3, v2  }
0x5b: {  	[tilespmem:s25], [sflag:$0x1] =	stream.indirect_vreg.gather [hbm4b:s3+s1], $0x80, v4, vm0, $0xb8;
	[tilespmem:$0x1C200] =	vst v63  }
0x5c: {  	s28 =	simm.s32 $0x9800;
	v3 =	vadd.s32 v1, v3  }
0x5d: {  	[tilespmem:s28], [sflag:$0x1] =	stream.indirect_vreg.gather [hbm4b:s6+s1], $0x80, v4, vm0, $0xb8;
	[tilespmem:$0x1C200] =	vst v63  }
0x5e: {  	s29 =	simm.s32 $0xA000  }
0x5f: {  	[tilespmem:s29], [sflag:$0x1] =	stream.indirect_vreg.gather [hbm4b:s7+s1], $0x80, v4, vm0, $0xb8;
	[tilespmem:$0x1C200] =	vst v63  }
0x60: {  	s22 =	simm.s32 $0xA800  }
0x61: {  	[tilespmem:s22], [sflag:$0x1] =	stream.indirect_vreg.gather [hbm4b:s3+s1], $0x80, v3, vm0, $0xb8;
	[tilespmem:$0x1C200] =	vst v63  }
0x62: {  	s23 =	simm.s32 $0xB000  }
0x63: {  	[tilespmem:s23], [sflag:$0x1] =	stream.indirect_vreg.gather [hbm4b:s6+s1], $0x80, v3, vm0, $0xb8;
	[tilespmem:$0x1C200] =	vst v63  }
0x64: {  	s24 =	simm.s32 $0xB800  }
0x65: {  	[tilespmem:s24], [sflag:$0x1] =	stream.indirect_vreg.gather [hbm4b:s7+s1], $0x80, v3, vm0, $0xb8;
	[tilespmem:$0x1C200] =	vst v63  }
0x66: {  	s25 =	simm.s32 $0x18100  }
0x67: {  	[tilespmem:s25], [sflag:$0x4] =	stream.linear.gather [hbm4b:s8+s1], $0x20, $0x38;
	[tilespmem:$0x1C200] =	vst v63  }
0x68: {  	_ =	swait.ge [sflag:s16], $0x20  }
0x69: {  	[sflag:s16] =	ssyncset.done $0x0  }
0x6a: {  	s28 =	simm.s32 $0x18180;
	[sflag:s16] =	ssyncadd.s32 $0xFFFFFFE0  }
0x6b: {  	[tilespmem:s28], [sflag:$0x4] =	stream.linear.gather [hbm4b:s9+s1], $0x20, $0x38;
	[tilespmem:$0x1C200] =	vst v63  }
0x6c: {  	_ =	swait.ge [sflag:s16], $0x20  }
0x6d: {  	[sflag:s16] =	ssyncset.done $0x0  }
0x6e: {  	[sflag:s16] =	ssyncadd.s32 $0xFFFFFFE0  }
0x6f: {  	v3 =	vld [tilespmem:$0x18100];
	_ =	sdelay $0x4  }
0x70: {  	v4 =	vshrl.u32 v3, $0x3  }
0x71: {  	v4 =	vmul.u32 $0x30, v4  }
0x72: {  	v3 =	vand.u32 $0x7, v3  }
0x73: {  	v3 =	vor.u32 v3, v4  }
0x74: {  	v4 =	vperm.xlane v3, v0;
	_ =	sdelay $0x1  }
0x75: {  	v4 =	vadd.s32 v1, v4;
	_ =	sdelay $0x3  }
0x76: {  	v3 =	vperm.xlane v3, v2  }
0x77: {  	[tilespmem:s26], [sflag:$0x2] =	stream.indirect_vreg.gather [hbm4b:s3+s1], $0x80, v4, vm0, $0xb8;
	[tilespmem:$0x1C200] =	vst v63  }
0x78: {  	s29 =	simm.s32 $0xC800;
	v3 =	vadd.s32 v1, v3  }
0x79: {  	[tilespmem:s29], [sflag:$0x2] =	stream.indirect_vreg.gather [hbm4b:s6+s1], $0x80, v4, vm0, $0xb8;
	[tilespmem:$0x1C200] =	vst v63  }
0x7a: {  	s22 =	simm.s32 $0xD000  }
0x7b: {  	[tilespmem:s22], [sflag:$0x2] =	stream.indirect_vreg.gather [hbm4b:s7+s1], $0x80, v4, vm0, $0xb8;
	[tilespmem:$0x1C200] =	vst v63  }
0x7c: {  	s23 =	simm.s32 $0xD800  }
0x7d: {  	[tilespmem:s23], [sflag:$0x2] =	stream.indirect_vreg.gather [hbm4b:s3+s1], $0x80, v3, vm0, $0xb8;
	[tilespmem:$0x1C200] =	vst v63  }
0x7e: {  	s24 =	simm.s32 $0xE000  }
0x7f: {  	[tilespmem:s24], [sflag:$0x2] =	stream.indirect_vreg.gather [hbm4b:s6+s1], $0x80, v3, vm0, $0xb8;
	[tilespmem:$0x1C200] =	vst v63  }
0x80: {  	s25 =	simm.s32 $0xE800  }
0x81: {  	[tilespmem:s25], [sflag:$0x2] =	stream.indirect_vreg.gather [hbm4b:s7+s1], $0x80, v3, vm0, $0xb8;
	[tilespmem:$0x1C200] =	vst v63  }
0x82: {  	v3 =	vld [tilespmem:$0x18110];
	_ =	sdelay $0x4  }
0x83: {  	v4 =	vshrl.u32 v3, $0x3  }
0x84: {  	v4 =	vmul.u32 $0x30, v4  }
0x85: {  	v3 =	vand.u32 $0x7, v3  }
0x86: {  	v3 =	vor.u32 v3, v4  }
0x87: {  	v4 =	vperm.xlane v3, v0;
	_ =	sdelay $0x1  }
0x88: {  	v4 =	vadd.s32 v1, v4;
	_ =	sdelay $0x3  }
0x89: {  	s28 =	simm.s32 $0xF000;
	v3 =	vperm.xlane v3, v2  }
0x8a: {  	[tilespmem:s28], [sflag:$0x2] =	stream.indirect_vreg.gather [hbm4b:s3+s1], $0x80, v4, vm0, $0xb8;
	[tilespmem:$0x1C200] =	vst v63  }
0x8b: {  	s29 =	simm.s32 $0xF800;
	v3 =	vadd.s32 v1, v3  }
0x8c: {  	[tilespmem:s29], [sflag:$0x2] =	stream.indirect_vreg.gather [hbm4b:s6+s1], $0x80, v4, vm0, $0xb8;
	[tilespmem:$0x1C200] =	vst v63  }
0x8d: {  	s22 =	simm.s32 $0x10000  }
0x8e: {  	[tilespmem:s22], [sflag:$0x2] =	stream.indirect_vreg.gather [hbm4b:s7+s1], $0x80, v4, vm0, $0xb8;
	[tilespmem:$0x1C200] =	vst v63  }
0x8f: {  	s23 =	simm.s32 $0x10800  }
0x90: {  	[tilespmem:s23], [sflag:$0x2] =	stream.indirect_vreg.gather [hbm4b:s3+s1], $0x80, v3, vm0, $0xb8;
	[tilespmem:$0x1C200] =	vst v63  }
0x91: {  	s24 =	simm.s32 $0x11000  }
0x92: {  	[tilespmem:s24], [sflag:$0x2] =	stream.indirect_vreg.gather [hbm4b:s6+s1], $0x80, v3, vm0, $0xb8;
	[tilespmem:$0x1C200] =	vst v63  }
0x93: {  	s25 =	simm.s32 $0x11800  }
0x94: {  	[tilespmem:s25], [sflag:$0x2] =	stream.indirect_vreg.gather [hbm4b:s7+s1], $0x80, v3, vm0, $0xb8;
	[tilespmem:$0x1C200] =	vst v63  }
0x95: {  	v3 =	vld [tilespmem:$0x18180];
	_ =	sdelay $0x4  }
0x96: {  	v4 =	vshrl.u32 v3, $0x3  }
0x97: {  	v4 =	vmul.u32 $0x30, v4  }
0x98: {  	v3 =	vand.u32 $0x7, v3  }
0x99: {  	v3 =	vor.u32 v3, v4  }
0x9a: {  	v4 =	vperm.xlane v3, v0;
	_ =	sdelay $0x1  }
0x9b: {  	v4 =	vadd.s32 v1, v4;
	_ =	sdelay $0x3  }
0x9c: {  	s28 =	simm.s32 $0x12000;
	v3 =	vperm.xlane v3, v2  }
0x9d: {  	[tilespmem:s28], [sflag:$0x2] =	stream.indirect_vreg.gather [hbm4b:s3+s1], $0x80, v4, vm0, $0xb8;
	[tilespmem:$0x1C200] =	vst v63  }
0x9e: {  	s29 =	simm.s32 $0x12800;
	v3 =	vadd.s32 v1, v3  }
0x9f: {  	[tilespmem:s29], [sflag:$0x2] =	stream.indirect_vreg.gather [hbm4b:s6+s1], $0x80, v4, vm0, $0xb8;
	[tilespmem:$0x1C200] =	vst v63  }
0xa0: {  	s22 =	simm.s32 $0x13000  }
0xa1: {  	[tilespmem:s22], [sflag:$0x2] =	stream.indirect_vreg.gather [hbm4b:s7+s1], $0x80, v4, vm0, $0xb8;
	[tilespmem:$0x1C200] =	vst v63  }
0xa2: {  	s23 =	simm.s32 $0x13800  }
0xa3: {  	[tilespmem:s23], [sflag:$0x2] =	stream.indirect_vreg.gather [hbm4b:s3+s1], $0x80, v3, vm0, $0xb8;
	[tilespmem:$0x1C200] =	vst v63  }
0xa4: {  	s24 =	simm.s32 $0x14000  }
0xa5: {  	[tilespmem:s24], [sflag:$0x2] =	stream.indirect_vreg.gather [hbm4b:s6+s1], $0x80, v3, vm0, $0xb8;
	[tilespmem:$0x1C200] =	vst v63  }
0xa6: {  	s25 =	simm.s32 $0x14800  }
0xa7: {  	[tilespmem:s25], [sflag:$0x2] =	stream.indirect_vreg.gather [hbm4b:s7+s1], $0x80, v3, vm0, $0xb8;
	[tilespmem:$0x1C200] =	vst v63  }
0xa8: {  	v3 =	vld [tilespmem:$0x18190];
	_ =	sdelay $0x4  }
0xa9: {  	v4 =	vshrl.u32 v3, $0x3  }
0xaa: {  	v4 =	vmul.u32 $0x30, v4  }
0xab: {  	v3 =	vand.u32 $0x7, v3  }
0xac: {  	v3 =	vor.u32 v3, v4  }
0xad: {  	v4 =	vperm.xlane v3, v0;
	_ =	sdelay $0x1  }
0xae: {  	v4 =	vadd.s32 v1, v4;
	_ =	sdelay $0x3  }
0xaf: {  	s28 =	simm.s32 $0x15000;
	v3 =	vperm.xlane v3, v2  }
0xb0: {  	[tilespmem:s28], [sflag:$0x2] =	stream.indirect_vreg.gather [hbm4b:s3+s1], $0x80, v4, vm0, $0xb8;
	[tilespmem:$0x1C200] =	vst v63  }
0xb1: {  	v3 =	vadd.s32 v1, v3  }
0xb2: {  	[tilespmem:s30], [sflag:$0x2] =	stream.indirect_vreg.gather [hbm4b:s6+s1], $0x80, v4, vm0, $0xb8;
	[tilespmem:$0x1C200] =	vst v63  }
0xb3: {  	_ = 	snop  }
0xb4: {  	[tilespmem:s31], [sflag:$0x2] =	stream.indirect_vreg.gather [hbm4b:s7+s1], $0x80, v4, vm0, $0xb8;
	[tilespmem:$0x1C200] =	vst v63  }
0xb5: {  	_ = 	snop  }
0xb6: {  	[tilespmem:s0], [sflag:$0x2] =	stream.indirect_vreg.gather [hbm4b:s3+s1], $0x80, v3, vm0, $0xb8;
	[tilespmem:$0x1C200] =	vst v63  }
0xb7: {  	_ = 	snop  }
0xb8: {  	[tilespmem:s2], [sflag:$0x2] =	stream.indirect_vreg.gather [hbm4b:s6+s1], $0x80, v3, vm0, $0xb8;
	[tilespmem:$0x1C200] =	vst v63  }
0xb9: {  	_ = 	snop  }
0xba: {  	[tilespmem:s15], [sflag:$0x2] =	stream.indirect_vreg.gather [hbm4b:s7+s1], $0x80, v3, vm0, $0xb8;
	[tilespmem:$0x1C200] =	vst v63  }
0xbb: {  	s21 =	simm.s32 $0x18200  }
0xbc: {  	[tilespmem:s21], [sflag:$0x4] =	stream.linear.gather [hbm4b:s10+s1], $0x2000, $0x38;
	[tilespmem:$0x1C200] =	vst v63  }
0xbd: {  	_ =	swait.ge [sflag:s16], $0x2000  }
0xbe: {  	[sflag:s16] =	ssyncset.done $0x0  }
0xbf: {  	s22 =	simm.s32 $0x1A200;
	[sflag:s16] =	ssyncadd.s32 $0xFFFFE000  }
0xc0: {  	[tilespmem:s22], [sflag:$0x4] =	stream.linear.gather [hbm4b:s11+s1], $0x2000, $0x38;
	[tilespmem:$0x1C200] =	vst v63  }
0xc1: {  	_ =	swait.ge [sflag:s16], $0x2000  }
0xc2: {  	[sflag:s16] =	ssyncset.done $0x0  }
0xc3: {  	[sflag:s16] =	ssyncadd.s32 $0xFFFFE000  }
0xc4: {  	_ =	swait.ge [sflag:s17], $0x6000  }
0xc5: {  	[sflag:s17] =	ssyncset.done $0x0  }
0xc6: {  	s23 =	simm.s32 $0x0;
	[sflag:s17] =	ssyncadd.s32 $0xFFFFA000  }
0xc7: {  	s23 =	smul.u32 $0x1800, s23;
	_ =	swait.ge [sflag:s17], $0x6000  }
0xc8: {  	s24 =	sand.u32 $0x380, s1;
	[sflag:s17] =	ssyncset.done $0x0  }
0xc9: {  	s25 =	sor.u32 s24, s23;
	[sflag:s17] =	ssyncadd.s32 $0xFFFFA000  }
0xca: {  	v4 =	vld [tilespmem:s25+$0x10]  }
0xcb: {  	v3 =	vld [tilespmem:s25+$0x6010]  }
0xcc: {  	v6 =	vld [tilespmem:s25+$0x20]  }
0xcd: {  	v5 =	vld [tilespmem:s25+$0x6020]  }
0xce: {  	v10 =	vld [tilespmem:s25+$0x30]  }
0xcf: {  	v9 =	vld [tilespmem:s25+$0x6030]  }
0xd0: {  	v12 =	vld [tilespmem:s25+$0x40]  }
0xd1: {  	v11 =	vld [tilespmem:s25+$0x6040]  }
0xd2: {  	v13 =	vld [tilespmem:s25+$0x60]  }
0xd3: {  	v14 =	vld [tilespmem:s25+$0x70]  }
0xd4: {  	v15 =	vld [tilespmem:s25+$0x400]  }
0xd5: {  	v16 =	vld [tilespmem:s25+$0x410]  }
0xd6: {  	v17 =	vld [tilespmem:s25+$0x420]  }
0xd7: {  	v18 =	vld [tilespmem:s25+$0x430]  }
0xd8: {  	v19 =	vld [tilespmem:s25+$0x440]  }
0xd9: {  	v20 =	vld [tilespmem:s25+$0x450]  }
0xda: {  	v21 =	vld [tilespmem:s25+$0x460]  }
0xdb: {  	v22 =	vld [tilespmem:s25+$0x470]  }
0xdc: {  	v23 =	vld [tilespmem:s25+$0x800]  }
0xdd: {  	v24 =	vld [tilespmem:s25+$0x810]  }
0xde: {  	v25 =	vld [tilespmem:s25+$0x820]  }
0xdf: {  	v26 =	vld [tilespmem:s25+$0x830]  }
0xe0: {  	v27 =	vld [tilespmem:s25+$0x840]  }
0xe1: {  	v28 =	vld [tilespmem:s25+$0x850]  }
0xe2: {  	v29 =	vld [tilespmem:s25+$0x860]  }
0xe3: {  	v30 =	vld [tilespmem:s25+$0x870]  }
0xe4: {  	v31 =	vld [tilespmem:s25+$0xC00]  }
0xe5: {  	v32 =	vld [tilespmem:s25+$0xC10]  }
0xe6: {  	v33 =	vld [tilespmem:s25+$0xC20]  }
0xe7: {  	v34 =	vld [tilespmem:s25+$0xC30]  }
0xe8: {  	v35 =	vld [tilespmem:s25+$0xC40]  }
0xe9: {  	v36 =	vld [tilespmem:s25+$0xC50]  }
0xea: {  	v37 =	vld [tilespmem:s25+$0xC60]  }
0xeb: {  	v38 =	vld [tilespmem:s25+$0xC70]  }
0xec: {  	v39 =	vld [tilespmem:s25+$0x1000]  }
0xed: {  	v40 =	vld [tilespmem:s25+$0x1010]  }
0xee: {  	v41 =	vld [tilespmem:s25+$0x1020]  }
0xef: {  	v42 =	vld [tilespmem:s25+$0x1030]  }
0xf0: {  	v43 =	vld [tilespmem:s25+$0x1040]  }
0xf1: {  	v44 =	vld [tilespmem:s25+$0x1050]  }
0xf2: {  	v45 =	vld [tilespmem:s25+$0x1060]  }
0xf3: {  	v46 =	vld [tilespmem:s25+$0x1400]  }
0xf4: {  	v47 =	vld [tilespmem:s25+$0x1410]  }
0xf5: {  	v48 =	vld [tilespmem:s25+$0x7410]  }
0xf6: {  	v49 =	vld [tilespmem:s25+$0x7430]  }
0xf7: {  	v50 =	vld [tilespmem:s25+$0x1430]  }
0xf8: {  	v51 =	vld [tilespmem:s25+$0x1420]  }
0xf9: {  	v7 =	vld [tilespmem:s21+$0x0]  }
0xfa: {  	v8 =	vld [tilespmem:s22+$0x0]  }
0xfb: {  	v52 =	vld [tilespmem:s25+$0x7420]  }
0xfc: {  	v53 =	vld [tilespmem:s25+$0x7400]  }
0xfd: {  	v54 =	vld [tilespmem:s25+$0x1070]  }
0xfe: {  	v55 =	vld [tilespmem:s25+$0x7070];
	v50 =	vmul.f32 v50, v7  }
0xff: {  	v56 =	vld [tilespmem:s25+$0x7060];
	v49 =	vmul.f32 v49, v8;
	v51 =	vmul.f32 v51, v7  }
0x100: {  	v57 =	vld [tilespmem:s25+$0x7050];
	v52 =	vmul.f32 v52, v8;
	v47 =	vmul.f32 v47, v7  }
0x101: {  	v61 =	vld [tilespmem:s25+$0x7000];
	v48 =	vmul.f32 v48, v8;
	v46 =	vmul.f32 v46, v7  }
0x102: {  	v58 =	vld [tilespmem:s25+$0x7040];
	v62 =	vmul.f32 v53, v8;
	v63 =	vmul.f32 v54, v7;
	v49 =	vadd.f32 v49, v50  }
0x103: {  	v53 =	vld [tilespmem:s25+$0x7030];
	v59 =	vmul.f32 v55, v8;
	v45 =	vmul.f32 v45, v7;
	v51 =	vadd.f32 v52, v51  }
0x104: {  	v60 =	vmul.f32 v56, v8;
	v44 =	vmul.f32 v44, v7;
	v56 =	vld [tilespmem:s25+$0x6C60];
	v47 =	vadd.f32 v48, v47;
	[tilespmem:s25+$0x1430] =	vst v49  }
0x105: {  	v43 =	vmul.f32 v43, v7;
	v39 =	vmul.f32 v39, v7;
	v55 =	vld [tilespmem:s25+$0x6870];
	v46 =	vadd.f32 v62, v46;
	[tilespmem:s25+$0x1420] =	vst v51  }
0x106: {  	v61 =	vmul.f32 v61, v8;
	v12 =	vmul.f32 v12, v7;
	v48 =	vld [tilespmem:s25+$0x7020];
	v52 =	vadd.f32 v59, v63;
	[tilespmem:s25+$0x1410] =	vst v47  }
0x107: {  	v11 =	vmul.f32 v11, v8;
	v63 =	vmul.f32 v58, v8;
	v45 =	vadd.f32 v60, v45;
	v58 =	vld [tilespmem:s25+$0x6C50];
	[tilespmem:s25+$0x1400] =	vst v46  }
0x108: {  	v42 =	vmul.f32 v42, v7;
	v62 =	vmul.f32 v57, v8;
	v59 =	vld [tilespmem:s25+$0x6C40];
	v39 =	vadd.f32 v61, v39;
	[tilespmem:s25+$0x1070] =	vst v52  }
0x109: {  	v41 =	vmul.f32 v41, v7;
	v40 =	vmul.f32 v40, v7;
	v60 =	vld [tilespmem:s25+$0x6C30];
	v11 =	vadd.f32 v11, v12;
	[tilespmem:s25+$0x1060] =	vst v45  }
0x10a: {  	v38 =	vmul.f32 v38, v7;
	v61 =	vld [tilespmem:s25+$0x6810];
	v44 =	vadd.f32 v62, v44;
	[tilespmem:s25+$0x1000] =	vst v39;
	v57 =	vmul.f32 v53, v8  }
0x10b: {  	v37 =	vmul.f32 v37, v7;
	v49 =	vld [tilespmem:s25+$0x7010];
	v43 =	vadd.f32 v63, v43;
	[tilespmem:s25+$0x40] =	vst v11;
	v46 =	vmul.f32 v56, v8  }
0x10c: {  	v36 =	vmul.f32 v36, v7;
	v47 =	vld [tilespmem:s25+$0x6C70];
	[tilespmem:s25+$0x1050] =	vst v44;
	v48 =	vmul.f32 v48, v8;
	v42 =	vadd.f32 v57, v42  }
0x10d: {  	v35 =	vmul.f32 v35, v7;
	v62 =	vld [tilespmem:s25+$0x6C20];
	[tilespmem:s25+$0x1040] =	vst v43;
	v54 =	vmul.f32 v58, v8;
	v37 =	vadd.f32 v46, v37  }
0x10e: {  	v34 =	vmul.f32 v34, v7;
	v63 =	vld [tilespmem:s25+$0x6C10];
	v45 =	vmul.f32 v59, v8;
	v41 =	vadd.f32 v48, v41;
	[tilespmem:s25+$0x1030] =	vst v42  }
0x10f: {  	v33 =	vmul.f32 v33, v7;
	v56 =	vld [tilespmem:s25+$0x6860];
	v44 =	vmul.f32 v60, v8;
	v36 =	vadd.f32 v54, v36;
	[tilespmem:s25+$0xC60] =	vst v37  }
0x110: {  	v32 =	vmul.f32 v32, v7;
	v53 =	vld [tilespmem:s25+$0x6C00];
	v49 =	vmul.f32 v49, v8;
	v35 =	vadd.f32 v45, v35;
	[tilespmem:s25+$0x1020] =	vst v41  }
0x111: {  	v6 =	vmul.f32 v6, v7;
	v12 =	vld [tilespmem:s25+$0x1460];
	v47 =	vmul.f32 v47, v8;
	v34 =	vadd.f32 v44, v34;
	[tilespmem:s25+$0xC50] =	vst v36  }
0x112: {  	v5 =	vmul.f32 v5, v8;
	v58 =	vld [tilespmem:s25+$0x6840];
	v43 =	vmul.f32 v62, v8;
	v40 =	vadd.f32 v49, v40;
	[tilespmem:s25+$0xC40] =	vst v35  }
0x113: {  	v29 =	vmul.f32 v29, v7;
	v59 =	vld [tilespmem:s25+$0x6830];
	v42 =	vmul.f32 v63, v8;
	v38 =	vadd.f32 v47, v38;
	[tilespmem:s25+$0xC30] =	vst v34  }
0x114: {  	v5 =	vadd.f32 v5, v6;
	v6 =	vld [tilespmem:s25+$0x0];
	v39 =	vmul.f32 v56, v8;
	v33 =	vadd.f32 v43, v33;
	[tilespmem:s25+$0x1010] =	vst v40  }
0x115: {  	v31 =	vmul.f32 v31, v7;
	v60 =	vld [tilespmem:s25+$0x6820];
	v41 =	vmul.f32 v53, v8;
	v32 =	vadd.f32 v42, v32;
	[tilespmem:s25+$0xC70] =	vst v38  }
0x116: {  	v24 =	vmul.f32 v24, v7;
	v57 =	vld [tilespmem:s25+$0x6850];
	v34 =	vmul.f32 v61, v8;
	v29 =	vadd.f32 v39, v29;
	[tilespmem:s25+$0xC20] =	vst v33  }
0x117: {  	v27 =	vmul.f32 v27, v7;
	v62 =	vld [tilespmem:s25+$0x6800];
	v37 =	vmul.f32 v58, v8;
	v31 =	vadd.f32 v41, v31;
	[tilespmem:s25+$0xC10] =	vst v32  }
0x118: {  	v26 =	vmul.f32 v26, v7;
	v63 =	vld [tilespmem:s25+$0x6470];
	v36 =	vmul.f32 v59, v8;
	v24 =	vadd.f32 v34, v24;
	[tilespmem:s25+$0x860] =	vst v29  }
0x119: {  	v30 =	vmul.f32 v30, v7;
	v40 =	vmul.f32 v55, v8;
	v27 =	vadd.f32 v37, v27;
	v29 =	vld [tilespmem:s25+$0x6440];
	[tilespmem:s25+$0xC00] =	vst v31  }
0x11a: {  	v25 =	vmul.f32 v25, v7;
	v35 =	vmul.f32 v60, v8;
	v26 =	vadd.f32 v36, v26;
	v31 =	vld [tilespmem:s25+$0x6460];
	[tilespmem:s25+$0x810] =	vst v24  }
0x11b: {  	v28 =	vmul.f32 v28, v7;
	v38 =	vmul.f32 v57, v8;
	v30 =	vadd.f32 v40, v30;
	v24 =	vld [tilespmem:s25+$0x6070];
	[tilespmem:s25+$0x840] =	vst v27  }
0x11c: {  	v23 =	vmul.f32 v23, v7;
	v33 =	vmul.f32 v62, v8;
	v25 =	vadd.f32 v35, v25;
	v27 =	vld [tilespmem:s25+$0x6420];
	[tilespmem:s25+$0x830] =	vst v26  }
0x11d: {  	v22 =	vmul.f32 v22, v7;
	v32 =	vmul.f32 v63, v8;
	v28 =	vadd.f32 v38, v28;
	[tilespmem:s25+$0x870] =	vst v30;
	v30 =	vld [tilespmem:s25+$0x6450]  }
0x11e: {  	v19 =	vmul.f32 v19, v7;
	v23 =	vadd.f32 v33, v23;
	[tilespmem:s25+$0x820] =	vst v25;
	v25 =	vld [tilespmem:s25+$0x6400];
	v29 =	vmul.f32 v29, v8  }
0x11f: {  	v21 =	vmul.f32 v21, v7;
	v22 =	vadd.f32 v32, v22;
	[tilespmem:s25+$0x850] =	vst v28;
	v28 =	vld [tilespmem:s25+$0x6430];
	v31 =	vmul.f32 v31, v8  }
0x120: {  	v14 =	vmul.f32 v14, v7;
	[tilespmem:s25+$0x800] =	vst v23;
	v23 =	vld [tilespmem:s25+$0x6060];
	v24 =	vmul.f32 v24, v8;
	v19 =	vadd.f32 v29, v19  }
0x121: {  	v17 =	vmul.f32 v17, v7;
	v26 =	vld [tilespmem:s25+$0x6410];
	[tilespmem:s25+$0x470] =	vst v22;
	v27 =	vmul.f32 v27, v8;
	v21 =	vadd.f32 v31, v21  }
0x122: {  	v20 =	vmul.f32 v20, v7;
	v22 =	vld [tilespmem:s25+$0x50];
	v30 =	vmul.f32 v30, v8;
	v14 =	vadd.f32 v24, v14;
	[tilespmem:s25+$0x440] =	vst v19  }
0x123: {  	v15 =	vmul.f32 v15, v7;
	v25 =	vmul.f32 v25, v8;
	v17 =	vadd.f32 v27, v17;
	v19 =	vld [tilespmem:s25+$0x7450];
	[tilespmem:s25+$0x460] =	vst v21  }
0x124: {  	v18 =	vmul.f32 v18, v7;
	v28 =	vmul.f32 v28, v8;
	v20 =	vadd.f32 v30, v20;
	v21 =	vld [tilespmem:s25+$0x6050];
	[tilespmem:s25+$0x70] =	vst v14  }
0x125: {  	v13 =	vmul.f32 v13, v7;
	v23 =	vmul.f32 v23, v8;
	v15 =	vadd.f32 v25, v15;
	[tilespmem:s25+$0x420] =	vst v17;
	v17 =	vld [tilespmem:s25+$0x1440]  }
0x126: {  	v16 =	vmul.f32 v16, v7;
	v26 =	vmul.f32 v26, v8;
	v18 =	vadd.f32 v28, v18;
	[tilespmem:s25+$0x450] =	vst v20;
	v20 =	vld [tilespmem:s25+$0x7440]  }
0x127: {  	v10 =	vmul.f32 v10, v7;
	v9 =	vmul.f32 v9, v8;
	v13 =	vadd.f32 v23, v13;
	[tilespmem:s25+$0x400] =	vst v15;
	v15 =	vld [tilespmem:s25+$0x1450]  }
0x128: {  	v4 =	vmul.f32 v4, v7;
	v3 =	vmul.f32 v3, v8;
	v16 =	vadd.f32 v26, v16;
	[tilespmem:s25+$0x430] =	vst v18;
	v18 =	vld [tilespmem:s25+$0x7460]  }
0x129: {  	v9 =	vadd.f32 v9, v10;
	v10 =	vmul.f32 v22, v7;
	v14 =	vld [tilespmem:s25+$0x1470];
	[tilespmem:s25+$0x60] =	vst v13;
	v13 =	vmul.f32 v21, v8  }
0x12a: {  	v3 =	vadd.f32 v3, v4;
	[tilespmem:s25+$0x410] =	vst v16;
	v16 =	vld [tilespmem:s25+$0x7470]  }
0x12b: {  	s29 =	simm.s32 $0x0;
	[tilespmem:s25+$0x30] =	vst v9;
	v9 =	vld [tilespmem:s25+$0x6000];
	v11 =	vmul.f32 v17, v7;
	v17 =	vmul.f32 v20, v8;
	v4 =	vadd.f32 v13, v10  }
0x12c: {  	s23 =	smul.u32 $0x1800, s29;
	s24 =	simm.s32 $0x80;
	[tilespmem:s25+$0x20] =	vst v5;
	v5 =	vmul.f32 v15, v7;
	v10 =	vmul.f32 v19, v8  }
0x12d: {  	s28 =	sand.u32 $0x380, s24;
	v11 =	vadd.f32 v17, v11;
	[tilespmem:s25+$0x50] =	vst v4;
	v4 =	vmul.f32 v12, v7;
	v12 =	vmul.f32 v18, v8  }
0x12e: {  	s23 =	sor.u32 s28, s23;
	[tilespmem:s25+$0x10] =	vst v3;
	v5 =	vadd.f32 v10, v5  }
0x12f: {  	v3 =	vld [tilespmem:s23+$0x10];
	v10 =	vmul.f32 v14, v7;
	[tilespmem:s25+$0x1440] =	vst v11;
	v11 =	vmul.f32 v16, v8;
	v12 =	vadd.f32 v12, v4  }
0x130: {  	v7 =	vmul.f32 v6, v7;
	v8 =	vmul.f32 v9, v8;
	v4 =	vld [tilespmem:s23+$0x6010];
	[tilespmem:s25+$0x1450] =	vst v5  }
0x131: {  	v9 =	vadd.f32 v11, v10;
	v6 =	vld [tilespmem:s23+$0x20];
	[tilespmem:s25+$0x1460] =	vst v12  }
0x132: {  	v7 =	vadd.f32 v8, v7;
	v5 =	vld [tilespmem:s23+$0x6020]  }
0x133: {  	v8 =	vld [tilespmem:s23+$0x30];
	[tilespmem:s25+$0x1470] =	vst v9  }
0x134: {  	v18 =	vld [tilespmem:s23+$0x430];
	[tilespmem:s25+$0x0] =	vst v7  }
0x135: {  	v7 =	vld [tilespmem:s23+$0x6030]  }
0x136: {  	v10 =	vld [tilespmem:s23+$0x40]  }
0x137: {  	v9 =	vld [tilespmem:s23+$0x6040]  }
0x138: {  	v12 =	vld [tilespmem:s23+$0x50]  }
0x139: {  	v11 =	vld [tilespmem:s23+$0x6050]  }
0x13a: {  	v13 =	vld [tilespmem:s23+$0x60]  }
0x13b: {  	v14 =	vld [tilespmem:s23+$0x70]  }
0x13c: {  	v15 =	vld [tilespmem:s23+$0x400]  }
0x13d: {  	v16 =	vld [tilespmem:s23+$0x410]  }
0x13e: {  	v17 =	vld [tilespmem:s23+$0x420]  }
0x13f: {  	v19 =	vld [tilespmem:s23+$0x440]  }
0x140: {  	v20 =	vld [tilespmem:s23+$0x450]  }
0x141: {  	v21 =	vld [tilespmem:s23+$0x460]  }
0x142: {  	v22 =	vld [tilespmem:s23+$0x470]  }
0x143: {  	v23 =	vld [tilespmem:s23+$0x800]  }
0x144: {  	v24 =	vld [tilespmem:s23+$0x810]  }
0x145: {  	v25 =	vld [tilespmem:s23+$0x820]  }
0x146: {  	v26 =	vld [tilespmem:s23+$0x830]  }
0x147: {  	v27 =	vld [tilespmem:s23+$0x840]  }
0x148: {  	v28 =	vld [tilespmem:s23+$0x850]  }
0x149: {  	v29 =	vld [tilespmem:s23+$0x860]  }
0x14a: {  	v30 =	vld [tilespmem:s23+$0x870]  }
0x14b: {  	v31 =	vld [tilespmem:s23+$0xC00]  }
0x14c: {  	v34 =	vld [tilespmem:s23+$0xC10]  }
0x14d: {  	v35 =	vld [tilespmem:s23+$0xC20]  }
0x14e: {  	v36 =	vld [tilespmem:s23+$0xC30]  }
0x14f: {  	v37 =	vld [tilespmem:s23+$0xC40]  }
0x150: {  	v38 =	vld [tilespmem:s23+$0xC50]  }
0x151: {  	v39 =	vld [tilespmem:s23+$0xC60]  }
0x152: {  	v40 =	vld [tilespmem:s23+$0xC70]  }
0x153: {  	v41 =	vld [tilespmem:s23+$0x1000]  }
0x154: {  	v42 =	vld [tilespmem:s23+$0x1010]  }
0x155: {  	v43 =	vld [tilespmem:s23+$0x1020]  }
0x156: {  	v44 =	vld [tilespmem:s23+$0x1030]  }
0x157: {  	v45 =	vld [tilespmem:s23+$0x1040]  }
0x158: {  	v46 =	vld [tilespmem:s23+$0x1050]  }
0x159: {  	v47 =	vld [tilespmem:s23+$0x1060]  }
0x15a: {  	v48 =	vld [tilespmem:s23+$0x1400]  }
0x15b: {  	v50 =	vld [tilespmem:s23+$0x1410]  }
0x15c: {  	v49 =	vld [tilespmem:s23+$0x7410]  }
0x15d: {  	s25 =	simm.s32 $0x2;
	v51 =	vld [tilespmem:s23+$0x7430]  }
.LBB2_2:
0x15e: {  	p0 =	sne.s32 s25, $0x1F;
	v52 =	vld [tilespmem:s23+$0x1430]  }
0x15f: {  	s21 =	sadd.s32 $0x80, s21;
	v53 =	vld [tilespmem:s23+$0x1420]  }
0x160: {  	s22 =	sadd.s32 $0x80, s22;
	v33 =	vld [tilespmem:s21+$0x0]  }
0x161: {  	v32 =	vld [tilespmem:s22+$0x0]  }
0x162: {  	v54 =	vld [tilespmem:s23+$0x7420]  }
0x163: {  	v55 =	vld [tilespmem:s23+$0x7400]  }
0x164: {  	v56 =	vld [tilespmem:s23+$0x1070]  }
0x165: {  	v57 =	vld [tilespmem:s23+$0x7070];
	v50 =	vmul.f32 v50, v33;
	v53 =	vmul.f32 v53, v33  }
0x166: {  	v52 =	vmul.f32 v52, v33;
	v58 =	vld [tilespmem:s23+$0x7060];
	v51 =	vmul.f32 v51, v32  }
0x167: {  	v49 =	vmul.f32 v49, v32;
	v59 =	vld [tilespmem:s23+$0x7050];
	v54 =	vmul.f32 v54, v32  }
0x168: {  	v48 =	vmul.f32 v48, v33;
	v60 =	vld [tilespmem:s23+$0x7040];
	v55 =	vmul.f32 v55, v32;
	v51 =	vadd.f32 v51, v52  }
0x169: {  	v49 =	vadd.f32 v49, v50;
	v52 =	vld [tilespmem:s23+$0x7030];
	v56 =	vmul.f32 v56, v33;
	v50 =	vadd.f32 v54, v53  }
0x16a: {  	v47 =	vmul.f32 v47, v33;
	v53 =	vld [tilespmem:s23+$0x7020];
	v54 =	vmul.f32 v57, v32;
	v48 =	vadd.f32 v55, v48;
	[tilespmem:s23+$0x1430] =	vst v51  }
0x16b: {  	v46 =	vmul.f32 v46, v33;
	v51 =	vld [tilespmem:s23+$0x7010];
	v55 =	vmul.f32 v58, v32;
	[tilespmem:s23+$0x1420] =	vst v50  }
0x16c: {  	v45 =	vmul.f32 v45, v33;
	v50 =	vld [tilespmem:s23+$0x7000];
	v57 =	vmul.f32 v59, v32;
	v54 =	vadd.f32 v54, v56;
	[tilespmem:s23+$0x1410] =	vst v49  }
0x16d: {  	v44 =	vmul.f32 v44, v33;
	v49 =	vld [tilespmem:s23+$0x6C70];
	v56 =	vmul.f32 v60, v32;
	v47 =	vadd.f32 v55, v47;
	[tilespmem:s23+$0x1400] =	vst v48  }
0x16e: {  	v43 =	vmul.f32 v43, v33;
	v48 =	vld [tilespmem:s23+$0x6C60];
	v52 =	vmul.f32 v52, v32;
	v46 =	vadd.f32 v57, v46;
	[tilespmem:s23+$0x1070] =	vst v54  }
0x16f: {  	v42 =	vmul.f32 v42, v33;
	v54 =	vld [tilespmem:s23+$0x6C50];
	v53 =	vmul.f32 v53, v32;
	v45 =	vadd.f32 v56, v45;
	[tilespmem:s23+$0x1060] =	vst v47  }
0x170: {  	v41 =	vmul.f32 v41, v33;
	v47 =	vld [tilespmem:s23+$0x6C40];
	v51 =	vmul.f32 v51, v32;
	v44 =	vadd.f32 v52, v44;
	[tilespmem:s23+$0x1050] =	vst v46  }
0x171: {  	v40 =	vmul.f32 v40, v33;
	v46 =	vld [tilespmem:s23+$0x6C30];
	v50 =	vmul.f32 v50, v32;
	v43 =	vadd.f32 v53, v43;
	[tilespmem:s23+$0x1040] =	vst v45  }
0x172: {  	v39 =	vmul.f32 v39, v33;
	v45 =	vld [tilespmem:s23+$0x6C20];
	v49 =	vmul.f32 v49, v32;
	v42 =	vadd.f32 v51, v42;
	[tilespmem:s23+$0x1030] =	vst v44  }
0x173: {  	v38 =	vmul.f32 v38, v33;
	v44 =	vld [tilespmem:s23+$0x6C10];
	v48 =	vmul.f32 v48, v32;
	v41 =	vadd.f32 v50, v41;
	[tilespmem:s23+$0x1020] =	vst v43  }
0x174: {  	v37 =	vmul.f32 v37, v33;
	v43 =	vld [tilespmem:s23+$0x6C00];
	v50 =	vmul.f32 v54, v32;
	v40 =	vadd.f32 v49, v40;
	[tilespmem:s23+$0x1010] =	vst v42  }
0x175: {  	v36 =	vmul.f32 v36, v33;
	v42 =	vld [tilespmem:s23+$0x6870];
	v47 =	vmul.f32 v47, v32;
	v39 =	vadd.f32 v48, v39;
	[tilespmem:s23+$0x1000] =	vst v41  }
0x176: {  	v35 =	vmul.f32 v35, v33;
	v41 =	vld [tilespmem:s23+$0x6860];
	v46 =	vmul.f32 v46, v32;
	v38 =	vadd.f32 v50, v38;
	[tilespmem:s23+$0xC70] =	vst v40  }
0x177: {  	v34 =	vmul.f32 v34, v33;
	v40 =	vld [tilespmem:s23+$0x6850];
	v45 =	vmul.f32 v45, v32;
	v37 =	vadd.f32 v47, v37;
	[tilespmem:s23+$0xC60] =	vst v39  }
0x178: {  	v31 =	vmul.f32 v31, v33;
	v39 =	vld [tilespmem:s23+$0x6840];
	v44 =	vmul.f32 v44, v32;
	v36 =	vadd.f32 v46, v36;
	[tilespmem:s23+$0xC50] =	vst v38  }
0x179: {  	v30 =	vmul.f32 v30, v33;
	v38 =	vld [tilespmem:s23+$0x6830];
	v43 =	vmul.f32 v43, v32;
	v35 =	vadd.f32 v45, v35;
	[tilespmem:s23+$0xC40] =	vst v37  }
0x17a: {  	v29 =	vmul.f32 v29, v33;
	v37 =	vld [tilespmem:s23+$0x6820];
	v42 =	vmul.f32 v42, v32;
	v34 =	vadd.f32 v44, v34;
	[tilespmem:s23+$0xC30] =	vst v36  }
0x17b: {  	v28 =	vmul.f32 v28, v33;
	v36 =	vld [tilespmem:s23+$0x6810];
	v41 =	vmul.f32 v41, v32;
	v31 =	vadd.f32 v43, v31;
	[tilespmem:s23+$0xC20] =	vst v35  }
0x17c: {  	v27 =	vmul.f32 v27, v33;
	v35 =	vld [tilespmem:s23+$0x6800];
	v40 =	vmul.f32 v40, v32;
	v30 =	vadd.f32 v42, v30;
	[tilespmem:s23+$0xC10] =	vst v34  }
0x17d: {  	v26 =	vmul.f32 v26, v33;
	v34 =	vld [tilespmem:s23+$0x6470];
	v39 =	vmul.f32 v39, v32;
	v29 =	vadd.f32 v41, v29;
	[tilespmem:s23+$0xC00] =	vst v31  }
0x17e: {  	v25 =	vmul.f32 v25, v33;
	v31 =	vld [tilespmem:s23+$0x6460];
	v38 =	vmul.f32 v38, v32;
	v28 =	vadd.f32 v40, v28;
	[tilespmem:s23+$0x870] =	vst v30  }
0x17f: {  	v24 =	vmul.f32 v24, v33;
	v30 =	vld [tilespmem:s23+$0x6450];
	v37 =	vmul.f32 v37, v32;
	v27 =	vadd.f32 v39, v27;
	[tilespmem:s23+$0x860] =	vst v29  }
0x180: {  	v23 =	vmul.f32 v23, v33;
	v29 =	vld [tilespmem:s23+$0x6440];
	v36 =	vmul.f32 v36, v32;
	v26 =	vadd.f32 v38, v26;
	[tilespmem:s23+$0x850] =	vst v28  }
0x181: {  	v22 =	vmul.f32 v22, v33;
	v28 =	vld [tilespmem:s23+$0x6430];
	v35 =	vmul.f32 v35, v32;
	v25 =	vadd.f32 v37, v25;
	[tilespmem:s23+$0x840] =	vst v27  }
0x182: {  	v21 =	vmul.f32 v21, v33;
	v27 =	vld [tilespmem:s23+$0x6420];
	v34 =	vmul.f32 v34, v32;
	v24 =	vadd.f32 v36, v24;
	[tilespmem:s23+$0x830] =	vst v26  }
0x183: {  	v20 =	vmul.f32 v20, v33;
	v26 =	vld [tilespmem:s23+$0x6410];
	v31 =	vmul.f32 v31, v32;
	v23 =	vadd.f32 v35, v23;
	[tilespmem:s23+$0x820] =	vst v25  }
0x184: {  	v19 =	vmul.f32 v19, v33;
	v25 =	vld [tilespmem:s23+$0x6400];
	v30 =	vmul.f32 v30, v32;
	v22 =	vadd.f32 v34, v22;
	[tilespmem:s23+$0x810] =	vst v24  }
0x185: {  	v18 =	vmul.f32 v18, v33;
	v24 =	vld [tilespmem:s23+$0x6070];
	v29 =	vmul.f32 v29, v32;
	v21 =	vadd.f32 v31, v21;
	[tilespmem:s23+$0x800] =	vst v23  }
0x186: {  	v17 =	vmul.f32 v17, v33;
	v23 =	vld [tilespmem:s23+$0x6060];
	v28 =	vmul.f32 v28, v32;
	v20 =	vadd.f32 v30, v20;
	[tilespmem:s23+$0x470] =	vst v22  }
0x187: {  	v16 =	vmul.f32 v16, v33;
	v22 =	vmul.f32 v27, v32;
	v19 =	vadd.f32 v29, v19;
	[tilespmem:s23+$0x460] =	vst v21;
	v21 =	vld [tilespmem:s23+$0x7440]  }
0x188: {  	v15 =	vmul.f32 v15, v33;
	v26 =	vmul.f32 v26, v32;
	v18 =	vadd.f32 v28, v18;
	[tilespmem:s23+$0x450] =	vst v20;
	v20 =	vld [tilespmem:s23+$0x7450]  }
0x189: {  	v14 =	vmul.f32 v14, v33;
	v25 =	vmul.f32 v25, v32;
	v17 =	vadd.f32 v22, v17;
	[tilespmem:s23+$0x440] =	vst v19;
	v19 =	vld [tilespmem:s23+$0x7460]  }
0x18a: {  	v13 =	vmul.f32 v13, v33;
	v22 =	vmul.f32 v24, v32;
	v16 =	vadd.f32 v26, v16;
	[tilespmem:s23+$0x430] =	vst v18;
	v18 =	vld [tilespmem:s23+$0x7470]  }
0x18b: {  	v12 =	vmul.f32 v12, v33;
	v23 =	vmul.f32 v23, v32;
	v15 =	vadd.f32 v25, v15;
	[tilespmem:s23+$0x420] =	vst v17;
	v17 =	vld [tilespmem:s23+$0x1440]  }
0x18c: {  	v10 =	vmul.f32 v10, v33;
	v11 =	vmul.f32 v11, v32;
	v14 =	vadd.f32 v22, v14;
	[tilespmem:s23+$0x410] =	vst v16;
	v16 =	vld [tilespmem:s23+$0x1450]  }
0x18d: {  	v8 =	vmul.f32 v8, v33;
	v9 =	vmul.f32 v9, v32;
	v13 =	vadd.f32 v23, v13;
	[tilespmem:s23+$0x400] =	vst v15;
	v15 =	vld [tilespmem:s23+$0x1460]  }
0x18e: {  	v6 =	vmul.f32 v6, v33;
	v7 =	vmul.f32 v7, v32;
	v11 =	vadd.f32 v11, v12;
	[tilespmem:s23+$0x70] =	vst v14;
	v12 =	vld [tilespmem:s23+$0x1470]  }
0x18f: {  	v3 =	vmul.f32 v3, v33;
	v5 =	vmul.f32 v5, v32;
	v9 =	vadd.f32 v9, v10;
	v14 =	vld [tilespmem:s23+$0x0];
	[tilespmem:s23+$0x60] =	vst v13  }
0x190: {  	v4 =	vmul.f32 v4, v32;
	v7 =	vadd.f32 v7, v8;
	v10 =	vld [tilespmem:s23+$0x6000];
	[tilespmem:s23+$0x50] =	vst v11;
	v8 =	vmul.f32 v17, v33  }
0x191: {  	s28 =	sshrl.u32 s25, $0x3;
	v5 =	vadd.f32 v5, v6;
	v6 =	vmul.f32 v21, v32;
	[tilespmem:s23+$0x40] =	vst v9;
	v9 =	vmul.f32 v16, v33  }
0x192: {  	s24 =	sadd.s32 $0x80, s24;
	s28 =	smul.u32 $0x1800, s28;
	v3 =	vadd.f32 v4, v3;
	v4 =	vmul.f32 v20, v32;
	[tilespmem:s23+$0x30] =	vst v7;
	v7 =	vmul.f32 v15, v33  }
0x193: {  	s29 =	sand.u32 $0x380, s24;
	[tilespmem:s23+$0x20] =	vst v5;
	v5 =	vadd.f32 v6, v8;
	v6 =	vmul.f32 v19, v32;
	v8 =	vmul.f32 v12, v33  }
0x194: {  	s28 =	sor.u32 s29, s28;
	v9 =	vadd.f32 v4, v9;
	v12 =	vmul.f32 v18, v32;
	v11 =	vmul.f32 v14, v33;
	[tilespmem:s23+$0x10] =	vst v3  }
0x195: {  	v3 =	vld [tilespmem:s28+$0x10];
	v10 =	vmul.f32 v10, v32;
	[tilespmem:s23+$0x1440] =	vst v5;
	v5 =	vadd.f32 v6, v7  }
0x196: {  	v7 =	vadd.f32 v12, v8;
	v4 =	vld [tilespmem:s28+$0x6010];
	[tilespmem:s23+$0x1450] =	vst v9  }
0x197: {  	v6 =	vld [tilespmem:s28+$0x20];
	v9 =	vadd.f32 v10, v11;
	[tilespmem:s23+$0x1460] =	vst v5  }
0x198: {  	v5 =	vld [tilespmem:s28+$0x6020];
	[tilespmem:s23+$0x1470] =	vst v7  }
0x199: {  	v8 =	vld [tilespmem:s28+$0x30];
	[tilespmem:s23+$0x0] =	vst v9;
	s23 =	smov.u32 s28  }
0x19a: {  	v7 =	vld [tilespmem:s23+$0x6030]  }
0x19b: {  	v10 =	vld [tilespmem:s23+$0x40]  }
0x19c: {  	v9 =	vld [tilespmem:s23+$0x6040]  }
0x19d: {  	v12 =	vld [tilespmem:s23+$0x50]  }
0x19e: {  	v11 =	vld [tilespmem:s23+$0x6050]  }
0x19f: {  	v13 =	vld [tilespmem:s23+$0x60]  }
0x1a0: {  	v14 =	vld [tilespmem:s23+$0x70]  }
0x1a1: {  	v15 =	vld [tilespmem:s23+$0x400]  }
0x1a2: {  	v16 =	vld [tilespmem:s23+$0x410]  }
0x1a3: {  	v17 =	vld [tilespmem:s23+$0x420]  }
0x1a4: {  	v18 =	vld [tilespmem:s23+$0x430]  }
0x1a5: {  	v19 =	vld [tilespmem:s23+$0x440]  }
0x1a6: {  	v20 =	vld [tilespmem:s23+$0x450]  }
0x1a7: {  	v21 =	vld [tilespmem:s23+$0x460]  }
0x1a8: {  	v22 =	vld [tilespmem:s23+$0x470]  }
0x1a9: {  	v23 =	vld [tilespmem:s23+$0x800]  }
0x1aa: {  	v24 =	vld [tilespmem:s23+$0x810]  }
0x1ab: {  	v25 =	vld [tilespmem:s23+$0x820]  }
0x1ac: {  	v26 =	vld [tilespmem:s23+$0x830]  }
0x1ad: {  	v27 =	vld [tilespmem:s23+$0x840]  }
0x1ae: {  	v28 =	vld [tilespmem:s23+$0x850]  }
0x1af: {  	v29 =	vld [tilespmem:s23+$0x860]  }
0x1b0: {  	v30 =	vld [tilespmem:s23+$0x870]  }
0x1b1: {  	v31 =	vld [tilespmem:s23+$0xC00]  }
0x1b2: {  	v34 =	vld [tilespmem:s23+$0xC10]  }
0x1b3: {  	v35 =	vld [tilespmem:s23+$0xC20]  }
0x1b4: {  	v36 =	vld [tilespmem:s23+$0xC30]  }
0x1b5: {  	v37 =	vld [tilespmem:s23+$0xC40]  }
0x1b6: {  	v38 =	vld [tilespmem:s23+$0xC50]  }
0x1b7: {  	v39 =	vld [tilespmem:s23+$0xC60]  }
0x1b8: {  	v40 =	vld [tilespmem:s23+$0xC70]  }
0x1b9: {  	v41 =	vld [tilespmem:s23+$0x1000]  }
0x1ba: {  	v42 =	vld [tilespmem:s23+$0x1010]  }
0x1bb: {  	v43 =	vld [tilespmem:s23+$0x1020]  }
0x1bc: {  	v44 =	vld [tilespmem:s23+$0x1030]  }
0x1bd: {  	v45 =	vld [tilespmem:s23+$0x1040]  }
0x1be: {  	v46 =	vld [tilespmem:s23+$0x1050]  }
.Ltmp0:
0x1bf: {  	v47 =	vld [tilespmem:s23+$0x1060];
	(pc) =	sbr.rel @p0 .LBB2_2-.Ltmp0, $4  }
0x1c0: {  	v48 =	vld [tilespmem:s23+$0x1400]  }
0x1c1: {  	v50 =	vld [tilespmem:s23+$0x1410]  }
0x1c2: {  	v49 =	vld [tilespmem:s23+$0x7410]  }
0x1c3: {  	s25 =	sadd.s32 $0x1, s25;
	v51 =	vld [tilespmem:s23+$0x7430]  }
0x1c4: {  	v52 =	vld [tilespmem:s23+$0x1430]  }
0x1c5: {  	v53 =	vld [tilespmem:s23+$0x1420];
	s21 =	sadd.s32 $0x80, s21  }
0x1c6: {  	s24 =	sadd.s32 $0x80, s22;
	v32 =	vld [tilespmem:s21+$0x0]  }
0x1c7: {  	v33 =	vld [tilespmem:s24+$0x0]  }
0x1c8: {  	v54 =	vld [tilespmem:s23+$0x7420]  }
0x1c9: {  	v55 =	vld [tilespmem:s23+$0x7400]  }
0x1ca: {  	v56 =	vld [tilespmem:s23+$0x1070]  }
0x1cb: {  	v57 =	vld [tilespmem:s23+$0x7070]  }
0x1cc: {  	v58 =	vld [tilespmem:s23+$0x7060];
	v52 =	vmul.f32 v52, v32;
	v51 =	vmul.f32 v51, v33  }
0x1cd: {  	v53 =	vmul.f32 v53, v32;
	v54 =	vmul.f32 v54, v33  }
0x1ce: {  	v59 =	vld [tilespmem:s23+$0x7050];
	v50 =	vmul.f32 v50, v32;
	v49 =	vmul.f32 v49, v33  }
0x1cf: {  	v61 =	vld [tilespmem:s23+$0x7020];
	v48 =	vmul.f32 v48, v32;
	v62 =	vmul.f32 v55, v33;
	v51 =	vadd.f32 v51, v52  }
0x1d0: {  	v60 =	vld [tilespmem:s23+$0x7040];
	v63 =	vmul.f32 v56, v32;
	v57 =	vmul.f32 v57, v33;
	v53 =	vadd.f32 v54, v53  }
0x1d1: {  	v47 =	vmul.f32 v47, v32;
	v58 =	vmul.f32 v58, v33;
	v52 =	vld [tilespmem:s23+$0x7030];
	v49 =	vadd.f32 v49, v50;
	[tilespmem:s23+$0x1430] =	vst v51  }
0x1d2: {  	v46 =	vmul.f32 v46, v32;
	v45 =	vmul.f32 v45, v32;
	v50 =	vld [tilespmem:s23+$0x7000];
	v48 =	vadd.f32 v62, v48;
	[tilespmem:s23+$0x1420] =	vst v53  }
0x1d3: {  	v44 =	vmul.f32 v44, v32;
	v62 =	vmul.f32 v59, v33;
	v47 =	vadd.f32 v58, v47;
	v58 =	vld [tilespmem:s23+$0x6C30];
	[tilespmem:s23+$0x1410] =	vst v49  }
0x1d4: {  	v43 =	vmul.f32 v43, v32;
	v59 =	vmul.f32 v61, v33;
	v51 =	vld [tilespmem:s23+$0x7010];
	v53 =	vadd.f32 v57, v63;
	[tilespmem:s23+$0x1400] =	vst v48  }
0x1d5: {  	v42 =	vmul.f32 v42, v32;
	v49 =	vld [tilespmem:s23+$0x6C70];
	v63 =	vmul.f32 v60, v33;
	v46 =	vadd.f32 v62, v46;
	[tilespmem:s23+$0x1060] =	vst v47  }
0x1d6: {  	v41 =	vmul.f32 v41, v32;
	v48 =	vld [tilespmem:s23+$0x6C60];
	v43 =	vadd.f32 v59, v43;
	[tilespmem:s23+$0x1070] =	vst v53;
	v52 =	vmul.f32 v52, v33  }
0x1d7: {  	v40 =	vmul.f32 v40, v32;
	v57 =	vld [tilespmem:s23+$0x6C40];
	v45 =	vadd.f32 v63, v45;
	[tilespmem:s23+$0x1050] =	vst v46;
	v50 =	vmul.f32 v50, v33  }
0x1d8: {  	v36 =	vmul.f32 v36, v32;
	v60 =	vld [tilespmem:s23+$0x6C20];
	[tilespmem:s23+$0x1020] =	vst v43;
	v46 =	vmul.f32 v58, v33;
	v44 =	vadd.f32 v52, v44  }
0x1d9: {  	v39 =	vmul.f32 v39, v32;
	v62 =	vld [tilespmem:s23+$0x6C00];
	[tilespmem:s23+$0x1040] =	vst v45;
	v51 =	vmul.f32 v51, v33;
	v41 =	vadd.f32 v50, v41  }
0x1da: {  	v38 =	vmul.f32 v38, v32;
	v53 =	vld [tilespmem:s23+$0x6C50];
	v49 =	vmul.f32 v49, v33;
	v36 =	vadd.f32 v46, v36;
	[tilespmem:s23+$0x1030] =	vst v44  }
0x1db: {  	v37 =	vmul.f32 v37, v32;
	v61 =	vld [tilespmem:s23+$0x6C10];
	v48 =	vmul.f32 v48, v33;
	v42 =	vadd.f32 v51, v42;
	[tilespmem:s23+$0x1000] =	vst v41  }
0x1dc: {  	v35 =	vmul.f32 v35, v32;
	v59 =	vld [tilespmem:s23+$0x6810];
	v47 =	vmul.f32 v57, v33;
	v40 =	vadd.f32 v49, v40;
	[tilespmem:s23+$0xC30] =	vst v36  }
0x1dd: {  	v34 =	vmul.f32 v34, v32;
	v63 =	vld [tilespmem:s23+$0x6870];
	v45 =	vmul.f32 v60, v33;
	v39 =	vadd.f32 v48, v39;
	[tilespmem:s23+$0x1010] =	vst v42  }
0x1de: {  	v55 =	vld [tilespmem:s23+$0x6850];
	v31 =	vmul.f32 v31, v32;
	v43 =	vmul.f32 v62, v33;
	v37 =	vadd.f32 v47, v37;
	[tilespmem:s23+$0xC70] =	vst v40  }
0x1df: {  	v30 =	vmul.f32 v30, v32;
	v52 =	vld [tilespmem:s23+$0x6860];
	v54 =	vmul.f32 v53, v33;
	v35 =	vadd.f32 v45, v35;
	[tilespmem:s23+$0xC60] =	vst v39  }
0x1e0: {  	v56 =	vld [tilespmem:s23+$0x6840];
	v29 =	vmul.f32 v29, v32;
	v44 =	vmul.f32 v61, v33;
	v31 =	vadd.f32 v43, v31;
	[tilespmem:s23+$0xC40] =	vst v37  }
0x1e1: {  	v24 =	vmul.f32 v24, v32;
	v58 =	vld [tilespmem:s23+$0x6820];
	v36 =	vmul.f32 v59, v33;
	v38 =	vadd.f32 v54, v38;
	[tilespmem:s23+$0xC20] =	vst v35  }
0x1e2: {  	v28 =	vmul.f32 v28, v32;
	v60 =	vld [tilespmem:s23+$0x6800];
	v34 =	vadd.f32 v44, v34;
	v42 =	vmul.f32 v63, v33;
	[tilespmem:s23+$0xC00] =	vst v31  }
0x1e3: {  	v27 =	vmul.f32 v27, v32;
	v57 =	vld [tilespmem:s23+$0x6830];
	v40 =	vmul.f32 v55, v33;
	v24 =	vadd.f32 v36, v24;
	[tilespmem:s23+$0xC50] =	vst v38  }
0x1e4: {  	v26 =	vmul.f32 v26, v32;
	v61 =	vld [tilespmem:s23+$0x6470];
	v41 =	vmul.f32 v52, v33;
	[tilespmem:s23+$0xC10] =	vst v34;
	v30 =	vadd.f32 v42, v30  }
0x1e5: {  	v25 =	vmul.f32 v25, v32;
	v39 =	vmul.f32 v56, v33;
	v28 =	vadd.f32 v40, v28;
	[tilespmem:s23+$0x810] =	vst v24  }
0x1e6: {  	v23 =	vmul.f32 v23, v32;
	v31 =	vld [tilespmem:s23+$0x6460];
	v37 =	vmul.f32 v58, v33;
	v29 =	vadd.f32 v41, v29;
	[tilespmem:s23+$0x870] =	vst v30  }
0x1e7: {  	v22 =	vmul.f32 v22, v32;
	v35 =	vmul.f32 v60, v33;
	v27 =	vadd.f32 v39, v27;
	v30 =	vld [tilespmem:s23+$0x6450];
	[tilespmem:s23+$0x850] =	vst v28  }
0x1e8: {  	v10 =	vmul.f32 v10, v32;
	v38 =	vmul.f32 v57, v33;
	v25 =	vadd.f32 v37, v25;
	[tilespmem:s23+$0x860] =	vst v29;
	v29 =	vld [tilespmem:s23+$0x6440]  }
0x1e9: {  	v9 =	vmul.f32 v9, v33;
	v34 =	vmul.f32 v61, v33;
	v23 =	vadd.f32 v35, v23;
	v28 =	vld [tilespmem:s23+$0x6430];
	[tilespmem:s23+$0x840] =	vst v27  }
0x1ea: {  	v21 =	vmul.f32 v21, v32;
	v26 =	vadd.f32 v38, v26;
	v27 =	vld [tilespmem:s23+$0x6420];
	[tilespmem:s23+$0x820] =	vst v25  }
0x1eb: {  	v9 =	vadd.f32 v9, v10;
	v10 =	vld [tilespmem:s23+$0x6000];
	v24 =	vmul.f32 v31, v33;
	v22 =	vadd.f32 v34, v22;
	[tilespmem:s23+$0x800] =	vst v23  }
0x1ec: {  	v20 =	vmul.f32 v20, v32;
	[tilespmem:s23+$0x830] =	vst v26;
	v26 =	vld [tilespmem:s23+$0x6410];
	v23 =	vmul.f32 v30, v33  }
0x1ed: {  	v19 =	vmul.f32 v19, v32;
	v25 =	vld [tilespmem:s23+$0x6400];
	v21 =	vadd.f32 v24, v21;
	[tilespmem:s23+$0x470] =	vst v22;
	v22 =	vmul.f32 v29, v33  }
0x1ee: {  	v18 =	vmul.f32 v18, v32;
	v31 =	vld [tilespmem:s23+$0x6070];
	v20 =	vadd.f32 v23, v20;
	v23 =	vmul.f32 v28, v33  }
0x1ef: {  	v17 =	vmul.f32 v17, v32;
	v24 =	vld [tilespmem:s23+$0x6060];
	[tilespmem:s23+$0x460] =	vst v21;
	v19 =	vadd.f32 v22, v19;
	v22 =	vmul.f32 v27, v33  }
0x1f0: {  	v12 =	vmul.f32 v12, v32;
	v11 =	vmul.f32 v11, v33;
	v21 =	vld [tilespmem:s23+$0x7440];
	[tilespmem:s23+$0x450] =	vst v20;
	v18 =	vadd.f32 v23, v18  }
0x1f1: {  	v16 =	vmul.f32 v16, v32;
	v20 =	vld [tilespmem:s23+$0x7450];
	v23 =	vmul.f32 v26, v33;
	[tilespmem:s23+$0x440] =	vst v19;
	v17 =	vadd.f32 v22, v17  }
0x1f2: {  	v15 =	vmul.f32 v15, v32;
	v11 =	vadd.f32 v11, v12;
	v19 =	vld [tilespmem:s23+$0x7460];
	[tilespmem:s23+$0x430] =	vst v18;
	v18 =	vmul.f32 v25, v33  }
0x1f3: {  	v14 =	vmul.f32 v14, v32;
	v22 =	vld [tilespmem:s23+$0x7470];
	v16 =	vadd.f32 v23, v16;
	[tilespmem:s23+$0x420] =	vst v17;
	v17 =	vmul.f32 v31, v33  }
0x1f4: {  	[tilespmem:s23+$0x50] =	vst v11;
	v15 =	vadd.f32 v18, v15;
	v18 =	vld [tilespmem:s23+$0x1440]  }
0x1f5: {  	v8 =	vmul.f32 v8, v32;
	v7 =	vmul.f32 v7, v33;
	[tilespmem:s23+$0x410] =	vst v16;
	v16 =	vld [tilespmem:s23+$0x1450];
	v14 =	vadd.f32 v17, v14  }
0x1f6: {  	v6 =	vmul.f32 v6, v32;
	v5 =	vmul.f32 v5, v33;
	[tilespmem:s23+$0x400] =	vst v15;
	v15 =	vld [tilespmem:s23+$0x1460]  }
0x1f7: {  	v3 =	vmul.f32 v3, v32;
	v4 =	vmul.f32 v4, v33;
	v7 =	vadd.f32 v7, v8;
	[tilespmem:s23+$0x70] =	vst v14;
	v14 =	vld [tilespmem:s23+$0x1470]  }
0x1f8: {  	v13 =	vmul.f32 v13, v32;
	v12 =	vld [tilespmem:s23+$0x0];
	v5 =	vadd.f32 v5, v6;
	[tilespmem:s23+$0x40] =	vst v9;
	v23 =	vmul.f32 v24, v33  }
0x1f9: {  	v3 =	vadd.f32 v4, v3;
	[tilespmem:s23+$0x30] =	vst v7;
	v6 =	vmul.f32 v21, v33;
	v8 =	vmul.f32 v18, v32  }
0x1fa: {  	[tilespmem:s23+$0x20] =	vst v5;
	v13 =	vadd.f32 v23, v13;
	v4 =	vmul.f32 v20, v33;
	v9 =	vmul.f32 v16, v32  }
0x1fb: {  	[tilespmem:s23+$0x10] =	vst v3;
	v7 =	vmul.f32 v15, v32;
	v5 =	vadd.f32 v6, v8;
	v6 =	vmul.f32 v19, v33  }
0x1fc: {  	[tilespmem:s23+$0x60] =	vst v13;
	v3 =	vadd.f32 v4, v9;
	v4 =	vmul.f32 v22, v33;
	v8 =	vmul.f32 v14, v32  }
0x1fd: {  	v10 =	vmul.f32 v10, v33;
	v9 =	vmul.f32 v12, v32;
	[tilespmem:s23+$0x1440] =	vst v5;
	v5 =	vadd.f32 v6, v7  }
0x1fe: {  	[tilespmem:s23+$0x1450] =	vst v3;
	v3 =	vadd.f32 v4, v8  }
0x1ff: {  	v4 =	vadd.f32 v10, v9;
	[tilespmem:s23+$0x1460] =	vst v5  }
0x200: {  	[tilespmem:s23+$0x1470] =	vst v3  }
0x201: {  	s25 =	simm.s32 $0x0;
	[tilespmem:s23+$0x0] =	vst v4  }
0x202: {  	[hbm4b:s12+s25] =	stream.linear.scatter [tilespmem:s25], [sflag:$0x3], $0x6000, $0x38;
	[tilespmem:$0x1C200] =	vst v63  }
0x203: {  	_ =	swait.ge [sflag:s18], $0x6000  }
0x204: {  	[sflag:s18] =	ssyncset.done $0x0  }
0x205: {  	s28 =	simm.s32 $0x0;
	[sflag:s18] =	ssyncadd.s32 $0xFFFFA000  }
0x206: {  	s22 =	smul.u32 $0x1800, s28;
	_ =	swait.ge [sflag:s18], $0x6000  }
0x207: {  	s21 =	sand.u32 $0x380, s25;
	[sflag:s18] =	ssyncset.done $0x0  }
0x208: {  	s25 =	sor.u32 s21, s22;
	[sflag:s18] =	ssyncadd.s32 $0xFFFFA000  }
0x209: {  	v4 =	vld [tilespmem:s25+$0xC010]  }
0x20a: {  	v3 =	vld [tilespmem:s25+$0x12010]  }
0x20b: {  	v6 =	vld [tilespmem:s25+$0xC020]  }
0x20c: {  	v5 =	vld [tilespmem:s25+$0x12020]  }
0x20d: {  	v10 =	vld [tilespmem:s25+$0xC030]  }
0x20e: {  	v7 =	vld [tilespmem:s25+$0x12030]  }
0x20f: {  	v12 =	vld [tilespmem:s25+$0xC040]  }
0x210: {  	v11 =	vld [tilespmem:s25+$0x12040]  }
0x211: {  	v13 =	vld [tilespmem:s25+$0xC060]  }
0x212: {  	v14 =	vld [tilespmem:s25+$0xC070]  }
0x213: {  	v15 =	vld [tilespmem:s25+$0xC400]  }
0x214: {  	v16 =	vld [tilespmem:s25+$0xC410]  }
0x215: {  	v17 =	vld [tilespmem:s25+$0xC420]  }
0x216: {  	v18 =	vld [tilespmem:s25+$0xC430]  }
0x217: {  	v19 =	vld [tilespmem:s25+$0xC440]  }
0x218: {  	v20 =	vld [tilespmem:s25+$0xC450]  }
0x219: {  	v21 =	vld [tilespmem:s25+$0xC460]  }
0x21a: {  	v22 =	vld [tilespmem:s25+$0xC470]  }
0x21b: {  	v23 =	vld [tilespmem:s25+$0xC800]  }
0x21c: {  	v24 =	vld [tilespmem:s25+$0xC810]  }
0x21d: {  	v25 =	vld [tilespmem:s25+$0xC820]  }
0x21e: {  	v26 =	vld [tilespmem:s25+$0xC830]  }
0x21f: {  	v27 =	vld [tilespmem:s25+$0xC840]  }
0x220: {  	v28 =	vld [tilespmem:s25+$0xC850]  }
0x221: {  	v29 =	vld [tilespmem:s25+$0xC860]  }
0x222: {  	v30 =	vld [tilespmem:s25+$0xC870]  }
0x223: {  	v31 =	vld [tilespmem:s25+$0xCC00]  }
0x224: {  	v32 =	vld [tilespmem:s25+$0xCC10]  }
0x225: {  	v33 =	vld [tilespmem:s25+$0xCC20]  }
0x226: {  	v34 =	vld [tilespmem:s25+$0xCC30]  }
0x227: {  	v35 =	vld [tilespmem:s25+$0xCC40]  }
0x228: {  	v36 =	vld [tilespmem:s25+$0xCC50]  }
0x229: {  	v37 =	vld [tilespmem:s25+$0xCC60]  }
0x22a: {  	v38 =	vld [tilespmem:s25+$0xCC70]  }
0x22b: {  	v39 =	vld [tilespmem:s25+$0xD000]  }
0x22c: {  	v40 =	vld [tilespmem:s25+$0xD010]  }
0x22d: {  	v41 =	vld [tilespmem:s25+$0xD020]  }
0x22e: {  	v42 =	vld [tilespmem:s25+$0xD030]  }
0x22f: {  	v43 =	vld [tilespmem:s25+$0xD040]  }
0x230: {  	v44 =	vld [tilespmem:s25+$0xD050]  }
0x231: {  	v45 =	vld [tilespmem:s25+$0xD060]  }
0x232: {  	v46 =	vld [tilespmem:s25+$0xD400]  }
0x233: {  	v47 =	vld [tilespmem:s25+$0xD410]  }
0x234: {  	v48 =	vld [tilespmem:s25+$0x13410]  }
0x235: {  	v49 =	vld [tilespmem:s25+$0x13430]  }
0x236: {  	v50 =	vld [tilespmem:s25+$0xD430]  }
0x237: {  	s22 =	simm.s32 $0x19200;
	v51 =	vld [tilespmem:s25+$0xD420]  }
0x238: {  	s23 =	simm.s32 $0x1B200;
	v8 =	vld [tilespmem:s22+$0x0]  }
0x239: {  	v9 =	vld [tilespmem:s23+$0x0]  }
0x23a: {  	v52 =	vld [tilespmem:s25+$0x13420]  }
0x23b: {  	v62 =	vld [tilespmem:s25+$0x13400]  }
0x23c: {  	v63 =	vld [tilespmem:s25+$0xD070]  }
0x23d: {  	v60 =	vld [tilespmem:s25+$0x13070];
	v50 =	vmul.f32 v50, v8  }
0x23e: {  	v61 =	vld [tilespmem:s25+$0x13060];
	v49 =	vmul.f32 v49, v9;
	v51 =	vmul.f32 v51, v8  }
0x23f: {  	v57 =	vld [tilespmem:s25+$0x13050];
	v52 =	vmul.f32 v52, v9;
	v47 =	vmul.f32 v47, v8  }
0x240: {  	v58 =	vld [tilespmem:s25+$0x13040];
	v48 =	vmul.f32 v48, v9;
	v46 =	vmul.f32 v46, v8;
	v49 =	vadd.f32 v49, v50  }
0x241: {  	v53 =	vld [tilespmem:s25+$0x13030];
	v62 =	vmul.f32 v62, v9;
	v63 =	vmul.f32 v63, v8;
	v51 =	vadd.f32 v52, v51  }
0x242: {  	v56 =	vld [tilespmem:s25+$0x12C60];
	v59 =	vmul.f32 v60, v9;
	v45 =	vmul.f32 v45, v8;
	v47 =	vadd.f32 v48, v47;
	[tilespmem:s25+$0xD430] =	vst v49  }
0x243: {  	v55 =	vld [tilespmem:s25+$0x12870];
	v60 =	vmul.f32 v61, v9;
	v44 =	vmul.f32 v44, v8;
	v46 =	vadd.f32 v62, v46;
	[tilespmem:s25+$0xD420] =	vst v51  }
0x244: {  	v61 =	vld [tilespmem:s25+$0x13000];
	v12 =	vmul.f32 v12, v8;
	v11 =	vmul.f32 v11, v9;
	v52 =	vadd.f32 v59, v63;
	[tilespmem:s25+$0xD410] =	vst v47  }
0x245: {  	v10 =	vmul.f32 v10, v8;
	v7 =	vmul.f32 v7, v9;
	v48 =	vld [tilespmem:s25+$0x13020];
	v45 =	vadd.f32 v60, v45;
	[tilespmem:s25+$0xD400] =	vst v46  }
0x246: {  	v62 =	vmul.f32 v57, v9;
	v63 =	vmul.f32 v58, v9;
	v58 =	vld [tilespmem:s25+$0x12C50];
	v11 =	vadd.f32 v11, v12;
	[tilespmem:s25+$0xD070] =	vst v52  }
0x247: {  	v43 =	vmul.f32 v43, v8;
	v59 =	vld [tilespmem:s25+$0x12C40];
	v7 =	vadd.f32 v7, v10;
	[tilespmem:s25+$0xD060] =	vst v45  }
0x248: {  	v42 =	vmul.f32 v42, v8;
	v57 =	vmul.f32 v53, v9;
	v60 =	vld [tilespmem:s25+$0x12C30];
	v44 =	vadd.f32 v62, v44;
	[tilespmem:s25+$0xC040] =	vst v11  }
0x249: {  	v37 =	vmul.f32 v37, v8;
	v53 =	vld [tilespmem:s25+$0x12C00];
	v43 =	vadd.f32 v63, v43;
	v46 =	vmul.f32 v56, v9;
	[tilespmem:s25+$0xC030] =	vst v7  }
0x24a: {  	v39 =	vmul.f32 v39, v8;
	v49 =	vld [tilespmem:s25+$0x13010];
	v42 =	vadd.f32 v57, v42;
	v61 =	vmul.f32 v61, v9;
	[tilespmem:s25+$0xD050] =	vst v44  }
0x24b: {  	v41 =	vmul.f32 v41, v8;
	v47 =	vld [tilespmem:s25+$0x12C70];
	[tilespmem:s25+$0xD040] =	vst v43;
	v37 =	vadd.f32 v46, v37;
	v48 =	vmul.f32 v48, v9  }
0x24c: {  	v36 =	vmul.f32 v36, v8;
	v62 =	vld [tilespmem:s25+$0x12C20];
	[tilespmem:s25+$0xD030] =	vst v42;
	v39 =	vadd.f32 v61, v39;
	v54 =	vmul.f32 v58, v9  }
0x24d: {  	v35 =	vmul.f32 v35, v8;
	v63 =	vld [tilespmem:s25+$0x12C10];
	v45 =	vmul.f32 v59, v9;
	[tilespmem:s25+$0xCC60] =	vst v37;
	v41 =	vadd.f32 v48, v41  }
0x24e: {  	v34 =	vmul.f32 v34, v8;
	v56 =	vld [tilespmem:s25+$0x12860];
	v44 =	vmul.f32 v60, v9;
	[tilespmem:s25+$0xD000] =	vst v39;
	v36 =	vadd.f32 v54, v36  }
0x24f: {  	v40 =	vmul.f32 v40, v8;
	v12 =	vld [tilespmem:s25+$0xD460];
	v49 =	vmul.f32 v49, v9;
	v35 =	vadd.f32 v45, v35;
	[tilespmem:s25+$0xD020] =	vst v41  }
0x250: {  	v38 =	vmul.f32 v38, v8;
	v58 =	vld [tilespmem:s25+$0x12840];
	v47 =	vmul.f32 v47, v9;
	v34 =	vadd.f32 v44, v34;
	[tilespmem:s25+$0xCC50] =	vst v36  }
0x251: {  	v33 =	vmul.f32 v33, v8;
	v59 =	vld [tilespmem:s25+$0x12830];
	v43 =	vmul.f32 v62, v9;
	v40 =	vadd.f32 v49, v40;
	[tilespmem:s25+$0xCC40] =	vst v35  }
0x252: {  	v32 =	vmul.f32 v32, v8;
	v57 =	vld [tilespmem:s25+$0x12850];
	v42 =	vmul.f32 v63, v9;
	v38 =	vadd.f32 v47, v38;
	[tilespmem:s25+$0xCC30] =	vst v34  }
0x253: {  	v29 =	vmul.f32 v29, v8;
	v60 =	vld [tilespmem:s25+$0x12820];
	v39 =	vmul.f32 v56, v9;
	v33 =	vadd.f32 v43, v33;
	[tilespmem:s25+$0xD010] =	vst v40  }
0x254: {  	v31 =	vmul.f32 v31, v8;
	v61 =	vld [tilespmem:s25+$0x12810];
	v41 =	vmul.f32 v53, v9;
	v32 =	vadd.f32 v42, v32;
	[tilespmem:s25+$0xCC70] =	vst v38  }
0x255: {  	v27 =	vmul.f32 v27, v8;
	v62 =	vld [tilespmem:s25+$0x12800];
	v29 =	vadd.f32 v39, v29;
	v37 =	vmul.f32 v58, v9;
	[tilespmem:s25+$0xCC20] =	vst v33  }
0x256: {  	v26 =	vmul.f32 v26, v8;
	v63 =	vld [tilespmem:s25+$0x12470];
	v36 =	vmul.f32 v59, v9;
	v31 =	vadd.f32 v41, v31;
	[tilespmem:s25+$0xCC10] =	vst v32  }
0x257: {  	v30 =	vmul.f32 v30, v8;
	v40 =	vmul.f32 v55, v9;
	[tilespmem:s25+$0xC860] =	vst v29;
	v29 =	vld [tilespmem:s25+$0x12440];
	v27 =	vadd.f32 v37, v27  }
0x258: {  	v25 =	vmul.f32 v25, v8;
	v35 =	vmul.f32 v60, v9;
	v26 =	vadd.f32 v36, v26;
	[tilespmem:s25+$0xCC00] =	vst v31;
	v31 =	vld [tilespmem:s25+$0x12460]  }
0x259: {  	v28 =	vmul.f32 v28, v8;
	v38 =	vmul.f32 v57, v9;
	v30 =	vadd.f32 v40, v30;
	[tilespmem:s25+$0xC840] =	vst v27;
	v27 =	vld [tilespmem:s25+$0x12420]  }
0x25a: {  	v23 =	vmul.f32 v23, v8;
	v33 =	vmul.f32 v62, v9;
	v25 =	vadd.f32 v35, v25;
	[tilespmem:s25+$0xC830] =	vst v26;
	v26 =	vld [tilespmem:s25+$0x12410]  }
0x25b: {  	v24 =	vmul.f32 v24, v8;
	v34 =	vmul.f32 v61, v9;
	v28 =	vadd.f32 v38, v28;
	[tilespmem:s25+$0xC870] =	vst v30;
	v30 =	vld [tilespmem:s25+$0x12450]  }
0x25c: {  	v22 =	vmul.f32 v22, v8;
	v32 =	vmul.f32 v63, v9;
	v23 =	vadd.f32 v33, v23;
	[tilespmem:s25+$0xC820] =	vst v25;
	v25 =	vld [tilespmem:s25+$0x12400]  }
0x25d: {  	v19 =	vmul.f32 v19, v8;
	v24 =	vadd.f32 v34, v24;
	[tilespmem:s25+$0xC850] =	vst v28;
	v28 =	vld [tilespmem:s25+$0x12430];
	v29 =	vmul.f32 v29, v9  }
0x25e: {  	v21 =	vmul.f32 v21, v8;
	v22 =	vadd.f32 v32, v22;
	[tilespmem:s25+$0xC800] =	vst v23;
	v23 =	vld [tilespmem:s25+$0x12060];
	v31 =	vmul.f32 v31, v9  }
0x25f: {  	v17 =	vmul.f32 v17, v8;
	[tilespmem:s25+$0xC810] =	vst v24;
	v24 =	vld [tilespmem:s25+$0x12070];
	v19 =	vadd.f32 v29, v19;
	v27 =	vmul.f32 v27, v9  }
0x260: {  	v20 =	vmul.f32 v20, v8;
	[tilespmem:s25+$0xC470] =	vst v22;
	v22 =	vld [tilespmem:s25+$0xC050];
	v30 =	vmul.f32 v30, v9;
	v21 =	vadd.f32 v31, v21  }
0x261: {  	v15 =	vmul.f32 v15, v8;
	v25 =	vmul.f32 v25, v9;
	[tilespmem:s25+$0xC440] =	vst v19;
	v19 =	vld [tilespmem:s25+$0x13450];
	v17 =	vadd.f32 v27, v17  }
0x262: {  	v18 =	vmul.f32 v18, v8;
	v28 =	vmul.f32 v28, v9;
	v20 =	vadd.f32 v30, v20;
	[tilespmem:s25+$0xC460] =	vst v21;
	v21 =	vld [tilespmem:s25+$0x12050]  }
0x263: {  	v13 =	vmul.f32 v13, v8;
	v23 =	vmul.f32 v23, v9;
	v15 =	vadd.f32 v25, v15;
	[tilespmem:s25+$0xC420] =	vst v17;
	v17 =	vld [tilespmem:s25+$0xD440]  }
0x264: {  	v6 =	vmul.f32 v6, v8;
	v5 =	vmul.f32 v5, v9;
	v18 =	vadd.f32 v28, v18;
	[tilespmem:s25+$0xC450] =	vst v20;
	v20 =	vld [tilespmem:s25+$0x13440]  }
0x265: {  	v14 =	vmul.f32 v14, v8;
	v24 =	vmul.f32 v24, v9;
	v13 =	vadd.f32 v23, v13;
	[tilespmem:s25+$0xC400] =	vst v15;
	v15 =	vld [tilespmem:s25+$0xD450]  }
0x266: {  	v4 =	vmul.f32 v4, v8;
	v3 =	vmul.f32 v3, v9;
	v5 =	vadd.f32 v5, v6;
	[tilespmem:s25+$0xC430] =	vst v18;
	v18 =	vld [tilespmem:s25+$0x13460]  }
0x267: {  	v6 =	vld [tilespmem:s25+$0xC000];
	v14 =	vadd.f32 v24, v14;
	v10 =	vmul.f32 v22, v8;
	[tilespmem:s25+$0xC060] =	vst v13;
	v13 =	vmul.f32 v21, v9  }
0x268: {  	s29 =	simm.s32 $0x0;
	v16 =	vmul.f32 v16, v8;
	v3 =	vadd.f32 v3, v4;
	v7 =	vld [tilespmem:s25+$0x12000];
	[tilespmem:s25+$0xC020] =	vst v5;
	v26 =	vmul.f32 v26, v9  }
0x269: {  	s24 =	simm.s32 $0x80;
	s21 =	smul.u32 $0x1800, s29;
	[tilespmem:s25+$0xC070] =	vst v14;
	v14 =	vld [tilespmem:s25+$0xD470];
	v11 =	vmul.f32 v17, v8;
	v17 =	vmul.f32 v20, v9;
	v4 =	vadd.f32 v13, v10  }
0x26a: {  	s28 =	sand.u32 $0x380, s24;
	[tilespmem:s25+$0xC010] =	vst v3;
	v16 =	vadd.f32 v26, v16;
	v5 =	vmul.f32 v15, v8;
	v10 =	vmul.f32 v19, v9  }
0x26b: {  	s21 =	sor.u32 s28, s21;
	v11 =	vadd.f32 v17, v11;
	[tilespmem:s25+$0xC050] =	vst v4;
	v4 =	vmul.f32 v12, v8;
	v12 =	vmul.f32 v18, v9  }
0x26c: {  	v3 =	vld [tilespmem:s21+$0xC010];
	[tilespmem:s25+$0xC410] =	vst v16;
	v5 =	vadd.f32 v10, v5  }
0x26d: {  	v7 =	vmul.f32 v7, v9;
	v16 =	vld [tilespmem:s25+$0x13470];
	[tilespmem:s25+$0xD440] =	vst v11;
	v12 =	vadd.f32 v12, v4  }
0x26e: {  	v10 =	vmul.f32 v14, v8;
	v8 =	vmul.f32 v6, v8;
	v4 =	vld [tilespmem:s21+$0x12010];
	[tilespmem:s25+$0xD450] =	vst v5  }
0x26f: {  	v6 =	vld [tilespmem:s21+$0xC020];
	[tilespmem:s25+$0xD460] =	vst v12  }
0x270: {  	v7 =	vadd.f32 v7, v8;
	v5 =	vld [tilespmem:s21+$0x12020]  }
0x271: {  	v8 =	vld [tilespmem:s21+$0xC030]  }
0x272: {  	[tilespmem:s25+$0xC000] =	vst v7;
	v18 =	vld [tilespmem:s21+$0xC430]  }
0x273: {  	v11 =	vmul.f32 v16, v9;
	v26 =	vld [tilespmem:s21+$0xC830]  }
0x274: {  	v36 =	vld [tilespmem:s21+$0xCC30]  }
0x275: {  	v9 =	vadd.f32 v11, v10;
	v44 =	vld [tilespmem:s21+$0xD030]  }
0x276: {  	v48 =	vld [tilespmem:s21+$0xD400]  }
0x277: {  	[tilespmem:s25+$0xD470] =	vst v9;
	v50 =	vld [tilespmem:s21+$0xD410]  }
0x278: {  	v7 =	vld [tilespmem:s21+$0x12030]  }
0x279: {  	v10 =	vld [tilespmem:s21+$0xC040]  }
0x27a: {  	v9 =	vld [tilespmem:s21+$0x12040]  }
0x27b: {  	v12 =	vld [tilespmem:s21+$0xC050]  }
0x27c: {  	v11 =	vld [tilespmem:s21+$0x12050]  }
0x27d: {  	v13 =	vld [tilespmem:s21+$0xC060]  }
0x27e: {  	v14 =	vld [tilespmem:s21+$0xC070]  }
0x27f: {  	v15 =	vld [tilespmem:s21+$0xC400]  }
0x280: {  	v16 =	vld [tilespmem:s21+$0xC410]  }
0x281: {  	v17 =	vld [tilespmem:s21+$0xC420]  }
0x282: {  	v19 =	vld [tilespmem:s21+$0xC440]  }
0x283: {  	v20 =	vld [tilespmem:s21+$0xC450]  }
0x284: {  	v21 =	vld [tilespmem:s21+$0xC460]  }
0x285: {  	v22 =	vld [tilespmem:s21+$0xC470]  }
0x286: {  	v23 =	vld [tilespmem:s21+$0xC800]  }
0x287: {  	v24 =	vld [tilespmem:s21+$0xC810]  }
0x288: {  	v25 =	vld [tilespmem:s21+$0xC820]  }
0x289: {  	v27 =	vld [tilespmem:s21+$0xC840]  }
0x28a: {  	v28 =	vld [tilespmem:s21+$0xC850]  }
0x28b: {  	v29 =	vld [tilespmem:s21+$0xC860]  }
0x28c: {  	v30 =	vld [tilespmem:s21+$0xC870]  }
0x28d: {  	v31 =	vld [tilespmem:s21+$0xCC00]  }
0x28e: {  	v34 =	vld [tilespmem:s21+$0xCC10]  }
0x28f: {  	v35 =	vld [tilespmem:s21+$0xCC20]  }
0x290: {  	v37 =	vld [tilespmem:s21+$0xCC40]  }
0x291: {  	v38 =	vld [tilespmem:s21+$0xCC50]  }
0x292: {  	v39 =	vld [tilespmem:s21+$0xCC60]  }
0x293: {  	v40 =	vld [tilespmem:s21+$0xCC70]  }
0x294: {  	v41 =	vld [tilespmem:s21+$0xD000]  }
0x295: {  	v42 =	vld [tilespmem:s21+$0xD010]  }
0x296: {  	v43 =	vld [tilespmem:s21+$0xD020]  }
0x297: {  	v45 =	vld [tilespmem:s21+$0xD040]  }
0x298: {  	v46 =	vld [tilespmem:s21+$0xD050]  }
0x299: {  	v47 =	vld [tilespmem:s21+$0xD060]  }
0x29a: {  	v49 =	vld [tilespmem:s21+$0x13410]  }
0x29b: {  	s25 =	simm.s32 $0x2;
	v51 =	vld [tilespmem:s21+$0x13430]  }
.LBB2_4:
0x29c: {  	p0 =	sne.s32 s25, $0x1F;
	v52 =	vld [tilespmem:s21+$0xD430]  }
0x29d: {  	s22 =	sadd.s32 $0x80, s22;
	v53 =	vld [tilespmem:s21+$0xD420]  }
0x29e: {  	s23 =	sadd.s32 $0x80, s23;
	v33 =	vld [tilespmem:s22+$0x0]  }
0x29f: {  	v32 =	vld [tilespmem:s23+$0x0]  }
0x2a0: {  	v54 =	vld [tilespmem:s21+$0x13420]  }
0x2a1: {  	v55 =	vld [tilespmem:s21+$0x13400]  }
0x2a2: {  	v56 =	vld [tilespmem:s21+$0xD070]  }
0x2a3: {  	v57 =	vld [tilespmem:s21+$0x13070];
	v50 =	vmul.f32 v50, v33;
	v53 =	vmul.f32 v53, v33  }
0x2a4: {  	v52 =	vmul.f32 v52, v33;
	v58 =	vld [tilespmem:s21+$0x13060];
	v51 =	vmul.f32 v51, v32  }
0x2a5: {  	v49 =	vmul.f32 v49, v32;
	v59 =	vld [tilespmem:s21+$0x13050];
	v54 =	vmul.f32 v54, v32  }
0x2a6: {  	v48 =	vmul.f32 v48, v33;
	v60 =	vld [tilespmem:s21+$0x13040];
	v55 =	vmul.f32 v55, v32;
	v51 =	vadd.f32 v51, v52  }
0x2a7: {  	v49 =	vadd.f32 v49, v50;
	v52 =	vld [tilespmem:s21+$0x13030];
	v56 =	vmul.f32 v56, v33;
	v50 =	vadd.f32 v54, v53  }
0x2a8: {  	v47 =	vmul.f32 v47, v33;
	v53 =	vld [tilespmem:s21+$0x13020];
	v54 =	vmul.f32 v57, v32;
	v48 =	vadd.f32 v55, v48;
	[tilespmem:s21+$0xD430] =	vst v51  }
0x2a9: {  	v46 =	vmul.f32 v46, v33;
	v51 =	vld [tilespmem:s21+$0x13010];
	v55 =	vmul.f32 v58, v32;
	[tilespmem:s21+$0xD420] =	vst v50  }
0x2aa: {  	v45 =	vmul.f32 v45, v33;
	v50 =	vld [tilespmem:s21+$0x13000];
	v57 =	vmul.f32 v59, v32;
	v54 =	vadd.f32 v54, v56;
	[tilespmem:s21+$0xD410] =	vst v49  }
0x2ab: {  	v44 =	vmul.f32 v44, v33;
	v49 =	vld [tilespmem:s21+$0x12C70];
	v56 =	vmul.f32 v60, v32;
	v47 =	vadd.f32 v55, v47;
	[tilespmem:s21+$0xD400] =	vst v48  }
0x2ac: {  	v43 =	vmul.f32 v43, v33;
	v48 =	vld [tilespmem:s21+$0x12C60];
	v52 =	vmul.f32 v52, v32;
	v46 =	vadd.f32 v57, v46;
	[tilespmem:s21+$0xD070] =	vst v54  }
0x2ad: {  	v42 =	vmul.f32 v42, v33;
	v54 =	vld [tilespmem:s21+$0x12C50];
	v53 =	vmul.f32 v53, v32;
	v45 =	vadd.f32 v56, v45;
	[tilespmem:s21+$0xD060] =	vst v47  }
0x2ae: {  	v41 =	vmul.f32 v41, v33;
	v47 =	vld [tilespmem:s21+$0x12C40];
	v51 =	vmul.f32 v51, v32;
	v44 =	vadd.f32 v52, v44;
	[tilespmem:s21+$0xD050] =	vst v46  }
0x2af: {  	v40 =	vmul.f32 v40, v33;
	v46 =	vld [tilespmem:s21+$0x12C30];
	v50 =	vmul.f32 v50, v32;
	v43 =	vadd.f32 v53, v43;
	[tilespmem:s21+$0xD040] =	vst v45  }
0x2b0: {  	v39 =	vmul.f32 v39, v33;
	v45 =	vld [tilespmem:s21+$0x12C20];
	v49 =	vmul.f32 v49, v32;
	v42 =	vadd.f32 v51, v42;
	[tilespmem:s21+$0xD030] =	vst v44  }
0x2b1: {  	v38 =	vmul.f32 v38, v33;
	v44 =	vld [tilespmem:s21+$0x12C10];
	v48 =	vmul.f32 v48, v32;
	v41 =	vadd.f32 v50, v41;
	[tilespmem:s21+$0xD020] =	vst v43  }
0x2b2: {  	v37 =	vmul.f32 v37, v33;
	v43 =	vld [tilespmem:s21+$0x12C00];
	v50 =	vmul.f32 v54, v32;
	v40 =	vadd.f32 v49, v40;
	[tilespmem:s21+$0xD010] =	vst v42  }
0x2b3: {  	v36 =	vmul.f32 v36, v33;
	v42 =	vld [tilespmem:s21+$0x12870];
	v47 =	vmul.f32 v47, v32;
	v39 =	vadd.f32 v48, v39;
	[tilespmem:s21+$0xD000] =	vst v41  }
0x2b4: {  	v35 =	vmul.f32 v35, v33;
	v41 =	vld [tilespmem:s21+$0x12860];
	v46 =	vmul.f32 v46, v32;
	v38 =	vadd.f32 v50, v38;
	[tilespmem:s21+$0xCC70] =	vst v40  }
0x2b5: {  	v34 =	vmul.f32 v34, v33;
	v40 =	vld [tilespmem:s21+$0x12850];
	v45 =	vmul.f32 v45, v32;
	v37 =	vadd.f32 v47, v37;
	[tilespmem:s21+$0xCC60] =	vst v39  }
0x2b6: {  	v31 =	vmul.f32 v31, v33;
	v39 =	vld [tilespmem:s21+$0x12840];
	v44 =	vmul.f32 v44, v32;
	v36 =	vadd.f32 v46, v36;
	[tilespmem:s21+$0xCC50] =	vst v38  }
0x2b7: {  	v30 =	vmul.f32 v30, v33;
	v38 =	vld [tilespmem:s21+$0x12830];
	v43 =	vmul.f32 v43, v32;
	v35 =	vadd.f32 v45, v35;
	[tilespmem:s21+$0xCC40] =	vst v37  }
0x2b8: {  	v29 =	vmul.f32 v29, v33;
	v37 =	vld [tilespmem:s21+$0x12820];
	v42 =	vmul.f32 v42, v32;
	v34 =	vadd.f32 v44, v34;
	[tilespmem:s21+$0xCC30] =	vst v36  }
0x2b9: {  	v28 =	vmul.f32 v28, v33;
	v36 =	vld [tilespmem:s21+$0x12810];
	v41 =	vmul.f32 v41, v32;
	v31 =	vadd.f32 v43, v31;
	[tilespmem:s21+$0xCC20] =	vst v35  }
0x2ba: {  	v27 =	vmul.f32 v27, v33;
	v35 =	vld [tilespmem:s21+$0x12800];
	v40 =	vmul.f32 v40, v32;
	v30 =	vadd.f32 v42, v30;
	[tilespmem:s21+$0xCC10] =	vst v34  }
0x2bb: {  	v26 =	vmul.f32 v26, v33;
	v34 =	vld [tilespmem:s21+$0x12470];
	v39 =	vmul.f32 v39, v32;
	v29 =	vadd.f32 v41, v29;
	[tilespmem:s21+$0xCC00] =	vst v31  }
0x2bc: {  	v25 =	vmul.f32 v25, v33;
	v31 =	vld [tilespmem:s21+$0x12460];
	v38 =	vmul.f32 v38, v32;
	v28 =	vadd.f32 v40, v28;
	[tilespmem:s21+$0xC870] =	vst v30  }
0x2bd: {  	v24 =	vmul.f32 v24, v33;
	v30 =	vld [tilespmem:s21+$0x12450];
	v37 =	vmul.f32 v37, v32;
	v27 =	vadd.f32 v39, v27;
	[tilespmem:s21+$0xC860] =	vst v29  }
0x2be: {  	v23 =	vmul.f32 v23, v33;
	v29 =	vld [tilespmem:s21+$0x12440];
	v36 =	vmul.f32 v36, v32;
	v26 =	vadd.f32 v38, v26;
	[tilespmem:s21+$0xC850] =	vst v28  }
0x2bf: {  	v22 =	vmul.f32 v22, v33;
	v28 =	vld [tilespmem:s21+$0x12430];
	v35 =	vmul.f32 v35, v32;
	v25 =	vadd.f32 v37, v25;
	[tilespmem:s21+$0xC840] =	vst v27  }
0x2c0: {  	v21 =	vmul.f32 v21, v33;
	v27 =	vld [tilespmem:s21+$0x12420];
	v34 =	vmul.f32 v34, v32;
	v24 =	vadd.f32 v36, v24;
	[tilespmem:s21+$0xC830] =	vst v26  }
0x2c1: {  	v20 =	vmul.f32 v20, v33;
	v26 =	vld [tilespmem:s21+$0x12410];
	v31 =	vmul.f32 v31, v32;
	v23 =	vadd.f32 v35, v23;
	[tilespmem:s21+$0xC820] =	vst v25  }
0x2c2: {  	v19 =	vmul.f32 v19, v33;
	v25 =	vld [tilespmem:s21+$0x12400];
	v30 =	vmul.f32 v30, v32;
	v22 =	vadd.f32 v34, v22;
	[tilespmem:s21+$0xC810] =	vst v24  }
0x2c3: {  	v18 =	vmul.f32 v18, v33;
	v24 =	vld [tilespmem:s21+$0x12070];
	v29 =	vmul.f32 v29, v32;
	v21 =	vadd.f32 v31, v21;
	[tilespmem:s21+$0xC800] =	vst v23  }
0x2c4: {  	v17 =	vmul.f32 v17, v33;
	v23 =	vld [tilespmem:s21+$0x12060];
	v28 =	vmul.f32 v28, v32;
	v20 =	vadd.f32 v30, v20;
	[tilespmem:s21+$0xC470] =	vst v22  }
0x2c5: {  	v16 =	vmul.f32 v16, v33;
	v22 =	vmul.f32 v27, v32;
	v19 =	vadd.f32 v29, v19;
	[tilespmem:s21+$0xC460] =	vst v21;
	v21 =	vld [tilespmem:s21+$0x13440]  }
0x2c6: {  	v15 =	vmul.f32 v15, v33;
	v26 =	vmul.f32 v26, v32;
	v18 =	vadd.f32 v28, v18;
	[tilespmem:s21+$0xC450] =	vst v20;
	v20 =	vld [tilespmem:s21+$0x13450]  }
0x2c7: {  	v14 =	vmul.f32 v14, v33;
	v25 =	vmul.f32 v25, v32;
	v17 =	vadd.f32 v22, v17;
	[tilespmem:s21+$0xC440] =	vst v19;
	v19 =	vld [tilespmem:s21+$0x13460]  }
0x2c8: {  	v13 =	vmul.f32 v13, v33;
	v22 =	vmul.f32 v24, v32;
	v16 =	vadd.f32 v26, v16;
	[tilespmem:s21+$0xC430] =	vst v18;
	v18 =	vld [tilespmem:s21+$0x13470]  }
0x2c9: {  	v12 =	vmul.f32 v12, v33;
	v23 =	vmul.f32 v23, v32;
	v15 =	vadd.f32 v25, v15;
	[tilespmem:s21+$0xC420] =	vst v17;
	v17 =	vld [tilespmem:s21+$0xD440]  }
0x2ca: {  	v10 =	vmul.f32 v10, v33;
	v11 =	vmul.f32 v11, v32;
	v14 =	vadd.f32 v22, v14;
	[tilespmem:s21+$0xC410] =	vst v16;
	v16 =	vld [tilespmem:s21+$0xD450]  }
0x2cb: {  	v8 =	vmul.f32 v8, v33;
	v9 =	vmul.f32 v9, v32;
	v13 =	vadd.f32 v23, v13;
	[tilespmem:s21+$0xC400] =	vst v15;
	v15 =	vld [tilespmem:s21+$0xD460]  }
0x2cc: {  	v6 =	vmul.f32 v6, v33;
	v7 =	vmul.f32 v7, v32;
	v11 =	vadd.f32 v11, v12;
	[tilespmem:s21+$0xC070] =	vst v14;
	v12 =	vld [tilespmem:s21+$0xD470]  }
0x2cd: {  	v3 =	vmul.f32 v3, v33;
	v5 =	vmul.f32 v5, v32;
	v9 =	vadd.f32 v9, v10;
	v14 =	vld [tilespmem:s21+$0xC000];
	[tilespmem:s21+$0xC060] =	vst v13  }
0x2ce: {  	v4 =	vmul.f32 v4, v32;
	v7 =	vadd.f32 v7, v8;
	v10 =	vld [tilespmem:s21+$0x12000];
	[tilespmem:s21+$0xC050] =	vst v11;
	v8 =	vmul.f32 v17, v33  }
0x2cf: {  	s28 =	sshrl.u32 s25, $0x3;
	v5 =	vadd.f32 v5, v6;
	v6 =	vmul.f32 v21, v32;
	[tilespmem:s21+$0xC040] =	vst v9;
	v9 =	vmul.f32 v16, v33  }
0x2d0: {  	s24 =	sadd.s32 $0x80, s24;
	s28 =	smul.u32 $0x1800, s28;
	v3 =	vadd.f32 v4, v3;
	v4 =	vmul.f32 v20, v32;
	[tilespmem:s21+$0xC030] =	vst v7;
	v7 =	vmul.f32 v15, v33  }
0x2d1: {  	s29 =	sand.u32 $0x380, s24;
	[tilespmem:s21+$0xC020] =	vst v5;
	v5 =	vadd.f32 v6, v8;
	v6 =	vmul.f32 v19, v32;
	v8 =	vmul.f32 v12, v33  }
0x2d2: {  	s28 =	sor.u32 s29, s28;
	v9 =	vadd.f32 v4, v9;
	v12 =	vmul.f32 v18, v32;
	v11 =	vmul.f32 v14, v33;
	[tilespmem:s21+$0xC010] =	vst v3  }
0x2d3: {  	v3 =	vld [tilespmem:s28+$0xC010];
	v10 =	vmul.f32 v10, v32;
	[tilespmem:s21+$0xD440] =	vst v5;
	v5 =	vadd.f32 v6, v7  }
0x2d4: {  	v7 =	vadd.f32 v12, v8;
	v4 =	vld [tilespmem:s28+$0x12010];
	[tilespmem:s21+$0xD450] =	vst v9  }
0x2d5: {  	v6 =	vld [tilespmem:s28+$0xC020];
	v9 =	vadd.f32 v10, v11;
	[tilespmem:s21+$0xD460] =	vst v5  }
0x2d6: {  	v5 =	vld [tilespmem:s28+$0x12020];
	[tilespmem:s21+$0xD470] =	vst v7  }
0x2d7: {  	v8 =	vld [tilespmem:s28+$0xC030];
	[tilespmem:s21+$0xC000] =	vst v9;
	s21 =	smov.u32 s28  }
0x2d8: {  	v7 =	vld [tilespmem:s21+$0x12030]  }
0x2d9: {  	v10 =	vld [tilespmem:s21+$0xC040]  }
0x2da: {  	v9 =	vld [tilespmem:s21+$0x12040]  }
0x2db: {  	v12 =	vld [tilespmem:s21+$0xC050]  }
0x2dc: {  	v11 =	vld [tilespmem:s21+$0x12050]  }
0x2dd: {  	v13 =	vld [tilespmem:s21+$0xC060]  }
0x2de: {  	v14 =	vld [tilespmem:s21+$0xC070]  }
0x2df: {  	v15 =	vld [tilespmem:s21+$0xC400]  }
0x2e0: {  	v16 =	vld [tilespmem:s21+$0xC410]  }
0x2e1: {  	v17 =	vld [tilespmem:s21+$0xC420]  }
0x2e2: {  	v18 =	vld [tilespmem:s21+$0xC430]  }
0x2e3: {  	v19 =	vld [tilespmem:s21+$0xC440]  }
0x2e4: {  	v20 =	vld [tilespmem:s21+$0xC450]  }
0x2e5: {  	v21 =	vld [tilespmem:s21+$0xC460]  }
0x2e6: {  	v22 =	vld [tilespmem:s21+$0xC470]  }
0x2e7: {  	v23 =	vld [tilespmem:s21+$0xC800]  }
0x2e8: {  	v24 =	vld [tilespmem:s21+$0xC810]  }
0x2e9: {  	v25 =	vld [tilespmem:s21+$0xC820]  }
0x2ea: {  	v26 =	vld [tilespmem:s21+$0xC830]  }
0x2eb: {  	v27 =	vld [tilespmem:s21+$0xC840]  }
0x2ec: {  	v28 =	vld [tilespmem:s21+$0xC850]  }
0x2ed: {  	v29 =	vld [tilespmem:s21+$0xC860]  }
0x2ee: {  	v30 =	vld [tilespmem:s21+$0xC870]  }
0x2ef: {  	v31 =	vld [tilespmem:s21+$0xCC00]  }
0x2f0: {  	v34 =	vld [tilespmem:s21+$0xCC10]  }
0x2f1: {  	v35 =	vld [tilespmem:s21+$0xCC20]  }
0x2f2: {  	v36 =	vld [tilespmem:s21+$0xCC30]  }
0x2f3: {  	v37 =	vld [tilespmem:s21+$0xCC40]  }
0x2f4: {  	v38 =	vld [tilespmem:s21+$0xCC50]  }
0x2f5: {  	v39 =	vld [tilespmem:s21+$0xCC60]  }
0x2f6: {  	v40 =	vld [tilespmem:s21+$0xCC70]  }
0x2f7: {  	v41 =	vld [tilespmem:s21+$0xD000]  }
0x2f8: {  	v42 =	vld [tilespmem:s21+$0xD010]  }
0x2f9: {  	v43 =	vld [tilespmem:s21+$0xD020]  }
0x2fa: {  	v44 =	vld [tilespmem:s21+$0xD030]  }
0x2fb: {  	v45 =	vld [tilespmem:s21+$0xD040]  }
0x2fc: {  	v46 =	vld [tilespmem:s21+$0xD050]  }
.Ltmp1:
0x2fd: {  	v47 =	vld [tilespmem:s21+$0xD060];
	(pc) =	sbr.rel @p0 .LBB2_4-.Ltmp1, $4  }
0x2fe: {  	v48 =	vld [tilespmem:s21+$0xD400]  }
0x2ff: {  	v50 =	vld [tilespmem:s21+$0xD410]  }
0x300: {  	v49 =	vld [tilespmem:s21+$0x13410]  }
0x301: {  	s25 =	sadd.s32 $0x1, s25;
	v51 =	vld [tilespmem:s21+$0x13430]  }
0x302: {  	v52 =	vld [tilespmem:s21+$0xD430]  }
0x303: {  	v53 =	vld [tilespmem:s21+$0xD420];
	s22 =	sadd.s32 $0x80, s22  }
0x304: {  	s29 =	sadd.s32 $0x80, s23;
	v32 =	vld [tilespmem:s22+$0x0]  }
0x305: {  	v33 =	vld [tilespmem:s29+$0x0]  }
0x306: {  	v54 =	vld [tilespmem:s21+$0x13420];
	_ =	sdelay $0x1  }
0x307: {  	v55 =	vld [tilespmem:s21+$0x13400]  }
0x308: {  	v56 =	vld [tilespmem:s21+$0xD070]  }
0x309: {  	v58 =	vld [tilespmem:s21+$0x13060];
	v52 =	vmul.f32 v52, v32;
	v51 =	vmul.f32 v51, v33  }
0x30a: {  	v57 =	vld [tilespmem:s21+$0x13070];
	v53 =	vmul.f32 v53, v32;
	v54 =	vmul.f32 v54, v33  }
0x30b: {  	v59 =	vld [tilespmem:s21+$0x13050];
	v50 =	vmul.f32 v50, v32;
	v49 =	vmul.f32 v49, v33  }
0x30c: {  	v60 =	vld [tilespmem:s21+$0x13040];
	v48 =	vmul.f32 v48, v32;
	v62 =	vmul.f32 v55, v33;
	v51 =	vadd.f32 v51, v52  }
0x30d: {  	v61 =	vld [tilespmem:s21+$0x13020];
	v63 =	vmul.f32 v56, v32;
	v47 =	vmul.f32 v47, v32;
	v53 =	vadd.f32 v54, v53  }
0x30e: {  	v58 =	vmul.f32 v58, v33;
	v55 =	vld [tilespmem:s21+$0x12460];
	v12 =	vmul.f32 v12, v32;
	v49 =	vadd.f32 v49, v50;
	[tilespmem:s21+$0xD430] =	vst v51  }
0x30f: {  	v56 =	vld [tilespmem:s21+$0x12450];
	v11 =	vmul.f32 v11, v33;
	v10 =	vmul.f32 v10, v32;
	v48 =	vadd.f32 v62, v48;
	[tilespmem:s21+$0xD420] =	vst v53  }
0x310: {  	v9 =	vmul.f32 v9, v33;
	v8 =	vmul.f32 v8, v32;
	v52 =	vld [tilespmem:s21+$0x13030];
	v47 =	vadd.f32 v58, v47;
	[tilespmem:s21+$0xD410] =	vst v49  }
0x311: {  	v7 =	vmul.f32 v7, v33;
	v6 =	vmul.f32 v6, v32;
	v50 =	vld [tilespmem:s21+$0x13000];
	v11 =	vadd.f32 v11, v12;
	[tilespmem:s21+$0xD400] =	vst v48  }
0x312: {  	v5 =	vmul.f32 v5, v33;
	v3 =	vmul.f32 v3, v32;
	v58 =	vld [tilespmem:s21+$0x12C20];
	v9 =	vadd.f32 v9, v10;
	[tilespmem:s21+$0xD060] =	vst v47  }
0x313: {  	v4 =	vmul.f32 v4, v33;
	v62 =	vmul.f32 v59, v33;
	v59 =	vld [tilespmem:s21+$0x12C10];
	v7 =	vadd.f32 v7, v8;
	[tilespmem:s21+$0xC050] =	vst v11  }
0x314: {  	v57 =	vmul.f32 v57, v33;
	v54 =	vld [tilespmem:s21+$0x12470];
	v5 =	vadd.f32 v5, v6;
	[tilespmem:s21+$0xC040] =	vst v9  }
0x315: {  	v46 =	vmul.f32 v46, v32;
	v3 =	vadd.f32 v4, v3;
	v51 =	vld [tilespmem:s21+$0x13010];
	[tilespmem:s21+$0xC030] =	vst v7  }
0x316: {  	v45 =	vmul.f32 v45, v32;
	v49 =	vld [tilespmem:s21+$0x12C70];
	v53 =	vadd.f32 v57, v63;
	v63 =	vmul.f32 v60, v33;
	[tilespmem:s21+$0xC020] =	vst v5  }
0x317: {  	v43 =	vmul.f32 v43, v32;
	v48 =	vld [tilespmem:s21+$0x12C60];
	v46 =	vadd.f32 v62, v46;
	v57 =	vmul.f32 v61, v33;
	[tilespmem:s21+$0xC010] =	vst v3  }
0x318: {  	v44 =	vmul.f32 v44, v32;
	v47 =	vld [tilespmem:s21+$0x12C40];
	[tilespmem:s21+$0xD070] =	vst v53;
	v45 =	vadd.f32 v63, v45;
	v52 =	vmul.f32 v52, v33  }
0x319: {  	v41 =	vmul.f32 v41, v32;
	v60 =	vld [tilespmem:s21+$0x12C00];
	[tilespmem:s21+$0xD050] =	vst v46;
	v43 =	vadd.f32 v57, v43;
	v50 =	vmul.f32 v50, v33  }
0x31a: {  	v35 =	vmul.f32 v35, v32;
	v61 =	vld [tilespmem:s21+$0x12870];
	[tilespmem:s21+$0xD040] =	vst v45;
	v45 =	vmul.f32 v58, v33;
	v44 =	vadd.f32 v52, v44  }
0x31b: {  	v42 =	vmul.f32 v42, v32;
	v53 =	vld [tilespmem:s21+$0x12C50];
	[tilespmem:s21+$0xD020] =	vst v43;
	v51 =	vmul.f32 v51, v33;
	v41 =	vadd.f32 v50, v41  }
0x31c: {  	v40 =	vmul.f32 v40, v32;
	v46 =	vld [tilespmem:s21+$0x12C30];
	v49 =	vmul.f32 v49, v33;
	v35 =	vadd.f32 v45, v35;
	[tilespmem:s21+$0xD030] =	vst v44  }
0x31d: {  	v39 =	vmul.f32 v39, v32;
	v62 =	vld [tilespmem:s21+$0x12860];
	v48 =	vmul.f32 v48, v33;
	v42 =	vadd.f32 v51, v42;
	[tilespmem:s21+$0xD000] =	vst v41  }
0x31e: {  	v37 =	vmul.f32 v37, v32;
	v57 =	vld [tilespmem:s21+$0x12440];
	v47 =	vmul.f32 v47, v33;
	v40 =	vadd.f32 v49, v40;
	[tilespmem:s21+$0xCC20] =	vst v35  }
0x31f: {  	v31 =	vmul.f32 v31, v32;
	v58 =	vld [tilespmem:s21+$0x12430];
	v43 =	vmul.f32 v60, v33;
	v39 =	vadd.f32 v48, v39;
	[tilespmem:s21+$0xD010] =	vst v42  }
0x320: {  	v38 =	vmul.f32 v38, v32;
	v50 =	vld [tilespmem:s21+$0x12830];
	v63 =	vmul.f32 v53, v33;
	v37 =	vadd.f32 v47, v37;
	[tilespmem:s21+$0xCC70] =	vst v40  }
0x321: {  	v36 =	vmul.f32 v36, v32;
	v60 =	vld [tilespmem:s21+$0x12410];
	v46 =	vmul.f32 v46, v33;
	v31 =	vadd.f32 v43, v31;
	[tilespmem:s21+$0xCC60] =	vst v39  }
0x322: {  	v34 =	vmul.f32 v34, v32;
	v52 =	vld [tilespmem:s21+$0x12810];
	v44 =	vmul.f32 v59, v33;
	v38 =	vadd.f32 v63, v38;
	[tilespmem:s21+$0xCC40] =	vst v37  }
0x323: {  	v29 =	vmul.f32 v29, v32;
	v45 =	vld [tilespmem:s21+$0xD440];
	v41 =	vmul.f32 v62, v33;
	v36 =	vadd.f32 v46, v36;
	[tilespmem:s21+$0xCC00] =	vst v31  }
0x324: {  	v21 =	vmul.f32 v21, v32;
	v48 =	vld [tilespmem:s21+$0x12850];
	v62 =	vmul.f32 v55, v33;
	v34 =	vadd.f32 v44, v34;
	[tilespmem:s21+$0xCC50] =	vst v38  }
0x325: {  	v30 =	vmul.f32 v30, v32;
	v49 =	vld [tilespmem:s21+$0x12840];
	v42 =	vmul.f32 v61, v33;
	v29 =	vadd.f32 v41, v29;
	[tilespmem:s21+$0xCC30] =	vst v36  }
0x326: {  	v16 =	vmul.f32 v16, v32;
	v51 =	vld [tilespmem:s21+$0x12820];
	v21 =	vadd.f32 v62, v21;
	v41 =	vmul.f32 v60, v33;
	[tilespmem:s21+$0xCC10] =	vst v34  }
0x327: {  	v26 =	vmul.f32 v26, v32;
	v53 =	vld [tilespmem:s21+$0x12800];
	v30 =	vadd.f32 v42, v30;
	[tilespmem:s21+$0xC860] =	vst v29;
	v38 =	vmul.f32 v50, v33  }
0x328: {  	v24 =	vmul.f32 v24, v32;
	v59 =	vld [tilespmem:s21+$0x12420];
	v36 =	vmul.f32 v52, v33;
	[tilespmem:s21+$0xC460] =	vst v21;
	v16 =	vadd.f32 v41, v16  }
0x329: {  	v22 =	vmul.f32 v22, v32;
	v43 =	vld [tilespmem:s21+$0x13470];
	v34 =	vmul.f32 v54, v33;
	[tilespmem:s21+$0xC870] =	vst v30;
	v26 =	vadd.f32 v38, v26  }
0x32a: {  	v28 =	vmul.f32 v28, v32;
	v61 =	vld [tilespmem:s21+$0x12400];
	v40 =	vmul.f32 v48, v33;
	v24 =	vadd.f32 v36, v24;
	[tilespmem:s21+$0xC410] =	vst v16  }
0x32b: {  	v27 =	vmul.f32 v27, v32;
	v63 =	vld [tilespmem:s21+$0x12070];
	v39 =	vmul.f32 v49, v33;
	v22 =	vadd.f32 v34, v22;
	[tilespmem:s21+$0xC830] =	vst v26  }
0x32c: {  	v25 =	vmul.f32 v25, v32;
	v46 =	vld [tilespmem:s21+$0xD450];
	v37 =	vmul.f32 v51, v33;
	v28 =	vadd.f32 v40, v28;
	[tilespmem:s21+$0xC810] =	vst v24  }
0x32d: {  	v23 =	vmul.f32 v23, v32;
	v50 =	vld [tilespmem:s21+$0x12000];
	v35 =	vmul.f32 v53, v33;
	v27 =	vadd.f32 v39, v27;
	[tilespmem:s21+$0xC470] =	vst v22  }
0x32e: {  	v20 =	vmul.f32 v20, v32;
	v48 =	vld [tilespmem:s21+$0xD460];
	v30 =	vmul.f32 v56, v33;
	v25 =	vadd.f32 v37, v25;
	[tilespmem:s21+$0xC850] =	vst v28  }
0x32f: {  	v19 =	vmul.f32 v19, v32;
	v51 =	vld [tilespmem:s21+$0xC000];
	v23 =	vadd.f32 v35, v23;
	v35 =	vmul.f32 v57, v33;
	[tilespmem:s21+$0xC840] =	vst v27  }
0x330: {  	v18 =	vmul.f32 v18, v32;
	v34 =	vld [tilespmem:s21+$0x12060];
	v37 =	vmul.f32 v58, v33;
	v20 =	vadd.f32 v30, v20;
	[tilespmem:s21+$0xC820] =	vst v25  }
0x331: {  	v17 =	vmul.f32 v17, v32;
	v36 =	vld [tilespmem:s21+$0x13440];
	v39 =	vmul.f32 v59, v33;
	[tilespmem:s21+$0xC800] =	vst v23;
	v19 =	vadd.f32 v35, v19  }
0x332: {  	v15 =	vmul.f32 v15, v32;
	v38 =	vld [tilespmem:s21+$0x13450];
	v42 =	vmul.f32 v61, v33;
	v18 =	vadd.f32 v37, v18;
	[tilespmem:s21+$0xC450] =	vst v20  }
0x333: {  	v14 =	vmul.f32 v14, v32;
	v40 =	vld [tilespmem:s21+$0x13460];
	v44 =	vmul.f32 v63, v33;
	v17 =	vadd.f32 v39, v17;
	[tilespmem:s21+$0xC440] =	vst v19  }
0x334: {  	v49 =	vld [tilespmem:s21+$0xD470];
	v15 =	vadd.f32 v42, v15;
	v10 =	vmul.f32 v50, v33;
	v61 =	vmul.f32 v51, v32;
	[tilespmem:s21+$0xC430] =	vst v18  }
0x335: {  	v13 =	vmul.f32 v13, v32;
	v14 =	vadd.f32 v44, v14;
	[tilespmem:s21+$0xC420] =	vst v17;
	v47 =	vmul.f32 v34, v33  }
0x336: {  	v52 =	vmul.f32 v45, v32;
	[tilespmem:s21+$0xC400] =	vst v15;
	v53 =	vmul.f32 v36, v33;
	v63 =	vadd.f32 v10, v61  }
0x337: {  	v54 =	vmul.f32 v46, v32;
	[tilespmem:s21+$0xC070] =	vst v14;
	v55 =	vmul.f32 v38, v33;
	v13 =	vadd.f32 v47, v13  }
0x338: {  	v56 =	vmul.f32 v48, v32;
	v58 =	vmul.f32 v40, v33;
	v57 =	vadd.f32 v53, v52;
	[tilespmem:s21+$0xC000] =	vst v63  }
0x339: {  	v60 =	vmul.f32 v43, v33;
	v59 =	vmul.f32 v49, v32;
	v3 =	vadd.f32 v55, v54;
	[tilespmem:s21+$0xC060] =	vst v13  }
0x33a: {  	v62 =	vadd.f32 v58, v56;
	[tilespmem:s21+$0xD440] =	vst v57  }
0x33b: {  	[tilespmem:s21+$0xD450] =	vst v3;
	v3 =	vadd.f32 v60, v59  }
0x33c: {  	[tilespmem:s21+$0xD460] =	vst v62  }
0x33d: {  	s20 =	sadd.s32 $0x1, s20;
	[tilespmem:s21+$0xD470] =	vst v3  }
0x33e: {  	[hbm4b:s13+s1] =	stream.linear.scatter [tilespmem:s26], [sflag:$0x3], $0x6000, $0x38;
	[tilespmem:$0x1C200] =	vst v63  }
0x33f: {  	p0 =	sne.s32 s20, s14;
	_ =	swait.ge [sflag:s19], $0x6000  }
.Ltmp2:
0x340: {  	[sflag:s19] =	ssyncset.done $0x0;
	(pc) =	sbr.rel @p0 .LBB2_1-.Ltmp2, $4  }
0x341: {  	[sflag:s19] =	ssyncadd.s32 $0xFFFFA000  }
0x342: {  	_ =	swait.ge [sflag:s19], $0x6000  }
0x343: {  	[sflag:s19] =	ssyncset.done $0x0  }
0x344: {  	[sflag:s19] =	ssyncadd.s32 $0xFFFFA000  }
0x345: {  	_ =	sfence.sel $0x180000  }
0x346: {  	[bflag:$0x0] =	sbarrier.arrive $0xFFFF  }
0x347: {  	_ =	strace $0x9000004A  }
0x348: {  	s0 =	stileid.u32;
	[bflag:$0x2] =	sbarrier.arrive $0xFFFF  }
0x349: {  	p0 =	sne.s32 s0, $0x0;
	s0 =	rddreg [dreg:$0x2]  }
0x34a: {  	s0 =	sadd.s32 @!p0 $0x100000, s0  }
0x34b: {  	[sflag:s0] =	ssyncadd.tile.s32 @!p0 $0x1;
	_ =	shalt  }
.Lfunc_end2:
_tile_overlayer_lowered:
.L_overlay_start_2:
0x34c: {  	(tag) =	ssettag $0x2  }
0x34d: {  	s0 =	rddreg [dreg:$0x0];
	s2 =	stileid.u32  }
0x34e: {  	s1 =	rddreg [dreg:$0x1];
	p0 =	sne.s32 s2, $0x0  }
0x34f: {  	s3 =	rddreg [dreg:$0x2];
	[bflag:$0x3] =	sbarrier.arrive $0xFFFF;
	s2 =	simm.s32 @!p0 $0x1C04  }
0x350: {  	[timem:s3], [sflag:s2] =	dma.local @!p0 [hbm:s0], s1  }
0x351: {  	s0 =	simm.s32 @!p0 $0x4  }
0x352: {  	_ =	swait.ge @!p0 [sflag:s0], s1  }
0x353: {  	s1 =	ssub.s32 @!p0 $0x0, s1;
	[sflag:s0] =	ssyncset.done @!p0 $0x0  }
0x354: {  	[sflag:s0] =	ssyncadd.s32 @!p0 s1  }
0x355: {  	[bflag:$0x3] =	sbarrier.arrive $0xFFFF  }
0x356: {  	_ =	shalt  }

</sc_bundles>
